<compile_context>
chip_gen: v7x
topology: tpu7x:2x2x1
jax: 0.10.2.dev20260603
libtpu: 0.0.44.dev20260713+nightly
codegen_flags: <defaults>
</compile_context>

<pallas_src>
import functools

import jax
import jax.numpy as jnp
from jax import lax
from jax.experimental import pallas as pl
from jax.experimental.pallas import tpu as pltpu
from jax.experimental.pallas import tpu_sc as plsc

N_NODES = 10000
D = 128
D_OUT = 64
G = 64

NC, NS = 2, 16
NW = NC * NS
SUB = 64
NBUF = 4
N_PAD = 10240
ROWS_PT = N_PAD // NS
BLK = 1024
NBLK = N_PAD // BLK


def _mesh():
    return plsc.VectorSubcoreMesh(core_axis_name="c", subcore_axis_name="s")


def _sc_degree(dstp, z128, ones128):
    qs = dstp.shape[1]

    @functools.partial(
        pl.kernel,
        out_type=jax.ShapeDtypeStruct((NC * N_PAD, D), jnp.float32),
        mesh=_mesh(),
        scratch_types=[
            pltpu.VMEM((qs, SUB), jnp.int32),
            pltpu.VMEM((SUB, D), jnp.float32),
            pltpu.VMEM_SHARED((N_PAD, D), jnp.float32),
            pltpu.SemaphoreType.DMA,
        ],
    )
    def deg_kernel(dstp_hbm, z_hbm, ones_hbm, out_hbm, dst_v, ones_v, acc_sh, sem):
        c = lax.axis_index("c")
        s = lax.axis_index("s")
        wid = c * NS + s
        pltpu.sync_copy(ones_hbm, ones_v)
        pltpu.sync_copy(z_hbm, acc_sh.at[pl.ds(s * ROWS_PT, ROWS_PT)])
        plsc.subcore_barrier()

        for h in range(4):
            pltpu.sync_copy(dstp_hbm.at[4 * wid + h], dst_v)

            @pl.loop(0, qs)
            def _(j):
                pltpu.sync_copy(ones_v, acc_sh.at[dst_v.at[j]], add=True)

        plsc.subcore_barrier()
        pltpu.sync_copy(
            acc_sh.at[pl.ds(s * ROWS_PT, ROWS_PT)],
            out_hbm.at[pl.ds(c * N_PAD + s * ROWS_PT, ROWS_PT)],
        )

    return deg_kernel(dstp, z128, ones128)


def _sc_aggregate(sfeat, srcp, dstp, z128):
    qs = srcp.shape[1]

    @functools.partial(
        pl.kernel,
        out_type=jax.ShapeDtypeStruct((NC * N_PAD, D), jnp.float32),
        mesh=_mesh(),
        scratch_types=[
            pltpu.VMEM((qs, SUB), jnp.int32),
            pltpu.VMEM((qs, SUB), jnp.int32),
        ] + [pltpu.VMEM((SUB, D), jnp.float32) for _ in range(NBUF)] + [
            pltpu.VMEM_SHARED((N_PAD, D), jnp.float32),
        ] + [pltpu.SemaphoreType.DMA for _ in range(NBUF)],
    )
    def agg_kernel(s_hbm, srcp_hbm, dstp_hbm, z_hbm, out_hbm,
                   src_v, dst_v, *rows_acc_sems):
        rows = rows_acc_sems[:NBUF]
        acc_sh = rows_acc_sems[NBUF]
        sems = rows_acc_sems[NBUF + 1:]
        c = lax.axis_index("c")
        s = lax.axis_index("s")
        wid = c * NS + s
        pltpu.sync_copy(z_hbm, acc_sh.at[pl.ds(s * ROWS_PT, ROWS_PT)])
        plsc.subcore_barrier()

        for h in range(4):
            pltpu.sync_copy(srcp_hbm.at[4 * wid + h], src_v)
            pltpu.sync_copy(dstp_hbm.at[4 * wid + h], dst_v)
            for b in range(NBUF):
                pltpu.async_copy(s_hbm.at[src_v.at[b]], rows[b], sems[b])

            @pl.loop(0, qs, step=NBUF)
            def _(j):
                for b in range(NBUF):
                    pltpu.make_async_copy(
                        s_hbm.at[src_v.at[j + b]], rows[b], sems[b]).wait()
                    pltpu.sync_copy(rows[b], acc_sh.at[dst_v.at[j + b]], add=True)

                    @pl.when(j + b + NBUF < qs)
                    def _():
                        pltpu.async_copy(
                            s_hbm.at[src_v.at[j + b + NBUF]], rows[b], sems[b])

        plsc.subcore_barrier()
        pltpu.sync_copy(
            acc_sh.at[pl.ds(s * ROWS_PT, ROWS_PT)],
            out_hbm.at[pl.ds(c * N_PAD + s * ROWS_PT, ROWS_PT)],
        )

    return agg_kernel(sfeat, srcp, dstp, z128)


def _part_specs():
    return [
        pl.BlockSpec((BLK, D), lambda i: (i, 0)),
        pl.BlockSpec((BLK, D), lambda i: (i + NBLK, 0)),
    ]


def _tc_matmul(x, w):
    def body(x_ref, w_ref, o_ref):
        o_ref[...] = jnp.dot(x_ref[...], w_ref[...],
                             preferred_element_type=jnp.float32)

    return pl.pallas_call(
        body,
        grid=(NBLK,),
        in_specs=[
            pl.BlockSpec((BLK, D), lambda i: (i, 0)),
            pl.BlockSpec((D, D), lambda i: (0, 0)),
        ],
        out_specs=pl.BlockSpec((BLK, D), lambda i: (i, 0)),
        out_shape=jax.ShapeDtypeStruct((N_PAD, D), jnp.float32),
    )(x, w)


def _dis(d0_ref, d1_ref):
    return lax.rsqrt(d0_ref[:, :1] + d1_ref[:, :1] + 1.0)


def _tc_scale(xw, degp):
    def body(xw_ref, d0_ref, d1_ref, o_ref):
        o_ref[...] = xw_ref[...] * _dis(d0_ref, d1_ref)

    return pl.pallas_call(
        body,
        grid=(NBLK,),
        in_specs=[pl.BlockSpec((BLK, D), lambda i: (i, 0))] + _part_specs(),
        out_specs=pl.BlockSpec((BLK, D), lambda i: (i, 0)),
        out_shape=jax.ShapeDtypeStruct((N_PAD, D), jnp.float32),
    )(xw, degp, degp)


def _tc_mid(p, s1, degp, b1, w2):

    def body(a0_ref, a1_ref, s1_ref, d0_ref, d1_ref, b1_ref, w2_ref, o_ref):
        dis = _dis(d0_ref, d1_ref)
        h = jnp.maximum((a0_ref[...] + a1_ref[...] + s1_ref[...]) * dis
                        + b1_ref[...], 0.0)
        o_ref[...] = jnp.dot(h, w2_ref[...],
                             preferred_element_type=jnp.float32) * dis

    return pl.pallas_call(
        body,
        grid=(NBLK,),
        in_specs=_part_specs() + [
            pl.BlockSpec((BLK, D), lambda i: (i, 0)),
        ] + _part_specs() + [
            pl.BlockSpec((1, D), lambda i: (0, 0)),
            pl.BlockSpec((D, D), lambda i: (0, 0)),
        ],
        out_specs=pl.BlockSpec((BLK, D), lambda i: (i, 0)),
        out_shape=jax.ShapeDtypeStruct((N_PAD, D), jnp.float32),
    )(p, p, s1, degp, degp, b1, w2)


def _tc_final(q, s2, degp, b2, batch3, wlin, blin):

    def body(q0_ref, q1_ref, s2_ref, d0_ref, d1_ref, b2_ref, bt_ref,
             wl_ref, bl_ref, o_ref, acc):
        i = pl.program_id(0)
        dis = _dis(d0_ref, d1_ref)
        h2 = jnp.maximum((q0_ref[...] + q1_ref[...] + s2_ref[...]) * dis
                         + b2_ref[...], 0.0)
        bcol = bt_ref[...].reshape(BLK, 1)
        onehot = (bcol == lax.broadcasted_iota(jnp.int32, (BLK, G), 1)
                  ).astype(jnp.float32)
        contrib = lax.dot_general(onehot, h2, (((0,), (0,)), ((), ())),
                                  preferred_element_type=jnp.float32)

        @pl.when(i == 0)
        def _():
            acc[...] = jnp.zeros_like(acc)

        acc[...] += contrib

        @pl.when(i == pl.num_programs(0) - 1)
        def _():
            o_ref[...] = jnp.dot(acc[...], wl_ref[...],
                                 preferred_element_type=jnp.float32) + bl_ref[...]

    return pl.pallas_call(
        body,
        grid=(NBLK,),
        in_specs=_part_specs() + [
            pl.BlockSpec((BLK, D), lambda i: (i, 0)),
        ] + _part_specs() + [
            pl.BlockSpec((1, D), lambda i: (0, 0)),
            pl.BlockSpec((1, 1, BLK), lambda i: (i, 0, 0)),
            pl.BlockSpec((D, D_OUT), lambda i: (0, 0)),
            pl.BlockSpec((1, D_OUT), lambda i: (0, 0)),
        ],
        out_specs=pl.BlockSpec((G, D_OUT), lambda i: (0, 0)),
        out_shape=jax.ShapeDtypeStruct((G, D_OUT), jnp.float32),
        scratch_shapes=[pltpu.VMEM((G, D), jnp.float32)],
    )(q, q, s2, degp, degp, b2, batch3, wlin, blin)


def kernel(x, edge_index, batch, W1, b1, W2, b2, Wlin, blin):
    e = edge_index.shape[1]
    nsub = -(-e // (NW * SUB))
    nsub += -nsub % (4 * NBUF)
    qs = nsub // 4
    e_pad = NW * nsub * SUB

    spare = N_PAD - N_NODES
    pad_d = N_NODES + jnp.arange(e_pad - e, dtype=jnp.int32) % spare
    pad_s = N_NODES + spare - 1 - jnp.arange(e_pad - e, dtype=jnp.int32) % spare
    dstp = jnp.concatenate([edge_index[1], pad_d]).reshape(NW * 4, qs, SUB)
    srcp = jnp.concatenate([edge_index[0], pad_s]).reshape(NW * 4, qs, SUB)

    x_pad = jnp.pad(x, ((0, N_PAD - N_NODES), (0, 0)))
    batch3 = jnp.pad(batch, (0, N_PAD - N_NODES),
                     constant_values=G).reshape(NBLK, 1, BLK)
    z128 = jnp.zeros((ROWS_PT, D), jnp.float32)
    ones128 = jnp.ones((SUB, D), jnp.float32)

    degp = _sc_degree(dstp, z128, ones128)

    xw1 = _tc_matmul(x_pad, W1)
    s1 = _tc_scale(xw1, degp)

    p = _sc_aggregate(s1, srcp, dstp, z128)
    s2 = _tc_mid(p, s1, degp, b1.reshape(1, D), W2)

    q = _sc_aggregate(s2, srcp, dstp, z128)
    return _tc_final(q, s2, degp, b2.reshape(1, D),
                     batch3, Wlin, blin.reshape(1, D_OUT))

# --- scband reference (transcript-rebuilt; emitter-appended) ---
"""Pipeline reference for scband-gcn-35613868819115 (READ-ONLY COPY).

The authoritative reference and input builder live on the scoring server;
editing this copy changes nothing except your own understanding.
"""

import jax, jax.numpy as jnp
import numpy as np

N = 10000
E = 320000
D_IN = 128
D_HID = 128
D_OUT = 64
NUM_GRAPHS = 64


def setup_inputs(seed: int = 0) -> dict:
    key = jax.random.key(seed)
    ks = jax.random.split(key, 10)
    x = jax.random.normal(ks[0], (N, D_IN), dtype=jnp.float32)
    edge_index = jax.random.randint(ks[1], (2, E), 0, N, dtype=jnp.int32)
    batch = jnp.sort(jax.random.randint(ks[2], (N,), 0, NUM_GRAPHS, dtype=jnp.int32))
    # learned parameters (Glorot-ish scale)
    W1 = jax.random.normal(ks[3], (D_IN, D_HID), dtype=jnp.float32) * (1.0 / np.sqrt(D_IN))
    b1 = jnp.zeros((D_HID,), dtype=jnp.float32)
    W2 = jax.random.normal(ks[4], (D_HID, D_HID), dtype=jnp.float32) * (1.0 / np.sqrt(D_HID))
    b2 = jnp.zeros((D_HID,), dtype=jnp.float32)
    Wlin = jax.random.normal(ks[5], (D_HID, D_OUT), dtype=jnp.float32) * (1.0 / np.sqrt(D_HID))
    blin = jnp.zeros((D_OUT,), dtype=jnp.float32)
    return {"x": x, "edge_index": edge_index, "batch": batch,
            "W1": W1, "b1": b1, "W2": W2, "b2": b2, "Wlin": Wlin, "blin": blin}


def _gcn_conv(x, edge_index, W, b):
    # GCNConv: add self-loops, symmetric normalization, scatter-add aggregation
    xw = x @ W
    loops = jnp.arange(N, dtype=edge_index.dtype)
    src = jnp.concatenate([edge_index[0], loops])
    dst = jnp.concatenate([edge_index[1], loops])
    deg = jnp.zeros((N,), dtype=xw.dtype).at[dst].add(1.0)
    deg_inv_sqrt = jnp.where(deg > 0, jax.lax.rsqrt(jnp.maximum(deg, 1e-12)), 0.0)
    norm = deg_inv_sqrt[src] * deg_inv_sqrt[dst]
    msg = xw[src] * norm[:, None]
    out = jnp.zeros_like(xw).at[dst].add(msg)
    return out + b


def reference(x, edge_index, batch, W1, b1, W2, b2, Wlin, blin):
    h = _gcn_conv(x, edge_index, W1, b1)
    h = jax.nn.relu(h)
    # dropout p=0.0 (eval) -> identity
    h = _gcn_conv(h, edge_index, W2, b2)
    h = jax.nn.relu(h)
    pooled = jax.ops.segment_sum(h, batch, num_segments=NUM_GRAPHS)
    out = pooled @ Wlin + blin
    return out

if __name__ == "__main__":
    import jax
    _d = setup_inputs()
    print(jax.jit(kernel)(*tuple(_d.values())))

</pallas_src>

<mosaic_0001>
#map = affine_map<(d0, d1) -> (0, 0, 0)>
#map1 = affine_map<(d0, d1) -> (0, 0)>
module attributes {stable_mosaic.version = 14 : i64} {
  func.func @deg_kernel(%arg0: i32, %arg1: i32, %arg2: memref<128x40x64xi32, #tpu.memory_space<hbm>>, %arg3: memref<640x128xf32, #tpu.memory_space<hbm>>, %arg4: memref<64x128xf32, #tpu.memory_space<hbm>>, %arg5: memref<20480x128xf32, #tpu.memory_space<hbm>>, %arg6: memref<40x64xi32, #tpu.memory_space<vmem>>, %arg7: memref<64x128xf32, #tpu.memory_space<vmem>>, %arg8: memref<10240x128xf32, #tpu.memory_space<vmem_shared>>, %arg9: memref<!tpu.dma_semaphore, #tpu.memory_space<semaphore_mem>>) attributes {dimension_semantics = [#tpu.dimension_semantics<core_parallel>, #tpu.dimension_semantics<subcore_parallel>], iteration_bounds = array<i64: 2, 16>, scalar_prefetch = 0 : i64, scratch_operands = 4 : i64, tpu.core_type = #tpu.core_type<sc_vector_subcore>, window_params = [{transform_indices = #map}, {transform_indices = #map1}, {transform_indices = #map1}, {transform_indices = #map1}]} {
    %mul3A = arith.constant 16 : i32
    %mul3A_0 = arith.muli %arg0, %mul3A : i32
    %add3A = arith.addi %mul3A_0, %arg1 : i32
    "tpu.region"() ({
      %run_scoped3A = tpu.sem_alloc : memref<!tpu.dma_semaphore, #tpu.memory_space<semaphore_mem>>
      tpu.enqueue_dma source(%arg4 : memref<64x128xf32, #tpu.memory_space<hbm>>) target(%arg7 : memref<64x128xf32, #tpu.memory_space<vmem>>) target_semaphore(%run_scoped3A : memref<!tpu.dma_semaphore, #tpu.memory_space<semaphore_mem>>)
      tpu.wait_dma2 semaphore(%run_scoped3A : memref<!tpu.dma_semaphore, #tpu.memory_space<semaphore_mem>>) src(%arg4 : memref<64x128xf32, #tpu.memory_space<hbm>>) dst(%arg7 : memref<64x128xf32, #tpu.memory_space<vmem>>)
      tpu.yield
    }) : () -> ()
    %mul3A_1 = arith.constant 640 : i32
    %mul3A_2 = arith.muli %arg1, %mul3A_1 : i32
    "tpu.region"() ({
      %run_scoped3A = tpu.sem_alloc : memref<!tpu.dma_semaphore, #tpu.memory_space<semaphore_mem>>
      %dma_start3A = arith.constant 0 : i32
      %dma_start3A_46 = tpu.memref_slice %arg8[%mul3A_2, %dma_start3A] : memref<10240x128xf32, #tpu.memory_space<vmem_shared>> -> memref<640x128xf32, #tpu.memory_space<vmem_shared>>
      tpu.enqueue_dma source(%arg3 : memref<640x128xf32, #tpu.memory_space<hbm>>) target(%dma_start3A_46 : memref<640x128xf32, #tpu.memory_space<vmem_shared>>) target_semaphore(%run_scoped3A : memref<!tpu.dma_semaphore, #tpu.memory_space<semaphore_mem>>)
      %dma_wait3A = arith.constant 0 : i32
      %dma_wait3A_47 = tpu.memref_slice %arg8[%mul3A_2, %dma_wait3A] : memref<10240x128xf32, #tpu.memory_space<vmem_shared>> -> memref<640x128xf32, #tpu.memory_space<vmem_shared>>
      tpu.wait_dma2 semaphore(%run_scoped3A : memref<!tpu.dma_semaphore, #tpu.memory_space<semaphore_mem>>) src(%arg3 : memref<640x128xf32, #tpu.memory_space<hbm>>) dst(%dma_wait3A_47 : memref<640x128xf32, #tpu.memory_space<vmem_shared>>)
      tpu.yield
    }) : () -> ()
    %barrier3A = arith.constant 0 : index
    tpu.barrier barrier_id(%barrier3A)
    %mul3A_3 = arith.constant 4 : i32
    %mul3A_4 = arith.muli %mul3A_3, %add3A : i32
    %add3A_5 = arith.constant 0 : i32
    %add3A_6 = arith.addi %mul3A_4, %add3A_5 : i32
    "tpu.region"() ({
      %run_scoped3A = tpu.sem_alloc : memref<!tpu.dma_semaphore, #tpu.memory_space<semaphore_mem>>
      %dma_start3A = arith.constant 0 : i32
      %dma_start3A_46 = arith.constant 0 : i32
      %dma_start3A_47 = tpu.memref_slice %arg2[%add3A_6, %dma_start3A, %dma_start3A_46] : memref<128x40x64xi32, #tpu.memory_space<hbm>> -> memref<1x40x64xi32, #tpu.memory_space<hbm>>
      %dma_start3A_48 = tpu.memref_squeeze %dma_start3A_47 : memref<1x40x64xi32, #tpu.memory_space<hbm>> -> memref<40x64xi32, #tpu.memory_space<hbm>>
      %dma_start3A_49 = arith.constant 0 : i32
      %dma_start3A_50 = arith.constant 0 : i32
      %dma_start3A_51 = tpu.memref_slice %arg2[%add3A_6, %dma_start3A_49, %dma_start3A_50] : memref<128x40x64xi32, #tpu.memory_space<hbm>> -> memref<1x40x64xi32, #tpu.memory_space<hbm>>
      %dma_start3A_52 = tpu.memref_squeeze %dma_start3A_51 : memref<1x40x64xi32, #tpu.memory_space<hbm>> -> memref<40x64xi32, #tpu.memory_space<hbm>>
      tpu.enqueue_dma source(%dma_start3A_52 : memref<40x64xi32, #tpu.memory_space<hbm>>) target(%arg6 : memref<40x64xi32, #tpu.memory_space<vmem>>) target_semaphore(%run_scoped3A : memref<!tpu.dma_semaphore, #tpu.memory_space<semaphore_mem>>)
      %dma_wait3A = arith.constant 0 : i32
      %dma_wait3A_53 = arith.constant 0 : i32
      %dma_wait3A_54 = tpu.memref_slice %arg2[%add3A_6, %dma_wait3A, %dma_wait3A_53] : memref<128x40x64xi32, #tpu.memory_space<hbm>> -> memref<1x40x64xi32, #tpu.memory_space<hbm>>
      %dma_wait3A_55 = tpu.memref_squeeze %dma_wait3A_54 : memref<1x40x64xi32, #tpu.memory_space<hbm>> -> memref<40x64xi32, #tpu.memory_space<hbm>>
      %dma_wait3A_56 = arith.constant 0 : i32
      %dma_wait3A_57 = arith.constant 0 : i32
      %dma_wait3A_58 = tpu.memref_slice %arg2[%add3A_6, %dma_wait3A_56, %dma_wait3A_57] : memref<128x40x64xi32, #tpu.memory_space<hbm>> -> memref<1x40x64xi32, #tpu.memory_space<hbm>>
      %dma_wait3A_59 = tpu.memref_squeeze %dma_wait3A_58 : memref<1x40x64xi32, #tpu.memory_space<hbm>> -> memref<40x64xi32, #tpu.memory_space<hbm>>
      tpu.wait_dma2 semaphore(%run_scoped3A : memref<!tpu.dma_semaphore, #tpu.memory_space<semaphore_mem>>) src(%dma_wait3A_59 : memref<40x64xi32, #tpu.memory_space<hbm>>) dst(%arg6 : memref<40x64xi32, #tpu.memory_space<vmem>>)
      tpu.yield
    }) : () -> ()
    %scan3A = arith.constant 0 : i32
    %scan3A_7 = arith.constant 40 : i32
    %scan3A_8 = arith.addi %scan3A, %scan3A_7 : i32
    %scan3A_9 = arith.constant 1 : i32
    scf.for %scan3A_46 = %scan3A to %scan3A_8 step %scan3A_9  : i32 {
      %mul3A_47 = arith.constant 1 : i32
      %mul3A_48 = arith.muli %scan3A_46, %mul3A_47 : i32
      %add3A_49 = arith.constant 0 : i32
      %add3A_50 = arith.addi %add3A_49, %mul3A_48 : i32
      "tpu.region"() ({
        %run_scoped3A = tpu.sem_alloc : memref<!tpu.dma_semaphore, #tpu.memory_space<semaphore_mem>>
        %dma_start3A = arith.constant 0 : i32
        %dma_start3A_51 = tpu.memref_slice %arg6[%add3A_50, %dma_start3A] : memref<40x64xi32, #tpu.memory_space<vmem>> -> memref<1x64xi32, #tpu.memory_space<vmem>>
        %dma_start3A_52 = tpu.memref_squeeze %dma_start3A_51 : memref<1x64xi32, #tpu.memory_space<vmem>> -> memref<64xi32, #tpu.memory_space<vmem>>
        %dma_start3A_53 = arith.constant 0 : i32
        %dma_start3A_54 = arith.constant 0 : i32
        %dma_start3A_55 = tpu.memref_slice %arg8[%dma_start3A_53, %dma_start3A_54] : memref<10240x128xf32, #tpu.memory_space<vmem_shared>> -> memref<10240x128xf32, #tpu.memory_space<vmem_shared>>
        tpu.enqueue_indirect_dma source(%arg7 : memref<64x128xf32, #tpu.memory_space<vmem>>) target(%dma_start3A_55 : memref<10240x128xf32, #tpu.memory_space<vmem_shared>>) offsets(%dma_start3A_52 : memref<64xi32, #tpu.memory_space<vmem>>) semaphore(%run_scoped3A : memref<!tpu.dma_semaphore, #tpu.memory_space<semaphore_mem>>) {add = true}
        %dma_wait3A = arith.constant 0 : i32
        %dma_wait3A_56 = tpu.memref_slice %arg6[%add3A_50, %dma_wait3A] : memref<40x64xi32, #tpu.memory_space<vmem>> -> memref<1x64xi32, #tpu.memory_space<vmem>>
        %dma_wait3A_57 = tpu.memref_squeeze %dma_wait3A_56 : memref<1x64xi32, #tpu.memory_space<vmem>> -> memref<64xi32, #tpu.memory_space<vmem>>
        %dma_wait3A_58 = arith.constant 0 : i32
        %dma_wait3A_59 = arith.constant 0 : i32
        %dma_wait3A_60 = tpu.memref_slice %arg8[%dma_wait3A_58, %dma_wait3A_59] : memref<10240x128xf32, #tpu.memory_space<vmem_shared>> -> memref<10240x128xf32, #tpu.memory_space<vmem_shared>>
        tpu.wait_indirect_dma semaphore(%run_scoped3A : memref<!tpu.dma_semaphore, #tpu.memory_space<semaphore_mem>>) src(%arg7 : memref<64x128xf32, #tpu.memory_space<vmem>>) dst(%dma_wait3A_60 : memref<10240x128xf32, #tpu.memory_space<vmem_shared>>)
        tpu.yield
      }) : () -> ()
    }
    %scan3A_10 = arith.constant 40 : i32
    %mul3A_11 = arith.constant 4 : i32
    %mul3A_12 = arith.muli %mul3A_11, %add3A : i32
    %add3A_13 = arith.constant 1 : i32
    %add3A_14 = arith.addi %mul3A_12, %add3A_13 : i32
    "tpu.region"() ({
      %run_scoped3A = tpu.sem_alloc : memref<!tpu.dma_semaphore, #tpu.memory_space<semaphore_mem>>
      %dma_start3A = arith.constant 0 : i32
      %dma_start3A_46 = arith.constant 0 : i32
      %dma_start3A_47 = tpu.memref_slice %arg2[%add3A_14, %dma_start3A, %dma_start3A_46] : memref<128x40x64xi32, #tpu.memory_space<hbm>> -> memref<1x40x64xi32, #tpu.memory_space<hbm>>
      %dma_start3A_48 = tpu.memref_squeeze %dma_start3A_47 : memref<1x40x64xi32, #tpu.memory_space<hbm>> -> memref<40x64xi32, #tpu.memory_space<hbm>>
      %dma_start3A_49 = arith.constant 0 : i32
      %dma_start3A_50 = arith.constant 0 : i32
      %dma_start3A_51 = tpu.memref_slice %arg2[%add3A_14, %dma_start3A_49, %dma_start3A_50] : memref<128x40x64xi32, #tpu.memory_space<hbm>> -> memref<1x40x64xi32, #tpu.memory_space<hbm>>
      %dma_start3A_52 = tpu.memref_squeeze %dma_start3A_51 : memref<1x40x64xi32, #tpu.memory_space<hbm>> -> memref<40x64xi32, #tpu.memory_space<hbm>>
      tpu.enqueue_dma source(%dma_start3A_52 : memref<40x64xi32, #tpu.memory_space<hbm>>) target(%arg6 : memref<40x64xi32, #tpu.memory_space<vmem>>) target_semaphore(%run_scoped3A : memref<!tpu.dma_semaphore, #tpu.memory_space<semaphore_mem>>)
      %dma_wait3A = arith.constant 0 : i32
      %dma_wait3A_53 = arith.constant 0 : i32
      %dma_wait3A_54 = tpu.memref_slice %arg2[%add3A_14, %dma_wait3A, %dma_wait3A_53] : memref<128x40x64xi32, #tpu.memory_space<hbm>> -> memref<1x40x64xi32, #tpu.memory_space<hbm>>
      %dma_wait3A_55 = tpu.memref_squeeze %dma_wait3A_54 : memref<1x40x64xi32, #tpu.memory_space<hbm>> -> memref<40x64xi32, #tpu.memory_space<hbm>>
      %dma_wait3A_56 = arith.constant 0 : i32
      %dma_wait3A_57 = arith.constant 0 : i32
      %dma_wait3A_58 = tpu.memref_slice %arg2[%add3A_14, %dma_wait3A_56, %dma_wait3A_57] : memref<128x40x64xi32, #tpu.memory_space<hbm>> -> memref<1x40x64xi32, #tpu.memory_space<hbm>>
      %dma_wait3A_59 = tpu.memref_squeeze %dma_wait3A_58 : memref<1x40x64xi32, #tpu.memory_space<hbm>> -> memref<40x64xi32, #tpu.memory_space<hbm>>
      tpu.wait_dma2 semaphore(%run_scoped3A : memref<!tpu.dma_semaphore, #tpu.memory_space<semaphore_mem>>) src(%dma_wait3A_59 : memref<40x64xi32, #tpu.memory_space<hbm>>) dst(%arg6 : memref<40x64xi32, #tpu.memory_space<vmem>>)
      tpu.yield
    }) : () -> ()
    %scan3A_15 = arith.constant 0 : i32
    %scan3A_16 = arith.constant 40 : i32
    %scan3A_17 = arith.addi %scan3A_15, %scan3A_16 : i32
    %scan3A_18 = arith.constant 1 : i32
    scf.for %scan3A_46 = %scan3A_15 to %scan3A_17 step %scan3A_18  : i32 {
      %mul3A_47 = arith.constant 1 : i32
      %mul3A_48 = arith.muli %scan3A_46, %mul3A_47 : i32
      %add3A_49 = arith.constant 0 : i32
      %add3A_50 = arith.addi %add3A_49, %mul3A_48 : i32
      "tpu.region"() ({
        %run_scoped3A = tpu.sem_alloc : memref<!tpu.dma_semaphore, #tpu.memory_space<semaphore_mem>>
        %dma_start3A = arith.constant 0 : i32
        %dma_start3A_51 = tpu.memref_slice %arg6[%add3A_50, %dma_start3A] : memref<40x64xi32, #tpu.memory_space<vmem>> -> memref<1x64xi32, #tpu.memory_space<vmem>>
        %dma_start3A_52 = tpu.memref_squeeze %dma_start3A_51 : memref<1x64xi32, #tpu.memory_space<vmem>> -> memref<64xi32, #tpu.memory_space<vmem>>
        %dma_start3A_53 = arith.constant 0 : i32
        %dma_start3A_54 = arith.constant 0 : i32
        %dma_start3A_55 = tpu.memref_slice %arg8[%dma_start3A_53, %dma_start3A_54] : memref<10240x128xf32, #tpu.memory_space<vmem_shared>> -> memref<10240x128xf32, #tpu.memory_space<vmem_shared>>
        tpu.enqueue_indirect_dma source(%arg7 : memref<64x128xf32, #tpu.memory_space<vmem>>) target(%dma_start3A_55 : memref<10240x128xf32, #tpu.memory_space<vmem_shared>>) offsets(%dma_start3A_52 : memref<64xi32, #tpu.memory_space<vmem>>) semaphore(%run_scoped3A : memref<!tpu.dma_semaphore, #tpu.memory_space<semaphore_mem>>) {add = true}
        %dma_wait3A = arith.constant 0 : i32
        %dma_wait3A_56 = tpu.memref_slice %arg6[%add3A_50, %dma_wait3A] : memref<40x64xi32, #tpu.memory_space<vmem>> -> memref<1x64xi32, #tpu.memory_space<vmem>>
        %dma_wait3A_57 = tpu.memref_squeeze %dma_wait3A_56 : memref<1x64xi32, #tpu.memory_space<vmem>> -> memref<64xi32, #tpu.memory_space<vmem>>
        %dma_wait3A_58 = arith.constant 0 : i32
        %dma_wait3A_59 = arith.constant 0 : i32
        %dma_wait3A_60 = tpu.memref_slice %arg8[%dma_wait3A_58, %dma_wait3A_59] : memref<10240x128xf32, #tpu.memory_space<vmem_shared>> -> memref<10240x128xf32, #tpu.memory_space<vmem_shared>>
        tpu.wait_indirect_dma semaphore(%run_scoped3A : memref<!tpu.dma_semaphore, #tpu.memory_space<semaphore_mem>>) src(%arg7 : memref<64x128xf32, #tpu.memory_space<vmem>>) dst(%dma_wait3A_60 : memref<10240x128xf32, #tpu.memory_space<vmem_shared>>)
        tpu.yield
      }) : () -> ()
    }
    %scan3A_19 = arith.constant 40 : i32
    %mul3A_20 = arith.constant 4 : i32
    %mul3A_21 = arith.muli %mul3A_20, %add3A : i32
    %add3A_22 = arith.constant 2 : i32
    %add3A_23 = arith.addi %mul3A_21, %add3A_22 : i32
    "tpu.region"() ({
      %run_scoped3A = tpu.sem_alloc : memref<!tpu.dma_semaphore, #tpu.memory_space<semaphore_mem>>
      %dma_start3A = arith.constant 0 : i32
      %dma_start3A_46 = arith.constant 0 : i32
      %dma_start3A_47 = tpu.memref_slice %arg2[%add3A_23, %dma_start3A, %dma_start3A_46] : memref<128x40x64xi32, #tpu.memory_space<hbm>> -> memref<1x40x64xi32, #tpu.memory_space<hbm>>
      %dma_start3A_48 = tpu.memref_squeeze %dma_start3A_47 : memref<1x40x64xi32, #tpu.memory_space<hbm>> -> memref<40x64xi32, #tpu.memory_space<hbm>>
      %dma_start3A_49 = arith.constant 0 : i32
      %dma_start3A_50 = arith.constant 0 : i32
      %dma_start3A_51 = tpu.memref_slice %arg2[%add3A_23, %dma_start3A_49, %dma_start3A_50] : memref<128x40x64xi32, #tpu.memory_space<hbm>> -> memref<1x40x64xi32, #tpu.memory_space<hbm>>
      %dma_start3A_52 = tpu.memref_squeeze %dma_start3A_51 : memref<1x40x64xi32, #tpu.memory_space<hbm>> -> memref<40x64xi32, #tpu.memory_space<hbm>>
      tpu.enqueue_dma source(%dma_start3A_52 : memref<40x64xi32, #tpu.memory_space<hbm>>) target(%arg6 : memref<40x64xi32, #tpu.memory_space<vmem>>) target_semaphore(%run_scoped3A : memref<!tpu.dma_semaphore, #tpu.memory_space<semaphore_mem>>)
      %dma_wait3A = arith.constant 0 : i32
      %dma_wait3A_53 = arith.constant 0 : i32
      %dma_wait3A_54 = tpu.memref_slice %arg2[%add3A_23, %dma_wait3A, %dma_wait3A_53] : memref<128x40x64xi32, #tpu.memory_space<hbm>> -> memref<1x40x64xi32, #tpu.memory_space<hbm>>
      %dma_wait3A_55 = tpu.memref_squeeze %dma_wait3A_54 : memref<1x40x64xi32, #tpu.memory_space<hbm>> -> memref<40x64xi32, #tpu.memory_space<hbm>>
      %dma_wait3A_56 = arith.constant 0 : i32
      %dma_wait3A_57 = arith.constant 0 : i32
      %dma_wait3A_58 = tpu.memref_slice %arg2[%add3A_23, %dma_wait3A_56, %dma_wait3A_57] : memref<128x40x64xi32, #tpu.memory_space<hbm>> -> memref<1x40x64xi32, #tpu.memory_space<hbm>>
      %dma_wait3A_59 = tpu.memref_squeeze %dma_wait3A_58 : memref<1x40x64xi32, #tpu.memory_space<hbm>> -> memref<40x64xi32, #tpu.memory_space<hbm>>
      tpu.wait_dma2 semaphore(%run_scoped3A : memref<!tpu.dma_semaphore, #tpu.memory_space<semaphore_mem>>) src(%dma_wait3A_59 : memref<40x64xi32, #tpu.memory_space<hbm>>) dst(%arg6 : memref<40x64xi32, #tpu.memory_space<vmem>>)
      tpu.yield
    }) : () -> ()
    %scan3A_24 = arith.constant 0 : i32
    %scan3A_25 = arith.constant 40 : i32
    %scan3A_26 = arith.addi %scan3A_24, %scan3A_25 : i32
    %scan3A_27 = arith.constant 1 : i32
    scf.for %scan3A_46 = %scan3A_24 to %scan3A_26 step %scan3A_27  : i32 {
      %mul3A_47 = arith.constant 1 : i32
      %mul3A_48 = arith.muli %scan3A_46, %mul3A_47 : i32
      %add3A_49 = arith.constant 0 : i32
      %add3A_50 = arith.addi %add3A_49, %mul3A_48 : i32
      "tpu.region"() ({
        %run_scoped3A = tpu.sem_alloc : memref<!tpu.dma_semaphore, #tpu.memory_space<semaphore_mem>>
        %dma_start3A = arith.constant 0 : i32
        %dma_start3A_51 = tpu.memref_slice %arg6[%add3A_50, %dma_start3A] : memref<40x64xi32, #tpu.memory_space<vmem>> -> memref<1x64xi32, #tpu.memory_space<vmem>>
        %dma_start3A_52 = tpu.memref_squeeze %dma_start3A_51 : memref<1x64xi32, #tpu.memory_space<vmem>> -> memref<64xi32, #tpu.memory_space<vmem>>
        %dma_start3A_53 = arith.constant 0 : i32
        %dma_start3A_54 = arith.constant 0 : i32
        %dma_start3A_55 = tpu.memref_slice %arg8[%dma_start3A_53, %dma_start3A_54] : memref<10240x128xf32, #tpu.memory_space<vmem_shared>> -> memref<10240x128xf32, #tpu.memory_space<vmem_shared>>
        tpu.enqueue_indirect_dma source(%arg7 : memref<64x128xf32, #tpu.memory_space<vmem>>) target(%dma_start3A_55 : memref<10240x128xf32, #tpu.memory_space<vmem_shared>>) offsets(%dma_start3A_52 : memref<64xi32, #tpu.memory_space<vmem>>) semaphore(%run_scoped3A : memref<!tpu.dma_semaphore, #tpu.memory_space<semaphore_mem>>) {add = true}
        %dma_wait3A = arith.constant 0 : i32
        %dma_wait3A_56 = tpu.memref_slice %arg6[%add3A_50, %dma_wait3A] : memref<40x64xi32, #tpu.memory_space<vmem>> -> memref<1x64xi32, #tpu.memory_space<vmem>>
        %dma_wait3A_57 = tpu.memref_squeeze %dma_wait3A_56 : memref<1x64xi32, #tpu.memory_space<vmem>> -> memref<64xi32, #tpu.memory_space<vmem>>
        %dma_wait3A_58 = arith.constant 0 : i32
        %dma_wait3A_59 = arith.constant 0 : i32
        %dma_wait3A_60 = tpu.memref_slice %arg8[%dma_wait3A_58, %dma_wait3A_59] : memref<10240x128xf32, #tpu.memory_space<vmem_shared>> -> memref<10240x128xf32, #tpu.memory_space<vmem_shared>>
        tpu.wait_indirect_dma semaphore(%run_scoped3A : memref<!tpu.dma_semaphore, #tpu.memory_space<semaphore_mem>>) src(%arg7 : memref<64x128xf32, #tpu.memory_space<vmem>>) dst(%dma_wait3A_60 : memref<10240x128xf32, #tpu.memory_space<vmem_shared>>)
        tpu.yield
      }) : () -> ()
    }
    %scan3A_28 = arith.constant 40 : i32
    %mul3A_29 = arith.constant 4 : i32
    %mul3A_30 = arith.muli %mul3A_29, %add3A : i32
    %add3A_31 = arith.constant 3 : i32
    %add3A_32 = arith.addi %mul3A_30, %add3A_31 : i32
    "tpu.region"() ({
      %run_scoped3A = tpu.sem_alloc : memref<!tpu.dma_semaphore, #tpu.memory_space<semaphore_mem>>
      %dma_start3A = arith.constant 0 : i32
      %dma_start3A_46 = arith.constant 0 : i32
      %dma_start3A_47 = tpu.memref_slice %arg2[%add3A_32, %dma_start3A, %dma_start3A_46] : memref<128x40x64xi32, #tpu.memory_space<hbm>> -> memref<1x40x64xi32, #tpu.memory_space<hbm>>
      %dma_start3A_48 = tpu.memref_squeeze %dma_start3A_47 : memref<1x40x64xi32, #tpu.memory_space<hbm>> -> memref<40x64xi32, #tpu.memory_space<hbm>>
      %dma_start3A_49 = arith.constant 0 : i32
      %dma_start3A_50 = arith.constant 0 : i32
      %dma_start3A_51 = tpu.memref_slice %arg2[%add3A_32, %dma_start3A_49, %dma_start3A_50] : memref<128x40x64xi32, #tpu.memory_space<hbm>> -> memref<1x40x64xi32, #tpu.memory_space<hbm>>
      %dma_start3A_52 = tpu.memref_squeeze %dma_start3A_51 : memref<1x40x64xi32, #tpu.memory_space<hbm>> -> memref<40x64xi32, #tpu.memory_space<hbm>>
      tpu.enqueue_dma source(%dma_start3A_52 : memref<40x64xi32, #tpu.memory_space<hbm>>) target(%arg6 : memref<40x64xi32, #tpu.memory_space<vmem>>) target_semaphore(%run_scoped3A : memref<!tpu.dma_semaphore, #tpu.memory_space<semaphore_mem>>)
      %dma_wait3A = arith.constant 0 : i32
      %dma_wait3A_53 = arith.constant 0 : i32
      %dma_wait3A_54 = tpu.memref_slice %arg2[%add3A_32, %dma_wait3A, %dma_wait3A_53] : memref<128x40x64xi32, #tpu.memory_space<hbm>> -> memref<1x40x64xi32, #tpu.memory_space<hbm>>
      %dma_wait3A_55 = tpu.memref_squeeze %dma_wait3A_54 : memref<1x40x64xi32, #tpu.memory_space<hbm>> -> memref<40x64xi32, #tpu.memory_space<hbm>>
      %dma_wait3A_56 = arith.constant 0 : i32
      %dma_wait3A_57 = arith.constant 0 : i32
      %dma_wait3A_58 = tpu.memref_slice %arg2[%add3A_32, %dma_wait3A_56, %dma_wait3A_57] : memref<128x40x64xi32, #tpu.memory_space<hbm>> -> memref<1x40x64xi32, #tpu.memory_space<hbm>>
      %dma_wait3A_59 = tpu.memref_squeeze %dma_wait3A_58 : memref<1x40x64xi32, #tpu.memory_space<hbm>> -> memref<40x64xi32, #tpu.memory_space<hbm>>
      tpu.wait_dma2 semaphore(%run_scoped3A : memref<!tpu.dma_semaphore, #tpu.memory_space<semaphore_mem>>) src(%dma_wait3A_59 : memref<40x64xi32, #tpu.memory_space<hbm>>) dst(%arg6 : memref<40x64xi32, #tpu.memory_space<vmem>>)
      tpu.yield
    }) : () -> ()
    %scan3A_33 = arith.constant 0 : i32
    %scan3A_34 = arith.constant 40 : i32
    %scan3A_35 = arith.addi %scan3A_33, %scan3A_34 : i32
    %scan3A_36 = arith.constant 1 : i32
    scf.for %scan3A_46 = %scan3A_33 to %scan3A_35 step %scan3A_36  : i32 {
      %mul3A_47 = arith.constant 1 : i32
      %mul3A_48 = arith.muli %scan3A_46, %mul3A_47 : i32
      %add3A_49 = arith.constant 0 : i32
      %add3A_50 = arith.addi %add3A_49, %mul3A_48 : i32
      "tpu.region"() ({
        %run_scoped3A = tpu.sem_alloc : memref<!tpu.dma_semaphore, #tpu.memory_space<semaphore_mem>>
        %dma_start3A = arith.constant 0 : i32
        %dma_start3A_51 = tpu.memref_slice %arg6[%add3A_50, %dma_start3A] : memref<40x64xi32, #tpu.memory_space<vmem>> -> memref<1x64xi32, #tpu.memory_space<vmem>>
        %dma_start3A_52 = tpu.memref_squeeze %dma_start3A_51 : memref<1x64xi32, #tpu.memory_space<vmem>> -> memref<64xi32, #tpu.memory_space<vmem>>
        %dma_start3A_53 = arith.constant 0 : i32
        %dma_start3A_54 = arith.constant 0 : i32
        %dma_start3A_55 = tpu.memref_slice %arg8[%dma_start3A_53, %dma_start3A_54] : memref<10240x128xf32, #tpu.memory_space<vmem_shared>> -> memref<10240x128xf32, #tpu.memory_space<vmem_shared>>
        tpu.enqueue_indirect_dma source(%arg7 : memref<64x128xf32, #tpu.memory_space<vmem>>) target(%dma_start3A_55 : memref<10240x128xf32, #tpu.memory_space<vmem_shared>>) offsets(%dma_start3A_52 : memref<64xi32, #tpu.memory_space<vmem>>) semaphore(%run_scoped3A : memref<!tpu.dma_semaphore, #tpu.memory_space<semaphore_mem>>) {add = true}
        %dma_wait3A = arith.constant 0 : i32
        %dma_wait3A_56 = tpu.memref_slice %arg6[%add3A_50, %dma_wait3A] : memref<40x64xi32, #tpu.memory_space<vmem>> -> memref<1x64xi32, #tpu.memory_space<vmem>>
        %dma_wait3A_57 = tpu.memref_squeeze %dma_wait3A_56 : memref<1x64xi32, #tpu.memory_space<vmem>> -> memref<64xi32, #tpu.memory_space<vmem>>
        %dma_wait3A_58 = arith.constant 0 : i32
        %dma_wait3A_59 = arith.constant 0 : i32
        %dma_wait3A_60 = tpu.memref_slice %arg8[%dma_wait3A_58, %dma_wait3A_59] : memref<10240x128xf32, #tpu.memory_space<vmem_shared>> -> memref<10240x128xf32, #tpu.memory_space<vmem_shared>>
        tpu.wait_indirect_dma semaphore(%run_scoped3A : memref<!tpu.dma_semaphore, #tpu.memory_space<semaphore_mem>>) src(%arg7 : memref<64x128xf32, #tpu.memory_space<vmem>>) dst(%dma_wait3A_60 : memref<10240x128xf32, #tpu.memory_space<vmem_shared>>)
        tpu.yield
      }) : () -> ()
    }
    %scan3A_37 = arith.constant 40 : i32
    %barrier3A_38 = arith.constant 0 : index
    tpu.barrier barrier_id(%barrier3A_38)
    %mul3A_39 = arith.constant 640 : i32
    %mul3A_40 = arith.muli %arg1, %mul3A_39 : i32
    %mul3A_41 = arith.constant 10240 : i32
    %mul3A_42 = arith.muli %arg0, %mul3A_41 : i32
    %mul3A_43 = arith.constant 640 : i32
    %mul3A_44 = arith.muli %arg1, %mul3A_43 : i32
    %add3A_45 = arith.addi %mul3A_42, %mul3A_44 : i32
    "tpu.region"() ({
      %run_scoped3A = tpu.sem_alloc : memref<!tpu.dma_semaphore, #tpu.memory_space<semaphore_mem>>
      %dma_start3A = arith.constant 0 : i32
      %dma_start3A_46 = tpu.memref_slice %arg5[%add3A_45, %dma_start3A] : memref<20480x128xf32, #tpu.memory_space<hbm>> -> memref<640x128xf32, #tpu.memory_space<hbm>>
      %dma_start3A_47 = arith.constant 0 : i32
      %dma_start3A_48 = tpu.memref_slice %arg8[%mul3A_40, %dma_start3A_47] : memref<10240x128xf32, #tpu.memory_space<vmem_shared>> -> memref<640x128xf32, #tpu.memory_space<vmem_shared>>
      tpu.enqueue_dma source(%dma_start3A_48 : memref<640x128xf32, #tpu.memory_space<vmem_shared>>) target(%dma_start3A_46 : memref<640x128xf32, #tpu.memory_space<hbm>>) target_semaphore(%run_scoped3A : memref<!tpu.dma_semaphore, #tpu.memory_space<semaphore_mem>>)
      %dma_wait3A = arith.constant 0 : i32
      %dma_wait3A_49 = tpu.memref_slice %arg5[%add3A_45, %dma_wait3A] : memref<20480x128xf32, #tpu.memory_space<hbm>> -> memref<640x128xf32, #tpu.memory_space<hbm>>
      %dma_wait3A_50 = arith.constant 0 : i32
      %dma_wait3A_51 = tpu.memref_slice %arg8[%mul3A_40, %dma_wait3A_50] : memref<10240x128xf32, #tpu.memory_space<vmem_shared>> -> memref<640x128xf32, #tpu.memory_space<vmem_shared>>
      tpu.wait_dma2 semaphore(%run_scoped3A : memref<!tpu.dma_semaphore, #tpu.memory_space<semaphore_mem>>) src(%dma_wait3A_51 : memref<640x128xf32, #tpu.memory_space<vmem_shared>>) dst(%dma_wait3A_49 : memref<640x128xf32, #tpu.memory_space<hbm>>)
      tpu.yield
    }) : () -> ()
    return
  }
}

#map = affine_map<(d0, d1) -> (0, 0)>
#map1 = affine_map<(d0, d1) -> (0, 0, 0)>
module attributes {stable_mosaic.version = 14 : i64} {
  func.func @agg_kernel(%arg0: i32, %arg1: i32, %arg2: memref<10240x128xf32, #tpu.memory_space<hbm>>, %arg3: memref<128x40x64xi32, #tpu.memory_space<hbm>>, %arg4: memref<128x40x64xi32, #tpu.memory_space<hbm>>, %arg5: memref<640x128xf32, #tpu.memory_space<hbm>>, %arg6: memref<20480x128xf32, #tpu.memory_space<hbm>>, %arg7: memref<40x64xi32, #tpu.memory_space<vmem>>, %arg8: memref<40x64xi32, #tpu.memory_space<vmem>>, %arg9: memref<64x128xf32, #tpu.memory_space<vmem>>, %arg10: memref<64x128xf32, #tpu.memory_space<vmem>>, %arg11: memref<64x128xf32, #tpu.memory_space<vmem>>, %arg12: memref<64x128xf32, #tpu.memory_space<vmem>>, %arg13: memref<10240x128xf32, #tpu.memory_space<vmem_shared>>, %arg14: memref<!tpu.dma_semaphore, #tpu.memory_space<semaphore_mem>>, %arg15: memref<!tpu.dma_semaphore, #tpu.memory_space<semaphore_mem>>, %arg16: memref<!tpu.dma_semaphore, #tpu.memory_space<semaphore_mem>>, %arg17: memref<!tpu.dma_semaphore, #tpu.memory_space<semaphore_mem>>) attributes {dimension_semantics = [#tpu.dimension_semantics<core_parallel>, #tpu.dimension_semantics<subcore_parallel>], iteration_bounds = array<i64: 2, 16>, scalar_prefetch = 0 : i64, scratch_operands = 11 : i64, tpu.core_type = #tpu.core_type<sc_vector_subcore>, window_params = [{transform_indices = #map}, {transform_indices = #map1}, {transform_indices = #map1}, {transform_indices = #map}, {transform_indices = #map}]} {
    %mul3A = arith.constant 16 : i32
    %mul3A_0 = arith.muli %arg0, %mul3A : i32
    %add3A = arith.addi %mul3A_0, %arg1 : i32
    %mul3A_1 = arith.constant 640 : i32
    %mul3A_2 = arith.muli %arg1, %mul3A_1 : i32
    "tpu.region"() ({
      %run_scoped3A = tpu.sem_alloc : memref<!tpu.dma_semaphore, #tpu.memory_space<semaphore_mem>>
      %dma_start3A_173 = arith.constant 0 : i32
      %dma_start3A_174 = tpu.memref_slice %arg13[%mul3A_2, %dma_start3A_173] : memref<10240x128xf32, #tpu.memory_space<vmem_shared>> -> memref<640x128xf32, #tpu.memory_space<vmem_shared>>
      tpu.enqueue_dma source(%arg5 : memref<640x128xf32, #tpu.memory_space<hbm>>) target(%dma_start3A_174 : memref<640x128xf32, #tpu.memory_space<vmem_shared>>) target_semaphore(%run_scoped3A : memref<!tpu.dma_semaphore, #tpu.memory_space<semaphore_mem>>)
      %dma_wait3A = arith.constant 0 : i32
      %dma_wait3A_175 = tpu.memref_slice %arg13[%mul3A_2, %dma_wait3A] : memref<10240x128xf32, #tpu.memory_space<vmem_shared>> -> memref<640x128xf32, #tpu.memory_space<vmem_shared>>
      tpu.wait_dma2 semaphore(%run_scoped3A : memref<!tpu.dma_semaphore, #tpu.memory_space<semaphore_mem>>) src(%arg5 : memref<640x128xf32, #tpu.memory_space<hbm>>) dst(%dma_wait3A_175 : memref<640x128xf32, #tpu.memory_space<vmem_shared>>)
      tpu.yield
    }) : () -> ()
    %barrier3A = arith.constant 0 : index
    tpu.barrier barrier_id(%barrier3A)
    %mul3A_3 = arith.constant 4 : i32
    %mul3A_4 = arith.muli %mul3A_3, %add3A : i32
    %add3A_5 = arith.constant 0 : i32
    %add3A_6 = arith.addi %mul3A_4, %add3A_5 : i32
    "tpu.region"() ({
      %run_scoped3A = tpu.sem_alloc : memref<!tpu.dma_semaphore, #tpu.memory_space<semaphore_mem>>
      %dma_start3A_173 = arith.constant 0 : i32
      %dma_start3A_174 = arith.constant 0 : i32
      %dma_start3A_175 = tpu.memref_slice %arg3[%add3A_6, %dma_start3A_173, %dma_start3A_174] : memref<128x40x64xi32, #tpu.memory_space<hbm>> -> memref<1x40x64xi32, #tpu.memory_space<hbm>>
      %dma_start3A_176 = tpu.memref_squeeze %dma_start3A_175 : memref<1x40x64xi32, #tpu.memory_space<hbm>> -> memref<40x64xi32, #tpu.memory_space<hbm>>
      %dma_start3A_177 = arith.constant 0 : i32
      %dma_start3A_178 = arith.constant 0 : i32
      %dma_start3A_179 = tpu.memref_slice %arg3[%add3A_6, %dma_start3A_177, %dma_start3A_178] : memref<128x40x64xi32, #tpu.memory_space<hbm>> -> memref<1x40x64xi32, #tpu.memory_space<hbm>>
      %dma_start3A_180 = tpu.memref_squeeze %dma_start3A_179 : memref<1x40x64xi32, #tpu.memory_space<hbm>> -> memref<40x64xi32, #tpu.memory_space<hbm>>
      tpu.enqueue_dma source(%dma_start3A_180 : memref<40x64xi32, #tpu.memory_space<hbm>>) target(%arg7 : memref<40x64xi32, #tpu.memory_space<vmem>>) target_semaphore(%run_scoped3A : memref<!tpu.dma_semaphore, #tpu.memory_space<semaphore_mem>>)
      %dma_wait3A = arith.constant 0 : i32
      %dma_wait3A_181 = arith.constant 0 : i32
      %dma_wait3A_182 = tpu.memref_slice %arg3[%add3A_6, %dma_wait3A, %dma_wait3A_181] : memref<128x40x64xi32, #tpu.memory_space<hbm>> -> memref<1x40x64xi32, #tpu.memory_space<hbm>>
      %dma_wait3A_183 = tpu.memref_squeeze %dma_wait3A_182 : memref<1x40x64xi32, #tpu.memory_space<hbm>> -> memref<40x64xi32, #tpu.memory_space<hbm>>
      %dma_wait3A_184 = arith.constant 0 : i32
      %dma_wait3A_185 = arith.constant 0 : i32
      %dma_wait3A_186 = tpu.memref_slice %arg3[%add3A_6, %dma_wait3A_184, %dma_wait3A_185] : memref<128x40x64xi32, #tpu.memory_space<hbm>> -> memref<1x40x64xi32, #tpu.memory_space<hbm>>
      %dma_wait3A_187 = tpu.memref_squeeze %dma_wait3A_186 : memref<1x40x64xi32, #tpu.memory_space<hbm>> -> memref<40x64xi32, #tpu.memory_space<hbm>>
      tpu.wait_dma2 semaphore(%run_scoped3A : memref<!tpu.dma_semaphore, #tpu.memory_space<semaphore_mem>>) src(%dma_wait3A_187 : memref<40x64xi32, #tpu.memory_space<hbm>>) dst(%arg7 : memref<40x64xi32, #tpu.memory_space<vmem>>)
      tpu.yield
    }) : () -> ()
    %mul3A_7 = arith.constant 4 : i32
    %mul3A_8 = arith.muli %mul3A_7, %add3A : i32
    %add3A_9 = arith.constant 0 : i32
    %add3A_10 = arith.addi %mul3A_8, %add3A_9 : i32
    "tpu.region"() ({
      %run_scoped3A = tpu.sem_alloc : memref<!tpu.dma_semaphore, #tpu.memory_space<semaphore_mem>>
      %dma_start3A_173 = arith.constant 0 : i32
      %dma_start3A_174 = arith.constant 0 : i32
      %dma_start3A_175 = tpu.memref_slice %arg4[%add3A_10, %dma_start3A_173, %dma_start3A_174] : memref<128x40x64xi32, #tpu.memory_space<hbm>> -> memref<1x40x64xi32, #tpu.memory_space<hbm>>
      %dma_start3A_176 = tpu.memref_squeeze %dma_start3A_175 : memref<1x40x64xi32, #tpu.memory_space<hbm>> -> memref<40x64xi32, #tpu.memory_space<hbm>>
      %dma_start3A_177 = arith.constant 0 : i32
      %dma_start3A_178 = arith.constant 0 : i32
      %dma_start3A_179 = tpu.memref_slice %arg4[%add3A_10, %dma_start3A_177, %dma_start3A_178] : memref<128x40x64xi32, #tpu.memory_space<hbm>> -> memref<1x40x64xi32, #tpu.memory_space<hbm>>
      %dma_start3A_180 = tpu.memref_squeeze %dma_start3A_179 : memref<1x40x64xi32, #tpu.memory_space<hbm>> -> memref<40x64xi32, #tpu.memory_space<hbm>>
      tpu.enqueue_dma source(%dma_start3A_180 : memref<40x64xi32, #tpu.memory_space<hbm>>) target(%arg8 : memref<40x64xi32, #tpu.memory_space<vmem>>) target_semaphore(%run_scoped3A : memref<!tpu.dma_semaphore, #tpu.memory_space<semaphore_mem>>)
      %dma_wait3A = arith.constant 0 : i32
      %dma_wait3A_181 = arith.constant 0 : i32
      %dma_wait3A_182 = tpu.memref_slice %arg4[%add3A_10, %dma_wait3A, %dma_wait3A_181] : memref<128x40x64xi32, #tpu.memory_space<hbm>> -> memref<1x40x64xi32, #tpu.memory_space<hbm>>
      %dma_wait3A_183 = tpu.memref_squeeze %dma_wait3A_182 : memref<1x40x64xi32, #tpu.memory_space<hbm>> -> memref<40x64xi32, #tpu.memory_space<hbm>>
      %dma_wait3A_184 = arith.constant 0 : i32
      %dma_wait3A_185 = arith.constant 0 : i32
      %dma_wait3A_186 = tpu.memref_slice %arg4[%add3A_10, %dma_wait3A_184, %dma_wait3A_185] : memref<128x40x64xi32, #tpu.memory_space<hbm>> -> memref<1x40x64xi32, #tpu.memory_space<hbm>>
      %dma_wait3A_187 = tpu.memref_squeeze %dma_wait3A_186 : memref<1x40x64xi32, #tpu.memory_space<hbm>> -> memref<40x64xi32, #tpu.memory_space<hbm>>
      tpu.wait_dma2 semaphore(%run_scoped3A : memref<!tpu.dma_semaphore, #tpu.memory_space<semaphore_mem>>) src(%dma_wait3A_187 : memref<40x64xi32, #tpu.memory_space<hbm>>) dst(%arg8 : memref<40x64xi32, #tpu.memory_space<vmem>>)
      tpu.yield
    }) : () -> ()
    %dma_start3A = arith.constant 0 : i32
    %dma_start3A_11 = arith.constant 0 : i32
    %dma_start3A_12 = tpu.memref_slice %arg7[%dma_start3A, %dma_start3A_11] : memref<40x64xi32, #tpu.memory_space<vmem>> -> memref<1x64xi32, #tpu.memory_space<vmem>>
    %dma_start3A_13 = tpu.memref_squeeze %dma_start3A_12 : memref<1x64xi32, #tpu.memory_space<vmem>> -> memref<64xi32, #tpu.memory_space<vmem>>
    %dma_start3A_14 = arith.constant 0 : i32
    %dma_start3A_15 = arith.constant 0 : i32
    %dma_start3A_16 = tpu.memref_slice %arg2[%dma_start3A_14, %dma_start3A_15] : memref<10240x128xf32, #tpu.memory_space<hbm>> -> memref<10240x128xf32, #tpu.memory_space<hbm>>
    tpu.enqueue_indirect_dma source(%dma_start3A_16 : memref<10240x128xf32, #tpu.memory_space<hbm>>) target(%arg9 : memref<64x128xf32, #tpu.memory_space<vmem>>) offsets(%dma_start3A_13 : memref<64xi32, #tpu.memory_space<vmem>>) semaphore(%arg14 : memref<!tpu.dma_semaphore, #tpu.memory_space<semaphore_mem>>)
    %dma_start3A_17 = arith.constant 1 : i32
    %dma_start3A_18 = arith.constant 0 : i32
    %dma_start3A_19 = tpu.memref_slice %arg7[%dma_start3A_17, %dma_start3A_18] : memref<40x64xi32, #tpu.memory_space<vmem>> -> memref<1x64xi32, #tpu.memory_space<vmem>>
    %dma_start3A_20 = tpu.memref_squeeze %dma_start3A_19 : memref<1x64xi32, #tpu.memory_space<vmem>> -> memref<64xi32, #tpu.memory_space<vmem>>
    %dma_start3A_21 = arith.constant 0 : i32
    %dma_start3A_22 = arith.constant 0 : i32
    %dma_start3A_23 = tpu.memref_slice %arg2[%dma_start3A_21, %dma_start3A_22] : memref<10240x128xf32, #tpu.memory_space<hbm>> -> memref<10240x128xf32, #tpu.memory_space<hbm>>
    tpu.enqueue_indirect_dma source(%dma_start3A_23 : memref<10240x128xf32, #tpu.memory_space<hbm>>) target(%arg10 : memref<64x128xf32, #tpu.memory_space<vmem>>) offsets(%dma_start3A_20 : memref<64xi32, #tpu.memory_space<vmem>>) semaphore(%arg15 : memref<!tpu.dma_semaphore, #tpu.memory_space<semaphore_mem>>)
    %dma_start3A_24 = arith.constant 2 : i32
    %dma_start3A_25 = arith.constant 0 : i32
    %dma_start3A_26 = tpu.memref_slice %arg7[%dma_start3A_24, %dma_start3A_25] : memref<40x64xi32, #tpu.memory_space<vmem>> -> memref<1x64xi32, #tpu.memory_space<vmem>>
    %dma_start3A_27 = tpu.memref_squeeze %dma_start3A_26 : memref<1x64xi32, #tpu.memory_space<vmem>> -> memref<64xi32, #tpu.memory_space<vmem>>
    %dma_start3A_28 = arith.constant 0 : i32
    %dma_start3A_29 = arith.constant 0 : i32
    %dma_start3A_30 = tpu.memref_slice %arg2[%dma_start3A_28, %dma_start3A_29] : memref<10240x128xf32, #tpu.memory_space<hbm>> -> memref<10240x128xf32, #tpu.memory_space<hbm>>
    tpu.enqueue_indirect_dma source(%dma_start3A_30 : memref<10240x128xf32, #tpu.memory_space<hbm>>) target(%arg11 : memref<64x128xf32, #tpu.memory_space<vmem>>) offsets(%dma_start3A_27 : memref<64xi32, #tpu.memory_space<vmem>>) semaphore(%arg16 : memref<!tpu.dma_semaphore, #tpu.memory_space<semaphore_mem>>)
    %dma_start3A_31 = arith.constant 3 : i32
    %dma_start3A_32 = arith.constant 0 : i32
    %dma_start3A_33 = tpu.memref_slice %arg7[%dma_start3A_31, %dma_start3A_32] : memref<40x64xi32, #tpu.memory_space<vmem>> -> memref<1x64xi32, #tpu.memory_space<vmem>>
    %dma_start3A_34 = tpu.memref_squeeze %dma_start3A_33 : memref<1x64xi32, #tpu.memory_space<vmem>> -> memref<64xi32, #tpu.memory_space<vmem>>
    %dma_start3A_35 = arith.constant 0 : i32
    %dma_start3A_36 = arith.constant 0 : i32
    %dma_start3A_37 = tpu.memref_slice %arg2[%dma_start3A_35, %dma_start3A_36] : memref<10240x128xf32, #tpu.memory_space<hbm>> -> memref<10240x128xf32, #tpu.memory_space<hbm>>
    tpu.enqueue_indirect_dma source(%dma_start3A_37 : memref<10240x128xf32, #tpu.memory_space<hbm>>) target(%arg12 : memref<64x128xf32, #tpu.memory_space<vmem>>) offsets(%dma_start3A_34 : memref<64xi32, #tpu.memory_space<vmem>>) semaphore(%arg17 : memref<!tpu.dma_semaphore, #tpu.memory_space<semaphore_mem>>)
    %scan3A = arith.constant 0 : i32
    %scan3A_38 = arith.constant 10 : i32
    %scan3A_39 = arith.addi %scan3A, %scan3A_38 : i32
    %scan3A_40 = arith.constant 1 : i32
    scf.for %scan3A_173 = %scan3A to %scan3A_39 step %scan3A_40  : i32 {
      %mul3A_174 = arith.constant 4 : i32
      %mul3A_175 = arith.muli %scan3A_173, %mul3A_174 : i32
      %add3A_176 = arith.constant 0 : i32
      %add3A_177 = arith.addi %add3A_176, %mul3A_175 : i32
      %add3A_178 = arith.constant 0 : i32
      %add3A_179 = arith.addi %add3A_177, %add3A_178 : i32
      %dma_wait3A = arith.constant 0 : i32
      %dma_wait3A_180 = tpu.memref_slice %arg7[%add3A_179, %dma_wait3A] : memref<40x64xi32, #tpu.memory_space<vmem>> -> memref<1x64xi32, #tpu.memory_space<vmem>>
      %dma_wait3A_181 = tpu.memref_squeeze %dma_wait3A_180 : memref<1x64xi32, #tpu.memory_space<vmem>> -> memref<64xi32, #tpu.memory_space<vmem>>
      %dma_wait3A_182 = arith.constant 0 : i32
      %dma_wait3A_183 = arith.constant 0 : i32
      %dma_wait3A_184 = tpu.memref_slice %arg2[%dma_wait3A_182, %dma_wait3A_183] : memref<10240x128xf32, #tpu.memory_space<hbm>> -> memref<10240x128xf32, #tpu.memory_space<hbm>>
      tpu.wait_indirect_dma semaphore(%arg14 : memref<!tpu.dma_semaphore, #tpu.memory_space<semaphore_mem>>) src(%dma_wait3A_184 : memref<10240x128xf32, #tpu.memory_space<hbm>>) dst(%arg9 : memref<64x128xf32, #tpu.memory_space<vmem>>)
      %add3A_185 = arith.constant 0 : i32
      %add3A_186 = arith.addi %add3A_177, %add3A_185 : i32
      "tpu.region"() ({
        %run_scoped3A = tpu.sem_alloc : memref<!tpu.dma_semaphore, #tpu.memory_space<semaphore_mem>>
        %dma_start3A_250 = arith.constant 0 : i32
        %dma_start3A_251 = tpu.memref_slice %arg8[%add3A_186, %dma_start3A_250] : memref<40x64xi32, #tpu.memory_space<vmem>> -> memref<1x64xi32, #tpu.memory_space<vmem>>
        %dma_start3A_252 = tpu.memref_squeeze %dma_start3A_251 : memref<1x64xi32, #tpu.memory_space<vmem>> -> memref<64xi32, #tpu.memory_space<vmem>>
        %dma_start3A_253 = arith.constant 0 : i32
        %dma_start3A_254 = arith.constant 0 : i32
        %dma_start3A_255 = tpu.memref_slice %arg13[%dma_start3A_253, %dma_start3A_254] : memref<10240x128xf32, #tpu.memory_space<vmem_shared>> -> memref<10240x128xf32, #tpu.memory_space<vmem_shared>>
        tpu.enqueue_indirect_dma source(%arg9 : memref<64x128xf32, #tpu.memory_space<vmem>>) target(%dma_start3A_255 : memref<10240x128xf32, #tpu.memory_space<vmem_shared>>) offsets(%dma_start3A_252 : memref<64xi32, #tpu.memory_space<vmem>>) semaphore(%run_scoped3A : memref<!tpu.dma_semaphore, #tpu.memory_space<semaphore_mem>>) {add = true}
        %dma_wait3A_256 = arith.constant 0 : i32
        %dma_wait3A_257 = tpu.memref_slice %arg8[%add3A_186, %dma_wait3A_256] : memref<40x64xi32, #tpu.memory_space<vmem>> -> memref<1x64xi32, #tpu.memory_space<vmem>>
        %dma_wait3A_258 = tpu.memref_squeeze %dma_wait3A_257 : memref<1x64xi32, #tpu.memory_space<vmem>> -> memref<64xi32, #tpu.memory_space<vmem>>
        %dma_wait3A_259 = arith.constant 0 : i32
        %dma_wait3A_260 = arith.constant 0 : i32
        %dma_wait3A_261 = tpu.memref_slice %arg13[%dma_wait3A_259, %dma_wait3A_260] : memref<10240x128xf32, #tpu.memory_space<vmem_shared>> -> memref<10240x128xf32, #tpu.memory_space<vmem_shared>>
        tpu.wait_indirect_dma semaphore(%run_scoped3A : memref<!tpu.dma_semaphore, #tpu.memory_space<semaphore_mem>>) src(%arg9 : memref<64x128xf32, #tpu.memory_space<vmem>>) dst(%dma_wait3A_261 : memref<10240x128xf32, #tpu.memory_space<vmem_shared>>)
        tpu.yield
      }) : () -> ()
      %add3A_187 = arith.constant 0 : i32
      %add3A_188 = arith.addi %add3A_177, %add3A_187 : i32
      %add3A_189 = arith.constant 4 : i32
      %add3A_190 = arith.addi %add3A_188, %add3A_189 : i32
      %lt3A = arith.constant 40 : i32
      %lt3A_191 = arith.cmpi slt, %add3A_190, %lt3A : i32
      %convert_element_type3A = arith.extui %lt3A_191 : i1 to i32
      %cond3A = arith.constant 0 : i32
      %cond3A_192 = arith.cmpi ne, %convert_element_type3A, %cond3A : i32
      scf.if %cond3A_192 {
        %add3A_250 = arith.constant 0 : i32
        %add3A_251 = arith.addi %add3A_177, %add3A_250 : i32
        %add3A_252 = arith.constant 4 : i32
        %add3A_253 = arith.addi %add3A_251, %add3A_252 : i32
        %dma_start3A_254 = arith.constant 0 : i32
        %dma_start3A_255 = tpu.memref_slice %arg7[%add3A_253, %dma_start3A_254] : memref<40x64xi32, #tpu.memory_space<vmem>> -> memref<1x64xi32, #tpu.memory_space<vmem>>
        %dma_start3A_256 = tpu.memref_squeeze %dma_start3A_255 : memref<1x64xi32, #tpu.memory_space<vmem>> -> memref<64xi32, #tpu.memory_space<vmem>>
        %dma_start3A_257 = arith.constant 0 : i32
        %dma_start3A_258 = arith.constant 0 : i32
        %dma_start3A_259 = tpu.memref_slice %arg2[%dma_start3A_257, %dma_start3A_258] : memref<10240x128xf32, #tpu.memory_space<hbm>> -> memref<10240x128xf32, #tpu.memory_space<hbm>>
        tpu.enqueue_indirect_dma source(%dma_start3A_259 : memref<10240x128xf32, #tpu.memory_space<hbm>>) target(%arg9 : memref<64x128xf32, #tpu.memory_space<vmem>>) offsets(%dma_start3A_256 : memref<64xi32, #tpu.memory_space<vmem>>) semaphore(%arg14 : memref<!tpu.dma_semaphore, #tpu.memory_space<semaphore_mem>>)
      } else {
      }
      %add3A_193 = arith.constant 1 : i32
      %add3A_194 = arith.addi %add3A_177, %add3A_193 : i32
      %dma_wait3A_195 = arith.constant 0 : i32
      %dma_wait3A_196 = tpu.memref_slice %arg7[%add3A_194, %dma_wait3A_195] : memref<40x64xi32, #tpu.memory_space<vmem>> -> memref<1x64xi32, #tpu.memory_space<vmem>>
      %dma_wait3A_197 = tpu.memref_squeeze %dma_wait3A_196 : memref<1x64xi32, #tpu.memory_space<vmem>> -> memref<64xi32, #tpu.memory_space<vmem>>
      %dma_wait3A_198 = arith.constant 0 : i32
      %dma_wait3A_199 = arith.constant 0 : i32
      %dma_wait3A_200 = tpu.memref_slice %arg2[%dma_wait3A_198, %dma_wait3A_199] : memref<10240x128xf32, #tpu.memory_space<hbm>> -> memref<10240x128xf32, #tpu.memory_space<hbm>>
      tpu.wait_indirect_dma semaphore(%arg15 : memref<!tpu.dma_semaphore, #tpu.memory_space<semaphore_mem>>) src(%dma_wait3A_200 : memref<10240x128xf32, #tpu.memory_space<hbm>>) dst(%arg10 : memref<64x128xf32, #tpu.memory_space<vmem>>)
      %add3A_201 = arith.constant 1 : i32
      %add3A_202 = arith.addi %add3A_177, %add3A_201 : i32
      "tpu.region"() ({
        %run_scoped3A = tpu.sem_alloc : memref<!tpu.dma_semaphore, #tpu.memory_space<semaphore_mem>>
        %dma_start3A_250 = arith.constant 0 : i32
        %dma_start3A_251 = tpu.memref_slice %arg8[%add3A_202, %dma_start3A_250] : memref<40x64xi32, #tpu.memory_space<vmem>> -> memref<1x64xi32, #tpu.memory_space<vmem>>
        %dma_start3A_252 = tpu.memref_squeeze %dma_start3A_251 : memref<1x64xi32, #tpu.memory_space<vmem>> -> memref<64xi32, #tpu.memory_space<vmem>>
        %dma_start3A_253 = arith.constant 0 : i32
        %dma_start3A_254 = arith.constant 0 : i32
        %dma_start3A_255 = tpu.memref_slice %arg13[%dma_start3A_253, %dma_start3A_254] : memref<10240x128xf32, #tpu.memory_space<vmem_shared>> -> memref<10240x128xf32, #tpu.memory_space<vmem_shared>>
        tpu.enqueue_indirect_dma source(%arg10 : memref<64x128xf32, #tpu.memory_space<vmem>>) target(%dma_start3A_255 : memref<10240x128xf32, #tpu.memory_space<vmem_shared>>) offsets(%dma_start3A_252 : memref<64xi32, #tpu.memory_space<vmem>>) semaphore(%run_scoped3A : memref<!tpu.dma_semaphore, #tpu.memory_space<semaphore_mem>>) {add = true}
        %dma_wait3A_256 = arith.constant 0 : i32
        %dma_wait3A_257 = tpu.memref_slice %arg8[%add3A_202, %dma_wait3A_256] : memref<40x64xi32, #tpu.memory_space<vmem>> -> memref<1x64xi32, #tpu.memory_space<vmem>>
        %dma_wait3A_258 = tpu.memref_squeeze %dma_wait3A_257 : memref<1x64xi32, #tpu.memory_space<vmem>> -> memref<64xi32, #tpu.memory_space<vmem>>
        %dma_wait3A_259 = arith.constant 0 : i32
        %dma_wait3A_260 = arith.constant 0 : i32
        %dma_wait3A_261 = tpu.memref_slice %arg13[%dma_wait3A_259, %dma_wait3A_260] : memref<10240x128xf32, #tpu.memory_space<vmem_shared>> -> memref<10240x128xf32, #tpu.memory_space<vmem_shared>>
        tpu.wait_indirect_dma semaphore(%run_scoped3A : memref<!tpu.dma_semaphore, #tpu.memory_space<semaphore_mem>>) src(%arg10 : memref<64x128xf32, #tpu.memory_space<vmem>>) dst(%dma_wait3A_261 : memref<10240x128xf32, #tpu.memory_space<vmem_shared>>)
        tpu.yield
      }) : () -> ()
      %add3A_203 = arith.constant 1 : i32
      %add3A_204 = arith.addi %add3A_177, %add3A_203 : i32
      %add3A_205 = arith.constant 4 : i32
      %add3A_206 = arith.addi %add3A_204, %add3A_205 : i32
      %lt3A_207 = arith.constant 40 : i32
      %lt3A_208 = arith.cmpi slt, %add3A_206, %lt3A_207 : i32
      %convert_element_type3A_209 = arith.extui %lt3A_208 : i1 to i32
      %cond3A_210 = arith.constant 0 : i32
      %cond3A_211 = arith.cmpi ne, %convert_element_type3A_209, %cond3A_210 : i32
      scf.if %cond3A_211 {
        %add3A_250 = arith.constant 1 : i32
        %add3A_251 = arith.addi %add3A_177, %add3A_250 : i32
        %add3A_252 = arith.constant 4 : i32
        %add3A_253 = arith.addi %add3A_251, %add3A_252 : i32
        %dma_start3A_254 = arith.constant 0 : i32
        %dma_start3A_255 = tpu.memref_slice %arg7[%add3A_253, %dma_start3A_254] : memref<40x64xi32, #tpu.memory_space<vmem>> -> memref<1x64xi32, #tpu.memory_space<vmem>>
        %dma_start3A_256 = tpu.memref_squeeze %dma_start3A_255 : memref<1x64xi32, #tpu.memory_space<vmem>> -> memref<64xi32, #tpu.memory_space<vmem>>
        %dma_start3A_257 = arith.constant 0 : i32
        %dma_start3A_258 = arith.constant 0 : i32
        %dma_start3A_259 = tpu.memref_slice %arg2[%dma_start3A_257, %dma_start3A_258] : memref<10240x128xf32, #tpu.memory_space<hbm>> -> memref<10240x128xf32, #tpu.memory_space<hbm>>
        tpu.enqueue_indirect_dma source(%dma_start3A_259 : memref<10240x128xf32, #tpu.memory_space<hbm>>) target(%arg10 : memref<64x128xf32, #tpu.memory_space<vmem>>) offsets(%dma_start3A_256 : memref<64xi32, #tpu.memory_space<vmem>>) semaphore(%arg15 : memref<!tpu.dma_semaphore, #tpu.memory_space<semaphore_mem>>)
      } else {
      }
      %add3A_212 = arith.constant 2 : i32
      %add3A_213 = arith.addi %add3A_177, %add3A_212 : i32
      %dma_wait3A_214 = arith.constant 0 : i32
      %dma_wait3A_215 = tpu.memref_slice %arg7[%add3A_213, %dma_wait3A_214] : memref<40x64xi32, #tpu.memory_space<vmem>> -> memref<1x64xi32, #tpu.memory_space<vmem>>
      %dma_wait3A_216 = tpu.memref_squeeze %dma_wait3A_215 : memref<1x64xi32, #tpu.memory_space<vmem>> -> memref<64xi32, #tpu.memory_space<vmem>>
      %dma_wait3A_217 = arith.constant 0 : i32
      %dma_wait3A_218 = arith.constant 0 : i32
      %dma_wait3A_219 = tpu.memref_slice %arg2[%dma_wait3A_217, %dma_wait3A_218] : memref<10240x128xf32, #tpu.memory_space<hbm>> -> memref<10240x128xf32, #tpu.memory_space<hbm>>
      tpu.wait_indirect_dma semaphore(%arg16 : memref<!tpu.dma_semaphore, #tpu.memory_space<semaphore_mem>>) src(%dma_wait3A_219 : memref<10240x128xf32, #tpu.memory_space<hbm>>) dst(%arg11 : memref<64x128xf32, #tpu.memory_space<vmem>>)
      %add3A_220 = arith.constant 2 : i32
      %add3A_221 = arith.addi %add3A_177, %add3A_220 : i32
      "tpu.region"() ({
        %run_scoped3A = tpu.sem_alloc : memref<!tpu.dma_semaphore, #tpu.memory_space<semaphore_mem>>
        %dma_start3A_250 = arith.constant 0 : i32
        %dma_start3A_251 = tpu.memref_slice %arg8[%add3A_221, %dma_start3A_250] : memref<40x64xi32, #tpu.memory_space<vmem>> -> memref<1x64xi32, #tpu.memory_space<vmem>>
        %dma_start3A_252 = tpu.memref_squeeze %dma_start3A_251 : memref<1x64xi32, #tpu.memory_space<vmem>> -> memref<64xi32, #tpu.memory_space<vmem>>
        %dma_start3A_253 = arith.constant 0 : i32
        %dma_start3A_254 = arith.constant 0 : i32
        %dma_start3A_255 = tpu.memref_slice %arg13[%dma_start3A_253, %dma_start3A_254] : memref<10240x128xf32, #tpu.memory_space<vmem_shared>> -> memref<10240x128xf32, #tpu.memory_space<vmem_shared>>
        tpu.enqueue_indirect_dma source(%arg11 : memref<64x128xf32, #tpu.memory_space<vmem>>) target(%dma_start3A_255 : memref<10240x128xf32, #tpu.memory_space<vmem_shared>>) offsets(%dma_start3A_252 : memref<64xi32, #tpu.memory_space<vmem>>) semaphore(%run_scoped3A : memref<!tpu.dma_semaphore, #tpu.memory_space<semaphore_mem>>) {add = true}
        %dma_wait3A_256 = arith.constant 0 : i32
        %dma_wait3A_257 = tpu.memref_slice %arg8[%add3A_221, %dma_wait3A_256] : memref<40x64xi32, #tpu.memory_space<vmem>> -> memref<1x64xi32, #tpu.memory_space<vmem>>
        %dma_wait3A_258 = tpu.memref_squeeze %dma_wait3A_257 : memref<1x64xi32, #tpu.memory_space<vmem>> -> memref<64xi32, #tpu.memory_space<vmem>>
        %dma_wait3A_259 = arith.constant 0 : i32
        %dma_wait3A_260 = arith.constant 0 : i32
        %dma_wait3A_261 = tpu.memref_slice %arg13[%dma_wait3A_259, %dma_wait3A_260] : memref<10240x128xf32, #tpu.memory_space<vmem_shared>> -> memref<10240x128xf32, #tpu.memory_space<vmem_shared>>
        tpu.wait_indirect_dma semaphore(%run_scoped3A : memref<!tpu.dma_semaphore, #tpu.memory_space<semaphore_mem>>) src(%arg11 : memref<64x128xf32, #tpu.memory_space<vmem>>) dst(%dma_wait3A_261 : memref<10240x128xf32, #tpu.memory_space<vmem_shared>>)
        tpu.yield
      }) : () -> ()
      %add3A_222 = arith.constant 2 : i32
      %add3A_223 = arith.addi %add3A_177, %add3A_222 : i32
      %add3A_224 = arith.constant 4 : i32
      %add3A_225 = arith.addi %add3A_223, %add3A_224 : i32
      %lt3A_226 = arith.constant 40 : i32
      %lt3A_227 = arith.cmpi slt, %add3A_225, %lt3A_226 : i32
      %convert_element_type3A_228 = arith.extui %lt3A_227 : i1 to i32
      %cond3A_229 = arith.constant 0 : i32
      %cond3A_230 = arith.cmpi ne, %convert_element_type3A_228, %cond3A_229 : i32
      scf.if %cond3A_230 {
        %add3A_250 = arith.constant 2 : i32
        %add3A_251 = arith.addi %add3A_177, %add3A_250 : i32
        %add3A_252 = arith.constant 4 : i32
        %add3A_253 = arith.addi %add3A_251, %add3A_252 : i32
        %dma_start3A_254 = arith.constant 0 : i32
        %dma_start3A_255 = tpu.memref_slice %arg7[%add3A_253, %dma_start3A_254] : memref<40x64xi32, #tpu.memory_space<vmem>> -> memref<1x64xi32, #tpu.memory_space<vmem>>
        %dma_start3A_256 = tpu.memref_squeeze %dma_start3A_255 : memref<1x64xi32, #tpu.memory_space<vmem>> -> memref<64xi32, #tpu.memory_space<vmem>>
        %dma_start3A_257 = arith.constant 0 : i32
        %dma_start3A_258 = arith.constant 0 : i32
        %dma_start3A_259 = tpu.memref_slice %arg2[%dma_start3A_257, %dma_start3A_258] : memref<10240x128xf32, #tpu.memory_space<hbm>> -> memref<10240x128xf32, #tpu.memory_space<hbm>>
        tpu.enqueue_indirect_dma source(%dma_start3A_259 : memref<10240x128xf32, #tpu.memory_space<hbm>>) target(%arg11 : memref<64x128xf32, #tpu.memory_space<vmem>>) offsets(%dma_start3A_256 : memref<64xi32, #tpu.memory_space<vmem>>) semaphore(%arg16 : memref<!tpu.dma_semaphore, #tpu.memory_space<semaphore_mem>>)
      } else {
      }
      %add3A_231 = arith.constant 3 : i32
      %add3A_232 = arith.addi %add3A_177, %add3A_231 : i32
      %dma_wait3A_233 = arith.constant 0 : i32
      %dma_wait3A_234 = tpu.memref_slice %arg7[%add3A_232, %dma_wait3A_233] : memref<40x64xi32, #tpu.memory_space<vmem>> -> memref<1x64xi32, #tpu.memory_space<vmem>>
      %dma_wait3A_235 = tpu.memref_squeeze %dma_wait3A_234 : memref<1x64xi32, #tpu.memory_space<vmem>> -> memref<64xi32, #tpu.memory_space<vmem>>
      %dma_wait3A_236 = arith.constant 0 : i32
      %dma_wait3A_237 = arith.constant 0 : i32
      %dma_wait3A_238 = tpu.memref_slice %arg2[%dma_wait3A_236, %dma_wait3A_237] : memref<10240x128xf32, #tpu.memory_space<hbm>> -> memref<10240x128xf32, #tpu.memory_space<hbm>>
      tpu.wait_indirect_dma semaphore(%arg17 : memref<!tpu.dma_semaphore, #tpu.memory_space<semaphore_mem>>) src(%dma_wait3A_238 : memref<10240x128xf32, #tpu.memory_space<hbm>>) dst(%arg12 : memref<64x128xf32, #tpu.memory_space<vmem>>)
      %add3A_239 = arith.constant 3 : i32
      %add3A_240 = arith.addi %add3A_177, %add3A_239 : i32
      "tpu.region"() ({
        %run_scoped3A = tpu.sem_alloc : memref<!tpu.dma_semaphore, #tpu.memory_space<semaphore_mem>>
        %dma_start3A_250 = arith.constant 0 : i32
        %dma_start3A_251 = tpu.memref_slice %arg8[%add3A_240, %dma_start3A_250] : memref<40x64xi32, #tpu.memory_space<vmem>> -> memref<1x64xi32, #tpu.memory_space<vmem>>
        %dma_start3A_252 = tpu.memref_squeeze %dma_start3A_251 : memref<1x64xi32, #tpu.memory_space<vmem>> -> memref<64xi32, #tpu.memory_space<vmem>>
        %dma_start3A_253 = arith.constant 0 : i32
        %dma_start3A_254 = arith.constant 0 : i32
        %dma_start3A_255 = tpu.memref_slice %arg13[%dma_start3A_253, %dma_start3A_254] : memref<10240x128xf32, #tpu.memory_space<vmem_shared>> -> memref<10240x128xf32, #tpu.memory_space<vmem_shared>>
        tpu.enqueue_indirect_dma source(%arg12 : memref<64x128xf32, #tpu.memory_space<vmem>>) target(%dma_start3A_255 : memref<10240x128xf32, #tpu.memory_space<vmem_shared>>) offsets(%dma_start3A_252 : memref<64xi32, #tpu.memory_space<vmem>>) semaphore(%run_scoped3A : memref<!tpu.dma_semaphore, #tpu.memory_space<semaphore_mem>>) {add = true}
        %dma_wait3A_256 = arith.constant 0 : i32
        %dma_wait3A_257 = tpu.memref_slice %arg8[%add3A_240, %dma_wait3A_256] : memref<40x64xi32, #tpu.memory_space<vmem>> -> memref<1x64xi32, #tpu.memory_space<vmem>>
        %dma_wait3A_258 = tpu.memref_squeeze %dma_wait3A_257 : memref<1x64xi32, #tpu.memory_space<vmem>> -> memref<64xi32, #tpu.memory_space<vmem>>
        %dma_wait3A_259 = arith.constant 0 : i32
        %dma_wait3A_260 = arith.constant 0 : i32
        %dma_wait3A_261 = tpu.memref_slice %arg13[%dma_wait3A_259, %dma_wait3A_260] : memref<10240x128xf32, #tpu.memory_space<vmem_shared>> -> memref<10240x128xf32, #tpu.memory_space<vmem_shared>>
        tpu.wait_indirect_dma semaphore(%run_scoped3A : memref<!tpu.dma_semaphore, #tpu.memory_space<semaphore_mem>>) src(%arg12 : memref<64x128xf32, #tpu.memory_space<vmem>>) dst(%dma_wait3A_261 : memref<10240x128xf32, #tpu.memory_space<vmem_shared>>)
        tpu.yield
      }) : () -> ()
      %add3A_241 = arith.constant 3 : i32
      %add3A_242 = arith.addi %add3A_177, %add3A_241 : i32
      %add3A_243 = arith.constant 4 : i32
      %add3A_244 = arith.addi %add3A_242, %add3A_243 : i32
      %lt3A_245 = arith.constant 40 : i32
      %lt3A_246 = arith.cmpi slt, %add3A_244, %lt3A_245 : i32
      %convert_element_type3A_247 = arith.extui %lt3A_246 : i1 to i32
      %cond3A_248 = arith.constant 0 : i32
      %cond3A_249 = arith.cmpi ne, %convert_element_type3A_247, %cond3A_248 : i32
      scf.if %cond3A_249 {
        %add3A_250 = arith.constant 3 : i32
        %add3A_251 = arith.addi %add3A_177, %add3A_250 : i32
        %add3A_252 = arith.constant 4 : i32
        %add3A_253 = arith.addi %add3A_251, %add3A_252 : i32
        %dma_start3A_254 = arith.constant 0 : i32
        %dma_start3A_255 = tpu.memref_slice %arg7[%add3A_253, %dma_start3A_254] : memref<40x64xi32, #tpu.memory_space<vmem>> -> memref<1x64xi32, #tpu.memory_space<vmem>>
        %dma_start3A_256 = tpu.memref_squeeze %dma_start3A_255 : memref<1x64xi32, #tpu.memory_space<vmem>> -> memref<64xi32, #tpu.memory_space<vmem>>
        %dma_start3A_257 = arith.constant 0 : i32
        %dma_start3A_258 = arith.constant 0 : i32
        %dma_start3A_259 = tpu.memref_slice %arg2[%dma_start3A_257, %dma_start3A_258] : memref<10240x128xf32, #tpu.memory_space<hbm>> -> memref<10240x128xf32, #tpu.memory_space<hbm>>
        tpu.enqueue_indirect_dma source(%dma_start3A_259 : memref<10240x128xf32, #tpu.memory_space<hbm>>) target(%arg12 : memref<64x128xf32, #tpu.memory_space<vmem>>) offsets(%dma_start3A_256 : memref<64xi32, #tpu.memory_space<vmem>>) semaphore(%arg17 : memref<!tpu.dma_semaphore, #tpu.memory_space<semaphore_mem>>)
      } else {
      }
    }
    %scan3A_41 = arith.constant 10 : i32
    %mul3A_42 = arith.constant 4 : i32
    %mul3A_43 = arith.muli %mul3A_42, %add3A : i32
    %add3A_44 = arith.constant 1 : i32
    %add3A_45 = arith.addi %mul3A_43, %add3A_44 : i32
    "tpu.region"() ({
      %run_scoped3A = tpu.sem_alloc : memref<!tpu.dma_semaphore, #tpu.memory_space<semaphore_mem>>
      %dma_start3A_173 = arith.constant 0 : i32
      %dma_start3A_174 = arith.constant 0 : i32
      %dma_start3A_175 = tpu.memref_slice %arg3[%add3A_45, %dma_start3A_173, %dma_start3A_174] : memref<128x40x64xi32, #tpu.memory_space<hbm>> -> memref<1x40x64xi32, #tpu.memory_space<hbm>>
      %dma_start3A_176 = tpu.memref_squeeze %dma_start3A_175 : memref<1x40x64xi32, #tpu.memory_space<hbm>> -> memref<40x64xi32, #tpu.memory_space<hbm>>
      %dma_start3A_177 = arith.constant 0 : i32
      %dma_start3A_178 = arith.constant 0 : i32
      %dma_start3A_179 = tpu.memref_slice %arg3[%add3A_45, %dma_start3A_177, %dma_start3A_178] : memref<128x40x64xi32, #tpu.memory_space<hbm>> -> memref<1x40x64xi32, #tpu.memory_space<hbm>>
      %dma_start3A_180 = tpu.memref_squeeze %dma_start3A_179 : memref<1x40x64xi32, #tpu.memory_space<hbm>> -> memref<40x64xi32, #tpu.memory_space<hbm>>
      tpu.enqueue_dma source(%dma_start3A_180 : memref<40x64xi32, #tpu.memory_space<hbm>>) target(%arg7 : memref<40x64xi32, #tpu.memory_space<vmem>>) target_semaphore(%run_scoped3A : memref<!tpu.dma_semaphore, #tpu.memory_space<semaphore_mem>>)
      %dma_wait3A = arith.constant 0 : i32
      %dma_wait3A_181 = arith.constant 0 : i32
      %dma_wait3A_182 = tpu.memref_slice %arg3[%add3A_45, %dma_wait3A, %dma_wait3A_181] : memref<128x40x64xi32, #tpu.memory_space<hbm>> -> memref<1x40x64xi32, #tpu.memory_space<hbm>>
      %dma_wait3A_183 = tpu.memref_squeeze %dma_wait3A_182 : memref<1x40x64xi32, #tpu.memory_space<hbm>> -> memref<40x64xi32, #tpu.memory_space<hbm>>
      %dma_wait3A_184 = arith.constant 0 : i32
      %dma_wait3A_185 = arith.constant 0 : i32
      %dma_wait3A_186 = tpu.memref_slice %arg3[%add3A_45, %dma_wait3A_184, %dma_wait3A_185] : memref<128x40x64xi32, #tpu.memory_space<hbm>> -> memref<1x40x64xi32, #tpu.memory_space<hbm>>
      %dma_wait3A_187 = tpu.memref_squeeze %dma_wait3A_186 : memref<1x40x64xi32, #tpu.memory_space<hbm>> -> memref<40x64xi32, #tpu.memory_space<hbm>>
      tpu.wait_dma2 semaphore(%run_scoped3A : memref<!tpu.dma_semaphore, #tpu.memory_space<semaphore_mem>>) src(%dma_wait3A_187 : memref<40x64xi32, #tpu.memory_space<hbm>>) dst(%arg7 : memref<40x64xi32, #tpu.memory_space<vmem>>)
      tpu.yield
    }) : () -> ()
    %mul3A_46 = arith.constant 4 : i32
    %mul3A_47 = arith.muli %mul3A_46, %add3A : i32
    %add3A_48 = arith.constant 1 : i32
    %add3A_49 = arith.addi %mul3A_47, %add3A_48 : i32
    "tpu.region"() ({
      %run_scoped3A = tpu.sem_alloc : memref<!tpu.dma_semaphore, #tpu.memory_space<semaphore_mem>>
      %dma_start3A_173 = arith.constant 0 : i32
      %dma_start3A_174 = arith.constant 0 : i32
      %dma_start3A_175 = tpu.memref_slice %arg4[%add3A_49, %dma_start3A_173, %dma_start3A_174] : memref<128x40x64xi32, #tpu.memory_space<hbm>> -> memref<1x40x64xi32, #tpu.memory_space<hbm>>
      %dma_start3A_176 = tpu.memref_squeeze %dma_start3A_175 : memref<1x40x64xi32, #tpu.memory_space<hbm>> -> memref<40x64xi32, #tpu.memory_space<hbm>>
      %dma_start3A_177 = arith.constant 0 : i32
      %dma_start3A_178 = arith.constant 0 : i32
      %dma_start3A_179 = tpu.memref_slice %arg4[%add3A_49, %dma_start3A_177, %dma_start3A_178] : memref<128x40x64xi32, #tpu.memory_space<hbm>> -> memref<1x40x64xi32, #tpu.memory_space<hbm>>
      %dma_start3A_180 = tpu.memref_squeeze %dma_start3A_179 : memref<1x40x64xi32, #tpu.memory_space<hbm>> -> memref<40x64xi32, #tpu.memory_space<hbm>>
      tpu.enqueue_dma source(%dma_start3A_180 : memref<40x64xi32, #tpu.memory_space<hbm>>) target(%arg8 : memref<40x64xi32, #tpu.memory_space<vmem>>) target_semaphore(%run_scoped3A : memref<!tpu.dma_semaphore, #tpu.memory_space<semaphore_mem>>)
      %dma_wait3A = arith.constant 0 : i32
      %dma_wait3A_181 = arith.constant 0 : i32
      %dma_wait3A_182 = tpu.memref_slice %arg4[%add3A_49, %dma_wait3A, %dma_wait3A_181] : memref<128x40x64xi32, #tpu.memory_space<hbm>> -> memref<1x40x64xi32, #tpu.memory_space<hbm>>
      %dma_wait3A_183 = tpu.memref_squeeze %dma_wait3A_182 : memref<1x40x64xi32, #tpu.memory_space<hbm>> -> memref<40x64xi32, #tpu.memory_space<hbm>>
      %dma_wait3A_184 = arith.constant 0 : i32
      %dma_wait3A_185 = arith.constant 0 : i32
      %dma_wait3A_186 = tpu.memref_slice %arg4[%add3A_49, %dma_wait3A_184, %dma_wait3A_185] : memref<128x40x64xi32, #tpu.memory_space<hbm>> -> memref<1x40x64xi32, #tpu.memory_space<hbm>>
      %dma_wait3A_187 = tpu.memref_squeeze %dma_wait3A_186 : memref<1x40x64xi32, #tpu.memory_space<hbm>> -> memref<40x64xi32, #tpu.memory_space<hbm>>
      tpu.wait_dma2 semaphore(%run_scoped3A : memref<!tpu.dma_semaphore, #tpu.memory_space<semaphore_mem>>) src(%dma_wait3A_187 : memref<40x64xi32, #tpu.memory_space<hbm>>) dst(%arg8 : memref<40x64xi32, #tpu.memory_space<vmem>>)
      tpu.yield
    }) : () -> ()
    %dma_start3A_50 = arith.constant 0 : i32
    %dma_start3A_51 = arith.constant 0 : i32
    %dma_start3A_52 = tpu.memref_slice %arg7[%dma_start3A_50, %dma_start3A_51] : memref<40x64xi32, #tpu.memory_space<vmem>> -> memref<1x64xi32, #tpu.memory_space<vmem>>
    %dma_start3A_53 = tpu.memref_squeeze %dma_start3A_52 : memref<1x64xi32, #tpu.memory_space<vmem>> -> memref<64xi32, #tpu.memory_space<vmem>>
    %dma_start3A_54 = arith.constant 0 : i32
    %dma_start3A_55 = arith.constant 0 : i32
    %dma_start3A_56 = tpu.memref_slice %arg2[%dma_start3A_54, %dma_start3A_55] : memref<10240x128xf32, #tpu.memory_space<hbm>> -> memref<10240x128xf32, #tpu.memory_space<hbm>>
    tpu.enqueue_indirect_dma source(%dma_start3A_56 : memref<10240x128xf32, #tpu.memory_space<hbm>>) target(%arg9 : memref<64x128xf32, #tpu.memory_space<vmem>>) offsets(%dma_start3A_53 : memref<64xi32, #tpu.memory_space<vmem>>) semaphore(%arg14 : memref<!tpu.dma_semaphore, #tpu.memory_space<semaphore_mem>>)
    %dma_start3A_57 = arith.constant 1 : i32
    %dma_start3A_58 = arith.constant 0 : i32
    %dma_start3A_59 = tpu.memref_slice %arg7[%dma_start3A_57, %dma_start3A_58] : memref<40x64xi32, #tpu.memory_space<vmem>> -> memref<1x64xi32, #tpu.memory_space<vmem>>
    %dma_start3A_60 = tpu.memref_squeeze %dma_start3A_59 : memref<1x64xi32, #tpu.memory_space<vmem>> -> memref<64xi32, #tpu.memory_space<vmem>>
    %dma_start3A_61 = arith.constant 0 : i32
    %dma_start3A_62 = arith.constant 0 : i32
    %dma_start3A_63 = tpu.memref_slice %arg2[%dma_start3A_61, %dma_start3A_62] : memref<10240x128xf32, #tpu.memory_space<hbm>> -> memref<10240x128xf32, #tpu.memory_space<hbm>>
    tpu.enqueue_indirect_dma source(%dma_start3A_63 : memref<10240x128xf32, #tpu.memory_space<hbm>>) target(%arg10 : memref<64x128xf32, #tpu.memory_space<vmem>>) offsets(%dma_start3A_60 : memref<64xi32, #tpu.memory_space<vmem>>) semaphore(%arg15 : memref<!tpu.dma_semaphore, #tpu.memory_space<semaphore_mem>>)
    %dma_start3A_64 = arith.constant 2 : i32
    %dma_start3A_65 = arith.constant 0 : i32
    %dma_start3A_66 = tpu.memref_slice %arg7[%dma_start3A_64, %dma_start3A_65] : memref<40x64xi32, #tpu.memory_space<vmem>> -> memref<1x64xi32, #tpu.memory_space<vmem>>
    %dma_start3A_67 = tpu.memref_squeeze %dma_start3A_66 : memref<1x64xi32, #tpu.memory_space<vmem>> -> memref<64xi32, #tpu.memory_space<vmem>>
    %dma_start3A_68 = arith.constant 0 : i32
    %dma_start3A_69 = arith.constant 0 : i32
    %dma_start3A_70 = tpu.memref_slice %arg2[%dma_start3A_68, %dma_start3A_69] : memref<10240x128xf32, #tpu.memory_space<hbm>> -> memref<10240x128xf32, #tpu.memory_space<hbm>>
    tpu.enqueue_indirect_dma source(%dma_start3A_70 : memref<10240x128xf32, #tpu.memory_space<hbm>>) target(%arg11 : memref<64x128xf32, #tpu.memory_space<vmem>>) offsets(%dma_start3A_67 : memref<64xi32, #tpu.memory_space<vmem>>) semaphore(%arg16 : memref<!tpu.dma_semaphore, #tpu.memory_space<semaphore_mem>>)
    %dma_start3A_71 = arith.constant 3 : i32
    %dma_start3A_72 = arith.constant 0 : i32
    %dma_start3A_73 = tpu.memref_slice %arg7[%dma_start3A_71, %dma_start3A_72] : memref<40x64xi32, #tpu.memory_space<vmem>> -> memref<1x64xi32, #tpu.memory_space<vmem>>
    %dma_start3A_74 = tpu.memref_squeeze %dma_start3A_73 : memref<1x64xi32, #tpu.memory_space<vmem>> -> memref<64xi32, #tpu.memory_space<vmem>>
    %dma_start3A_75 = arith.constant 0 : i32
    %dma_start3A_76 = arith.constant 0 : i32
    %dma_start3A_77 = tpu.memref_slice %arg2[%dma_start3A_75, %dma_start3A_76] : memref<10240x128xf32, #tpu.memory_space<hbm>> -> memref<10240x128xf32, #tpu.memory_space<hbm>>
    tpu.enqueue_indirect_dma source(%dma_start3A_77 : memref<10240x128xf32, #tpu.memory_space<hbm>>) target(%arg12 : memref<64x128xf32, #tpu.memory_space<vmem>>) offsets(%dma_start3A_74 : memref<64xi32, #tpu.memory_space<vmem>>) semaphore(%arg17 : memref<!tpu.dma_semaphore, #tpu.memory_space<semaphore_mem>>)
    %scan3A_78 = arith.constant 0 : i32
    %scan3A_79 = arith.constant 10 : i32
    %scan3A_80 = arith.addi %scan3A_78, %scan3A_79 : i32
    %scan3A_81 = arith.constant 1 : i32
    scf.for %scan3A_173 = %scan3A_78 to %scan3A_80 step %scan3A_81  : i32 {
      %mul3A_174 = arith.constant 4 : i32
      %mul3A_175 = arith.muli %scan3A_173, %mul3A_174 : i32
      %add3A_176 = arith.constant 0 : i32
      %add3A_177 = arith.addi %add3A_176, %mul3A_175 : i32
      %add3A_178 = arith.constant 0 : i32
      %add3A_179 = arith.addi %add3A_177, %add3A_178 : i32
      %dma_wait3A = arith.constant 0 : i32
      %dma_wait3A_180 = tpu.memref_slice %arg7[%add3A_179, %dma_wait3A] : memref<40x64xi32, #tpu.memory_space<vmem>> -> memref<1x64xi32, #tpu.memory_space<vmem>>
      %dma_wait3A_181 = tpu.memref_squeeze %dma_wait3A_180 : memref<1x64xi32, #tpu.memory_space<vmem>> -> memref<64xi32, #tpu.memory_space<vmem>>
      %dma_wait3A_182 = arith.constant 0 : i32
      %dma_wait3A_183 = arith.constant 0 : i32
      %dma_wait3A_184 = tpu.memref_slice %arg2[%dma_wait3A_182, %dma_wait3A_183] : memref<10240x128xf32, #tpu.memory_space<hbm>> -> memref<10240x128xf32, #tpu.memory_space<hbm>>
      tpu.wait_indirect_dma semaphore(%arg14 : memref<!tpu.dma_semaphore, #tpu.memory_space<semaphore_mem>>) src(%dma_wait3A_184 : memref<10240x128xf32, #tpu.memory_space<hbm>>) dst(%arg9 : memref<64x128xf32, #tpu.memory_space<vmem>>)
      %add3A_185 = arith.constant 0 : i32
      %add3A_186 = arith.addi %add3A_177, %add3A_185 : i32
      "tpu.region"() ({
        %run_scoped3A = tpu.sem_alloc : memref<!tpu.dma_semaphore, #tpu.memory_space<semaphore_mem>>
        %dma_start3A_250 = arith.constant 0 : i32
        %dma_start3A_251 = tpu.memref_slice %arg8[%add3A_186, %dma_start3A_250] : memref<40x64xi32, #tpu.memory_space<vmem>> -> memref<1x64xi32, #tpu.memory_space<vmem>>
        %dma_start3A_252 = tpu.memref_squeeze %dma_start3A_251 : memref<1x64xi32, #tpu.memory_space<vmem>> -> memref<64xi32, #tpu.memory_space<vmem>>
        %dma_start3A_253 = arith.constant 0 : i32
        %dma_start3A_254 = arith.constant 0 : i32
        %dma_start3A_255 = tpu.memref_slice %arg13[%dma_start3A_253, %dma_start3A_254] : memref<10240x128xf32, #tpu.memory_space<vmem_shared>> -> memref<10240x128xf32, #tpu.memory_space<vmem_shared>>
        tpu.enqueue_indirect_dma source(%arg9 : memref<64x128xf32, #tpu.memory_space<vmem>>) target(%dma_start3A_255 : memref<10240x128xf32, #tpu.memory_space<vmem_shared>>) offsets(%dma_start3A_252 : memref<64xi32, #tpu.memory_space<vmem>>) semaphore(%run_scoped3A : memref<!tpu.dma_semaphore, #tpu.memory_space<semaphore_mem>>) {add = true}
        %dma_wait3A_256 = arith.constant 0 : i32
        %dma_wait3A_257 = tpu.memref_slice %arg8[%add3A_186, %dma_wait3A_256] : memref<40x64xi32, #tpu.memory_space<vmem>> -> memref<1x64xi32, #tpu.memory_space<vmem>>
        %dma_wait3A_258 = tpu.memref_squeeze %dma_wait3A_257 : memref<1x64xi32, #tpu.memory_space<vmem>> -> memref<64xi32, #tpu.memory_space<vmem>>
        %dma_wait3A_259 = arith.constant 0 : i32
        %dma_wait3A_260 = arith.constant 0 : i32
        %dma_wait3A_261 = tpu.memref_slice %arg13[%dma_wait3A_259, %dma_wait3A_260] : memref<10240x128xf32, #tpu.memory_space<vmem_shared>> -> memref<10240x128xf32, #tpu.memory_space<vmem_shared>>
        tpu.wait_indirect_dma semaphore(%run_scoped3A : memref<!tpu.dma_semaphore, #tpu.memory_space<semaphore_mem>>) src(%arg9 : memref<64x128xf32, #tpu.memory_space<vmem>>) dst(%dma_wait3A_261 : memref<10240x128xf32, #tpu.memory_space<vmem_shared>>)
        tpu.yield
      }) : () -> ()
      %add3A_187 = arith.constant 0 : i32
      %add3A_188 = arith.addi %add3A_177, %add3A_187 : i32
      %add3A_189 = arith.constant 4 : i32
      %add3A_190 = arith.addi %add3A_188, %add3A_189 : i32
      %lt3A = arith.constant 40 : i32
      %lt3A_191 = arith.cmpi slt, %add3A_190, %lt3A : i32
      %convert_element_type3A = arith.extui %lt3A_191 : i1 to i32
      %cond3A = arith.constant 0 : i32
      %cond3A_192 = arith.cmpi ne, %convert_element_type3A, %cond3A : i32
      scf.if %cond3A_192 {
        %add3A_250 = arith.constant 0 : i32
        %add3A_251 = arith.addi %add3A_177, %add3A_250 : i32
        %add3A_252 = arith.constant 4 : i32
        %add3A_253 = arith.addi %add3A_251, %add3A_252 : i32
        %dma_start3A_254 = arith.constant 0 : i32
        %dma_start3A_255 = tpu.memref_slice %arg7[%add3A_253, %dma_start3A_254] : memref<40x64xi32, #tpu.memory_space<vmem>> -> memref<1x64xi32, #tpu.memory_space<vmem>>
        %dma_start3A_256 = tpu.memref_squeeze %dma_start3A_255 : memref<1x64xi32, #tpu.memory_space<vmem>> -> memref<64xi32, #tpu.memory_space<vmem>>
        %dma_start3A_257 = arith.constant 0 : i32
        %dma_start3A_258 = arith.constant 0 : i32
        %dma_start3A_259 = tpu.memref_slice %arg2[%dma_start3A_257, %dma_start3A_258] : memref<10240x128xf32, #tpu.memory_space<hbm>> -> memref<10240x128xf32, #tpu.memory_space<hbm>>
        tpu.enqueue_indirect_dma source(%dma_start3A_259 : memref<10240x128xf32, #tpu.memory_space<hbm>>) target(%arg9 : memref<64x128xf32, #tpu.memory_space<vmem>>) offsets(%dma_start3A_256 : memref<64xi32, #tpu.memory_space<vmem>>) semaphore(%arg14 : memref<!tpu.dma_semaphore, #tpu.memory_space<semaphore_mem>>)
      } else {
      }
      %add3A_193 = arith.constant 1 : i32
      %add3A_194 = arith.addi %add3A_177, %add3A_193 : i32
      %dma_wait3A_195 = arith.constant 0 : i32
      %dma_wait3A_196 = tpu.memref_slice %arg7[%add3A_194, %dma_wait3A_195] : memref<40x64xi32, #tpu.memory_space<vmem>> -> memref<1x64xi32, #tpu.memory_space<vmem>>
      %dma_wait3A_197 = tpu.memref_squeeze %dma_wait3A_196 : memref<1x64xi32, #tpu.memory_space<vmem>> -> memref<64xi32, #tpu.memory_space<vmem>>
      %dma_wait3A_198 = arith.constant 0 : i32
      %dma_wait3A_199 = arith.constant 0 : i32
      %dma_wait3A_200 = tpu.memref_slice %arg2[%dma_wait3A_198, %dma_wait3A_199] : memref<10240x128xf32, #tpu.memory_space<hbm>> -> memref<10240x128xf32, #tpu.memory_space<hbm>>
      tpu.wait_indirect_dma semaphore(%arg15 : memref<!tpu.dma_semaphore, #tpu.memory_space<semaphore_mem>>) src(%dma_wait3A_200 : memref<10240x128xf32, #tpu.memory_space<hbm>>) dst(%arg10 : memref<64x128xf32, #tpu.memory_space<vmem>>)
      %add3A_201 = arith.constant 1 : i32
      %add3A_202 = arith.addi %add3A_177, %add3A_201 : i32
      "tpu.region"() ({
        %run_scoped3A = tpu.sem_alloc : memref<!tpu.dma_semaphore, #tpu.memory_space<semaphore_mem>>
        %dma_start3A_250 = arith.constant 0 : i32
        %dma_start3A_251 = tpu.memref_slice %arg8[%add3A_202, %dma_start3A_250] : memref<40x64xi32, #tpu.memory_space<vmem>> -> memref<1x64xi32, #tpu.memory_space<vmem>>
        %dma_start3A_252 = tpu.memref_squeeze %dma_start3A_251 : memref<1x64xi32, #tpu.memory_space<vmem>> -> memref<64xi32, #tpu.memory_space<vmem>>
        %dma_start3A_253 = arith.constant 0 : i32
        %dma_start3A_254 = arith.constant 0 : i32
        %dma_start3A_255 = tpu.memref_slice %arg13[%dma_start3A_253, %dma_start3A_254] : memref<10240x128xf32, #tpu.memory_space<vmem_shared>> -> memref<10240x128xf32, #tpu.memory_space<vmem_shared>>
        tpu.enqueue_indirect_dma source(%arg10 : memref<64x128xf32, #tpu.memory_space<vmem>>) target(%dma_start3A_255 : memref<10240x128xf32, #tpu.memory_space<vmem_shared>>) offsets(%dma_start3A_252 : memref<64xi32, #tpu.memory_space<vmem>>) semaphore(%run_scoped3A : memref<!tpu.dma_semaphore, #tpu.memory_space<semaphore_mem>>) {add = true}
        %dma_wait3A_256 = arith.constant 0 : i32
        %dma_wait3A_257 = tpu.memref_slice %arg8[%add3A_202, %dma_wait3A_256] : memref<40x64xi32, #tpu.memory_space<vmem>> -> memref<1x64xi32, #tpu.memory_space<vmem>>
        %dma_wait3A_258 = tpu.memref_squeeze %dma_wait3A_257 : memref<1x64xi32, #tpu.memory_space<vmem>> -> memref<64xi32, #tpu.memory_space<vmem>>
        %dma_wait3A_259 = arith.constant 0 : i32
        %dma_wait3A_260 = arith.constant 0 : i32
        %dma_wait3A_261 = tpu.memref_slice %arg13[%dma_wait3A_259, %dma_wait3A_260] : memref<10240x128xf32, #tpu.memory_space<vmem_shared>> -> memref<10240x128xf32, #tpu.memory_space<vmem_shared>>
        tpu.wait_indirect_dma semaphore(%run_scoped3A : memref<!tpu.dma_semaphore, #tpu.memory_space<semaphore_mem>>) src(%arg10 : memref<64x128xf32, #tpu.memory_space<vmem>>) dst(%dma_wait3A_261 : memref<10240x128xf32, #tpu.memory_space<vmem_shared>>)
        tpu.yield
      }) : () -> ()
      %add3A_203 = arith.constant 1 : i32
      %add3A_204 = arith.addi %add3A_177, %add3A_203 : i32
      %add3A_205 = arith.constant 4 : i32
      %add3A_206 = arith.addi %add3A_204, %add3A_205 : i32
      %lt3A_207 = arith.constant 40 : i32
      %lt3A_208 = arith.cmpi slt, %add3A_206, %lt3A_207 : i32
      %convert_element_type3A_209 = arith.extui %lt3A_208 : i1 to i32
      %cond3A_210 = arith.constant 0 : i32
      %cond3A_211 = arith.cmpi ne, %convert_element_type3A_209, %cond3A_210 : i32
      scf.if %cond3A_211 {
        %add3A_250 = arith.constant 1 : i32
        %add3A_251 = arith.addi %add3A_177, %add3A_250 : i32
        %add3A_252 = arith.constant 4 : i32
        %add3A_253 = arith.addi %add3A_251, %add3A_252 : i32
        %dma_start3A_254 = arith.constant 0 : i32
        %dma_start3A_255 = tpu.memref_slice %arg7[%add3A_253, %dma_start3A_254] : memref<40x64xi32, #tpu.memory_space<vmem>> -> memref<1x64xi32, #tpu.memory_space<vmem>>
        %dma_start3A_256 = tpu.memref_squeeze %dma_start3A_255 : memref<1x64xi32, #tpu.memory_space<vmem>> -> memref<64xi32, #tpu.memory_space<vmem>>
        %dma_start3A_257 = arith.constant 0 : i32
        %dma_start3A_258 = arith.constant 0 : i32
        %dma_start3A_259 = tpu.memref_slice %arg2[%dma_start3A_257, %dma_start3A_258] : memref<10240x128xf32, #tpu.memory_space<hbm>> -> memref<10240x128xf32, #tpu.memory_space<hbm>>
        tpu.enqueue_indirect_dma source(%dma_start3A_259 : memref<10240x128xf32, #tpu.memory_space<hbm>>) target(%arg10 : memref<64x128xf32, #tpu.memory_space<vmem>>) offsets(%dma_start3A_256 : memref<64xi32, #tpu.memory_space<vmem>>) semaphore(%arg15 : memref<!tpu.dma_semaphore, #tpu.memory_space<semaphore_mem>>)
      } else {
      }
      %add3A_212 = arith.constant 2 : i32
      %add3A_213 = arith.addi %add3A_177, %add3A_212 : i32
      %dma_wait3A_214 = arith.constant 0 : i32
      %dma_wait3A_215 = tpu.memref_slice %arg7[%add3A_213, %dma_wait3A_214] : memref<40x64xi32, #tpu.memory_space<vmem>> -> memref<1x64xi32, #tpu.memory_space<vmem>>
      %dma_wait3A_216 = tpu.memref_squeeze %dma_wait3A_215 : memref<1x64xi32, #tpu.memory_space<vmem>> -> memref<64xi32, #tpu.memory_space<vmem>>
      %dma_wait3A_217 = arith.constant 0 : i32
      %dma_wait3A_218 = arith.constant 0 : i32
      %dma_wait3A_219 = tpu.memref_slice %arg2[%dma_wait3A_217, %dma_wait3A_218] : memref<10240x128xf32, #tpu.memory_space<hbm>> -> memref<10240x128xf32, #tpu.memory_space<hbm>>
      tpu.wait_indirect_dma semaphore(%arg16 : memref<!tpu.dma_semaphore, #tpu.memory_space<semaphore_mem>>) src(%dma_wait3A_219 : memref<10240x128xf32, #tpu.memory_space<hbm>>) dst(%arg11 : memref<64x128xf32, #tpu.memory_space<vmem>>)
      %add3A_220 = arith.constant 2 : i32
      %add3A_221 = arith.addi %add3A_177, %add3A_220 : i32
      "tpu.region"() ({
        %run_scoped3A = tpu.sem_alloc : memref<!tpu.dma_semaphore, #tpu.memory_space<semaphore_mem>>
        %dma_start3A_250 = arith.constant 0 : i32
        %dma_start3A_251 = tpu.memref_slice %arg8[%add3A_221, %dma_start3A_250] : memref<40x64xi32, #tpu.memory_space<vmem>> -> memref<1x64xi32, #tpu.memory_space<vmem>>
        %dma_start3A_252 = tpu.memref_squeeze %dma_start3A_251 : memref<1x64xi32, #tpu.memory_space<vmem>> -> memref<64xi32, #tpu.memory_space<vmem>>
        %dma_start3A_253 = arith.constant 0 : i32
        %dma_start3A_254 = arith.constant 0 : i32
        %dma_start3A_255 = tpu.memref_slice %arg13[%dma_start3A_253, %dma_start3A_254] : memref<10240x128xf32, #tpu.memory_space<vmem_shared>> -> memref<10240x128xf32, #tpu.memory_space<vmem_shared>>
        tpu.enqueue_indirect_dma source(%arg11 : memref<64x128xf32, #tpu.memory_space<vmem>>) target(%dma_start3A_255 : memref<10240x128xf32, #tpu.memory_space<vmem_shared>>) offsets(%dma_start3A_252 : memref<64xi32, #tpu.memory_space<vmem>>) semaphore(%run_scoped3A : memref<!tpu.dma_semaphore, #tpu.memory_space<semaphore_mem>>) {add = true}
        %dma_wait3A_256 = arith.constant 0 : i32
        %dma_wait3A_257 = tpu.memref_slice %arg8[%add3A_221, %dma_wait3A_256] : memref<40x64xi32, #tpu.memory_space<vmem>> -> memref<1x64xi32, #tpu.memory_space<vmem>>
        %dma_wait3A_258 = tpu.memref_squeeze %dma_wait3A_257 : memref<1x64xi32, #tpu.memory_space<vmem>> -> memref<64xi32, #tpu.memory_space<vmem>>
        %dma_wait3A_259 = arith.constant 0 : i32
        %dma_wait3A_260 = arith.constant 0 : i32
        %dma_wait3A_261 = tpu.memref_slice %arg13[%dma_wait3A_259, %dma_wait3A_260] : memref<10240x128xf32, #tpu.memory_space<vmem_shared>> -> memref<10240x128xf32, #tpu.memory_space<vmem_shared>>
        tpu.wait_indirect_dma semaphore(%run_scoped3A : memref<!tpu.dma_semaphore, #tpu.memory_space<semaphore_mem>>) src(%arg11 : memref<64x128xf32, #tpu.memory_space<vmem>>) dst(%dma_wait3A_261 : memref<10240x128xf32, #tpu.memory_space<vmem_shared>>)
        tpu.yield
      }) : () -> ()
      %add3A_222 = arith.constant 2 : i32
      %add3A_223 = arith.addi %add3A_177, %add3A_222 : i32
      %add3A_224 = arith.constant 4 : i32
      %add3A_225 = arith.addi %add3A_223, %add3A_224 : i32
      %lt3A_226 = arith.constant 40 : i32
      %lt3A_227 = arith.cmpi slt, %add3A_225, %lt3A_226 : i32
      %convert_element_type3A_228 = arith.extui %lt3A_227 : i1 to i32
      %cond3A_229 = arith.constant 0 : i32
      %cond3A_230 = arith.cmpi ne, %convert_element_type3A_228, %cond3A_229 : i32
      scf.if %cond3A_230 {
        %add3A_250 = arith.constant 2 : i32
        %add3A_251 = arith.addi %add3A_177, %add3A_250 : i32
        %add3A_252 = arith.constant 4 : i32
        %add3A_253 = arith.addi %add3A_251, %add3A_252 : i32
        %dma_start3A_254 = arith.constant 0 : i32
        %dma_start3A_255 = tpu.memref_slice %arg7[%add3A_253, %dma_start3A_254] : memref<40x64xi32, #tpu.memory_space<vmem>> -> memref<1x64xi32, #tpu.memory_space<vmem>>
        %dma_start3A_256 = tpu.memref_squeeze %dma_start3A_255 : memref<1x64xi32, #tpu.memory_space<vmem>> -> memref<64xi32, #tpu.memory_space<vmem>>
        %dma_start3A_257 = arith.constant 0 : i32
        %dma_start3A_258 = arith.constant 0 : i32
        %dma_start3A_259 = tpu.memref_slice %arg2[%dma_start3A_257, %dma_start3A_258] : memref<10240x128xf32, #tpu.memory_space<hbm>> -> memref<10240x128xf32, #tpu.memory_space<hbm>>
        tpu.enqueue_indirect_dma source(%dma_start3A_259 : memref<10240x128xf32, #tpu.memory_space<hbm>>) target(%arg11 : memref<64x128xf32, #tpu.memory_space<vmem>>) offsets(%dma_start3A_256 : memref<64xi32, #tpu.memory_space<vmem>>) semaphore(%arg16 : memref<!tpu.dma_semaphore, #tpu.memory_space<semaphore_mem>>)
      } else {
      }
      %add3A_231 = arith.constant 3 : i32
      %add3A_232 = arith.addi %add3A_177, %add3A_231 : i32
      %dma_wait3A_233 = arith.constant 0 : i32
      %dma_wait3A_234 = tpu.memref_slice %arg7[%add3A_232, %dma_wait3A_233] : memref<40x64xi32, #tpu.memory_space<vmem>> -> memref<1x64xi32, #tpu.memory_space<vmem>>
      %dma_wait3A_235 = tpu.memref_squeeze %dma_wait3A_234 : memref<1x64xi32, #tpu.memory_space<vmem>> -> memref<64xi32, #tpu.memory_space<vmem>>
      %dma_wait3A_236 = arith.constant 0 : i32
      %dma_wait3A_237 = arith.constant 0 : i32
      %dma_wait3A_238 = tpu.memref_slice %arg2[%dma_wait3A_236, %dma_wait3A_237] : memref<10240x128xf32, #tpu.memory_space<hbm>> -> memref<10240x128xf32, #tpu.memory_space<hbm>>
      tpu.wait_indirect_dma semaphore(%arg17 : memref<!tpu.dma_semaphore, #tpu.memory_space<semaphore_mem>>) src(%dma_wait3A_238 : memref<10240x128xf32, #tpu.memory_space<hbm>>) dst(%arg12 : memref<64x128xf32, #tpu.memory_space<vmem>>)
      %add3A_239 = arith.constant 3 : i32
      %add3A_240 = arith.addi %add3A_177, %add3A_239 : i32
      "tpu.region"() ({
        %run_scoped3A = tpu.sem_alloc : memref<!tpu.dma_semaphore, #tpu.memory_space<semaphore_mem>>
        %dma_start3A_250 = arith.constant 0 : i32
        %dma_start3A_251 = tpu.memref_slice %arg8[%add3A_240, %dma_start3A_250] : memref<40x64xi32, #tpu.memory_space<vmem>> -> memref<1x64xi32, #tpu.memory_space<vmem>>
        %dma_start3A_252 = tpu.memref_squeeze %dma_start3A_251 : memref<1x64xi32, #tpu.memory_space<vmem>> -> memref<64xi32, #tpu.memory_space<vmem>>
        %dma_start3A_253 = arith.constant 0 : i32
        %dma_start3A_254 = arith.constant 0 : i32
        %dma_start3A_255 = tpu.memref_slice %arg13[%dma_start3A_253, %dma_start3A_254] : memref<10240x128xf32, #tpu.memory_space<vmem_shared>> -> memref<10240x128xf32, #tpu.memory_space<vmem_shared>>
        tpu.enqueue_indirect_dma source(%arg12 : memref<64x128xf32, #tpu.memory_space<vmem>>) target(%dma_start3A_255 : memref<10240x128xf32, #tpu.memory_space<vmem_shared>>) offsets(%dma_start3A_252 : memref<64xi32, #tpu.memory_space<vmem>>) semaphore(%run_scoped3A : memref<!tpu.dma_semaphore, #tpu.memory_space<semaphore_mem>>) {add = true}
        %dma_wait3A_256 = arith.constant 0 : i32
        %dma_wait3A_257 = tpu.memref_slice %arg8[%add3A_240, %dma_wait3A_256] : memref<40x64xi32, #tpu.memory_space<vmem>> -> memref<1x64xi32, #tpu.memory_space<vmem>>
        %dma_wait3A_258 = tpu.memref_squeeze %dma_wait3A_257 : memref<1x64xi32, #tpu.memory_space<vmem>> -> memref<64xi32, #tpu.memory_space<vmem>>
        %dma_wait3A_259 = arith.constant 0 : i32
        %dma_wait3A_260 = arith.constant 0 : i32
        %dma_wait3A_261 = tpu.memref_slice %arg13[%dma_wait3A_259, %dma_wait3A_260] : memref<10240x128xf32, #tpu.memory_space<vmem_shared>> -> memref<10240x128xf32, #tpu.memory_space<vmem_shared>>
        tpu.wait_indirect_dma semaphore(%run_scoped3A : memref<!tpu.dma_semaphore, #tpu.memory_space<semaphore_mem>>) src(%arg12 : memref<64x128xf32, #tpu.memory_space<vmem>>) dst(%dma_wait3A_261 : memref<10240x128xf32, #tpu.memory_space<vmem_shared>>)
        tpu.yield
      }) : () -> ()
      %add3A_241 = arith.constant 3 : i32
      %add3A_242 = arith.addi %add3A_177, %add3A_241 : i32
      %add3A_243 = arith.constant 4 : i32
      %add3A_244 = arith.addi %add3A_242, %add3A_243 : i32
      %lt3A_245 = arith.constant 40 : i32
      %lt3A_246 = arith.cmpi slt, %add3A_244, %lt3A_245 : i32
      %convert_element_type3A_247 = arith.extui %lt3A_246 : i1 to i32
      %cond3A_248 = arith.constant 0 : i32
      %cond3A_249 = arith.cmpi ne, %convert_element_type3A_247, %cond3A_248 : i32
      scf.if %cond3A_249 {
        %add3A_250 = arith.constant 3 : i32
        %add3A_251 = arith.addi %add3A_177, %add3A_250 : i32
        %add3A_252 = arith.constant 4 : i32
        %add3A_253 = arith.addi %add3A_251, %add3A_252 : i32
        %dma_start3A_254 = arith.constant 0 : i32
        %dma_start3A_255 = tpu.memref_slice %arg7[%add3A_253, %dma_start3A_254] : memref<40x64xi32, #tpu.memory_space<vmem>> -> memref<1x64xi32, #tpu.memory_space<vmem>>
        %dma_start3A_256 = tpu.memref_squeeze %dma_start3A_255 : memref<1x64xi32, #tpu.memory_space<vmem>> -> memref<64xi32, #tpu.memory_space<vmem>>
        %dma_start3A_257 = arith.constant 0 : i32
        %dma_start3A_258 = arith.constant 0 : i32
        %dma_start3A_259 = tpu.memref_slice %arg2[%dma_start3A_257, %dma_start3A_258] : memref<10240x128xf32, #tpu.memory_space<hbm>> -> memref<10240x128xf32, #tpu.memory_space<hbm>>
        tpu.enqueue_indirect_dma source(%dma_start3A_259 : memref<10240x128xf32, #tpu.memory_space<hbm>>) target(%arg12 : memref<64x128xf32, #tpu.memory_space<vmem>>) offsets(%dma_start3A_256 : memref<64xi32, #tpu.memory_space<vmem>>) semaphore(%arg17 : memref<!tpu.dma_semaphore, #tpu.memory_space<semaphore_mem>>)
      } else {
      }
    }
    %scan3A_82 = arith.constant 10 : i32
    %mul3A_83 = arith.constant 4 : i32
    %mul3A_84 = arith.muli %mul3A_83, %add3A : i32
    %add3A_85 = arith.constant 2 : i32
    %add3A_86 = arith.addi %mul3A_84, %add3A_85 : i32
    "tpu.region"() ({
      %run_scoped3A = tpu.sem_alloc : memref<!tpu.dma_semaphore, #tpu.memory_space<semaphore_mem>>
      %dma_start3A_173 = arith.constant 0 : i32
      %dma_start3A_174 = arith.constant 0 : i32
      %dma_start3A_175 = tpu.memref_slice %arg3[%add3A_86, %dma_start3A_173, %dma_start3A_174] : memref<128x40x64xi32, #tpu.memory_space<hbm>> -> memref<1x40x64xi32, #tpu.memory_space<hbm>>
      %dma_start3A_176 = tpu.memref_squeeze %dma_start3A_175 : memref<1x40x64xi32, #tpu.memory_space<hbm>> -> memref<40x64xi32, #tpu.memory_space<hbm>>
      %dma_start3A_177 = arith.constant 0 : i32
      %dma_start3A_178 = arith.constant 0 : i32
      %dma_start3A_179 = tpu.memref_slice %arg3[%add3A_86, %dma_start3A_177, %dma_start3A_178] : memref<128x40x64xi32, #tpu.memory_space<hbm>> -> memref<1x40x64xi32, #tpu.memory_space<hbm>>
      %dma_start3A_180 = tpu.memref_squeeze %dma_start3A_179 : memref<1x40x64xi32, #tpu.memory_space<hbm>> -> memref<40x64xi32, #tpu.memory_space<hbm>>
      tpu.enqueue_dma source(%dma_start3A_180 : memref<40x64xi32, #tpu.memory_space<hbm>>) target(%arg7 : memref<40x64xi32, #tpu.memory_space<vmem>>) target_semaphore(%run_scoped3A : memref<!tpu.dma_semaphore, #tpu.memory_space<semaphore_mem>>)
      %dma_wait3A = arith.constant 0 : i32
      %dma_wait3A_181 = arith.constant 0 : i32
      %dma_wait3A_182 = tpu.memref_slice %arg3[%add3A_86, %dma_wait3A, %dma_wait3A_181] : memref<128x40x64xi32, #tpu.memory_space<hbm>> -> memref<1x40x64xi32, #tpu.memory_space<hbm>>
      %dma_wait3A_183 = tpu.memref_squeeze %dma_wait3A_182 : memref<1x40x64xi32, #tpu.memory_space<hbm>> -> memref<40x64xi32, #tpu.memory_space<hbm>>
      %dma_wait3A_184 = arith.constant 0 : i32
      %dma_wait3A_185 = arith.constant 0 : i32
      %dma_wait3A_186 = tpu.memref_slice %arg3[%add3A_86, %dma_wait3A_184, %dma_wait3A_185] : memref<128x40x64xi32, #tpu.memory_space<hbm>> -> memref<1x40x64xi32, #tpu.memory_space<hbm>>
      %dma_wait3A_187 = tpu.memref_squeeze %dma_wait3A_186 : memref<1x40x64xi32, #tpu.memory_space<hbm>> -> memref<40x64xi32, #tpu.memory_space<hbm>>
      tpu.wait_dma2 semaphore(%run_scoped3A : memref<!tpu.dma_semaphore, #tpu.memory_space<semaphore_mem>>) src(%dma_wait3A_187 : memref<40x64xi32, #tpu.memory_space<hbm>>) dst(%arg7 : memref<40x64xi32, #tpu.memory_space<vmem>>)
      tpu.yield
    }) : () -> ()
    %mul3A_87 = arith.constant 4 : i32
    %mul3A_88 = arith.muli %mul3A_87, %add3A : i32
    %add3A_89 = arith.constant 2 : i32
    %add3A_90 = arith.addi %mul3A_88, %add3A_89 : i32
    "tpu.region"() ({
      %run_scoped3A = tpu.sem_alloc : memref<!tpu.dma_semaphore, #tpu.memory_space<semaphore_mem>>
      %dma_start3A_173 = arith.constant 0 : i32
      %dma_start3A_174 = arith.constant 0 : i32
      %dma_start3A_175 = tpu.memref_slice %arg4[%add3A_90, %dma_start3A_173, %dma_start3A_174] : memref<128x40x64xi32, #tpu.memory_space<hbm>> -> memref<1x40x64xi32, #tpu.memory_space<hbm>>
      %dma_start3A_176 = tpu.memref_squeeze %dma_start3A_175 : memref<1x40x64xi32, #tpu.memory_space<hbm>> -> memref<40x64xi32, #tpu.memory_space<hbm>>
      %dma_start3A_177 = arith.constant 0 : i32
      %dma_start3A_178 = arith.constant 0 : i32
      %dma_start3A_179 = tpu.memref_slice %arg4[%add3A_90, %dma_start3A_177, %dma_start3A_178] : memref<128x40x64xi32, #tpu.memory_space<hbm>> -> memref<1x40x64xi32, #tpu.memory_space<hbm>>
      %dma_start3A_180 = tpu.memref_squeeze %dma_start3A_179 : memref<1x40x64xi32, #tpu.memory_space<hbm>> -> memref<40x64xi32, #tpu.memory_space<hbm>>
      tpu.enqueue_dma source(%dma_start3A_180 : memref<40x64xi32, #tpu.memory_space<hbm>>) target(%arg8 : memref<40x64xi32, #tpu.memory_space<vmem>>) target_semaphore(%run_scoped3A : memref<!tpu.dma_semaphore, #tpu.memory_space<semaphore_mem>>)
      %dma_wait3A = arith.constant 0 : i32
      %dma_wait3A_181 = arith.constant 0 : i32
      %dma_wait3A_182 = tpu.memref_slice %arg4[%add3A_90, %dma_wait3A, %dma_wait3A_181] : memref<128x40x64xi32, #tpu.memory_space<hbm>> -> memref<1x40x64xi32, #tpu.memory_space<hbm>>
      %dma_wait3A_183 = tpu.memref_squeeze %dma_wait3A_182 : memref<1x40x64xi32, #tpu.memory_space<hbm>> -> memref<40x64xi32, #tpu.memory_space<hbm>>
      %dma_wait3A_184 = arith.constant 0 : i32
      %dma_wait3A_185 = arith.constant 0 : i32
      %dma_wait3A_186 = tpu.memref_slice %arg4[%add3A_90, %dma_wait3A_184, %dma_wait3A_185] : memref<128x40x64xi32, #tpu.memory_space<hbm>> -> memref<1x40x64xi32, #tpu.memory_space<hbm>>
      %dma_wait3A_187 = tpu.memref_squeeze %dma_wait3A_186 : memref<1x40x64xi32, #tpu.memory_space<hbm>> -> memref<40x64xi32, #tpu.memory_space<hbm>>
      tpu.wait_dma2 semaphore(%run_scoped3A : memref<!tpu.dma_semaphore, #tpu.memory_space<semaphore_mem>>) src(%dma_wait3A_187 : memref<40x64xi32, #tpu.memory_space<hbm>>) dst(%arg8 : memref<40x64xi32, #tpu.memory_space<vmem>>)
      tpu.yield
    }) : () -> ()
    %dma_start3A_91 = arith.constant 0 : i32
    %dma_start3A_92 = arith.constant 0 : i32
    %dma_start3A_93 = tpu.memref_slice %arg7[%dma_start3A_91, %dma_start3A_92] : memref<40x64xi32, #tpu.memory_space<vmem>> -> memref<1x64xi32, #tpu.memory_space<vmem>>
    %dma_start3A_94 = tpu.memref_squeeze %dma_start3A_93 : memref<1x64xi32, #tpu.memory_space<vmem>> -> memref<64xi32, #tpu.memory_space<vmem>>
    %dma_start3A_95 = arith.constant 0 : i32
    %dma_start3A_96 = arith.constant 0 : i32
    %dma_start3A_97 = tpu.memref_slice %arg2[%dma_start3A_95, %dma_start3A_96] : memref<10240x128xf32, #tpu.memory_space<hbm>> -> memref<10240x128xf32, #tpu.memory_space<hbm>>
    tpu.enqueue_indirect_dma source(%dma_start3A_97 : memref<10240x128xf32, #tpu.memory_space<hbm>>) target(%arg9 : memref<64x128xf32, #tpu.memory_space<vmem>>) offsets(%dma_start3A_94 : memref<64xi32, #tpu.memory_space<vmem>>) semaphore(%arg14 : memref<!tpu.dma_semaphore, #tpu.memory_space<semaphore_mem>>)
    %dma_start3A_98 = arith.constant 1 : i32
    %dma_start3A_99 = arith.constant 0 : i32
    %dma_start3A_100 = tpu.memref_slice %arg7[%dma_start3A_98, %dma_start3A_99] : memref<40x64xi32, #tpu.memory_space<vmem>> -> memref<1x64xi32, #tpu.memory_space<vmem>>
    %dma_start3A_101 = tpu.memref_squeeze %dma_start3A_100 : memref<1x64xi32, #tpu.memory_space<vmem>> -> memref<64xi32, #tpu.memory_space<vmem>>
    %dma_start3A_102 = arith.constant 0 : i32
    %dma_start3A_103 = arith.constant 0 : i32
    %dma_start3A_104 = tpu.memref_slice %arg2[%dma_start3A_102, %dma_start3A_103] : memref<10240x128xf32, #tpu.memory_space<hbm>> -> memref<10240x128xf32, #tpu.memory_space<hbm>>
    tpu.enqueue_indirect_dma source(%dma_start3A_104 : memref<10240x128xf32, #tpu.memory_space<hbm>>) target(%arg10 : memref<64x128xf32, #tpu.memory_space<vmem>>) offsets(%dma_start3A_101 : memref<64xi32, #tpu.memory_space<vmem>>) semaphore(%arg15 : memref<!tpu.dma_semaphore, #tpu.memory_space<semaphore_mem>>)
    %dma_start3A_105 = arith.constant 2 : i32
    %dma_start3A_106 = arith.constant 0 : i32
    %dma_start3A_107 = tpu.memref_slice %arg7[%dma_start3A_105, %dma_start3A_106] : memref<40x64xi32, #tpu.memory_space<vmem>> -> memref<1x64xi32, #tpu.memory_space<vmem>>
    %dma_start3A_108 = tpu.memref_squeeze %dma_start3A_107 : memref<1x64xi32, #tpu.memory_space<vmem>> -> memref<64xi32, #tpu.memory_space<vmem>>
    %dma_start3A_109 = arith.constant 0 : i32
    %dma_start3A_110 = arith.constant 0 : i32
    %dma_start3A_111 = tpu.memref_slice %arg2[%dma_start3A_109, %dma_start3A_110] : memref<10240x128xf32, #tpu.memory_space<hbm>> -> memref<10240x128xf32, #tpu.memory_space<hbm>>
    tpu.enqueue_indirect_dma source(%dma_start3A_111 : memref<10240x128xf32, #tpu.memory_space<hbm>>) target(%arg11 : memref<64x128xf32, #tpu.memory_space<vmem>>) offsets(%dma_start3A_108 : memref<64xi32, #tpu.memory_space<vmem>>) semaphore(%arg16 : memref<!tpu.dma_semaphore, #tpu.memory_space<semaphore_mem>>)
    %dma_start3A_112 = arith.constant 3 : i32
    %dma_start3A_113 = arith.constant 0 : i32
    %dma_start3A_114 = tpu.memref_slice %arg7[%dma_start3A_112, %dma_start3A_113] : memref<40x64xi32, #tpu.memory_space<vmem>> -> memref<1x64xi32, #tpu.memory_space<vmem>>
    %dma_start3A_115 = tpu.memref_squeeze %dma_start3A_114 : memref<1x64xi32, #tpu.memory_space<vmem>> -> memref<64xi32, #tpu.memory_space<vmem>>
    %dma_start3A_116 = arith.constant 0 : i32
    %dma_start3A_117 = arith.constant 0 : i32
    %dma_start3A_118 = tpu.memref_slice %arg2[%dma_start3A_116, %dma_start3A_117] : memref<10240x128xf32, #tpu.memory_space<hbm>> -> memref<10240x128xf32, #tpu.memory_space<hbm>>
    tpu.enqueue_indirect_dma source(%dma_start3A_118 : memref<10240x128xf32, #tpu.memory_space<hbm>>) target(%arg12 : memref<64x128xf32, #tpu.memory_space<vmem>>) offsets(%dma_start3A_115 : memref<64xi32, #tpu.memory_space<vmem>>) semaphore(%arg17 : memref<!tpu.dma_semaphore, #tpu.memory_space<semaphore_mem>>)
    %scan3A_119 = arith.constant 0 : i32
    %scan3A_120 = arith.constant 10 : i32
    %scan3A_121 = arith.addi %scan3A_119, %scan3A_120 : i32
    %scan3A_122 = arith.constant 1 : i32
    scf.for %scan3A_173 = %scan3A_119 to %scan3A_121 step %scan3A_122  : i32 {
      %mul3A_174 = arith.constant 4 : i32
      %mul3A_175 = arith.muli %scan3A_173, %mul3A_174 : i32
      %add3A_176 = arith.constant 0 : i32
      %add3A_177 = arith.addi %add3A_176, %mul3A_175 : i32
      %add3A_178 = arith.constant 0 : i32
      %add3A_179 = arith.addi %add3A_177, %add3A_178 : i32
      %dma_wait3A = arith.constant 0 : i32
      %dma_wait3A_180 = tpu.memref_slice %arg7[%add3A_179, %dma_wait3A] : memref<40x64xi32, #tpu.memory_space<vmem>> -> memref<1x64xi32, #tpu.memory_space<vmem>>
      %dma_wait3A_181 = tpu.memref_squeeze %dma_wait3A_180 : memref<1x64xi32, #tpu.memory_space<vmem>> -> memref<64xi32, #tpu.memory_space<vmem>>
      %dma_wait3A_182 = arith.constant 0 : i32
      %dma_wait3A_183 = arith.constant 0 : i32
      %dma_wait3A_184 = tpu.memref_slice %arg2[%dma_wait3A_182, %dma_wait3A_183] : memref<10240x128xf32, #tpu.memory_space<hbm>> -> memref<10240x128xf32, #tpu.memory_space<hbm>>
      tpu.wait_indirect_dma semaphore(%arg14 : memref<!tpu.dma_semaphore, #tpu.memory_space<semaphore_mem>>) src(%dma_wait3A_184 : memref<10240x128xf32, #tpu.memory_space<hbm>>) dst(%arg9 : memref<64x128xf32, #tpu.memory_space<vmem>>)
      %add3A_185 = arith.constant 0 : i32
      %add3A_186 = arith.addi %add3A_177, %add3A_185 : i32
      "tpu.region"() ({
        %run_scoped3A = tpu.sem_alloc : memref<!tpu.dma_semaphore, #tpu.memory_space<semaphore_mem>>
        %dma_start3A_250 = arith.constant 0 : i32
        %dma_start3A_251 = tpu.memref_slice %arg8[%add3A_186, %dma_start3A_250] : memref<40x64xi32, #tpu.memory_space<vmem>> -> memref<1x64xi32, #tpu.memory_space<vmem>>
        %dma_start3A_252 = tpu.memref_squeeze %dma_start3A_251 : memref<1x64xi32, #tpu.memory_space<vmem>> -> memref<64xi32, #tpu.memory_space<vmem>>
        %dma_start3A_253 = arith.constant 0 : i32
        %dma_start3A_254 = arith.constant 0 : i32
        %dma_start3A_255 = tpu.memref_slice %arg13[%dma_start3A_253, %dma_start3A_254] : memref<10240x128xf32, #tpu.memory_space<vmem_shared>> -> memref<10240x128xf32, #tpu.memory_space<vmem_shared>>
        tpu.enqueue_indirect_dma source(%arg9 : memref<64x128xf32, #tpu.memory_space<vmem>>) target(%dma_start3A_255 : memref<10240x128xf32, #tpu.memory_space<vmem_shared>>) offsets(%dma_start3A_252 : memref<64xi32, #tpu.memory_space<vmem>>) semaphore(%run_scoped3A : memref<!tpu.dma_semaphore, #tpu.memory_space<semaphore_mem>>) {add = true}
        %dma_wait3A_256 = arith.constant 0 : i32
        %dma_wait3A_257 = tpu.memref_slice %arg8[%add3A_186, %dma_wait3A_256] : memref<40x64xi32, #tpu.memory_space<vmem>> -> memref<1x64xi32, #tpu.memory_space<vmem>>
        %dma_wait3A_258 = tpu.memref_squeeze %dma_wait3A_257 : memref<1x64xi32, #tpu.memory_space<vmem>> -> memref<64xi32, #tpu.memory_space<vmem>>
        %dma_wait3A_259 = arith.constant 0 : i32
        %dma_wait3A_260 = arith.constant 0 : i32
        %dma_wait3A_261 = tpu.memref_slice %arg13[%dma_wait3A_259, %dma_wait3A_260] : memref<10240x128xf32, #tpu.memory_space<vmem_shared>> -> memref<10240x128xf32, #tpu.memory_space<vmem_shared>>
        tpu.wait_indirect_dma semaphore(%run_scoped3A : memref<!tpu.dma_semaphore, #tpu.memory_space<semaphore_mem>>) src(%arg9 : memref<64x128xf32, #tpu.memory_space<vmem>>) dst(%dma_wait3A_261 : memref<10240x128xf32, #tpu.memory_space<vmem_shared>>)
        tpu.yield
      }) : () -> ()
      %add3A_187 = arith.constant 0 : i32
      %add3A_188 = arith.addi %add3A_177, %add3A_187 : i32
      %add3A_189 = arith.constant 4 : i32
      %add3A_190 = arith.addi %add3A_188, %add3A_189 : i32
      %lt3A = arith.constant 40 : i32
      %lt3A_191 = arith.cmpi slt, %add3A_190, %lt3A : i32
      %convert_element_type3A = arith.extui %lt3A_191 : i1 to i32
      %cond3A = arith.constant 0 : i32
      %cond3A_192 = arith.cmpi ne, %convert_element_type3A, %cond3A : i32
      scf.if %cond3A_192 {
        %add3A_250 = arith.constant 0 : i32
        %add3A_251 = arith.addi %add3A_177, %add3A_250 : i32
        %add3A_252 = arith.constant 4 : i32
        %add3A_253 = arith.addi %add3A_251, %add3A_252 : i32
        %dma_start3A_254 = arith.constant 0 : i32
        %dma_start3A_255 = tpu.memref_slice %arg7[%add3A_253, %dma_start3A_254] : memref<40x64xi32, #tpu.memory_space<vmem>> -> memref<1x64xi32, #tpu.memory_space<vmem>>
        %dma_start3A_256 = tpu.memref_squeeze %dma_start3A_255 : memref<1x64xi32, #tpu.memory_space<vmem>> -> memref<64xi32, #tpu.memory_space<vmem>>
        %dma_start3A_257 = arith.constant 0 : i32
        %dma_start3A_258 = arith.constant 0 : i32
        %dma_start3A_259 = tpu.memref_slice %arg2[%dma_start3A_257, %dma_start3A_258] : memref<10240x128xf32, #tpu.memory_space<hbm>> -> memref<10240x128xf32, #tpu.memory_space<hbm>>
        tpu.enqueue_indirect_dma source(%dma_start3A_259 : memref<10240x128xf32, #tpu.memory_space<hbm>>) target(%arg9 : memref<64x128xf32, #tpu.memory_space<vmem>>) offsets(%dma_start3A_256 : memref<64xi32, #tpu.memory_space<vmem>>) semaphore(%arg14 : memref<!tpu.dma_semaphore, #tpu.memory_space<semaphore_mem>>)
      } else {
      }
      %add3A_193 = arith.constant 1 : i32
      %add3A_194 = arith.addi %add3A_177, %add3A_193 : i32
      %dma_wait3A_195 = arith.constant 0 : i32
      %dma_wait3A_196 = tpu.memref_slice %arg7[%add3A_194, %dma_wait3A_195] : memref<40x64xi32, #tpu.memory_space<vmem>> -> memref<1x64xi32, #tpu.memory_space<vmem>>
      %dma_wait3A_197 = tpu.memref_squeeze %dma_wait3A_196 : memref<1x64xi32, #tpu.memory_space<vmem>> -> memref<64xi32, #tpu.memory_space<vmem>>
      %dma_wait3A_198 = arith.constant 0 : i32
      %dma_wait3A_199 = arith.constant 0 : i32
      %dma_wait3A_200 = tpu.memref_slice %arg2[%dma_wait3A_198, %dma_wait3A_199] : memref<10240x128xf32, #tpu.memory_space<hbm>> -> memref<10240x128xf32, #tpu.memory_space<hbm>>
      tpu.wait_indirect_dma semaphore(%arg15 : memref<!tpu.dma_semaphore, #tpu.memory_space<semaphore_mem>>) src(%dma_wait3A_200 : memref<10240x128xf32, #tpu.memory_space<hbm>>) dst(%arg10 : memref<64x128xf32, #tpu.memory_space<vmem>>)
      %add3A_201 = arith.constant 1 : i32
      %add3A_202 = arith.addi %add3A_177, %add3A_201 : i32
      "tpu.region"() ({
        %run_scoped3A = tpu.sem_alloc : memref<!tpu.dma_semaphore, #tpu.memory_space<semaphore_mem>>
        %dma_start3A_250 = arith.constant 0 : i32
        %dma_start3A_251 = tpu.memref_slice %arg8[%add3A_202, %dma_start3A_250] : memref<40x64xi32, #tpu.memory_space<vmem>> -> memref<1x64xi32, #tpu.memory_space<vmem>>
        %dma_start3A_252 = tpu.memref_squeeze %dma_start3A_251 : memref<1x64xi32, #tpu.memory_space<vmem>> -> memref<64xi32, #tpu.memory_space<vmem>>
        %dma_start3A_253 = arith.constant 0 : i32
        %dma_start3A_254 = arith.constant 0 : i32
        %dma_start3A_255 = tpu.memref_slice %arg13[%dma_start3A_253, %dma_start3A_254] : memref<10240x128xf32, #tpu.memory_space<vmem_shared>> -> memref<10240x128xf32, #tpu.memory_space<vmem_shared>>
        tpu.enqueue_indirect_dma source(%arg10 : memref<64x128xf32, #tpu.memory_space<vmem>>) target(%dma_start3A_255 : memref<10240x128xf32, #tpu.memory_space<vmem_shared>>) offsets(%dma_start3A_252 : memref<64xi32, #tpu.memory_space<vmem>>) semaphore(%run_scoped3A : memref<!tpu.dma_semaphore, #tpu.memory_space<semaphore_mem>>) {add = true}
        %dma_wait3A_256 = arith.constant 0 : i32
        %dma_wait3A_257 = tpu.memref_slice %arg8[%add3A_202, %dma_wait3A_256] : memref<40x64xi32, #tpu.memory_space<vmem>> -> memref<1x64xi32, #tpu.memory_space<vmem>>
        %dma_wait3A_258 = tpu.memref_squeeze %dma_wait3A_257 : memref<1x64xi32, #tpu.memory_space<vmem>> -> memref<64xi32, #tpu.memory_space<vmem>>
        %dma_wait3A_259 = arith.constant 0 : i32
        %dma_wait3A_260 = arith.constant 0 : i32
        %dma_wait3A_261 = tpu.memref_slice %arg13[%dma_wait3A_259, %dma_wait3A_260] : memref<10240x128xf32, #tpu.memory_space<vmem_shared>> -> memref<10240x128xf32, #tpu.memory_space<vmem_shared>>
        tpu.wait_indirect_dma semaphore(%run_scoped3A : memref<!tpu.dma_semaphore, #tpu.memory_space<semaphore_mem>>) src(%arg10 : memref<64x128xf32, #tpu.memory_space<vmem>>) dst(%dma_wait3A_261 : memref<10240x128xf32, #tpu.memory_space<vmem_shared>>)
        tpu.yield
      }) : () -> ()
      %add3A_203 = arith.constant 1 : i32
      %add3A_204 = arith.addi %add3A_177, %add3A_203 : i32
      %add3A_205 = arith.constant 4 : i32
      %add3A_206 = arith.addi %add3A_204, %add3A_205 : i32
      %lt3A_207 = arith.constant 40 : i32
      %lt3A_208 = arith.cmpi slt, %add3A_206, %lt3A_207 : i32
      %convert_element_type3A_209 = arith.extui %lt3A_208 : i1 to i32
      %cond3A_210 = arith.constant 0 : i32
      %cond3A_211 = arith.cmpi ne, %convert_element_type3A_209, %cond3A_210 : i32
      scf.if %cond3A_211 {
        %add3A_250 = arith.constant 1 : i32
        %add3A_251 = arith.addi %add3A_177, %add3A_250 : i32
        %add3A_252 = arith.constant 4 : i32
        %add3A_253 = arith.addi %add3A_251, %add3A_252 : i32
        %dma_start3A_254 = arith.constant 0 : i32
        %dma_start3A_255 = tpu.memref_slice %arg7[%add3A_253, %dma_start3A_254] : memref<40x64xi32, #tpu.memory_space<vmem>> -> memref<1x64xi32, #tpu.memory_space<vmem>>
        %dma_start3A_256 = tpu.memref_squeeze %dma_start3A_255 : memref<1x64xi32, #tpu.memory_space<vmem>> -> memref<64xi32, #tpu.memory_space<vmem>>
        %dma_start3A_257 = arith.constant 0 : i32
        %dma_start3A_258 = arith.constant 0 : i32
        %dma_start3A_259 = tpu.memref_slice %arg2[%dma_start3A_257, %dma_start3A_258] : memref<10240x128xf32, #tpu.memory_space<hbm>> -> memref<10240x128xf32, #tpu.memory_space<hbm>>
        tpu.enqueue_indirect_dma source(%dma_start3A_259 : memref<10240x128xf32, #tpu.memory_space<hbm>>) target(%arg10 : memref<64x128xf32, #tpu.memory_space<vmem>>) offsets(%dma_start3A_256 : memref<64xi32, #tpu.memory_space<vmem>>) semaphore(%arg15 : memref<!tpu.dma_semaphore, #tpu.memory_space<semaphore_mem>>)
      } else {
      }
      %add3A_212 = arith.constant 2 : i32
      %add3A_213 = arith.addi %add3A_177, %add3A_212 : i32
      %dma_wait3A_214 = arith.constant 0 : i32
      %dma_wait3A_215 = tpu.memref_slice %arg7[%add3A_213, %dma_wait3A_214] : memref<40x64xi32, #tpu.memory_space<vmem>> -> memref<1x64xi32, #tpu.memory_space<vmem>>
      %dma_wait3A_216 = tpu.memref_squeeze %dma_wait3A_215 : memref<1x64xi32, #tpu.memory_space<vmem>> -> memref<64xi32, #tpu.memory_space<vmem>>
      %dma_wait3A_217 = arith.constant 0 : i32
      %dma_wait3A_218 = arith.constant 0 : i32
      %dma_wait3A_219 = tpu.memref_slice %arg2[%dma_wait3A_217, %dma_wait3A_218] : memref<10240x128xf32, #tpu.memory_space<hbm>> -> memref<10240x128xf32, #tpu.memory_space<hbm>>
      tpu.wait_indirect_dma semaphore(%arg16 : memref<!tpu.dma_semaphore, #tpu.memory_space<semaphore_mem>>) src(%dma_wait3A_219 : memref<10240x128xf32, #tpu.memory_space<hbm>>) dst(%arg11 : memref<64x128xf32, #tpu.memory_space<vmem>>)
      %add3A_220 = arith.constant 2 : i32
      %add3A_221 = arith.addi %add3A_177, %add3A_220 : i32
      "tpu.region"() ({
        %run_scoped3A = tpu.sem_alloc : memref<!tpu.dma_semaphore, #tpu.memory_space<semaphore_mem>>
        %dma_start3A_250 = arith.constant 0 : i32
        %dma_start3A_251 = tpu.memref_slice %arg8[%add3A_221, %dma_start3A_250] : memref<40x64xi32, #tpu.memory_space<vmem>> -> memref<1x64xi32, #tpu.memory_space<vmem>>
        %dma_start3A_252 = tpu.memref_squeeze %dma_start3A_251 : memref<1x64xi32, #tpu.memory_space<vmem>> -> memref<64xi32, #tpu.memory_space<vmem>>
        %dma_start3A_253 = arith.constant 0 : i32
        %dma_start3A_254 = arith.constant 0 : i32
        %dma_start3A_255 = tpu.memref_slice %arg13[%dma_start3A_253, %dma_start3A_254] : memref<10240x128xf32, #tpu.memory_space<vmem_shared>> -> memref<10240x128xf32, #tpu.memory_space<vmem_shared>>
        tpu.enqueue_indirect_dma source(%arg11 : memref<64x128xf32, #tpu.memory_space<vmem>>) target(%dma_start3A_255 : memref<10240x128xf32, #tpu.memory_space<vmem_shared>>) offsets(%dma_start3A_252 : memref<64xi32, #tpu.memory_space<vmem>>) semaphore(%run_scoped3A : memref<!tpu.dma_semaphore, #tpu.memory_space<semaphore_mem>>) {add = true}
        %dma_wait3A_256 = arith.constant 0 : i32
        %dma_wait3A_257 = tpu.memref_slice %arg8[%add3A_221, %dma_wait3A_256] : memref<40x64xi32, #tpu.memory_space<vmem>> -> memref<1x64xi32, #tpu.memory_space<vmem>>
        %dma_wait3A_258 = tpu.memref_squeeze %dma_wait3A_257 : memref<1x64xi32, #tpu.memory_space<vmem>> -> memref<64xi32, #tpu.memory_space<vmem>>
        %dma_wait3A_259 = arith.constant 0 : i32
        %dma_wait3A_260 = arith.constant 0 : i32
        %dma_wait3A_261 = tpu.memref_slice %arg13[%dma_wait3A_259, %dma_wait3A_260] : memref<10240x128xf32, #tpu.memory_space<vmem_shared>> -> memref<10240x128xf32, #tpu.memory_space<vmem_shared>>
        tpu.wait_indirect_dma semaphore(%run_scoped3A : memref<!tpu.dma_semaphore, #tpu.memory_space<semaphore_mem>>) src(%arg11 : memref<64x128xf32, #tpu.memory_space<vmem>>) dst(%dma_wait3A_261 : memref<10240x128xf32, #tpu.memory_space<vmem_shared>>)
        tpu.yield
      }) : () -> ()
      %add3A_222 = arith.constant 2 : i32
      %add3A_223 = arith.addi %add3A_177, %add3A_222 : i32
      %add3A_224 = arith.constant 4 : i32
      %add3A_225 = arith.addi %add3A_223, %add3A_224 : i32
      %lt3A_226 = arith.constant 40 : i32
      %lt3A_227 = arith.cmpi slt, %add3A_225, %lt3A_226 : i32
      %convert_element_type3A_228 = arith.extui %lt3A_227 : i1 to i32
      %cond3A_229 = arith.constant 0 : i32
      %cond3A_230 = arith.cmpi ne, %convert_element_type3A_228, %cond3A_229 : i32
      scf.if %cond3A_230 {
        %add3A_250 = arith.constant 2 : i32
        %add3A_251 = arith.addi %add3A_177, %add3A_250 : i32
        %add3A_252 = arith.constant 4 : i32
        %add3A_253 = arith.addi %add3A_251, %add3A_252 : i32
        %dma_start3A_254 = arith.constant 0 : i32
        %dma_start3A_255 = tpu.memref_slice %arg7[%add3A_253, %dma_start3A_254] : memref<40x64xi32, #tpu.memory_space<vmem>> -> memref<1x64xi32, #tpu.memory_space<vmem>>
        %dma_start3A_256 = tpu.memref_squeeze %dma_start3A_255 : memref<1x64xi32, #tpu.memory_space<vmem>> -> memref<64xi32, #tpu.memory_space<vmem>>
        %dma_start3A_257 = arith.constant 0 : i32
        %dma_start3A_258 = arith.constant 0 : i32
        %dma_start3A_259 = tpu.memref_slice %arg2[%dma_start3A_257, %dma_start3A_258] : memref<10240x128xf32, #tpu.memory_space<hbm>> -> memref<10240x128xf32, #tpu.memory_space<hbm>>
        tpu.enqueue_indirect_dma source(%dma_start3A_259 : memref<10240x128xf32, #tpu.memory_space<hbm>>) target(%arg11 : memref<64x128xf32, #tpu.memory_space<vmem>>) offsets(%dma_start3A_256 : memref<64xi32, #tpu.memory_space<vmem>>) semaphore(%arg16 : memref<!tpu.dma_semaphore, #tpu.memory_space<semaphore_mem>>)
      } else {
      }
      %add3A_231 = arith.constant 3 : i32
      %add3A_232 = arith.addi %add3A_177, %add3A_231 : i32
      %dma_wait3A_233 = arith.constant 0 : i32
      %dma_wait3A_234 = tpu.memref_slice %arg7[%add3A_232, %dma_wait3A_233] : memref<40x64xi32, #tpu.memory_space<vmem>> -> memref<1x64xi32, #tpu.memory_space<vmem>>
      %dma_wait3A_235 = tpu.memref_squeeze %dma_wait3A_234 : memref<1x64xi32, #tpu.memory_space<vmem>> -> memref<64xi32, #tpu.memory_space<vmem>>
      %dma_wait3A_236 = arith.constant 0 : i32
      %dma_wait3A_237 = arith.constant 0 : i32
      %dma_wait3A_238 = tpu.memref_slice %arg2[%dma_wait3A_236, %dma_wait3A_237] : memref<10240x128xf32, #tpu.memory_space<hbm>> -> memref<10240x128xf32, #tpu.memory_space<hbm>>
      tpu.wait_indirect_dma semaphore(%arg17 : memref<!tpu.dma_semaphore, #tpu.memory_space<semaphore_mem>>) src(%dma_wait3A_238 : memref<10240x128xf32, #tpu.memory_space<hbm>>) dst(%arg12 : memref<64x128xf32, #tpu.memory_space<vmem>>)
      %add3A_239 = arith.constant 3 : i32
      %add3A_240 = arith.addi %add3A_177, %add3A_239 : i32
      "tpu.region"() ({
        %run_scoped3A = tpu.sem_alloc : memref<!tpu.dma_semaphore, #tpu.memory_space<semaphore_mem>>
        %dma_start3A_250 = arith.constant 0 : i32
        %dma_start3A_251 = tpu.memref_slice %arg8[%add3A_240, %dma_start3A_250] : memref<40x64xi32, #tpu.memory_space<vmem>> -> memref<1x64xi32, #tpu.memory_space<vmem>>
        %dma_start3A_252 = tpu.memref_squeeze %dma_start3A_251 : memref<1x64xi32, #tpu.memory_space<vmem>> -> memref<64xi32, #tpu.memory_space<vmem>>
        %dma_start3A_253 = arith.constant 0 : i32
        %dma_start3A_254 = arith.constant 0 : i32
        %dma_start3A_255 = tpu.memref_slice %arg13[%dma_start3A_253, %dma_start3A_254] : memref<10240x128xf32, #tpu.memory_space<vmem_shared>> -> memref<10240x128xf32, #tpu.memory_space<vmem_shared>>
        tpu.enqueue_indirect_dma source(%arg12 : memref<64x128xf32, #tpu.memory_space<vmem>>) target(%dma_start3A_255 : memref<10240x128xf32, #tpu.memory_space<vmem_shared>>) offsets(%dma_start3A_252 : memref<64xi32, #tpu.memory_space<vmem>>) semaphore(%run_scoped3A : memref<!tpu.dma_semaphore, #tpu.memory_space<semaphore_mem>>) {add = true}
        %dma_wait3A_256 = arith.constant 0 : i32
        %dma_wait3A_257 = tpu.memref_slice %arg8[%add3A_240, %dma_wait3A_256] : memref<40x64xi32, #tpu.memory_space<vmem>> -> memref<1x64xi32, #tpu.memory_space<vmem>>
        %dma_wait3A_258 = tpu.memref_squeeze %dma_wait3A_257 : memref<1x64xi32, #tpu.memory_space<vmem>> -> memref<64xi32, #tpu.memory_space<vmem>>
        %dma_wait3A_259 = arith.constant 0 : i32
        %dma_wait3A_260 = arith.constant 0 : i32
        %dma_wait3A_261 = tpu.memref_slice %arg13[%dma_wait3A_259, %dma_wait3A_260] : memref<10240x128xf32, #tpu.memory_space<vmem_shared>> -> memref<10240x128xf32, #tpu.memory_space<vmem_shared>>
        tpu.wait_indirect_dma semaphore(%run_scoped3A : memref<!tpu.dma_semaphore, #tpu.memory_space<semaphore_mem>>) src(%arg12 : memref<64x128xf32, #tpu.memory_space<vmem>>) dst(%dma_wait3A_261 : memref<10240x128xf32, #tpu.memory_space<vmem_shared>>)
        tpu.yield
      }) : () -> ()
      %add3A_241 = arith.constant 3 : i32
      %add3A_242 = arith.addi %add3A_177, %add3A_241 : i32
      %add3A_243 = arith.constant 4 : i32
      %add3A_244 = arith.addi %add3A_242, %add3A_243 : i32
      %lt3A_245 = arith.constant 40 : i32
      %lt3A_246 = arith.cmpi slt, %add3A_244, %lt3A_245 : i32
      %convert_element_type3A_247 = arith.extui %lt3A_246 : i1 to i32
      %cond3A_248 = arith.constant 0 : i32
      %cond3A_249 = arith.cmpi ne, %convert_element_type3A_247, %cond3A_248 : i32
      scf.if %cond3A_249 {
        %add3A_250 = arith.constant 3 : i32
        %add3A_251 = arith.addi %add3A_177, %add3A_250 : i32
        %add3A_252 = arith.constant 4 : i32
        %add3A_253 = arith.addi %add3A_251, %add3A_252 : i32
        %dma_start3A_254 = arith.constant 0 : i32
        %dma_start3A_255 = tpu.memref_slice %arg7[%add3A_253, %dma_start3A_254] : memref<40x64xi32, #tpu.memory_space<vmem>> -> memref<1x64xi32, #tpu.memory_space<vmem>>
        %dma_start3A_256 = tpu.memref_squeeze %dma_start3A_255 : memref<1x64xi32, #tpu.memory_space<vmem>> -> memref<64xi32, #tpu.memory_space<vmem>>
        %dma_start3A_257 = arith.constant 0 : i32
        %dma_start3A_258 = arith.constant 0 : i32
        %dma_start3A_259 = tpu.memref_slice %arg2[%dma_start3A_257, %dma_start3A_258] : memref<10240x128xf32, #tpu.memory_space<hbm>> -> memref<10240x128xf32, #tpu.memory_space<hbm>>
        tpu.enqueue_indirect_dma source(%dma_start3A_259 : memref<10240x128xf32, #tpu.memory_space<hbm>>) target(%arg12 : memref<64x128xf32, #tpu.memory_space<vmem>>) offsets(%dma_start3A_256 : memref<64xi32, #tpu.memory_space<vmem>>) semaphore(%arg17 : memref<!tpu.dma_semaphore, #tpu.memory_space<semaphore_mem>>)
      } else {
      }
    }
    %scan3A_123 = arith.constant 10 : i32
    %mul3A_124 = arith.constant 4 : i32
    %mul3A_125 = arith.muli %mul3A_124, %add3A : i32
    %add3A_126 = arith.constant 3 : i32
    %add3A_127 = arith.addi %mul3A_125, %add3A_126 : i32
    "tpu.region"() ({
      %run_scoped3A = tpu.sem_alloc : memref<!tpu.dma_semaphore, #tpu.memory_space<semaphore_mem>>
      %dma_start3A_173 = arith.constant 0 : i32
      %dma_start3A_174 = arith.constant 0 : i32
      %dma_start3A_175 = tpu.memref_slice %arg3[%add3A_127, %dma_start3A_173, %dma_start3A_174] : memref<128x40x64xi32, #tpu.memory_space<hbm>> -> memref<1x40x64xi32, #tpu.memory_space<hbm>>
      %dma_start3A_176 = tpu.memref_squeeze %dma_start3A_175 : memref<1x40x64xi32, #tpu.memory_space<hbm>> -> memref<40x64xi32, #tpu.memory_space<hbm>>
      %dma_start3A_177 = arith.constant 0 : i32
      %dma_start3A_178 = arith.constant 0 : i32
      %dma_start3A_179 = tpu.memref_slice %arg3[%add3A_127, %dma_start3A_177, %dma_start3A_178] : memref<128x40x64xi32, #tpu.memory_space<hbm>> -> memref<1x40x64xi32, #tpu.memory_space<hbm>>
      %dma_start3A_180 = tpu.memref_squeeze %dma_start3A_179 : memref<1x40x64xi32, #tpu.memory_space<hbm>> -> memref<40x64xi32, #tpu.memory_space<hbm>>
      tpu.enqueue_dma source(%dma_start3A_180 : memref<40x64xi32, #tpu.memory_space<hbm>>) target(%arg7 : memref<40x64xi32, #tpu.memory_space<vmem>>) target_semaphore(%run_scoped3A : memref<!tpu.dma_semaphore, #tpu.memory_space<semaphore_mem>>)
      %dma_wait3A = arith.constant 0 : i32
      %dma_wait3A_181 = arith.constant 0 : i32
      %dma_wait3A_182 = tpu.memref_slice %arg3[%add3A_127, %dma_wait3A, %dma_wait3A_181] : memref<128x40x64xi32, #tpu.memory_space<hbm>> -> memref<1x40x64xi32, #tpu.memory_space<hbm>>
      %dma_wait3A_183 = tpu.memref_squeeze %dma_wait3A_182 : memref<1x40x64xi32, #tpu.memory_space<hbm>> -> memref<40x64xi32, #tpu.memory_space<hbm>>
      %dma_wait3A_184 = arith.constant 0 : i32
      %dma_wait3A_185 = arith.constant 0 : i32
      %dma_wait3A_186 = tpu.memref_slice %arg3[%add3A_127, %dma_wait3A_184, %dma_wait3A_185] : memref<128x40x64xi32, #tpu.memory_space<hbm>> -> memref<1x40x64xi32, #tpu.memory_space<hbm>>
      %dma_wait3A_187 = tpu.memref_squeeze %dma_wait3A_186 : memref<1x40x64xi32, #tpu.memory_space<hbm>> -> memref<40x64xi32, #tpu.memory_space<hbm>>
      tpu.wait_dma2 semaphore(%run_scoped3A : memref<!tpu.dma_semaphore, #tpu.memory_space<semaphore_mem>>) src(%dma_wait3A_187 : memref<40x64xi32, #tpu.memory_space<hbm>>) dst(%arg7 : memref<40x64xi32, #tpu.memory_space<vmem>>)
      tpu.yield
    }) : () -> ()
    %mul3A_128 = arith.constant 4 : i32
    %mul3A_129 = arith.muli %mul3A_128, %add3A : i32
    %add3A_130 = arith.constant 3 : i32
    %add3A_131 = arith.addi %mul3A_129, %add3A_130 : i32
    "tpu.region"() ({
      %run_scoped3A = tpu.sem_alloc : memref<!tpu.dma_semaphore, #tpu.memory_space<semaphore_mem>>
      %dma_start3A_173 = arith.constant 0 : i32
      %dma_start3A_174 = arith.constant 0 : i32
      %dma_start3A_175 = tpu.memref_slice %arg4[%add3A_131, %dma_start3A_173, %dma_start3A_174] : memref<128x40x64xi32, #tpu.memory_space<hbm>> -> memref<1x40x64xi32, #tpu.memory_space<hbm>>
      %dma_start3A_176 = tpu.memref_squeeze %dma_start3A_175 : memref<1x40x64xi32, #tpu.memory_space<hbm>> -> memref<40x64xi32, #tpu.memory_space<hbm>>
      %dma_start3A_177 = arith.constant 0 : i32
      %dma_start3A_178 = arith.constant 0 : i32
      %dma_start3A_179 = tpu.memref_slice %arg4[%add3A_131, %dma_start3A_177, %dma_start3A_178] : memref<128x40x64xi32, #tpu.memory_space<hbm>> -> memref<1x40x64xi32, #tpu.memory_space<hbm>>
      %dma_start3A_180 = tpu.memref_squeeze %dma_start3A_179 : memref<1x40x64xi32, #tpu.memory_space<hbm>> -> memref<40x64xi32, #tpu.memory_space<hbm>>
      tpu.enqueue_dma source(%dma_start3A_180 : memref<40x64xi32, #tpu.memory_space<hbm>>) target(%arg8 : memref<40x64xi32, #tpu.memory_space<vmem>>) target_semaphore(%run_scoped3A : memref<!tpu.dma_semaphore, #tpu.memory_space<semaphore_mem>>)
      %dma_wait3A = arith.constant 0 : i32
      %dma_wait3A_181 = arith.constant 0 : i32
      %dma_wait3A_182 = tpu.memref_slice %arg4[%add3A_131, %dma_wait3A, %dma_wait3A_181] : memref<128x40x64xi32, #tpu.memory_space<hbm>> -> memref<1x40x64xi32, #tpu.memory_space<hbm>>
      %dma_wait3A_183 = tpu.memref_squeeze %dma_wait3A_182 : memref<1x40x64xi32, #tpu.memory_space<hbm>> -> memref<40x64xi32, #tpu.memory_space<hbm>>
      %dma_wait3A_184 = arith.constant 0 : i32
      %dma_wait3A_185 = arith.constant 0 : i32
      %dma_wait3A_186 = tpu.memref_slice %arg4[%add3A_131, %dma_wait3A_184, %dma_wait3A_185] : memref<128x40x64xi32, #tpu.memory_space<hbm>> -> memref<1x40x64xi32, #tpu.memory_space<hbm>>
      %dma_wait3A_187 = tpu.memref_squeeze %dma_wait3A_186 : memref<1x40x64xi32, #tpu.memory_space<hbm>> -> memref<40x64xi32, #tpu.memory_space<hbm>>
      tpu.wait_dma2 semaphore(%run_scoped3A : memref<!tpu.dma_semaphore, #tpu.memory_space<semaphore_mem>>) src(%dma_wait3A_187 : memref<40x64xi32, #tpu.memory_space<hbm>>) dst(%arg8 : memref<40x64xi32, #tpu.memory_space<vmem>>)
      tpu.yield
    }) : () -> ()
    %dma_start3A_132 = arith.constant 0 : i32
    %dma_start3A_133 = arith.constant 0 : i32
    %dma_start3A_134 = tpu.memref_slice %arg7[%dma_start3A_132, %dma_start3A_133] : memref<40x64xi32, #tpu.memory_space<vmem>> -> memref<1x64xi32, #tpu.memory_space<vmem>>
    %dma_start3A_135 = tpu.memref_squeeze %dma_start3A_134 : memref<1x64xi32, #tpu.memory_space<vmem>> -> memref<64xi32, #tpu.memory_space<vmem>>
    %dma_start3A_136 = arith.constant 0 : i32
    %dma_start3A_137 = arith.constant 0 : i32
    %dma_start3A_138 = tpu.memref_slice %arg2[%dma_start3A_136, %dma_start3A_137] : memref<10240x128xf32, #tpu.memory_space<hbm>> -> memref<10240x128xf32, #tpu.memory_space<hbm>>
    tpu.enqueue_indirect_dma source(%dma_start3A_138 : memref<10240x128xf32, #tpu.memory_space<hbm>>) target(%arg9 : memref<64x128xf32, #tpu.memory_space<vmem>>) offsets(%dma_start3A_135 : memref<64xi32, #tpu.memory_space<vmem>>) semaphore(%arg14 : memref<!tpu.dma_semaphore, #tpu.memory_space<semaphore_mem>>)
    %dma_start3A_139 = arith.constant 1 : i32
    %dma_start3A_140 = arith.constant 0 : i32
    %dma_start3A_141 = tpu.memref_slice %arg7[%dma_start3A_139, %dma_start3A_140] : memref<40x64xi32, #tpu.memory_space<vmem>> -> memref<1x64xi32, #tpu.memory_space<vmem>>
    %dma_start3A_142 = tpu.memref_squeeze %dma_start3A_141 : memref<1x64xi32, #tpu.memory_space<vmem>> -> memref<64xi32, #tpu.memory_space<vmem>>
    %dma_start3A_143 = arith.constant 0 : i32
    %dma_start3A_144 = arith.constant 0 : i32
    %dma_start3A_145 = tpu.memref_slice %arg2[%dma_start3A_143, %dma_start3A_144] : memref<10240x128xf32, #tpu.memory_space<hbm>> -> memref<10240x128xf32, #tpu.memory_space<hbm>>
    tpu.enqueue_indirect_dma source(%dma_start3A_145 : memref<10240x128xf32, #tpu.memory_space<hbm>>) target(%arg10 : memref<64x128xf32, #tpu.memory_space<vmem>>) offsets(%dma_start3A_142 : memref<64xi32, #tpu.memory_space<vmem>>) semaphore(%arg15 : memref<!tpu.dma_semaphore, #tpu.memory_space<semaphore_mem>>)
    %dma_start3A_146 = arith.constant 2 : i32
    %dma_start3A_147 = arith.constant 0 : i32
    %dma_start3A_148 = tpu.memref_slice %arg7[%dma_start3A_146, %dma_start3A_147] : memref<40x64xi32, #tpu.memory_space<vmem>> -> memref<1x64xi32, #tpu.memory_space<vmem>>
    %dma_start3A_149 = tpu.memref_squeeze %dma_start3A_148 : memref<1x64xi32, #tpu.memory_space<vmem>> -> memref<64xi32, #tpu.memory_space<vmem>>
    %dma_start3A_150 = arith.constant 0 : i32
    %dma_start3A_151 = arith.constant 0 : i32
    %dma_start3A_152 = tpu.memref_slice %arg2[%dma_start3A_150, %dma_start3A_151] : memref<10240x128xf32, #tpu.memory_space<hbm>> -> memref<10240x128xf32, #tpu.memory_space<hbm>>
    tpu.enqueue_indirect_dma source(%dma_start3A_152 : memref<10240x128xf32, #tpu.memory_space<hbm>>) target(%arg11 : memref<64x128xf32, #tpu.memory_space<vmem>>) offsets(%dma_start3A_149 : memref<64xi32, #tpu.memory_space<vmem>>) semaphore(%arg16 : memref<!tpu.dma_semaphore, #tpu.memory_space<semaphore_mem>>)
    %dma_start3A_153 = arith.constant 3 : i32
    %dma_start3A_154 = arith.constant 0 : i32
    %dma_start3A_155 = tpu.memref_slice %arg7[%dma_start3A_153, %dma_start3A_154] : memref<40x64xi32, #tpu.memory_space<vmem>> -> memref<1x64xi32, #tpu.memory_space<vmem>>
    %dma_start3A_156 = tpu.memref_squeeze %dma_start3A_155 : memref<1x64xi32, #tpu.memory_space<vmem>> -> memref<64xi32, #tpu.memory_space<vmem>>
    %dma_start3A_157 = arith.constant 0 : i32
    %dma_start3A_158 = arith.constant 0 : i32
    %dma_start3A_159 = tpu.memref_slice %arg2[%dma_start3A_157, %dma_start3A_158] : memref<10240x128xf32, #tpu.memory_space<hbm>> -> memref<10240x128xf32, #tpu.memory_space<hbm>>
    tpu.enqueue_indirect_dma source(%dma_start3A_159 : memref<10240x128xf32, #tpu.memory_space<hbm>>) target(%arg12 : memref<64x128xf32, #tpu.memory_space<vmem>>) offsets(%dma_start3A_156 : memref<64xi32, #tpu.memory_space<vmem>>) semaphore(%arg17 : memref<!tpu.dma_semaphore, #tpu.memory_space<semaphore_mem>>)
    %scan3A_160 = arith.constant 0 : i32
    %scan3A_161 = arith.constant 10 : i32
    %scan3A_162 = arith.addi %scan3A_160, %scan3A_161 : i32
    %scan3A_163 = arith.constant 1 : i32
    scf.for %scan3A_173 = %scan3A_160 to %scan3A_162 step %scan3A_163  : i32 {
      %mul3A_174 = arith.constant 4 : i32
      %mul3A_175 = arith.muli %scan3A_173, %mul3A_174 : i32
      %add3A_176 = arith.constant 0 : i32
      %add3A_177 = arith.addi %add3A_176, %mul3A_175 : i32
      %add3A_178 = arith.constant 0 : i32
      %add3A_179 = arith.addi %add3A_177, %add3A_178 : i32
      %dma_wait3A = arith.constant 0 : i32
      %dma_wait3A_180 = tpu.memref_slice %arg7[%add3A_179, %dma_wait3A] : memref<40x64xi32, #tpu.memory_space<vmem>> -> memref<1x64xi32, #tpu.memory_space<vmem>>
      %dma_wait3A_181 = tpu.memref_squeeze %dma_wait3A_180 : memref<1x64xi32, #tpu.memory_space<vmem>> -> memref<64xi32, #tpu.memory_space<vmem>>
      %dma_wait3A_182 = arith.constant 0 : i32
      %dma_wait3A_183 = arith.constant 0 : i32
      %dma_wait3A_184 = tpu.memref_slice %arg2[%dma_wait3A_182, %dma_wait3A_183] : memref<10240x128xf32, #tpu.memory_space<hbm>> -> memref<10240x128xf32, #tpu.memory_space<hbm>>
      tpu.wait_indirect_dma semaphore(%arg14 : memref<!tpu.dma_semaphore, #tpu.memory_space<semaphore_mem>>) src(%dma_wait3A_184 : memref<10240x128xf32, #tpu.memory_space<hbm>>) dst(%arg9 : memref<64x128xf32, #tpu.memory_space<vmem>>)
      %add3A_185 = arith.constant 0 : i32
      %add3A_186 = arith.addi %add3A_177, %add3A_185 : i32
      "tpu.region"() ({
        %run_scoped3A = tpu.sem_alloc : memref<!tpu.dma_semaphore, #tpu.memory_space<semaphore_mem>>
        %dma_start3A_250 = arith.constant 0 : i32
        %dma_start3A_251 = tpu.memref_slice %arg8[%add3A_186, %dma_start3A_250] : memref<40x64xi32, #tpu.memory_space<vmem>> -> memref<1x64xi32, #tpu.memory_space<vmem>>
        %dma_start3A_252 = tpu.memref_squeeze %dma_start3A_251 : memref<1x64xi32, #tpu.memory_space<vmem>> -> memref<64xi32, #tpu.memory_space<vmem>>
        %dma_start3A_253 = arith.constant 0 : i32
        %dma_start3A_254 = arith.constant 0 : i32
        %dma_start3A_255 = tpu.memref_slice %arg13[%dma_start3A_253, %dma_start3A_254] : memref<10240x128xf32, #tpu.memory_space<vmem_shared>> -> memref<10240x128xf32, #tpu.memory_space<vmem_shared>>
        tpu.enqueue_indirect_dma source(%arg9 : memref<64x128xf32, #tpu.memory_space<vmem>>) target(%dma_start3A_255 : memref<10240x128xf32, #tpu.memory_space<vmem_shared>>) offsets(%dma_start3A_252 : memref<64xi32, #tpu.memory_space<vmem>>) semaphore(%run_scoped3A : memref<!tpu.dma_semaphore, #tpu.memory_space<semaphore_mem>>) {add = true}
        %dma_wait3A_256 = arith.constant 0 : i32
        %dma_wait3A_257 = tpu.memref_slice %arg8[%add3A_186, %dma_wait3A_256] : memref<40x64xi32, #tpu.memory_space<vmem>> -> memref<1x64xi32, #tpu.memory_space<vmem>>
        %dma_wait3A_258 = tpu.memref_squeeze %dma_wait3A_257 : memref<1x64xi32, #tpu.memory_space<vmem>> -> memref<64xi32, #tpu.memory_space<vmem>>
        %dma_wait3A_259 = arith.constant 0 : i32
        %dma_wait3A_260 = arith.constant 0 : i32
        %dma_wait3A_261 = tpu.memref_slice %arg13[%dma_wait3A_259, %dma_wait3A_260] : memref<10240x128xf32, #tpu.memory_space<vmem_shared>> -> memref<10240x128xf32, #tpu.memory_space<vmem_shared>>
        tpu.wait_indirect_dma semaphore(%run_scoped3A : memref<!tpu.dma_semaphore, #tpu.memory_space<semaphore_mem>>) src(%arg9 : memref<64x128xf32, #tpu.memory_space<vmem>>) dst(%dma_wait3A_261 : memref<10240x128xf32, #tpu.memory_space<vmem_shared>>)
        tpu.yield
      }) : () -> ()
      %add3A_187 = arith.constant 0 : i32
      %add3A_188 = arith.addi %add3A_177, %add3A_187 : i32
      %add3A_189 = arith.constant 4 : i32
      %add3A_190 = arith.addi %add3A_188, %add3A_189 : i32
      %lt3A = arith.constant 40 : i32
      %lt3A_191 = arith.cmpi slt, %add3A_190, %lt3A : i32
      %convert_element_type3A = arith.extui %lt3A_191 : i1 to i32
      %cond3A = arith.constant 0 : i32
      %cond3A_192 = arith.cmpi ne, %convert_element_type3A, %cond3A : i32
      scf.if %cond3A_192 {
        %add3A_250 = arith.constant 0 : i32
        %add3A_251 = arith.addi %add3A_177, %add3A_250 : i32
        %add3A_252 = arith.constant 4 : i32
        %add3A_253 = arith.addi %add3A_251, %add3A_252 : i32
        %dma_start3A_254 = arith.constant 0 : i32
        %dma_start3A_255 = tpu.memref_slice %arg7[%add3A_253, %dma_start3A_254] : memref<40x64xi32, #tpu.memory_space<vmem>> -> memref<1x64xi32, #tpu.memory_space<vmem>>
        %dma_start3A_256 = tpu.memref_squeeze %dma_start3A_255 : memref<1x64xi32, #tpu.memory_space<vmem>> -> memref<64xi32, #tpu.memory_space<vmem>>
        %dma_start3A_257 = arith.constant 0 : i32
        %dma_start3A_258 = arith.constant 0 : i32
        %dma_start3A_259 = tpu.memref_slice %arg2[%dma_start3A_257, %dma_start3A_258] : memref<10240x128xf32, #tpu.memory_space<hbm>> -> memref<10240x128xf32, #tpu.memory_space<hbm>>
        tpu.enqueue_indirect_dma source(%dma_start3A_259 : memref<10240x128xf32, #tpu.memory_space<hbm>>) target(%arg9 : memref<64x128xf32, #tpu.memory_space<vmem>>) offsets(%dma_start3A_256 : memref<64xi32, #tpu.memory_space<vmem>>) semaphore(%arg14 : memref<!tpu.dma_semaphore, #tpu.memory_space<semaphore_mem>>)
      } else {
      }
      %add3A_193 = arith.constant 1 : i32
      %add3A_194 = arith.addi %add3A_177, %add3A_193 : i32
      %dma_wait3A_195 = arith.constant 0 : i32
      %dma_wait3A_196 = tpu.memref_slice %arg7[%add3A_194, %dma_wait3A_195] : memref<40x64xi32, #tpu.memory_space<vmem>> -> memref<1x64xi32, #tpu.memory_space<vmem>>
      %dma_wait3A_197 = tpu.memref_squeeze %dma_wait3A_196 : memref<1x64xi32, #tpu.memory_space<vmem>> -> memref<64xi32, #tpu.memory_space<vmem>>
      %dma_wait3A_198 = arith.constant 0 : i32
      %dma_wait3A_199 = arith.constant 0 : i32
      %dma_wait3A_200 = tpu.memref_slice %arg2[%dma_wait3A_198, %dma_wait3A_199] : memref<10240x128xf32, #tpu.memory_space<hbm>> -> memref<10240x128xf32, #tpu.memory_space<hbm>>
      tpu.wait_indirect_dma semaphore(%arg15 : memref<!tpu.dma_semaphore, #tpu.memory_space<semaphore_mem>>) src(%dma_wait3A_200 : memref<10240x128xf32, #tpu.memory_space<hbm>>) dst(%arg10 : memref<64x128xf32, #tpu.memory_space<vmem>>)
      %add3A_201 = arith.constant 1 : i32
      %add3A_202 = arith.addi %add3A_177, %add3A_201 : i32
      "tpu.region"() ({
        %run_scoped3A = tpu.sem_alloc : memref<!tpu.dma_semaphore, #tpu.memory_space<semaphore_mem>>
        %dma_start3A_250 = arith.constant 0 : i32
        %dma_start3A_251 = tpu.memref_slice %arg8[%add3A_202, %dma_start3A_250] : memref<40x64xi32, #tpu.memory_space<vmem>> -> memref<1x64xi32, #tpu.memory_space<vmem>>
        %dma_start3A_252 = tpu.memref_squeeze %dma_start3A_251 : memref<1x64xi32, #tpu.memory_space<vmem>> -> memref<64xi32, #tpu.memory_space<vmem>>
        %dma_start3A_253 = arith.constant 0 : i32
        %dma_start3A_254 = arith.constant 0 : i32
        %dma_start3A_255 = tpu.memref_slice %arg13[%dma_start3A_253, %dma_start3A_254] : memref<10240x128xf32, #tpu.memory_space<vmem_shared>> -> memref<10240x128xf32, #tpu.memory_space<vmem_shared>>
        tpu.enqueue_indirect_dma source(%arg10 : memref<64x128xf32, #tpu.memory_space<vmem>>) target(%dma_start3A_255 : memref<10240x128xf32, #tpu.memory_space<vmem_shared>>) offsets(%dma_start3A_252 : memref<64xi32, #tpu.memory_space<vmem>>) semaphore(%run_scoped3A : memref<!tpu.dma_semaphore, #tpu.memory_space<semaphore_mem>>) {add = true}
        %dma_wait3A_256 = arith.constant 0 : i32
        %dma_wait3A_257 = tpu.memref_slice %arg8[%add3A_202, %dma_wait3A_256] : memref<40x64xi32, #tpu.memory_space<vmem>> -> memref<1x64xi32, #tpu.memory_space<vmem>>
        %dma_wait3A_258 = tpu.memref_squeeze %dma_wait3A_257 : memref<1x64xi32, #tpu.memory_space<vmem>> -> memref<64xi32, #tpu.memory_space<vmem>>
        %dma_wait3A_259 = arith.constant 0 : i32
        %dma_wait3A_260 = arith.constant 0 : i32
        %dma_wait3A_261 = tpu.memref_slice %arg13[%dma_wait3A_259, %dma_wait3A_260] : memref<10240x128xf32, #tpu.memory_space<vmem_shared>> -> memref<10240x128xf32, #tpu.memory_space<vmem_shared>>
        tpu.wait_indirect_dma semaphore(%run_scoped3A : memref<!tpu.dma_semaphore, #tpu.memory_space<semaphore_mem>>) src(%arg10 : memref<64x128xf32, #tpu.memory_space<vmem>>) dst(%dma_wait3A_261 : memref<10240x128xf32, #tpu.memory_space<vmem_shared>>)
        tpu.yield
      }) : () -> ()
      %add3A_203 = arith.constant 1 : i32
      %add3A_204 = arith.addi %add3A_177, %add3A_203 : i32
      %add3A_205 = arith.constant 4 : i32
      %add3A_206 = arith.addi %add3A_204, %add3A_205 : i32
      %lt3A_207 = arith.constant 40 : i32
      %lt3A_208 = arith.cmpi slt, %add3A_206, %lt3A_207 : i32
      %convert_element_type3A_209 = arith.extui %lt3A_208 : i1 to i32
      %cond3A_210 = arith.constant 0 : i32
      %cond3A_211 = arith.cmpi ne, %convert_element_type3A_209, %cond3A_210 : i32
      scf.if %cond3A_211 {
        %add3A_250 = arith.constant 1 : i32
        %add3A_251 = arith.addi %add3A_177, %add3A_250 : i32
        %add3A_252 = arith.constant 4 : i32
        %add3A_253 = arith.addi %add3A_251, %add3A_252 : i32
        %dma_start3A_254 = arith.constant 0 : i32
        %dma_start3A_255 = tpu.memref_slice %arg7[%add3A_253, %dma_start3A_254] : memref<40x64xi32, #tpu.memory_space<vmem>> -> memref<1x64xi32, #tpu.memory_space<vmem>>
        %dma_start3A_256 = tpu.memref_squeeze %dma_start3A_255 : memref<1x64xi32, #tpu.memory_space<vmem>> -> memref<64xi32, #tpu.memory_space<vmem>>
        %dma_start3A_257 = arith.constant 0 : i32
        %dma_start3A_258 = arith.constant 0 : i32
        %dma_start3A_259 = tpu.memref_slice %arg2[%dma_start3A_257, %dma_start3A_258] : memref<10240x128xf32, #tpu.memory_space<hbm>> -> memref<10240x128xf32, #tpu.memory_space<hbm>>
        tpu.enqueue_indirect_dma source(%dma_start3A_259 : memref<10240x128xf32, #tpu.memory_space<hbm>>) target(%arg10 : memref<64x128xf32, #tpu.memory_space<vmem>>) offsets(%dma_start3A_256 : memref<64xi32, #tpu.memory_space<vmem>>) semaphore(%arg15 : memref<!tpu.dma_semaphore, #tpu.memory_space<semaphore_mem>>)
      } else {
      }
      %add3A_212 = arith.constant 2 : i32
      %add3A_213 = arith.addi %add3A_177, %add3A_212 : i32
      %dma_wait3A_214 = arith.constant 0 : i32
      %dma_wait3A_215 = tpu.memref_slice %arg7[%add3A_213, %dma_wait3A_214] : memref<40x64xi32, #tpu.memory_space<vmem>> -> memref<1x64xi32, #tpu.memory_space<vmem>>
      %dma_wait3A_216 = tpu.memref_squeeze %dma_wait3A_215 : memref<1x64xi32, #tpu.memory_space<vmem>> -> memref<64xi32, #tpu.memory_space<vmem>>
      %dma_wait3A_217 = arith.constant 0 : i32
      %dma_wait3A_218 = arith.constant 0 : i32
      %dma_wait3A_219 = tpu.memref_slice %arg2[%dma_wait3A_217, %dma_wait3A_218] : memref<10240x128xf32, #tpu.memory_space<hbm>> -> memref<10240x128xf32, #tpu.memory_space<hbm>>
      tpu.wait_indirect_dma semaphore(%arg16 : memref<!tpu.dma_semaphore, #tpu.memory_space<semaphore_mem>>) src(%dma_wait3A_219 : memref<10240x128xf32, #tpu.memory_space<hbm>>) dst(%arg11 : memref<64x128xf32, #tpu.memory_space<vmem>>)
      %add3A_220 = arith.constant 2 : i32
      %add3A_221 = arith.addi %add3A_177, %add3A_220 : i32
      "tpu.region"() ({
        %run_scoped3A = tpu.sem_alloc : memref<!tpu.dma_semaphore, #tpu.memory_space<semaphore_mem>>
        %dma_start3A_250 = arith.constant 0 : i32
        %dma_start3A_251 = tpu.memref_slice %arg8[%add3A_221, %dma_start3A_250] : memref<40x64xi32, #tpu.memory_space<vmem>> -> memref<1x64xi32, #tpu.memory_space<vmem>>
        %dma_start3A_252 = tpu.memref_squeeze %dma_start3A_251 : memref<1x64xi32, #tpu.memory_space<vmem>> -> memref<64xi32, #tpu.memory_space<vmem>>
        %dma_start3A_253 = arith.constant 0 : i32
        %dma_start3A_254 = arith.constant 0 : i32
        %dma_start3A_255 = tpu.memref_slice %arg13[%dma_start3A_253, %dma_start3A_254] : memref<10240x128xf32, #tpu.memory_space<vmem_shared>> -> memref<10240x128xf32, #tpu.memory_space<vmem_shared>>
        tpu.enqueue_indirect_dma source(%arg11 : memref<64x128xf32, #tpu.memory_space<vmem>>) target(%dma_start3A_255 : memref<10240x128xf32, #tpu.memory_space<vmem_shared>>) offsets(%dma_start3A_252 : memref<64xi32, #tpu.memory_space<vmem>>) semaphore(%run_scoped3A : memref<!tpu.dma_semaphore, #tpu.memory_space<semaphore_mem>>) {add = true}
        %dma_wait3A_256 = arith.constant 0 : i32
        %dma_wait3A_257 = tpu.memref_slice %arg8[%add3A_221, %dma_wait3A_256] : memref<40x64xi32, #tpu.memory_space<vmem>> -> memref<1x64xi32, #tpu.memory_space<vmem>>
        %dma_wait3A_258 = tpu.memref_squeeze %dma_wait3A_257 : memref<1x64xi32, #tpu.memory_space<vmem>> -> memref<64xi32, #tpu.memory_space<vmem>>
        %dma_wait3A_259 = arith.constant 0 : i32
        %dma_wait3A_260 = arith.constant 0 : i32
        %dma_wait3A_261 = tpu.memref_slice %arg13[%dma_wait3A_259, %dma_wait3A_260] : memref<10240x128xf32, #tpu.memory_space<vmem_shared>> -> memref<10240x128xf32, #tpu.memory_space<vmem_shared>>
        tpu.wait_indirect_dma semaphore(%run_scoped3A : memref<!tpu.dma_semaphore, #tpu.memory_space<semaphore_mem>>) src(%arg11 : memref<64x128xf32, #tpu.memory_space<vmem>>) dst(%dma_wait3A_261 : memref<10240x128xf32, #tpu.memory_space<vmem_shared>>)
        tpu.yield
      }) : () -> ()
      %add3A_222 = arith.constant 2 : i32
      %add3A_223 = arith.addi %add3A_177, %add3A_222 : i32
      %add3A_224 = arith.constant 4 : i32
      %add3A_225 = arith.addi %add3A_223, %add3A_224 : i32
      %lt3A_226 = arith.constant 40 : i32
      %lt3A_227 = arith.cmpi slt, %add3A_225, %lt3A_226 : i32
      %convert_element_type3A_228 = arith.extui %lt3A_227 : i1 to i32
      %cond3A_229 = arith.constant 0 : i32
      %cond3A_230 = arith.cmpi ne, %convert_element_type3A_228, %cond3A_229 : i32
      scf.if %cond3A_230 {
        %add3A_250 = arith.constant 2 : i32
        %add3A_251 = arith.addi %add3A_177, %add3A_250 : i32
        %add3A_252 = arith.constant 4 : i32
        %add3A_253 = arith.addi %add3A_251, %add3A_252 : i32
        %dma_start3A_254 = arith.constant 0 : i32
        %dma_start3A_255 = tpu.memref_slice %arg7[%add3A_253, %dma_start3A_254] : memref<40x64xi32, #tpu.memory_space<vmem>> -> memref<1x64xi32, #tpu.memory_space<vmem>>
        %dma_start3A_256 = tpu.memref_squeeze %dma_start3A_255 : memref<1x64xi32, #tpu.memory_space<vmem>> -> memref<64xi32, #tpu.memory_space<vmem>>
        %dma_start3A_257 = arith.constant 0 : i32
        %dma_start3A_258 = arith.constant 0 : i32
        %dma_start3A_259 = tpu.memref_slice %arg2[%dma_start3A_257, %dma_start3A_258] : memref<10240x128xf32, #tpu.memory_space<hbm>> -> memref<10240x128xf32, #tpu.memory_space<hbm>>
        tpu.enqueue_indirect_dma source(%dma_start3A_259 : memref<10240x128xf32, #tpu.memory_space<hbm>>) target(%arg11 : memref<64x128xf32, #tpu.memory_space<vmem>>) offsets(%dma_start3A_256 : memref<64xi32, #tpu.memory_space<vmem>>) semaphore(%arg16 : memref<!tpu.dma_semaphore, #tpu.memory_space<semaphore_mem>>)
      } else {
      }
      %add3A_231 = arith.constant 3 : i32
      %add3A_232 = arith.addi %add3A_177, %add3A_231 : i32
      %dma_wait3A_233 = arith.constant 0 : i32
      %dma_wait3A_234 = tpu.memref_slice %arg7[%add3A_232, %dma_wait3A_233] : memref<40x64xi32, #tpu.memory_space<vmem>> -> memref<1x64xi32, #tpu.memory_space<vmem>>
      %dma_wait3A_235 = tpu.memref_squeeze %dma_wait3A_234 : memref<1x64xi32, #tpu.memory_space<vmem>> -> memref<64xi32, #tpu.memory_space<vmem>>
      %dma_wait3A_236 = arith.constant 0 : i32
      %dma_wait3A_237 = arith.constant 0 : i32
      %dma_wait3A_238 = tpu.memref_slice %arg2[%dma_wait3A_236, %dma_wait3A_237] : memref<10240x128xf32, #tpu.memory_space<hbm>> -> memref<10240x128xf32, #tpu.memory_space<hbm>>
      tpu.wait_indirect_dma semaphore(%arg17 : memref<!tpu.dma_semaphore, #tpu.memory_space<semaphore_mem>>) src(%dma_wait3A_238 : memref<10240x128xf32, #tpu.memory_space<hbm>>) dst(%arg12 : memref<64x128xf32, #tpu.memory_space<vmem>>)
      %add3A_239 = arith.constant 3 : i32
      %add3A_240 = arith.addi %add3A_177, %add3A_239 : i32
      "tpu.region"() ({
        %run_scoped3A = tpu.sem_alloc : memref<!tpu.dma_semaphore, #tpu.memory_space<semaphore_mem>>
        %dma_start3A_250 = arith.constant 0 : i32
        %dma_start3A_251 = tpu.memref_slice %arg8[%add3A_240, %dma_start3A_250] : memref<40x64xi32, #tpu.memory_space<vmem>> -> memref<1x64xi32, #tpu.memory_space<vmem>>
        %dma_start3A_252 = tpu.memref_squeeze %dma_start3A_251 : memref<1x64xi32, #tpu.memory_space<vmem>> -> memref<64xi32, #tpu.memory_space<vmem>>
        %dma_start3A_253 = arith.constant 0 : i32
        %dma_start3A_254 = arith.constant 0 : i32
        %dma_start3A_255 = tpu.memref_slice %arg13[%dma_start3A_253, %dma_start3A_254] : memref<10240x128xf32, #tpu.memory_space<vmem_shared>> -> memref<10240x128xf32, #tpu.memory_space<vmem_shared>>
        tpu.enqueue_indirect_dma source(%arg12 : memref<64x128xf32, #tpu.memory_space<vmem>>) target(%dma_start3A_255 : memref<10240x128xf32, #tpu.memory_space<vmem_shared>>) offsets(%dma_start3A_252 : memref<64xi32, #tpu.memory_space<vmem>>) semaphore(%run_scoped3A : memref<!tpu.dma_semaphore, #tpu.memory_space<semaphore_mem>>) {add = true}
        %dma_wait3A_256 = arith.constant 0 : i32
        %dma_wait3A_257 = tpu.memref_slice %arg8[%add3A_240, %dma_wait3A_256] : memref<40x64xi32, #tpu.memory_space<vmem>> -> memref<1x64xi32, #tpu.memory_space<vmem>>
        %dma_wait3A_258 = tpu.memref_squeeze %dma_wait3A_257 : memref<1x64xi32, #tpu.memory_space<vmem>> -> memref<64xi32, #tpu.memory_space<vmem>>
        %dma_wait3A_259 = arith.constant 0 : i32
        %dma_wait3A_260 = arith.constant 0 : i32
        %dma_wait3A_261 = tpu.memref_slice %arg13[%dma_wait3A_259, %dma_wait3A_260] : memref<10240x128xf32, #tpu.memory_space<vmem_shared>> -> memref<10240x128xf32, #tpu.memory_space<vmem_shared>>
        tpu.wait_indirect_dma semaphore(%run_scoped3A : memref<!tpu.dma_semaphore, #tpu.memory_space<semaphore_mem>>) src(%arg12 : memref<64x128xf32, #tpu.memory_space<vmem>>) dst(%dma_wait3A_261 : memref<10240x128xf32, #tpu.memory_space<vmem_shared>>)
        tpu.yield
      }) : () -> ()
      %add3A_241 = arith.constant 3 : i32
      %add3A_242 = arith.addi %add3A_177, %add3A_241 : i32
      %add3A_243 = arith.constant 4 : i32
      %add3A_244 = arith.addi %add3A_242, %add3A_243 : i32
      %lt3A_245 = arith.constant 40 : i32
      %lt3A_246 = arith.cmpi slt, %add3A_244, %lt3A_245 : i32
      %convert_element_type3A_247 = arith.extui %lt3A_246 : i1 to i32
      %cond3A_248 = arith.constant 0 : i32
      %cond3A_249 = arith.cmpi ne, %convert_element_type3A_247, %cond3A_248 : i32
      scf.if %cond3A_249 {
        %add3A_250 = arith.constant 3 : i32
        %add3A_251 = arith.addi %add3A_177, %add3A_250 : i32
        %add3A_252 = arith.constant 4 : i32
        %add3A_253 = arith.addi %add3A_251, %add3A_252 : i32
        %dma_start3A_254 = arith.constant 0 : i32
        %dma_start3A_255 = tpu.memref_slice %arg7[%add3A_253, %dma_start3A_254] : memref<40x64xi32, #tpu.memory_space<vmem>> -> memref<1x64xi32, #tpu.memory_space<vmem>>
        %dma_start3A_256 = tpu.memref_squeeze %dma_start3A_255 : memref<1x64xi32, #tpu.memory_space<vmem>> -> memref<64xi32, #tpu.memory_space<vmem>>
        %dma_start3A_257 = arith.constant 0 : i32
        %dma_start3A_258 = arith.constant 0 : i32
        %dma_start3A_259 = tpu.memref_slice %arg2[%dma_start3A_257, %dma_start3A_258] : memref<10240x128xf32, #tpu.memory_space<hbm>> -> memref<10240x128xf32, #tpu.memory_space<hbm>>
        tpu.enqueue_indirect_dma source(%dma_start3A_259 : memref<10240x128xf32, #tpu.memory_space<hbm>>) target(%arg12 : memref<64x128xf32, #tpu.memory_space<vmem>>) offsets(%dma_start3A_256 : memref<64xi32, #tpu.memory_space<vmem>>) semaphore(%arg17 : memref<!tpu.dma_semaphore, #tpu.memory_space<semaphore_mem>>)
      } else {
      }
    }
    %scan3A_164 = arith.constant 10 : i32
    %barrier3A_165 = arith.constant 0 : index
    tpu.barrier barrier_id(%barrier3A_165)
    %mul3A_166 = arith.constant 640 : i32
    %mul3A_167 = arith.muli %arg1, %mul3A_166 : i32
    %mul3A_168 = arith.constant 10240 : i32
    %mul3A_169 = arith.muli %arg0, %mul3A_168 : i32
    %mul3A_170 = arith.constant 640 : i32
    %mul3A_171 = arith.muli %arg1, %mul3A_170 : i32
    %add3A_172 = arith.addi %mul3A_169, %mul3A_171 : i32
    "tpu.region"() ({
      %run_scoped3A = tpu.sem_alloc : memref<!tpu.dma_semaphore, #tpu.memory_space<semaphore_mem>>
      %dma_start3A_173 = arith.constant 0 : i32
      %dma_start3A_174 = tpu.memref_slice %arg6[%add3A_172, %dma_start3A_173] : memref<20480x128xf32, #tpu.memory_space<hbm>> -> memref<640x128xf32, #tpu.memory_space<hbm>>
      %dma_start3A_175 = arith.constant 0 : i32
      %dma_start3A_176 = tpu.memref_slice %arg13[%mul3A_167, %dma_start3A_175] : memref<10240x128xf32, #tpu.memory_space<vmem_shared>> -> memref<640x128xf32, #tpu.memory_space<vmem_shared>>
      tpu.enqueue_dma source(%dma_start3A_176 : memref<640x128xf32, #tpu.memory_space<vmem_shared>>) target(%dma_start3A_174 : memref<640x128xf32, #tpu.memory_space<hbm>>) target_semaphore(%run_scoped3A : memref<!tpu.dma_semaphore, #tpu.memory_space<semaphore_mem>>)
      %dma_wait3A = arith.constant 0 : i32
      %dma_wait3A_177 = tpu.memref_slice %arg6[%add3A_172, %dma_wait3A] : memref<20480x128xf32, #tpu.memory_space<hbm>> -> memref<640x128xf32, #tpu.memory_space<hbm>>
      %dma_wait3A_178 = arith.constant 0 : i32
      %dma_wait3A_179 = tpu.memref_slice %arg13[%mul3A_167, %dma_wait3A_178] : memref<10240x128xf32, #tpu.memory_space<vmem_shared>> -> memref<640x128xf32, #tpu.memory_space<vmem_shared>>
      tpu.wait_dma2 semaphore(%run_scoped3A : memref<!tpu.dma_semaphore, #tpu.memory_space<semaphore_mem>>) src(%dma_wait3A_179 : memref<640x128xf32, #tpu.memory_space<vmem_shared>>) dst(%dma_wait3A_177 : memref<640x128xf32, #tpu.memory_space<hbm>>)
      tpu.yield
    }) : () -> ()
    return
  }
}

#map = affine_map<(d0, d1) -> (0, 0)>
#map1 = affine_map<(d0, d1) -> (0, 0, 0)>
module attributes {stable_mosaic.version = 14 : i64} {
  func.func @agg_kernel(%arg0: i32, %arg1: i32, %arg2: memref<10240x128xf32, #tpu.memory_space<hbm>>, %arg3: memref<128x40x64xi32, #tpu.memory_space<hbm>>, %arg4: memref<128x40x64xi32, #tpu.memory_space<hbm>>, %arg5: memref<640x128xf32, #tpu.memory_space<hbm>>, %arg6: memref<20480x128xf32, #tpu.memory_space<hbm>>, %arg7: memref<40x64xi32, #tpu.memory_space<vmem>>, %arg8: memref<40x64xi32, #tpu.memory_space<vmem>>, %arg9: memref<64x128xf32, #tpu.memory_space<vmem>>, %arg10: memref<64x128xf32, #tpu.memory_space<vmem>>, %arg11: memref<64x128xf32, #tpu.memory_space<vmem>>, %arg12: memref<64x128xf32, #tpu.memory_space<vmem>>, %arg13: memref<10240x128xf32, #tpu.memory_space<vmem_shared>>, %arg14: memref<!tpu.dma_semaphore, #tpu.memory_space<semaphore_mem>>, %arg15: memref<!tpu.dma_semaphore, #tpu.memory_space<semaphore_mem>>, %arg16: memref<!tpu.dma_semaphore, #tpu.memory_space<semaphore_mem>>, %arg17: memref<!tpu.dma_semaphore, #tpu.memory_space<semaphore_mem>>) attributes {dimension_semantics = [#tpu.dimension_semantics<core_parallel>, #tpu.dimension_semantics<subcore_parallel>], iteration_bounds = array<i64: 2, 16>, scalar_prefetch = 0 : i64, scratch_operands = 11 : i64, tpu.core_type = #tpu.core_type<sc_vector_subcore>, window_params = [{transform_indices = #map}, {transform_indices = #map1}, {transform_indices = #map1}, {transform_indices = #map}, {transform_indices = #map}]} {
    %mul3A = arith.constant 16 : i32
    %mul3A_0 = arith.muli %arg0, %mul3A : i32
    %add3A = arith.addi %mul3A_0, %arg1 : i32
    %mul3A_1 = arith.constant 640 : i32
    %mul3A_2 = arith.muli %arg1, %mul3A_1 : i32
    "tpu.region"() ({
      %run_scoped3A = tpu.sem_alloc : memref<!tpu.dma_semaphore, #tpu.memory_space<semaphore_mem>>
      %dma_start3A_173 = arith.constant 0 : i32
      %dma_start3A_174 = tpu.memref_slice %arg13[%mul3A_2, %dma_start3A_173] : memref<10240x128xf32, #tpu.memory_space<vmem_shared>> -> memref<640x128xf32, #tpu.memory_space<vmem_shared>>
      tpu.enqueue_dma source(%arg5 : memref<640x128xf32, #tpu.memory_space<hbm>>) target(%dma_start3A_174 : memref<640x128xf32, #tpu.memory_space<vmem_shared>>) target_semaphore(%run_scoped3A : memref<!tpu.dma_semaphore, #tpu.memory_space<semaphore_mem>>)
      %dma_wait3A = arith.constant 0 : i32
      %dma_wait3A_175 = tpu.memref_slice %arg13[%mul3A_2, %dma_wait3A] : memref<10240x128xf32, #tpu.memory_space<vmem_shared>> -> memref<640x128xf32, #tpu.memory_space<vmem_shared>>
      tpu.wait_dma2 semaphore(%run_scoped3A : memref<!tpu.dma_semaphore, #tpu.memory_space<semaphore_mem>>) src(%arg5 : memref<640x128xf32, #tpu.memory_space<hbm>>) dst(%dma_wait3A_175 : memref<640x128xf32, #tpu.memory_space<vmem_shared>>)
      tpu.yield
    }) : () -> ()
    %barrier3A = arith.constant 0 : index
    tpu.barrier barrier_id(%barrier3A)
    %mul3A_3 = arith.constant 4 : i32
    %mul3A_4 = arith.muli %mul3A_3, %add3A : i32
    %add3A_5 = arith.constant 0 : i32
    %add3A_6 = arith.addi %mul3A_4, %add3A_5 : i32
    "tpu.region"() ({
      %run_scoped3A = tpu.sem_alloc : memref<!tpu.dma_semaphore, #tpu.memory_space<semaphore_mem>>
      %dma_start3A_173 = arith.constant 0 : i32
      %dma_start3A_174 = arith.constant 0 : i32
      %dma_start3A_175 = tpu.memref_slice %arg3[%add3A_6, %dma_start3A_173, %dma_start3A_174] : memref<128x40x64xi32, #tpu.memory_space<hbm>> -> memref<1x40x64xi32, #tpu.memory_space<hbm>>
      %dma_start3A_176 = tpu.memref_squeeze %dma_start3A_175 : memref<1x40x64xi32, #tpu.memory_space<hbm>> -> memref<40x64xi32, #tpu.memory_space<hbm>>
      %dma_start3A_177 = arith.constant 0 : i32
      %dma_start3A_178 = arith.constant 0 : i32
      %dma_start3A_179 = tpu.memref_slice %arg3[%add3A_6, %dma_start3A_177, %dma_start3A_178] : memref<128x40x64xi32, #tpu.memory_space<hbm>> -> memref<1x40x64xi32, #tpu.memory_space<hbm>>
      %dma_start3A_180 = tpu.memref_squeeze %dma_start3A_179 : memref<1x40x64xi32, #tpu.memory_space<hbm>> -> memref<40x64xi32, #tpu.memory_space<hbm>>
      tpu.enqueue_dma source(%dma_start3A_180 : memref<40x64xi32, #tpu.memory_space<hbm>>) target(%arg7 : memref<40x64xi32, #tpu.memory_space<vmem>>) target_semaphore(%run_scoped3A : memref<!tpu.dma_semaphore, #tpu.memory_space<semaphore_mem>>)
      %dma_wait3A = arith.constant 0 : i32
      %dma_wait3A_181 = arith.constant 0 : i32
      %dma_wait3A_182 = tpu.memref_slice %arg3[%add3A_6, %dma_wait3A, %dma_wait3A_181] : memref<128x40x64xi32, #tpu.memory_space<hbm>> -> memref<1x40x64xi32, #tpu.memory_space<hbm>>
      %dma_wait3A_183 = tpu.memref_squeeze %dma_wait3A_182 : memref<1x40x64xi32, #tpu.memory_space<hbm>> -> memref<40x64xi32, #tpu.memory_space<hbm>>
      %dma_wait3A_184 = arith.constant 0 : i32
      %dma_wait3A_185 = arith.constant 0 : i32
      %dma_wait3A_186 = tpu.memref_slice %arg3[%add3A_6, %dma_wait3A_184, %dma_wait3A_185] : memref<128x40x64xi32, #tpu.memory_space<hbm>> -> memref<1x40x64xi32, #tpu.memory_space<hbm>>
      %dma_wait3A_187 = tpu.memref_squeeze %dma_wait3A_186 : memref<1x40x64xi32, #tpu.memory_space<hbm>> -> memref<40x64xi32, #tpu.memory_space<hbm>>
      tpu.wait_dma2 semaphore(%run_scoped3A : memref<!tpu.dma_semaphore, #tpu.memory_space<semaphore_mem>>) src(%dma_wait3A_187 : memref<40x64xi32, #tpu.memory_space<hbm>>) dst(%arg7 : memref<40x64xi32, #tpu.memory_space<vmem>>)
      tpu.yield
    }) : () -> ()
    %mul3A_7 = arith.constant 4 : i32
    %mul3A_8 = arith.muli %mul3A_7, %add3A : i32
    %add3A_9 = arith.constant 0 : i32
    %add3A_10 = arith.addi %mul3A_8, %add3A_9 : i32
    "tpu.region"() ({
      %run_scoped3A = tpu.sem_alloc : memref<!tpu.dma_semaphore, #tpu.memory_space<semaphore_mem>>
      %dma_start3A_173 = arith.constant 0 : i32
      %dma_start3A_174 = arith.constant 0 : i32
      %dma_start3A_175 = tpu.memref_slice %arg4[%add3A_10, %dma_start3A_173, %dma_start3A_174] : memref<128x40x64xi32, #tpu.memory_space<hbm>> -> memref<1x40x64xi32, #tpu.memory_space<hbm>>
      %dma_start3A_176 = tpu.memref_squeeze %dma_start3A_175 : memref<1x40x64xi32, #tpu.memory_space<hbm>> -> memref<40x64xi32, #tpu.memory_space<hbm>>
      %dma_start3A_177 = arith.constant 0 : i32
      %dma_start3A_178 = arith.constant 0 : i32
      %dma_start3A_179 = tpu.memref_slice %arg4[%add3A_10, %dma_start3A_177, %dma_start3A_178] : memref<128x40x64xi32, #tpu.memory_space<hbm>> -> memref<1x40x64xi32, #tpu.memory_space<hbm>>
      %dma_start3A_180 = tpu.memref_squeeze %dma_start3A_179 : memref<1x40x64xi32, #tpu.memory_space<hbm>> -> memref<40x64xi32, #tpu.memory_space<hbm>>
      tpu.enqueue_dma source(%dma_start3A_180 : memref<40x64xi32, #tpu.memory_space<hbm>>) target(%arg8 : memref<40x64xi32, #tpu.memory_space<vmem>>) target_semaphore(%run_scoped3A : memref<!tpu.dma_semaphore, #tpu.memory_space<semaphore_mem>>)
      %dma_wait3A = arith.constant 0 : i32
      %dma_wait3A_181 = arith.constant 0 : i32
      %dma_wait3A_182 = tpu.memref_slice %arg4[%add3A_10, %dma_wait3A, %dma_wait3A_181] : memref<128x40x64xi32, #tpu.memory_space<hbm>> -> memref<1x40x64xi32, #tpu.memory_space<hbm>>
      %dma_wait3A_183 = tpu.memref_squeeze %dma_wait3A_182 : memref<1x40x64xi32, #tpu.memory_space<hbm>> -> memref<40x64xi32, #tpu.memory_space<hbm>>
      %dma_wait3A_184 = arith.constant 0 : i32
      %dma_wait3A_185 = arith.constant 0 : i32
      %dma_wait3A_186 = tpu.memref_slice %arg4[%add3A_10, %dma_wait3A_184, %dma_wait3A_185] : memref<128x40x64xi32, #tpu.memory_space<hbm>> -> memref<1x40x64xi32, #tpu.memory_space<hbm>>
      %dma_wait3A_187 = tpu.memref_squeeze %dma_wait3A_186 : memref<1x40x64xi32, #tpu.memory_space<hbm>> -> memref<40x64xi32, #tpu.memory_space<hbm>>
      tpu.wait_dma2 semaphore(%run_scoped3A : memref<!tpu.dma_semaphore, #tpu.memory_space<semaphore_mem>>) src(%dma_wait3A_187 : memref<40x64xi32, #tpu.memory_space<hbm>>) dst(%arg8 : memref<40x64xi32, #tpu.memory_space<vmem>>)
      tpu.yield
    }) : () -> ()
    %dma_start3A = arith.constant 0 : i32
    %dma_start3A_11 = arith.constant 0 : i32
    %dma_start3A_12 = tpu.memref_slice %arg7[%dma_start3A, %dma_start3A_11] : memref<40x64xi32, #tpu.memory_space<vmem>> -> memref<1x64xi32, #tpu.memory_space<vmem>>
    %dma_start3A_13 = tpu.memref_squeeze %dma_start3A_12 : memref<1x64xi32, #tpu.memory_space<vmem>> -> memref<64xi32, #tpu.memory_space<vmem>>
    %dma_start3A_14 = arith.constant 0 : i32
    %dma_start3A_15 = arith.constant 0 : i32
    %dma_start3A_16 = tpu.memref_slice %arg2[%dma_start3A_14, %dma_start3A_15] : memref<10240x128xf32, #tpu.memory_space<hbm>> -> memref<10240x128xf32, #tpu.memory_space<hbm>>
    tpu.enqueue_indirect_dma source(%dma_start3A_16 : memref<10240x128xf32, #tpu.memory_space<hbm>>) target(%arg9 : memref<64x128xf32, #tpu.memory_space<vmem>>) offsets(%dma_start3A_13 : memref<64xi32, #tpu.memory_space<vmem>>) semaphore(%arg14 : memref<!tpu.dma_semaphore, #tpu.memory_space<semaphore_mem>>)
    %dma_start3A_17 = arith.constant 1 : i32
    %dma_start3A_18 = arith.constant 0 : i32
    %dma_start3A_19 = tpu.memref_slice %arg7[%dma_start3A_17, %dma_start3A_18] : memref<40x64xi32, #tpu.memory_space<vmem>> -> memref<1x64xi32, #tpu.memory_space<vmem>>
    %dma_start3A_20 = tpu.memref_squeeze %dma_start3A_19 : memref<1x64xi32, #tpu.memory_space<vmem>> -> memref<64xi32, #tpu.memory_space<vmem>>
    %dma_start3A_21 = arith.constant 0 : i32
    %dma_start3A_22 = arith.constant 0 : i32
    %dma_start3A_23 = tpu.memref_slice %arg2[%dma_start3A_21, %dma_start3A_22] : memref<10240x128xf32, #tpu.memory_space<hbm>> -> memref<10240x128xf32, #tpu.memory_space<hbm>>
    tpu.enqueue_indirect_dma source(%dma_start3A_23 : memref<10240x128xf32, #tpu.memory_space<hbm>>) target(%arg10 : memref<64x128xf32, #tpu.memory_space<vmem>>) offsets(%dma_start3A_20 : memref<64xi32, #tpu.memory_space<vmem>>) semaphore(%arg15 : memref<!tpu.dma_semaphore, #tpu.memory_space<semaphore_mem>>)
    %dma_start3A_24 = arith.constant 2 : i32
    %dma_start3A_25 = arith.constant 0 : i32
    %dma_start3A_26 = tpu.memref_slice %arg7[%dma_start3A_24, %dma_start3A_25] : memref<40x64xi32, #tpu.memory_space<vmem>> -> memref<1x64xi32, #tpu.memory_space<vmem>>
    %dma_start3A_27 = tpu.memref_squeeze %dma_start3A_26 : memref<1x64xi32, #tpu.memory_space<vmem>> -> memref<64xi32, #tpu.memory_space<vmem>>
    %dma_start3A_28 = arith.constant 0 : i32
    %dma_start3A_29 = arith.constant 0 : i32
    %dma_start3A_30 = tpu.memref_slice %arg2[%dma_start3A_28, %dma_start3A_29] : memref<10240x128xf32, #tpu.memory_space<hbm>> -> memref<10240x128xf32, #tpu.memory_space<hbm>>
    tpu.enqueue_indirect_dma source(%dma_start3A_30 : memref<10240x128xf32, #tpu.memory_space<hbm>>) target(%arg11 : memref<64x128xf32, #tpu.memory_space<vmem>>) offsets(%dma_start3A_27 : memref<64xi32, #tpu.memory_space<vmem>>) semaphore(%arg16 : memref<!tpu.dma_semaphore, #tpu.memory_space<semaphore_mem>>)
    %dma_start3A_31 = arith.constant 3 : i32
    %dma_start3A_32 = arith.constant 0 : i32
    %dma_start3A_33 = tpu.memref_slice %arg7[%dma_start3A_31, %dma_start3A_32] : memref<40x64xi32, #tpu.memory_space<vmem>> -> memref<1x64xi32, #tpu.memory_space<vmem>>
    %dma_start3A_34 = tpu.memref_squeeze %dma_start3A_33 : memref<1x64xi32, #tpu.memory_space<vmem>> -> memref<64xi32, #tpu.memory_space<vmem>>
    %dma_start3A_35 = arith.constant 0 : i32
    %dma_start3A_36 = arith.constant 0 : i32
    %dma_start3A_37 = tpu.memref_slice %arg2[%dma_start3A_35, %dma_start3A_36] : memref<10240x128xf32, #tpu.memory_space<hbm>> -> memref<10240x128xf32, #tpu.memory_space<hbm>>
    tpu.enqueue_indirect_dma source(%dma_start3A_37 : memref<10240x128xf32, #tpu.memory_space<hbm>>) target(%arg12 : memref<64x128xf32, #tpu.memory_space<vmem>>) offsets(%dma_start3A_34 : memref<64xi32, #tpu.memory_space<vmem>>) semaphore(%arg17 : memref<!tpu.dma_semaphore, #tpu.memory_space<semaphore_mem>>)
    %scan3A = arith.constant 0 : i32
    %scan3A_38 = arith.constant 10 : i32
    %scan3A_39 = arith.addi %scan3A, %scan3A_38 : i32
    %scan3A_40 = arith.constant 1 : i32
    scf.for %scan3A_173 = %scan3A to %scan3A_39 step %scan3A_40  : i32 {
      %mul3A_174 = arith.constant 4 : i32
      %mul3A_175 = arith.muli %scan3A_173, %mul3A_174 : i32
      %add3A_176 = arith.constant 0 : i32
      %add3A_177 = arith.addi %add3A_176, %mul3A_175 : i32
      %add3A_178 = arith.constant 0 : i32
      %add3A_179 = arith.addi %add3A_177, %add3A_178 : i32
      %dma_wait3A = arith.constant 0 : i32
      %dma_wait3A_180 = tpu.memref_slice %arg7[%add3A_179, %dma_wait3A] : memref<40x64xi32, #tpu.memory_space<vmem>> -> memref<1x64xi32, #tpu.memory_space<vmem>>
      %dma_wait3A_181 = tpu.memref_squeeze %dma_wait3A_180 : memref<1x64xi32, #tpu.memory_space<vmem>> -> memref<64xi32, #tpu.memory_space<vmem>>
      %dma_wait3A_182 = arith.constant 0 : i32
      %dma_wait3A_183 = arith.constant 0 : i32
      %dma_wait3A_184 = tpu.memref_slice %arg2[%dma_wait3A_182, %dma_wait3A_183] : memref<10240x128xf32, #tpu.memory_space<hbm>> -> memref<10240x128xf32, #tpu.memory_space<hbm>>
      tpu.wait_indirect_dma semaphore(%arg14 : memref<!tpu.dma_semaphore, #tpu.memory_space<semaphore_mem>>) src(%dma_wait3A_184 : memref<10240x128xf32, #tpu.memory_space<hbm>>) dst(%arg9 : memref<64x128xf32, #tpu.memory_space<vmem>>)
      %add3A_185 = arith.constant 0 : i32
      %add3A_186 = arith.addi %add3A_177, %add3A_185 : i32
      "tpu.region"() ({
        %run_scoped3A = tpu.sem_alloc : memref<!tpu.dma_semaphore, #tpu.memory_space<semaphore_mem>>
        %dma_start3A_250 = arith.constant 0 : i32
        %dma_start3A_251 = tpu.memref_slice %arg8[%add3A_186, %dma_start3A_250] : memref<40x64xi32, #tpu.memory_space<vmem>> -> memref<1x64xi32, #tpu.memory_space<vmem>>
        %dma_start3A_252 = tpu.memref_squeeze %dma_start3A_251 : memref<1x64xi32, #tpu.memory_space<vmem>> -> memref<64xi32, #tpu.memory_space<vmem>>
        %dma_start3A_253 = arith.constant 0 : i32
        %dma_start3A_254 = arith.constant 0 : i32
        %dma_start3A_255 = tpu.memref_slice %arg13[%dma_start3A_253, %dma_start3A_254] : memref<10240x128xf32, #tpu.memory_space<vmem_shared>> -> memref<10240x128xf32, #tpu.memory_space<vmem_shared>>
        tpu.enqueue_indirect_dma source(%arg9 : memref<64x128xf32, #tpu.memory_space<vmem>>) target(%dma_start3A_255 : memref<10240x128xf32, #tpu.memory_space<vmem_shared>>) offsets(%dma_start3A_252 : memref<64xi32, #tpu.memory_space<vmem>>) semaphore(%run_scoped3A : memref<!tpu.dma_semaphore, #tpu.memory_space<semaphore_mem>>) {add = true}
        %dma_wait3A_256 = arith.constant 0 : i32
        %dma_wait3A_257 = tpu.memref_slice %arg8[%add3A_186, %dma_wait3A_256] : memref<40x64xi32, #tpu.memory_space<vmem>> -> memref<1x64xi32, #tpu.memory_space<vmem>>
        %dma_wait3A_258 = tpu.memref_squeeze %dma_wait3A_257 : memref<1x64xi32, #tpu.memory_space<vmem>> -> memref<64xi32, #tpu.memory_space<vmem>>
        %dma_wait3A_259 = arith.constant 0 : i32
        %dma_wait3A_260 = arith.constant 0 : i32
        %dma_wait3A_261 = tpu.memref_slice %arg13[%dma_wait3A_259, %dma_wait3A_260] : memref<10240x128xf32, #tpu.memory_space<vmem_shared>> -> memref<10240x128xf32, #tpu.memory_space<vmem_shared>>
        tpu.wait_indirect_dma semaphore(%run_scoped3A : memref<!tpu.dma_semaphore, #tpu.memory_space<semaphore_mem>>) src(%arg9 : memref<64x128xf32, #tpu.memory_space<vmem>>) dst(%dma_wait3A_261 : memref<10240x128xf32, #tpu.memory_space<vmem_shared>>)
        tpu.yield
      }) : () -> ()
      %add3A_187 = arith.constant 0 : i32
      %add3A_188 = arith.addi %add3A_177, %add3A_187 : i32
      %add3A_189 = arith.constant 4 : i32
      %add3A_190 = arith.addi %add3A_188, %add3A_189 : i32
      %lt3A = arith.constant 40 : i32
      %lt3A_191 = arith.cmpi slt, %add3A_190, %lt3A : i32
      %convert_element_type3A = arith.extui %lt3A_191 : i1 to i32
      %cond3A = arith.constant 0 : i32
      %cond3A_192 = arith.cmpi ne, %convert_element_type3A, %cond3A : i32
      scf.if %cond3A_192 {
        %add3A_250 = arith.constant 0 : i32
        %add3A_251 = arith.addi %add3A_177, %add3A_250 : i32
        %add3A_252 = arith.constant 4 : i32
        %add3A_253 = arith.addi %add3A_251, %add3A_252 : i32
        %dma_start3A_254 = arith.constant 0 : i32
        %dma_start3A_255 = tpu.memref_slice %arg7[%add3A_253, %dma_start3A_254] : memref<40x64xi32, #tpu.memory_space<vmem>> -> memref<1x64xi32, #tpu.memory_space<vmem>>
        %dma_start3A_256 = tpu.memref_squeeze %dma_start3A_255 : memref<1x64xi32, #tpu.memory_space<vmem>> -> memref<64xi32, #tpu.memory_space<vmem>>
        %dma_start3A_257 = arith.constant 0 : i32
        %dma_start3A_258 = arith.constant 0 : i32
        %dma_start3A_259 = tpu.memref_slice %arg2[%dma_start3A_257, %dma_start3A_258] : memref<10240x128xf32, #tpu.memory_space<hbm>> -> memref<10240x128xf32, #tpu.memory_space<hbm>>
        tpu.enqueue_indirect_dma source(%dma_start3A_259 : memref<10240x128xf32, #tpu.memory_space<hbm>>) target(%arg9 : memref<64x128xf32, #tpu.memory_space<vmem>>) offsets(%dma_start3A_256 : memref<64xi32, #tpu.memory_space<vmem>>) semaphore(%arg14 : memref<!tpu.dma_semaphore, #tpu.memory_space<semaphore_mem>>)
      } else {
      }
      %add3A_193 = arith.constant 1 : i32
      %add3A_194 = arith.addi %add3A_177, %add3A_193 : i32
      %dma_wait3A_195 = arith.constant 0 : i32
      %dma_wait3A_196 = tpu.memref_slice %arg7[%add3A_194, %dma_wait3A_195] : memref<40x64xi32, #tpu.memory_space<vmem>> -> memref<1x64xi32, #tpu.memory_space<vmem>>
      %dma_wait3A_197 = tpu.memref_squeeze %dma_wait3A_196 : memref<1x64xi32, #tpu.memory_space<vmem>> -> memref<64xi32, #tpu.memory_space<vmem>>
      %dma_wait3A_198 = arith.constant 0 : i32
      %dma_wait3A_199 = arith.constant 0 : i32
      %dma_wait3A_200 = tpu.memref_slice %arg2[%dma_wait3A_198, %dma_wait3A_199] : memref<10240x128xf32, #tpu.memory_space<hbm>> -> memref<10240x128xf32, #tpu.memory_space<hbm>>
      tpu.wait_indirect_dma semaphore(%arg15 : memref<!tpu.dma_semaphore, #tpu.memory_space<semaphore_mem>>) src(%dma_wait3A_200 : memref<10240x128xf32, #tpu.memory_space<hbm>>) dst(%arg10 : memref<64x128xf32, #tpu.memory_space<vmem>>)
      %add3A_201 = arith.constant 1 : i32
      %add3A_202 = arith.addi %add3A_177, %add3A_201 : i32
      "tpu.region"() ({
        %run_scoped3A = tpu.sem_alloc : memref<!tpu.dma_semaphore, #tpu.memory_space<semaphore_mem>>
        %dma_start3A_250 = arith.constant 0 : i32
        %dma_start3A_251 = tpu.memref_slice %arg8[%add3A_202, %dma_start3A_250] : memref<40x64xi32, #tpu.memory_space<vmem>> -> memref<1x64xi32, #tpu.memory_space<vmem>>
        %dma_start3A_252 = tpu.memref_squeeze %dma_start3A_251 : memref<1x64xi32, #tpu.memory_space<vmem>> -> memref<64xi32, #tpu.memory_space<vmem>>
        %dma_start3A_253 = arith.constant 0 : i32
        %dma_start3A_254 = arith.constant 0 : i32
        %dma_start3A_255 = tpu.memref_slice %arg13[%dma_start3A_253, %dma_start3A_254] : memref<10240x128xf32, #tpu.memory_space<vmem_shared>> -> memref<10240x128xf32, #tpu.memory_space<vmem_shared>>
        tpu.enqueue_indirect_dma source(%arg10 : memref<64x128xf32, #tpu.memory_space<vmem>>) target(%dma_start3A_255 : memref<10240x128xf32, #tpu.memory_space<vmem_shared>>) offsets(%dma_start3A_252 : memref<64xi32, #tpu.memory_space<vmem>>) semaphore(%run_scoped3A : memref<!tpu.dma_semaphore, #tpu.memory_space<semaphore_mem>>) {add = true}
        %dma_wait3A_256 = arith.constant 0 : i32
        %dma_wait3A_257 = tpu.memref_slice %arg8[%add3A_202, %dma_wait3A_256] : memref<40x64xi32, #tpu.memory_space<vmem>> -> memref<1x64xi32, #tpu.memory_space<vmem>>
        %dma_wait3A_258 = tpu.memref_squeeze %dma_wait3A_257 : memref<1x64xi32, #tpu.memory_space<vmem>> -> memref<64xi32, #tpu.memory_space<vmem>>
        %dma_wait3A_259 = arith.constant 0 : i32
        %dma_wait3A_260 = arith.constant 0 : i32
        %dma_wait3A_261 = tpu.memref_slice %arg13[%dma_wait3A_259, %dma_wait3A_260] : memref<10240x128xf32, #tpu.memory_space<vmem_shared>> -> memref<10240x128xf32, #tpu.memory_space<vmem_shared>>
        tpu.wait_indirect_dma semaphore(%run_scoped3A : memref<!tpu.dma_semaphore, #tpu.memory_space<semaphore_mem>>) src(%arg10 : memref<64x128xf32, #tpu.memory_space<vmem>>) dst(%dma_wait3A_261 : memref<10240x128xf32, #tpu.memory_space<vmem_shared>>)
        tpu.yield
      }) : () -> ()
      %add3A_203 = arith.constant 1 : i32
      %add3A_204 = arith.addi %add3A_177, %add3A_203 : i32
      %add3A_205 = arith.constant 4 : i32
      %add3A_206 = arith.addi %add3A_204, %add3A_205 : i32
      %lt3A_207 = arith.constant 40 : i32
      %lt3A_208 = arith.cmpi slt, %add3A_206, %lt3A_207 : i32
      %convert_element_type3A_209 = arith.extui %lt3A_208 : i1 to i32
      %cond3A_210 = arith.constant 0 : i32
      %cond3A_211 = arith.cmpi ne, %convert_element_type3A_209, %cond3A_210 : i32
      scf.if %cond3A_211 {
        %add3A_250 = arith.constant 1 : i32
        %add3A_251 = arith.addi %add3A_177, %add3A_250 : i32
        %add3A_252 = arith.constant 4 : i32
        %add3A_253 = arith.addi %add3A_251, %add3A_252 : i32
        %dma_start3A_254 = arith.constant 0 : i32
        %dma_start3A_255 = tpu.memref_slice %arg7[%add3A_253, %dma_start3A_254] : memref<40x64xi32, #tpu.memory_space<vmem>> -> memref<1x64xi32, #tpu.memory_space<vmem>>
        %dma_start3A_256 = tpu.memref_squeeze %dma_start3A_255 : memref<1x64xi32, #tpu.memory_space<vmem>> -> memref<64xi32, #tpu.memory_space<vmem>>
        %dma_start3A_257 = arith.constant 0 : i32
        %dma_start3A_258 = arith.constant 0 : i32
        %dma_start3A_259 = tpu.memref_slice %arg2[%dma_start3A_257, %dma_start3A_258] : memref<10240x128xf32, #tpu.memory_space<hbm>> -> memref<10240x128xf32, #tpu.memory_space<hbm>>
        tpu.enqueue_indirect_dma source(%dma_start3A_259 : memref<10240x128xf32, #tpu.memory_space<hbm>>) target(%arg10 : memref<64x128xf32, #tpu.memory_space<vmem>>) offsets(%dma_start3A_256 : memref<64xi32, #tpu.memory_space<vmem>>) semaphore(%arg15 : memref<!tpu.dma_semaphore, #tpu.memory_space<semaphore_mem>>)
      } else {
      }
      %add3A_212 = arith.constant 2 : i32
      %add3A_213 = arith.addi %add3A_177, %add3A_212 : i32
      %dma_wait3A_214 = arith.constant 0 : i32
      %dma_wait3A_215 = tpu.memref_slice %arg7[%add3A_213, %dma_wait3A_214] : memref<40x64xi32, #tpu.memory_space<vmem>> -> memref<1x64xi32, #tpu.memory_space<vmem>>
      %dma_wait3A_216 = tpu.memref_squeeze %dma_wait3A_215 : memref<1x64xi32, #tpu.memory_space<vmem>> -> memref<64xi32, #tpu.memory_space<vmem>>
      %dma_wait3A_217 = arith.constant 0 : i32
      %dma_wait3A_218 = arith.constant 0 : i32
      %dma_wait3A_219 = tpu.memref_slice %arg2[%dma_wait3A_217, %dma_wait3A_218] : memref<10240x128xf32, #tpu.memory_space<hbm>> -> memref<10240x128xf32, #tpu.memory_space<hbm>>
      tpu.wait_indirect_dma semaphore(%arg16 : memref<!tpu.dma_semaphore, #tpu.memory_space<semaphore_mem>>) src(%dma_wait3A_219 : memref<10240x128xf32, #tpu.memory_space<hbm>>) dst(%arg11 : memref<64x128xf32, #tpu.memory_space<vmem>>)
      %add3A_220 = arith.constant 2 : i32
      %add3A_221 = arith.addi %add3A_177, %add3A_220 : i32
      "tpu.region"() ({
        %run_scoped3A = tpu.sem_alloc : memref<!tpu.dma_semaphore, #tpu.memory_space<semaphore_mem>>
        %dma_start3A_250 = arith.constant 0 : i32
        %dma_start3A_251 = tpu.memref_slice %arg8[%add3A_221, %dma_start3A_250] : memref<40x64xi32, #tpu.memory_space<vmem>> -> memref<1x64xi32, #tpu.memory_space<vmem>>
        %dma_start3A_252 = tpu.memref_squeeze %dma_start3A_251 : memref<1x64xi32, #tpu.memory_space<vmem>> -> memref<64xi32, #tpu.memory_space<vmem>>
        %dma_start3A_253 = arith.constant 0 : i32
        %dma_start3A_254 = arith.constant 0 : i32
        %dma_start3A_255 = tpu.memref_slice %arg13[%dma_start3A_253, %dma_start3A_254] : memref<10240x128xf32, #tpu.memory_space<vmem_shared>> -> memref<10240x128xf32, #tpu.memory_space<vmem_shared>>
        tpu.enqueue_indirect_dma source(%arg11 : memref<64x128xf32, #tpu.memory_space<vmem>>) target(%dma_start3A_255 : memref<10240x128xf32, #tpu.memory_space<vmem_shared>>) offsets(%dma_start3A_252 : memref<64xi32, #tpu.memory_space<vmem>>) semaphore(%run_scoped3A : memref<!tpu.dma_semaphore, #tpu.memory_space<semaphore_mem>>) {add = true}
        %dma_wait3A_256 = arith.constant 0 : i32
        %dma_wait3A_257 = tpu.memref_slice %arg8[%add3A_221, %dma_wait3A_256] : memref<40x64xi32, #tpu.memory_space<vmem>> -> memref<1x64xi32, #tpu.memory_space<vmem>>
        %dma_wait3A_258 = tpu.memref_squeeze %dma_wait3A_257 : memref<1x64xi32, #tpu.memory_space<vmem>> -> memref<64xi32, #tpu.memory_space<vmem>>
        %dma_wait3A_259 = arith.constant 0 : i32
        %dma_wait3A_260 = arith.constant 0 : i32
        %dma_wait3A_261 = tpu.memref_slice %arg13[%dma_wait3A_259, %dma_wait3A_260] : memref<10240x128xf32, #tpu.memory_space<vmem_shared>> -> memref<10240x128xf32, #tpu.memory_space<vmem_shared>>
        tpu.wait_indirect_dma semaphore(%run_scoped3A : memref<!tpu.dma_semaphore, #tpu.memory_space<semaphore_mem>>) src(%arg11 : memref<64x128xf32, #tpu.memory_space<vmem>>) dst(%dma_wait3A_261 : memref<10240x128xf32, #tpu.memory_space<vmem_shared>>)
        tpu.yield
      }) : () -> ()
      %add3A_222 = arith.constant 2 : i32
      %add3A_223 = arith.addi %add3A_177, %add3A_222 : i32
      %add3A_224 = arith.constant 4 : i32
      %add3A_225 = arith.addi %add3A_223, %add3A_224 : i32
      %lt3A_226 = arith.constant 40 : i32
      %lt3A_227 = arith.cmpi slt, %add3A_225, %lt3A_226 : i32
      %convert_element_type3A_228 = arith.extui %lt3A_227 : i1 to i32
      %cond3A_229 = arith.constant 0 : i32
      %cond3A_230 = arith.cmpi ne, %convert_element_type3A_228, %cond3A_229 : i32
      scf.if %cond3A_230 {
        %add3A_250 = arith.constant 2 : i32
        %add3A_251 = arith.addi %add3A_177, %add3A_250 : i32
        %add3A_252 = arith.constant 4 : i32
        %add3A_253 = arith.addi %add3A_251, %add3A_252 : i32
        %dma_start3A_254 = arith.constant 0 : i32
        %dma_start3A_255 = tpu.memref_slice %arg7[%add3A_253, %dma_start3A_254] : memref<40x64xi32, #tpu.memory_space<vmem>> -> memref<1x64xi32, #tpu.memory_space<vmem>>
        %dma_start3A_256 = tpu.memref_squeeze %dma_start3A_255 : memref<1x64xi32, #tpu.memory_space<vmem>> -> memref<64xi32, #tpu.memory_space<vmem>>
        %dma_start3A_257 = arith.constant 0 : i32
        %dma_start3A_258 = arith.constant 0 : i32
        %dma_start3A_259 = tpu.memref_slice %arg2[%dma_start3A_257, %dma_start3A_258] : memref<10240x128xf32, #tpu.memory_space<hbm>> -> memref<10240x128xf32, #tpu.memory_space<hbm>>
        tpu.enqueue_indirect_dma source(%dma_start3A_259 : memref<10240x128xf32, #tpu.memory_space<hbm>>) target(%arg11 : memref<64x128xf32, #tpu.memory_space<vmem>>) offsets(%dma_start3A_256 : memref<64xi32, #tpu.memory_space<vmem>>) semaphore(%arg16 : memref<!tpu.dma_semaphore, #tpu.memory_space<semaphore_mem>>)
      } else {
      }
      %add3A_231 = arith.constant 3 : i32
      %add3A_232 = arith.addi %add3A_177, %add3A_231 : i32
      %dma_wait3A_233 = arith.constant 0 : i32
      %dma_wait3A_234 = tpu.memref_slice %arg7[%add3A_232, %dma_wait3A_233] : memref<40x64xi32, #tpu.memory_space<vmem>> -> memref<1x64xi32, #tpu.memory_space<vmem>>
      %dma_wait3A_235 = tpu.memref_squeeze %dma_wait3A_234 : memref<1x64xi32, #tpu.memory_space<vmem>> -> memref<64xi32, #tpu.memory_space<vmem>>
      %dma_wait3A_236 = arith.constant 0 : i32
      %dma_wait3A_237 = arith.constant 0 : i32
      %dma_wait3A_238 = tpu.memref_slice %arg2[%dma_wait3A_236, %dma_wait3A_237] : memref<10240x128xf32, #tpu.memory_space<hbm>> -> memref<10240x128xf32, #tpu.memory_space<hbm>>
      tpu.wait_indirect_dma semaphore(%arg17 : memref<!tpu.dma_semaphore, #tpu.memory_space<semaphore_mem>>) src(%dma_wait3A_238 : memref<10240x128xf32, #tpu.memory_space<hbm>>) dst(%arg12 : memref<64x128xf32, #tpu.memory_space<vmem>>)
      %add3A_239 = arith.constant 3 : i32
      %add3A_240 = arith.addi %add3A_177, %add3A_239 : i32
      "tpu.region"() ({
        %run_scoped3A = tpu.sem_alloc : memref<!tpu.dma_semaphore, #tpu.memory_space<semaphore_mem>>
        %dma_start3A_250 = arith.constant 0 : i32
        %dma_start3A_251 = tpu.memref_slice %arg8[%add3A_240, %dma_start3A_250] : memref<40x64xi32, #tpu.memory_space<vmem>> -> memref<1x64xi32, #tpu.memory_space<vmem>>
        %dma_start3A_252 = tpu.memref_squeeze %dma_start3A_251 : memref<1x64xi32, #tpu.memory_space<vmem>> -> memref<64xi32, #tpu.memory_space<vmem>>
        %dma_start3A_253 = arith.constant 0 : i32
        %dma_start3A_254 = arith.constant 0 : i32
        %dma_start3A_255 = tpu.memref_slice %arg13[%dma_start3A_253, %dma_start3A_254] : memref<10240x128xf32, #tpu.memory_space<vmem_shared>> -> memref<10240x128xf32, #tpu.memory_space<vmem_shared>>
        tpu.enqueue_indirect_dma source(%arg12 : memref<64x128xf32, #tpu.memory_space<vmem>>) target(%dma_start3A_255 : memref<10240x128xf32, #tpu.memory_space<vmem_shared>>) offsets(%dma_start3A_252 : memref<64xi32, #tpu.memory_space<vmem>>) semaphore(%run_scoped3A : memref<!tpu.dma_semaphore, #tpu.memory_space<semaphore_mem>>) {add = true}
        %dma_wait3A_256 = arith.constant 0 : i32
        %dma_wait3A_257 = tpu.memref_slice %arg8[%add3A_240, %dma_wait3A_256] : memref<40x64xi32, #tpu.memory_space<vmem>> -> memref<1x64xi32, #tpu.memory_space<vmem>>
        %dma_wait3A_258 = tpu.memref_squeeze %dma_wait3A_257 : memref<1x64xi32, #tpu.memory_space<vmem>> -> memref<64xi32, #tpu.memory_space<vmem>>
        %dma_wait3A_259 = arith.constant 0 : i32
        %dma_wait3A_260 = arith.constant 0 : i32
        %dma_wait3A_261 = tpu.memref_slice %arg13[%dma_wait3A_259, %dma_wait3A_260] : memref<10240x128xf32, #tpu.memory_space<vmem_shared>> -> memref<10240x128xf32, #tpu.memory_space<vmem_shared>>
        tpu.wait_indirect_dma semaphore(%run_scoped3A : memref<!tpu.dma_semaphore, #tpu.memory_space<semaphore_mem>>) src(%arg12 : memref<64x128xf32, #tpu.memory_space<vmem>>) dst(%dma_wait3A_261 : memref<10240x128xf32, #tpu.memory_space<vmem_shared>>)
        tpu.yield
      }) : () -> ()
      %add3A_241 = arith.constant 3 : i32
      %add3A_242 = arith.addi %add3A_177, %add3A_241 : i32
      %add3A_243 = arith.constant 4 : i32
      %add3A_244 = arith.addi %add3A_242, %add3A_243 : i32
      %lt3A_245 = arith.constant 40 : i32
      %lt3A_246 = arith.cmpi slt, %add3A_244, %lt3A_245 : i32
      %convert_element_type3A_247 = arith.extui %lt3A_246 : i1 to i32
      %cond3A_248 = arith.constant 0 : i32
      %cond3A_249 = arith.cmpi ne, %convert_element_type3A_247, %cond3A_248 : i32
      scf.if %cond3A_249 {
        %add3A_250 = arith.constant 3 : i32
        %add3A_251 = arith.addi %add3A_177, %add3A_250 : i32
        %add3A_252 = arith.constant 4 : i32
        %add3A_253 = arith.addi %add3A_251, %add3A_252 : i32
        %dma_start3A_254 = arith.constant 0 : i32
        %dma_start3A_255 = tpu.memref_slice %arg7[%add3A_253, %dma_start3A_254] : memref<40x64xi32, #tpu.memory_space<vmem>> -> memref<1x64xi32, #tpu.memory_space<vmem>>
        %dma_start3A_256 = tpu.memref_squeeze %dma_start3A_255 : memref<1x64xi32, #tpu.memory_space<vmem>> -> memref<64xi32, #tpu.memory_space<vmem>>
        %dma_start3A_257 = arith.constant 0 : i32
        %dma_start3A_258 = arith.constant 0 : i32
        %dma_start3A_259 = tpu.memref_slice %arg2[%dma_start3A_257, %dma_start3A_258] : memref<10240x128xf32, #tpu.memory_space<hbm>> -> memref<10240x128xf32, #tpu.memory_space<hbm>>
        tpu.enqueue_indirect_dma source(%dma_start3A_259 : memref<10240x128xf32, #tpu.memory_space<hbm>>) target(%arg12 : memref<64x128xf32, #tpu.memory_space<vmem>>) offsets(%dma_start3A_256 : memref<64xi32, #tpu.memory_space<vmem>>) semaphore(%arg17 : memref<!tpu.dma_semaphore, #tpu.memory_space<semaphore_mem>>)
      } else {
      }
    }
    %scan3A_41 = arith.constant 10 : i32
    %mul3A_42 = arith.constant 4 : i32
    %mul3A_43 = arith.muli %mul3A_42, %add3A : i32
    %add3A_44 = arith.constant 1 : i32
    %add3A_45 = arith.addi %mul3A_43, %add3A_44 : i32
    "tpu.region"() ({
      %run_scoped3A = tpu.sem_alloc : memref<!tpu.dma_semaphore, #tpu.memory_space<semaphore_mem>>
      %dma_start3A_173 = arith.constant 0 : i32
      %dma_start3A_174 = arith.constant 0 : i32
      %dma_start3A_175 = tpu.memref_slice %arg3[%add3A_45, %dma_start3A_173, %dma_start3A_174] : memref<128x40x64xi32, #tpu.memory_space<hbm>> -> memref<1x40x64xi32, #tpu.memory_space<hbm>>
      %dma_start3A_176 = tpu.memref_squeeze %dma_start3A_175 : memref<1x40x64xi32, #tpu.memory_space<hbm>> -> memref<40x64xi32, #tpu.memory_space<hbm>>
      %dma_start3A_177 = arith.constant 0 : i32
      %dma_start3A_178 = arith.constant 0 : i32
      %dma_start3A_179 = tpu.memref_slice %arg3[%add3A_45, %dma_start3A_177, %dma_start3A_178] : memref<128x40x64xi32, #tpu.memory_space<hbm>> -> memref<1x40x64xi32, #tpu.memory_space<hbm>>
      %dma_start3A_180 = tpu.memref_squeeze %dma_start3A_179 : memref<1x40x64xi32, #tpu.memory_space<hbm>> -> memref<40x64xi32, #tpu.memory_space<hbm>>
      tpu.enqueue_dma source(%dma_start3A_180 : memref<40x64xi32, #tpu.memory_space<hbm>>) target(%arg7 : memref<40x64xi32, #tpu.memory_space<vmem>>) target_semaphore(%run_scoped3A : memref<!tpu.dma_semaphore, #tpu.memory_space<semaphore_mem>>)
      %dma_wait3A = arith.constant 0 : i32
      %dma_wait3A_181 = arith.constant 0 : i32
      %dma_wait3A_182 = tpu.memref_slice %arg3[%add3A_45, %dma_wait3A, %dma_wait3A_181] : memref<128x40x64xi32, #tpu.memory_space<hbm>> -> memref<1x40x64xi32, #tpu.memory_space<hbm>>
      %dma_wait3A_183 = tpu.memref_squeeze %dma_wait3A_182 : memref<1x40x64xi32, #tpu.memory_space<hbm>> -> memref<40x64xi32, #tpu.memory_space<hbm>>
      %dma_wait3A_184 = arith.constant 0 : i32
      %dma_wait3A_185 = arith.constant 0 : i32
      %dma_wait3A_186 = tpu.memref_slice %arg3[%add3A_45, %dma_wait3A_184, %dma_wait3A_185] : memref<128x40x64xi32, #tpu.memory_space<hbm>> -> memref<1x40x64xi32, #tpu.memory_space<hbm>>
      %dma_wait3A_187 = tpu.memref_squeeze %dma_wait3A_186 : memref<1x40x64xi32, #tpu.memory_space<hbm>> -> memref<40x64xi32, #tpu.memory_space<hbm>>
      tpu.wait_dma2 semaphore(%run_scoped3A : memref<!tpu.dma_semaphore, #tpu.memory_space<semaphore_mem>>) src(%dma_wait3A_187 : memref<40x64xi32, #tpu.memory_space<hbm>>) dst(%arg7 : memref<40x64xi32, #tpu.memory_space<vmem>>)
      tpu.yield
    }) : () -> ()
    %mul3A_46 = arith.constant 4 : i32
    %mul3A_47 = arith.muli %mul3A_46, %add3A : i32
    %add3A_48 = arith.constant 1 : i32
    %add3A_49 = arith.addi %mul3A_47, %add3A_48 : i32
    "tpu.region"() ({
      %run_scoped3A = tpu.sem_alloc : memref<!tpu.dma_semaphore, #tpu.memory_space<semaphore_mem>>
      %dma_start3A_173 = arith.constant 0 : i32
      %dma_start3A_174 = arith.constant 0 : i32
      %dma_start3A_175 = tpu.memref_slice %arg4[%add3A_49, %dma_start3A_173, %dma_start3A_174] : memref<128x40x64xi32, #tpu.memory_space<hbm>> -> memref<1x40x64xi32, #tpu.memory_space<hbm>>
      %dma_start3A_176 = tpu.memref_squeeze %dma_start3A_175 : memref<1x40x64xi32, #tpu.memory_space<hbm>> -> memref<40x64xi32, #tpu.memory_space<hbm>>
      %dma_start3A_177 = arith.constant 0 : i32
      %dma_start3A_178 = arith.constant 0 : i32
      %dma_start3A_179 = tpu.memref_slice %arg4[%add3A_49, %dma_start3A_177, %dma_start3A_178] : memref<128x40x64xi32, #tpu.memory_space<hbm>> -> memref<1x40x64xi32, #tpu.memory_space<hbm>>
      %dma_start3A_180 = tpu.memref_squeeze %dma_start3A_179 : memref<1x40x64xi32, #tpu.memory_space<hbm>> -> memref<40x64xi32, #tpu.memory_space<hbm>>
      tpu.enqueue_dma source(%dma_start3A_180 : memref<40x64xi32, #tpu.memory_space<hbm>>) target(%arg8 : memref<40x64xi32, #tpu.memory_space<vmem>>) target_semaphore(%run_scoped3A : memref<!tpu.dma_semaphore, #tpu.memory_space<semaphore_mem>>)
      %dma_wait3A = arith.constant 0 : i32
      %dma_wait3A_181 = arith.constant 0 : i32
      %dma_wait3A_182 = tpu.memref_slice %arg4[%add3A_49, %dma_wait3A, %dma_wait3A_181] : memref<128x40x64xi32, #tpu.memory_space<hbm>> -> memref<1x40x64xi32, #tpu.memory_space<hbm>>
      %dma_wait3A_183 = tpu.memref_squeeze %dma_wait3A_182 : memref<1x40x64xi32, #tpu.memory_space<hbm>> -> memref<40x64xi32, #tpu.memory_space<hbm>>
      %dma_wait3A_184 = arith.constant 0 : i32
      %dma_wait3A_185 = arith.constant 0 : i32
      %dma_wait3A_186 = tpu.memref_slice %arg4[%add3A_49, %dma_wait3A_184, %dma_wait3A_185] : memref<128x40x64xi32, #tpu.memory_space<hbm>> -> memref<1x40x64xi32, #tpu.memory_space<hbm>>
      %dma_wait3A_187 = tpu.memref_squeeze %dma_wait3A_186 : memref<1x40x64xi32, #tpu.memory_space<hbm>> -> memref<40x64xi32, #tpu.memory_space<hbm>>
      tpu.wait_dma2 semaphore(%run_scoped3A : memref<!tpu.dma_semaphore, #tpu.memory_space<semaphore_mem>>) src(%dma_wait3A_187 : memref<40x64xi32, #tpu.memory_space<hbm>>) dst(%arg8 : memref<40x64xi32, #tpu.memory_space<vmem>>)
      tpu.yield
    }) : () -> ()
    %dma_start3A_50 = arith.constant 0 : i32
    %dma_start3A_51 = arith.constant 0 : i32
    %dma_start3A_52 = tpu.memref_slice %arg7[%dma_start3A_50, %dma_start3A_51] : memref<40x64xi32, #tpu.memory_space<vmem>> -> memref<1x64xi32, #tpu.memory_space<vmem>>
    %dma_start3A_53 = tpu.memref_squeeze %dma_start3A_52 : memref<1x64xi32, #tpu.memory_space<vmem>> -> memref<64xi32, #tpu.memory_space<vmem>>
    %dma_start3A_54 = arith.constant 0 : i32
    %dma_start3A_55 = arith.constant 0 : i32
    %dma_start3A_56 = tpu.memref_slice %arg2[%dma_start3A_54, %dma_start3A_55] : memref<10240x128xf32, #tpu.memory_space<hbm>> -> memref<10240x128xf32, #tpu.memory_space<hbm>>
    tpu.enqueue_indirect_dma source(%dma_start3A_56 : memref<10240x128xf32, #tpu.memory_space<hbm>>) target(%arg9 : memref<64x128xf32, #tpu.memory_space<vmem>>) offsets(%dma_start3A_53 : memref<64xi32, #tpu.memory_space<vmem>>) semaphore(%arg14 : memref<!tpu.dma_semaphore, #tpu.memory_space<semaphore_mem>>)
    %dma_start3A_57 = arith.constant 1 : i32
    %dma_start3A_58 = arith.constant 0 : i32
    %dma_start3A_59 = tpu.memref_slice %arg7[%dma_start3A_57, %dma_start3A_58] : memref<40x64xi32, #tpu.memory_space<vmem>> -> memref<1x64xi32, #tpu.memory_space<vmem>>
    %dma_start3A_60 = tpu.memref_squeeze %dma_start3A_59 : memref<1x64xi32, #tpu.memory_space<vmem>> -> memref<64xi32, #tpu.memory_space<vmem>>
    %dma_start3A_61 = arith.constant 0 : i32
    %dma_start3A_62 = arith.constant 0 : i32
    %dma_start3A_63 = tpu.memref_slice %arg2[%dma_start3A_61, %dma_start3A_62] : memref<10240x128xf32, #tpu.memory_space<hbm>> -> memref<10240x128xf32, #tpu.memory_space<hbm>>
    tpu.enqueue_indirect_dma source(%dma_start3A_63 : memref<10240x128xf32, #tpu.memory_space<hbm>>) target(%arg10 : memref<64x128xf32, #tpu.memory_space<vmem>>) offsets(%dma_start3A_60 : memref<64xi32, #tpu.memory_space<vmem>>) semaphore(%arg15 : memref<!tpu.dma_semaphore, #tpu.memory_space<semaphore_mem>>)
    %dma_start3A_64 = arith.constant 2 : i32
    %dma_start3A_65 = arith.constant 0 : i32
    %dma_start3A_66 = tpu.memref_slice %arg7[%dma_start3A_64, %dma_start3A_65] : memref<40x64xi32, #tpu.memory_space<vmem>> -> memref<1x64xi32, #tpu.memory_space<vmem>>
    %dma_start3A_67 = tpu.memref_squeeze %dma_start3A_66 : memref<1x64xi32, #tpu.memory_space<vmem>> -> memref<64xi32, #tpu.memory_space<vmem>>
    %dma_start3A_68 = arith.constant 0 : i32
    %dma_start3A_69 = arith.constant 0 : i32
    %dma_start3A_70 = tpu.memref_slice %arg2[%dma_start3A_68, %dma_start3A_69] : memref<10240x128xf32, #tpu.memory_space<hbm>> -> memref<10240x128xf32, #tpu.memory_space<hbm>>
    tpu.enqueue_indirect_dma source(%dma_start3A_70 : memref<10240x128xf32, #tpu.memory_space<hbm>>) target(%arg11 : memref<64x128xf32, #tpu.memory_space<vmem>>) offsets(%dma_start3A_67 : memref<64xi32, #tpu.memory_space<vmem>>) semaphore(%arg16 : memref<!tpu.dma_semaphore, #tpu.memory_space<semaphore_mem>>)
    %dma_start3A_71 = arith.constant 3 : i32
    %dma_start3A_72 = arith.constant 0 : i32
    %dma_start3A_73 = tpu.memref_slice %arg7[%dma_start3A_71, %dma_start3A_72] : memref<40x64xi32, #tpu.memory_space<vmem>> -> memref<1x64xi32, #tpu.memory_space<vmem>>
    %dma_start3A_74 = tpu.memref_squeeze %dma_start3A_73 : memref<1x64xi32, #tpu.memory_space<vmem>> -> memref<64xi32, #tpu.memory_space<vmem>>
    %dma_start3A_75 = arith.constant 0 : i32
    %dma_start3A_76 = arith.constant 0 : i32
    %dma_start3A_77 = tpu.memref_slice %arg2[%dma_start3A_75, %dma_start3A_76] : memref<10240x128xf32, #tpu.memory_space<hbm>> -> memref<10240x128xf32, #tpu.memory_space<hbm>>
    tpu.enqueue_indirect_dma source(%dma_start3A_77 : memref<10240x128xf32, #tpu.memory_space<hbm>>) target(%arg12 : memref<64x128xf32, #tpu.memory_space<vmem>>) offsets(%dma_start3A_74 : memref<64xi32, #tpu.memory_space<vmem>>) semaphore(%arg17 : memref<!tpu.dma_semaphore, #tpu.memory_space<semaphore_mem>>)
    %scan3A_78 = arith.constant 0 : i32
    %scan3A_79 = arith.constant 10 : i32
    %scan3A_80 = arith.addi %scan3A_78, %scan3A_79 : i32
    %scan3A_81 = arith.constant 1 : i32
    scf.for %scan3A_173 = %scan3A_78 to %scan3A_80 step %scan3A_81  : i32 {
      %mul3A_174 = arith.constant 4 : i32
      %mul3A_175 = arith.muli %scan3A_173, %mul3A_174 : i32
      %add3A_176 = arith.constant 0 : i32
      %add3A_177 = arith.addi %add3A_176, %mul3A_175 : i32
      %add3A_178 = arith.constant 0 : i32
      %add3A_179 = arith.addi %add3A_177, %add3A_178 : i32
      %dma_wait3A = arith.constant 0 : i32
      %dma_wait3A_180 = tpu.memref_slice %arg7[%add3A_179, %dma_wait3A] : memref<40x64xi32, #tpu.memory_space<vmem>> -> memref<1x64xi32, #tpu.memory_space<vmem>>
      %dma_wait3A_181 = tpu.memref_squeeze %dma_wait3A_180 : memref<1x64xi32, #tpu.memory_space<vmem>> -> memref<64xi32, #tpu.memory_space<vmem>>
      %dma_wait3A_182 = arith.constant 0 : i32
      %dma_wait3A_183 = arith.constant 0 : i32
      %dma_wait3A_184 = tpu.memref_slice %arg2[%dma_wait3A_182, %dma_wait3A_183] : memref<10240x128xf32, #tpu.memory_space<hbm>> -> memref<10240x128xf32, #tpu.memory_space<hbm>>
      tpu.wait_indirect_dma semaphore(%arg14 : memref<!tpu.dma_semaphore, #tpu.memory_space<semaphore_mem>>) src(%dma_wait3A_184 : memref<10240x128xf32, #tpu.memory_space<hbm>>) dst(%arg9 : memref<64x128xf32, #tpu.memory_space<vmem>>)
      %add3A_185 = arith.constant 0 : i32
      %add3A_186 = arith.addi %add3A_177, %add3A_185 : i32
      "tpu.region"() ({
        %run_scoped3A = tpu.sem_alloc : memref<!tpu.dma_semaphore, #tpu.memory_space<semaphore_mem>>
        %dma_start3A_250 = arith.constant 0 : i32
        %dma_start3A_251 = tpu.memref_slice %arg8[%add3A_186, %dma_start3A_250] : memref<40x64xi32, #tpu.memory_space<vmem>> -> memref<1x64xi32, #tpu.memory_space<vmem>>
        %dma_start3A_252 = tpu.memref_squeeze %dma_start3A_251 : memref<1x64xi32, #tpu.memory_space<vmem>> -> memref<64xi32, #tpu.memory_space<vmem>>
        %dma_start3A_253 = arith.constant 0 : i32
        %dma_start3A_254 = arith.constant 0 : i32
        %dma_start3A_255 = tpu.memref_slice %arg13[%dma_start3A_253, %dma_start3A_254] : memref<10240x128xf32, #tpu.memory_space<vmem_shared>> -> memref<10240x128xf32, #tpu.memory_space<vmem_shared>>
        tpu.enqueue_indirect_dma source(%arg9 : memref<64x128xf32, #tpu.memory_space<vmem>>) target(%dma_start3A_255 : memref<10240x128xf32, #tpu.memory_space<vmem_shared>>) offsets(%dma_start3A_252 : memref<64xi32, #tpu.memory_space<vmem>>) semaphore(%run_scoped3A : memref<!tpu.dma_semaphore, #tpu.memory_space<semaphore_mem>>) {add = true}
        %dma_wait3A_256 = arith.constant 0 : i32
        %dma_wait3A_257 = tpu.memref_slice %arg8[%add3A_186, %dma_wait3A_256] : memref<40x64xi32, #tpu.memory_space<vmem>> -> memref<1x64xi32, #tpu.memory_space<vmem>>
        %dma_wait3A_258 = tpu.memref_squeeze %dma_wait3A_257 : memref<1x64xi32, #tpu.memory_space<vmem>> -> memref<64xi32, #tpu.memory_space<vmem>>
        %dma_wait3A_259 = arith.constant 0 : i32
        %dma_wait3A_260 = arith.constant 0 : i32
        %dma_wait3A_261 = tpu.memref_slice %arg13[%dma_wait3A_259, %dma_wait3A_260] : memref<10240x128xf32, #tpu.memory_space<vmem_shared>> -> memref<10240x128xf32, #tpu.memory_space<vmem_shared>>
        tpu.wait_indirect_dma semaphore(%run_scoped3A : memref<!tpu.dma_semaphore, #tpu.memory_space<semaphore_mem>>) src(%arg9 : memref<64x128xf32, #tpu.memory_space<vmem>>) dst(%dma_wait3A_261 : memref<10240x128xf32, #tpu.memory_space<vmem_shared>>)
        tpu.yield
      }) : () -> ()
      %add3A_187 = arith.constant 0 : i32
      %add3A_188 = arith.addi %add3A_177, %add3A_187 : i32
      %add3A_189 = arith.constant 4 : i32
      %add3A_190 = arith.addi %add3A_188, %add3A_189 : i32
      %lt3A = arith.constant 40 : i32
      %lt3A_191 = arith.cmpi slt, %add3A_190, %lt3A : i32
      %convert_element_type3A = arith.extui %lt3A_191 : i1 to i32
      %cond3A = arith.constant 0 : i32
      %cond3A_192 = arith.cmpi ne, %convert_element_type3A, %cond3A : i32
      scf.if %cond3A_192 {
        %add3A_250 = arith.constant 0 : i32
        %add3A_251 = arith.addi %add3A_177, %add3A_250 : i32
        %add3A_252 = arith.constant 4 : i32
        %add3A_253 = arith.addi %add3A_251, %add3A_252 : i32
        %dma_start3A_254 = arith.constant 0 : i32
        %dma_start3A_255 = tpu.memref_slice %arg7[%add3A_253, %dma_start3A_254] : memref<40x64xi32, #tpu.memory_space<vmem>> -> memref<1x64xi32, #tpu.memory_space<vmem>>
        %dma_start3A_256 = tpu.memref_squeeze %dma_start3A_255 : memref<1x64xi32, #tpu.memory_space<vmem>> -> memref<64xi32, #tpu.memory_space<vmem>>
        %dma_start3A_257 = arith.constant 0 : i32
        %dma_start3A_258 = arith.constant 0 : i32
        %dma_start3A_259 = tpu.memref_slice %arg2[%dma_start3A_257, %dma_start3A_258] : memref<10240x128xf32, #tpu.memory_space<hbm>> -> memref<10240x128xf32, #tpu.memory_space<hbm>>
        tpu.enqueue_indirect_dma source(%dma_start3A_259 : memref<10240x128xf32, #tpu.memory_space<hbm>>) target(%arg9 : memref<64x128xf32, #tpu.memory_space<vmem>>) offsets(%dma_start3A_256 : memref<64xi32, #tpu.memory_space<vmem>>) semaphore(%arg14 : memref<!tpu.dma_semaphore, #tpu.memory_space<semaphore_mem>>)
      } else {
      }
      %add3A_193 = arith.constant 1 : i32
      %add3A_194 = arith.addi %add3A_177, %add3A_193 : i32
      %dma_wait3A_195 = arith.constant 0 : i32
      %dma_wait3A_196 = tpu.memref_slice %arg7[%add3A_194, %dma_wait3A_195] : memref<40x64xi32, #tpu.memory_space<vmem>> -> memref<1x64xi32, #tpu.memory_space<vmem>>
      %dma_wait3A_197 = tpu.memref_squeeze %dma_wait3A_196 : memref<1x64xi32, #tpu.memory_space<vmem>> -> memref<64xi32, #tpu.memory_space<vmem>>
      %dma_wait3A_198 = arith.constant 0 : i32
      %dma_wait3A_199 = arith.constant 0 : i32
      %dma_wait3A_200 = tpu.memref_slice %arg2[%dma_wait3A_198, %dma_wait3A_199] : memref<10240x128xf32, #tpu.memory_space<hbm>> -> memref<10240x128xf32, #tpu.memory_space<hbm>>
      tpu.wait_indirect_dma semaphore(%arg15 : memref<!tpu.dma_semaphore, #tpu.memory_space<semaphore_mem>>) src(%dma_wait3A_200 : memref<10240x128xf32, #tpu.memory_space<hbm>>) dst(%arg10 : memref<64x128xf32, #tpu.memory_space<vmem>>)
      %add3A_201 = arith.constant 1 : i32
      %add3A_202 = arith.addi %add3A_177, %add3A_201 : i32
      "tpu.region"() ({
        %run_scoped3A = tpu.sem_alloc : memref<!tpu.dma_semaphore, #tpu.memory_space<semaphore_mem>>
        %dma_start3A_250 = arith.constant 0 : i32
        %dma_start3A_251 = tpu.memref_slice %arg8[%add3A_202, %dma_start3A_250] : memref<40x64xi32, #tpu.memory_space<vmem>> -> memref<1x64xi32, #tpu.memory_space<vmem>>
        %dma_start3A_252 = tpu.memref_squeeze %dma_start3A_251 : memref<1x64xi32, #tpu.memory_space<vmem>> -> memref<64xi32, #tpu.memory_space<vmem>>
        %dma_start3A_253 = arith.constant 0 : i32
        %dma_start3A_254 = arith.constant 0 : i32
        %dma_start3A_255 = tpu.memref_slice %arg13[%dma_start3A_253, %dma_start3A_254] : memref<10240x128xf32, #tpu.memory_space<vmem_shared>> -> memref<10240x128xf32, #tpu.memory_space<vmem_shared>>
        tpu.enqueue_indirect_dma source(%arg10 : memref<64x128xf32, #tpu.memory_space<vmem>>) target(%dma_start3A_255 : memref<10240x128xf32, #tpu.memory_space<vmem_shared>>) offsets(%dma_start3A_252 : memref<64xi32, #tpu.memory_space<vmem>>) semaphore(%run_scoped3A : memref<!tpu.dma_semaphore, #tpu.memory_space<semaphore_mem>>) {add = true}
        %dma_wait3A_256 = arith.constant 0 : i32
        %dma_wait3A_257 = tpu.memref_slice %arg8[%add3A_202, %dma_wait3A_256] : memref<40x64xi32, #tpu.memory_space<vmem>> -> memref<1x64xi32, #tpu.memory_space<vmem>>
        %dma_wait3A_258 = tpu.memref_squeeze %dma_wait3A_257 : memref<1x64xi32, #tpu.memory_space<vmem>> -> memref<64xi32, #tpu.memory_space<vmem>>
        %dma_wait3A_259 = arith.constant 0 : i32
        %dma_wait3A_260 = arith.constant 0 : i32
        %dma_wait3A_261 = tpu.memref_slice %arg13[%dma_wait3A_259, %dma_wait3A_260] : memref<10240x128xf32, #tpu.memory_space<vmem_shared>> -> memref<10240x128xf32, #tpu.memory_space<vmem_shared>>
        tpu.wait_indirect_dma semaphore(%run_scoped3A : memref<!tpu.dma_semaphore, #tpu.memory_space<semaphore_mem>>) src(%arg10 : memref<64x128xf32, #tpu.memory_space<vmem>>) dst(%dma_wait3A_261 : memref<10240x128xf32, #tpu.memory_space<vmem_shared>>)
        tpu.yield
      }) : () -> ()
      %add3A_203 = arith.constant 1 : i32
      %add3A_204 = arith.addi %add3A_177, %add3A_203 : i32
      %add3A_205 = arith.constant 4 : i32
      %add3A_206 = arith.addi %add3A_204, %add3A_205 : i32
      %lt3A_207 = arith.constant 40 : i32
      %lt3A_208 = arith.cmpi slt, %add3A_206, %lt3A_207 : i32
      %convert_element_type3A_209 = arith.extui %lt3A_208 : i1 to i32
      %cond3A_210 = arith.constant 0 : i32
      %cond3A_211 = arith.cmpi ne, %convert_element_type3A_209, %cond3A_210 : i32
      scf.if %cond3A_211 {
        %add3A_250 = arith.constant 1 : i32
        %add3A_251 = arith.addi %add3A_177, %add3A_250 : i32
        %add3A_252 = arith.constant 4 : i32
        %add3A_253 = arith.addi %add3A_251, %add3A_252 : i32
        %dma_start3A_254 = arith.constant 0 : i32
        %dma_start3A_255 = tpu.memref_slice %arg7[%add3A_253, %dma_start3A_254] : memref<40x64xi32, #tpu.memory_space<vmem>> -> memref<1x64xi32, #tpu.memory_space<vmem>>
        %dma_start3A_256 = tpu.memref_squeeze %dma_start3A_255 : memref<1x64xi32, #tpu.memory_space<vmem>> -> memref<64xi32, #tpu.memory_space<vmem>>
        %dma_start3A_257 = arith.constant 0 : i32
        %dma_start3A_258 = arith.constant 0 : i32
        %dma_start3A_259 = tpu.memref_slice %arg2[%dma_start3A_257, %dma_start3A_258] : memref<10240x128xf32, #tpu.memory_space<hbm>> -> memref<10240x128xf32, #tpu.memory_space<hbm>>
        tpu.enqueue_indirect_dma source(%dma_start3A_259 : memref<10240x128xf32, #tpu.memory_space<hbm>>) target(%arg10 : memref<64x128xf32, #tpu.memory_space<vmem>>) offsets(%dma_start3A_256 : memref<64xi32, #tpu.memory_space<vmem>>) semaphore(%arg15 : memref<!tpu.dma_semaphore, #tpu.memory_space<semaphore_mem>>)
      } else {
      }
      %add3A_212 = arith.constant 2 : i32
      %add3A_213 = arith.addi %add3A_177, %add3A_212 : i32
      %dma_wait3A_214 = arith.constant 0 : i32
      %dma_wait3A_215 = tpu.memref_slice %arg7[%add3A_213, %dma_wait3A_214] : memref<40x64xi32, #tpu.memory_space<vmem>> -> memref<1x64xi32, #tpu.memory_space<vmem>>
      %dma_wait3A_216 = tpu.memref_squeeze %dma_wait3A_215 : memref<1x64xi32, #tpu.memory_space<vmem>> -> memref<64xi32, #tpu.memory_space<vmem>>
      %dma_wait3A_217 = arith.constant 0 : i32
      %dma_wait3A_218 = arith.constant 0 : i32
      %dma_wait3A_219 = tpu.memref_slice %arg2[%dma_wait3A_217, %dma_wait3A_218] : memref<10240x128xf32, #tpu.memory_space<hbm>> -> memref<10240x128xf32, #tpu.memory_space<hbm>>
      tpu.wait_indirect_dma semaphore(%arg16 : memref<!tpu.dma_semaphore, #tpu.memory_space<semaphore_mem>>) src(%dma_wait3A_219 : memref<10240x128xf32, #tpu.memory_space<hbm>>) dst(%arg11 : memref<64x128xf32, #tpu.memory_space<vmem>>)
      %add3A_220 = arith.constant 2 : i32
      %add3A_221 = arith.addi %add3A_177, %add3A_220 : i32
      "tpu.region"() ({
        %run_scoped3A = tpu.sem_alloc : memref<!tpu.dma_semaphore, #tpu.memory_space<semaphore_mem>>
        %dma_start3A_250 = arith.constant 0 : i32
        %dma_start3A_251 = tpu.memref_slice %arg8[%add3A_221, %dma_start3A_250] : memref<40x64xi32, #tpu.memory_space<vmem>> -> memref<1x64xi32, #tpu.memory_space<vmem>>
        %dma_start3A_252 = tpu.memref_squeeze %dma_start3A_251 : memref<1x64xi32, #tpu.memory_space<vmem>> -> memref<64xi32, #tpu.memory_space<vmem>>
        %dma_start3A_253 = arith.constant 0 : i32
        %dma_start3A_254 = arith.constant 0 : i32
        %dma_start3A_255 = tpu.memref_slice %arg13[%dma_start3A_253, %dma_start3A_254] : memref<10240x128xf32, #tpu.memory_space<vmem_shared>> -> memref<10240x128xf32, #tpu.memory_space<vmem_shared>>
        tpu.enqueue_indirect_dma source(%arg11 : memref<64x128xf32, #tpu.memory_space<vmem>>) target(%dma_start3A_255 : memref<10240x128xf32, #tpu.memory_space<vmem_shared>>) offsets(%dma_start3A_252 : memref<64xi32, #tpu.memory_space<vmem>>) semaphore(%run_scoped3A : memref<!tpu.dma_semaphore, #tpu.memory_space<semaphore_mem>>) {add = true}
        %dma_wait3A_256 = arith.constant 0 : i32
        %dma_wait3A_257 = tpu.memref_slice %arg8[%add3A_221, %dma_wait3A_256] : memref<40x64xi32, #tpu.memory_space<vmem>> -> memref<1x64xi32, #tpu.memory_space<vmem>>
        %dma_wait3A_258 = tpu.memref_squeeze %dma_wait3A_257 : memref<1x64xi32, #tpu.memory_space<vmem>> -> memref<64xi32, #tpu.memory_space<vmem>>
        %dma_wait3A_259 = arith.constant 0 : i32
        %dma_wait3A_260 = arith.constant 0 : i32
        %dma_wait3A_261 = tpu.memref_slice %arg13[%dma_wait3A_259, %dma_wait3A_260] : memref<10240x128xf32, #tpu.memory_space<vmem_shared>> -> memref<10240x128xf32, #tpu.memory_space<vmem_shared>>
        tpu.wait_indirect_dma semaphore(%run_scoped3A : memref<!tpu.dma_semaphore, #tpu.memory_space<semaphore_mem>>) src(%arg11 : memref<64x128xf32, #tpu.memory_space<vmem>>) dst(%dma_wait3A_261 : memref<10240x128xf32, #tpu.memory_space<vmem_shared>>)
        tpu.yield
      }) : () -> ()
      %add3A_222 = arith.constant 2 : i32
      %add3A_223 = arith.addi %add3A_177, %add3A_222 : i32
      %add3A_224 = arith.constant 4 : i32
      %add3A_225 = arith.addi %add3A_223, %add3A_224 : i32
      %lt3A_226 = arith.constant 40 : i32
      %lt3A_227 = arith.cmpi slt, %add3A_225, %lt3A_226 : i32
      %convert_element_type3A_228 = arith.extui %lt3A_227 : i1 to i32
      %cond3A_229 = arith.constant 0 : i32
      %cond3A_230 = arith.cmpi ne, %convert_element_type3A_228, %cond3A_229 : i32
      scf.if %cond3A_230 {
        %add3A_250 = arith.constant 2 : i32
        %add3A_251 = arith.addi %add3A_177, %add3A_250 : i32
        %add3A_252 = arith.constant 4 : i32
        %add3A_253 = arith.addi %add3A_251, %add3A_252 : i32
        %dma_start3A_254 = arith.constant 0 : i32
        %dma_start3A_255 = tpu.memref_slice %arg7[%add3A_253, %dma_start3A_254] : memref<40x64xi32, #tpu.memory_space<vmem>> -> memref<1x64xi32, #tpu.memory_space<vmem>>
        %dma_start3A_256 = tpu.memref_squeeze %dma_start3A_255 : memref<1x64xi32, #tpu.memory_space<vmem>> -> memref<64xi32, #tpu.memory_space<vmem>>
        %dma_start3A_257 = arith.constant 0 : i32
        %dma_start3A_258 = arith.constant 0 : i32
        %dma_start3A_259 = tpu.memref_slice %arg2[%dma_start3A_257, %dma_start3A_258] : memref<10240x128xf32, #tpu.memory_space<hbm>> -> memref<10240x128xf32, #tpu.memory_space<hbm>>
        tpu.enqueue_indirect_dma source(%dma_start3A_259 : memref<10240x128xf32, #tpu.memory_space<hbm>>) target(%arg11 : memref<64x128xf32, #tpu.memory_space<vmem>>) offsets(%dma_start3A_256 : memref<64xi32, #tpu.memory_space<vmem>>) semaphore(%arg16 : memref<!tpu.dma_semaphore, #tpu.memory_space<semaphore_mem>>)
      } else {
      }
      %add3A_231 = arith.constant 3 : i32
      %add3A_232 = arith.addi %add3A_177, %add3A_231 : i32
      %dma_wait3A_233 = arith.constant 0 : i32
      %dma_wait3A_234 = tpu.memref_slice %arg7[%add3A_232, %dma_wait3A_233] : memref<40x64xi32, #tpu.memory_space<vmem>> -> memref<1x64xi32, #tpu.memory_space<vmem>>
      %dma_wait3A_235 = tpu.memref_squeeze %dma_wait3A_234 : memref<1x64xi32, #tpu.memory_space<vmem>> -> memref<64xi32, #tpu.memory_space<vmem>>
      %dma_wait3A_236 = arith.constant 0 : i32
      %dma_wait3A_237 = arith.constant 0 : i32
      %dma_wait3A_238 = tpu.memref_slice %arg2[%dma_wait3A_236, %dma_wait3A_237] : memref<10240x128xf32, #tpu.memory_space<hbm>> -> memref<10240x128xf32, #tpu.memory_space<hbm>>
      tpu.wait_indirect_dma semaphore(%arg17 : memref<!tpu.dma_semaphore, #tpu.memory_space<semaphore_mem>>) src(%dma_wait3A_238 : memref<10240x128xf32, #tpu.memory_space<hbm>>) dst(%arg12 : memref<64x128xf32, #tpu.memory_space<vmem>>)
      %add3A_239 = arith.constant 3 : i32
      %add3A_240 = arith.addi %add3A_177, %add3A_239 : i32
      "tpu.region"() ({
        %run_scoped3A = tpu.sem_alloc : memref<!tpu.dma_semaphore, #tpu.memory_space<semaphore_mem>>
        %dma_start3A_250 = arith.constant 0 : i32
        %dma_start3A_251 = tpu.memref_slice %arg8[%add3A_240, %dma_start3A_250] : memref<40x64xi32, #tpu.memory_space<vmem>> -> memref<1x64xi32, #tpu.memory_space<vmem>>
        %dma_start3A_252 = tpu.memref_squeeze %dma_start3A_251 : memref<1x64xi32, #tpu.memory_space<vmem>> -> memref<64xi32, #tpu.memory_space<vmem>>
        %dma_start3A_253 = arith.constant 0 : i32
        %dma_start3A_254 = arith.constant 0 : i32
        %dma_start3A_255 = tpu.memref_slice %arg13[%dma_start3A_253, %dma_start3A_254] : memref<10240x128xf32, #tpu.memory_space<vmem_shared>> -> memref<10240x128xf32, #tpu.memory_space<vmem_shared>>
        tpu.enqueue_indirect_dma source(%arg12 : memref<64x128xf32, #tpu.memory_space<vmem>>) target(%dma_start3A_255 : memref<10240x128xf32, #tpu.memory_space<vmem_shared>>) offsets(%dma_start3A_252 : memref<64xi32, #tpu.memory_space<vmem>>) semaphore(%run_scoped3A : memref<!tpu.dma_semaphore, #tpu.memory_space<semaphore_mem>>) {add = true}
        %dma_wait3A_256 = arith.constant 0 : i32
        %dma_wait3A_257 = tpu.memref_slice %arg8[%add3A_240, %dma_wait3A_256] : memref<40x64xi32, #tpu.memory_space<vmem>> -> memref<1x64xi32, #tpu.memory_space<vmem>>
        %dma_wait3A_258 = tpu.memref_squeeze %dma_wait3A_257 : memref<1x64xi32, #tpu.memory_space<vmem>> -> memref<64xi32, #tpu.memory_space<vmem>>
        %dma_wait3A_259 = arith.constant 0 : i32
        %dma_wait3A_260 = arith.constant 0 : i32
        %dma_wait3A_261 = tpu.memref_slice %arg13[%dma_wait3A_259, %dma_wait3A_260] : memref<10240x128xf32, #tpu.memory_space<vmem_shared>> -> memref<10240x128xf32, #tpu.memory_space<vmem_shared>>
        tpu.wait_indirect_dma semaphore(%run_scoped3A : memref<!tpu.dma_semaphore, #tpu.memory_space<semaphore_mem>>) src(%arg12 : memref<64x128xf32, #tpu.memory_space<vmem>>) dst(%dma_wait3A_261 : memref<10240x128xf32, #tpu.memory_space<vmem_shared>>)
        tpu.yield
      }) : () -> ()
      %add3A_241 = arith.constant 3 : i32
      %add3A_242 = arith.addi %add3A_177, %add3A_241 : i32
      %add3A_243 = arith.constant 4 : i32
      %add3A_244 = arith.addi %add3A_242, %add3A_243 : i32
      %lt3A_245 = arith.constant 40 : i32
      %lt3A_246 = arith.cmpi slt, %add3A_244, %lt3A_245 : i32
      %convert_element_type3A_247 = arith.extui %lt3A_246 : i1 to i32
      %cond3A_248 = arith.constant 0 : i32
      %cond3A_249 = arith.cmpi ne, %convert_element_type3A_247, %cond3A_248 : i32
      scf.if %cond3A_249 {
        %add3A_250 = arith.constant 3 : i32
        %add3A_251 = arith.addi %add3A_177, %add3A_250 : i32
        %add3A_252 = arith.constant 4 : i32
        %add3A_253 = arith.addi %add3A_251, %add3A_252 : i32
        %dma_start3A_254 = arith.constant 0 : i32
        %dma_start3A_255 = tpu.memref_slice %arg7[%add3A_253, %dma_start3A_254] : memref<40x64xi32, #tpu.memory_space<vmem>> -> memref<1x64xi32, #tpu.memory_space<vmem>>
        %dma_start3A_256 = tpu.memref_squeeze %dma_start3A_255 : memref<1x64xi32, #tpu.memory_space<vmem>> -> memref<64xi32, #tpu.memory_space<vmem>>
        %dma_start3A_257 = arith.constant 0 : i32
        %dma_start3A_258 = arith.constant 0 : i32
        %dma_start3A_259 = tpu.memref_slice %arg2[%dma_start3A_257, %dma_start3A_258] : memref<10240x128xf32, #tpu.memory_space<hbm>> -> memref<10240x128xf32, #tpu.memory_space<hbm>>
        tpu.enqueue_indirect_dma source(%dma_start3A_259 : memref<10240x128xf32, #tpu.memory_space<hbm>>) target(%arg12 : memref<64x128xf32, #tpu.memory_space<vmem>>) offsets(%dma_start3A_256 : memref<64xi32, #tpu.memory_space<vmem>>) semaphore(%arg17 : memref<!tpu.dma_semaphore, #tpu.memory_space<semaphore_mem>>)
      } else {
      }
    }
    %scan3A_82 = arith.constant 10 : i32
    %mul3A_83 = arith.constant 4 : i32
    %mul3A_84 = arith.muli %mul3A_83, %add3A : i32
    %add3A_85 = arith.constant 2 : i32
    %add3A_86 = arith.addi %mul3A_84, %add3A_85 : i32
    "tpu.region"() ({
      %run_scoped3A = tpu.sem_alloc : memref<!tpu.dma_semaphore, #tpu.memory_space<semaphore_mem>>
      %dma_start3A_173 = arith.constant 0 : i32
      %dma_start3A_174 = arith.constant 0 : i32
      %dma_start3A_175 = tpu.memref_slice %arg3[%add3A_86, %dma_start3A_173, %dma_start3A_174] : memref<128x40x64xi32, #tpu.memory_space<hbm>> -> memref<1x40x64xi32, #tpu.memory_space<hbm>>
      %dma_start3A_176 = tpu.memref_squeeze %dma_start3A_175 : memref<1x40x64xi32, #tpu.memory_space<hbm>> -> memref<40x64xi32, #tpu.memory_space<hbm>>
      %dma_start3A_177 = arith.constant 0 : i32
      %dma_start3A_178 = arith.constant 0 : i32
      %dma_start3A_179 = tpu.memref_slice %arg3[%add3A_86, %dma_start3A_177, %dma_start3A_178] : memref<128x40x64xi32, #tpu.memory_space<hbm>> -> memref<1x40x64xi32, #tpu.memory_space<hbm>>
      %dma_start3A_180 = tpu.memref_squeeze %dma_start3A_179 : memref<1x40x64xi32, #tpu.memory_space<hbm>> -> memref<40x64xi32, #tpu.memory_space<hbm>>
      tpu.enqueue_dma source(%dma_start3A_180 : memref<40x64xi32, #tpu.memory_space<hbm>>) target(%arg7 : memref<40x64xi32, #tpu.memory_space<vmem>>) target_semaphore(%run_scoped3A : memref<!tpu.dma_semaphore, #tpu.memory_space<semaphore_mem>>)
      %dma_wait3A = arith.constant 0 : i32
      %dma_wait3A_181 = arith.constant 0 : i32
      %dma_wait3A_182 = tpu.memref_slice %arg3[%add3A_86, %dma_wait3A, %dma_wait3A_181] : memref<128x40x64xi32, #tpu.memory_space<hbm>> -> memref<1x40x64xi32, #tpu.memory_space<hbm>>
      %dma_wait3A_183 = tpu.memref_squeeze %dma_wait3A_182 : memref<1x40x64xi32, #tpu.memory_space<hbm>> -> memref<40x64xi32, #tpu.memory_space<hbm>>
      %dma_wait3A_184 = arith.constant 0 : i32
      %dma_wait3A_185 = arith.constant 0 : i32
      %dma_wait3A_186 = tpu.memref_slice %arg3[%add3A_86, %dma_wait3A_184, %dma_wait3A_185] : memref<128x40x64xi32, #tpu.memory_space<hbm>> -> memref<1x40x64xi32, #tpu.memory_space<hbm>>
      %dma_wait3A_187 = tpu.memref_squeeze %dma_wait3A_186 : memref<1x40x64xi32, #tpu.memory_space<hbm>> -> memref<40x64xi32, #tpu.memory_space<hbm>>
      tpu.wait_dma2 semaphore(%run_scoped3A : memref<!tpu.dma_semaphore, #tpu.memory_space<semaphore_mem>>) src(%dma_wait3A_187 : memref<40x64xi32, #tpu.memory_space<hbm>>) dst(%arg7 : memref<40x64xi32, #tpu.memory_space<vmem>>)
      tpu.yield
    }) : () -> ()
    %mul3A_87 = arith.constant 4 : i32
    %mul3A_88 = arith.muli %mul3A_87, %add3A : i32
    %add3A_89 = arith.constant 2 : i32
    %add3A_90 = arith.addi %mul3A_88, %add3A_89 : i32
    "tpu.region"() ({
      %run_scoped3A = tpu.sem_alloc : memref<!tpu.dma_semaphore, #tpu.memory_space<semaphore_mem>>
      %dma_start3A_173 = arith.constant 0 : i32
      %dma_start3A_174 = arith.constant 0 : i32
      %dma_start3A_175 = tpu.memref_slice %arg4[%add3A_90, %dma_start3A_173, %dma_start3A_174] : memref<128x40x64xi32, #tpu.memory_space<hbm>> -> memref<1x40x64xi32, #tpu.memory_space<hbm>>
      %dma_start3A_176 = tpu.memref_squeeze %dma_start3A_175 : memref<1x40x64xi32, #tpu.memory_space<hbm>> -> memref<40x64xi32, #tpu.memory_space<hbm>>
      %dma_start3A_177 = arith.constant 0 : i32
      %dma_start3A_178 = arith.constant 0 : i32
      %dma_start3A_179 = tpu.memref_slice %arg4[%add3A_90, %dma_start3A_177, %dma_start3A_178] : memref<128x40x64xi32, #tpu.memory_space<hbm>> -> memref<1x40x64xi32, #tpu.memory_space<hbm>>
      %dma_start3A_180 = tpu.memref_squeeze %dma_start3A_179 : memref<1x40x64xi32, #tpu.memory_space<hbm>> -> memref<40x64xi32, #tpu.memory_space<hbm>>
      tpu.enqueue_dma source(%dma_start3A_180 : memref<40x64xi32, #tpu.memory_space<hbm>>) target(%arg8 : memref<40x64xi32, #tpu.memory_space<vmem>>) target_semaphore(%run_scoped3A : memref<!tpu.dma_semaphore, #tpu.memory_space<semaphore_mem>>)
      %dma_wait3A = arith.constant 0 : i32
      %dma_wait3A_181 = arith.constant 0 : i32
      %dma_wait3A_182 = tpu.memref_slice %arg4[%add3A_90, %dma_wait3A, %dma_wait3A_181] : memref<128x40x64xi32, #tpu.memory_space<hbm>> -> memref<1x40x64xi32, #tpu.memory_space<hbm>>
      %dma_wait3A_183 = tpu.memref_squeeze %dma_wait3A_182 : memref<1x40x64xi32, #tpu.memory_space<hbm>> -> memref<40x64xi32, #tpu.memory_space<hbm>>
      %dma_wait3A_184 = arith.constant 0 : i32
      %dma_wait3A_185 = arith.constant 0 : i32
      %dma_wait3A_186 = tpu.memref_slice %arg4[%add3A_90, %dma_wait3A_184, %dma_wait3A_185] : memref<128x40x64xi32, #tpu.memory_space<hbm>> -> memref<1x40x64xi32, #tpu.memory_space<hbm>>
      %dma_wait3A_187 = tpu.memref_squeeze %dma_wait3A_186 : memref<1x40x64xi32, #tpu.memory_space<hbm>> -> memref<40x64xi32, #tpu.memory_space<hbm>>
      tpu.wait_dma2 semaphore(%run_scoped3A : memref<!tpu.dma_semaphore, #tpu.memory_space<semaphore_mem>>) src(%dma_wait3A_187 : memref<40x64xi32, #tpu.memory_space<hbm>>) dst(%arg8 : memref<40x64xi32, #tpu.memory_space<vmem>>)
      tpu.yield
    }) : () -> ()
    %dma_start3A_91 = arith.constant 0 : i32
    %dma_start3A_92 = arith.constant 0 : i32
    %dma_start3A_93 = tpu.memref_slice %arg7[%dma_start3A_91, %dma_start3A_92] : memref<40x64xi32, #tpu.memory_space<vmem>> -> memref<1x64xi32, #tpu.memory_space<vmem>>
    %dma_start3A_94 = tpu.memref_squeeze %dma_start3A_93 : memref<1x64xi32, #tpu.memory_space<vmem>> -> memref<64xi32, #tpu.memory_space<vmem>>
    %dma_start3A_95 = arith.constant 0 : i32
    %dma_start3A_96 = arith.constant 0 : i32
    %dma_start3A_97 = tpu.memref_slice %arg2[%dma_start3A_95, %dma_start3A_96] : memref<10240x128xf32, #tpu.memory_space<hbm>> -> memref<10240x128xf32, #tpu.memory_space<hbm>>
    tpu.enqueue_indirect_dma source(%dma_start3A_97 : memref<10240x128xf32, #tpu.memory_space<hbm>>) target(%arg9 : memref<64x128xf32, #tpu.memory_space<vmem>>) offsets(%dma_start3A_94 : memref<64xi32, #tpu.memory_space<vmem>>) semaphore(%arg14 : memref<!tpu.dma_semaphore, #tpu.memory_space<semaphore_mem>>)
    %dma_start3A_98 = arith.constant 1 : i32
    %dma_start3A_99 = arith.constant 0 : i32
    %dma_start3A_100 = tpu.memref_slice %arg7[%dma_start3A_98, %dma_start3A_99] : memref<40x64xi32, #tpu.memory_space<vmem>> -> memref<1x64xi32, #tpu.memory_space<vmem>>
    %dma_start3A_101 = tpu.memref_squeeze %dma_start3A_100 : memref<1x64xi32, #tpu.memory_space<vmem>> -> memref<64xi32, #tpu.memory_space<vmem>>
    %dma_start3A_102 = arith.constant 0 : i32
    %dma_start3A_103 = arith.constant 0 : i32
    %dma_start3A_104 = tpu.memref_slice %arg2[%dma_start3A_102, %dma_start3A_103] : memref<10240x128xf32, #tpu.memory_space<hbm>> -> memref<10240x128xf32, #tpu.memory_space<hbm>>
    tpu.enqueue_indirect_dma source(%dma_start3A_104 : memref<10240x128xf32, #tpu.memory_space<hbm>>) target(%arg10 : memref<64x128xf32, #tpu.memory_space<vmem>>) offsets(%dma_start3A_101 : memref<64xi32, #tpu.memory_space<vmem>>) semaphore(%arg15 : memref<!tpu.dma_semaphore, #tpu.memory_space<semaphore_mem>>)
    %dma_start3A_105 = arith.constant 2 : i32
    %dma_start3A_106 = arith.constant 0 : i32
    %dma_start3A_107 = tpu.memref_slice %arg7[%dma_start3A_105, %dma_start3A_106] : memref<40x64xi32, #tpu.memory_space<vmem>> -> memref<1x64xi32, #tpu.memory_space<vmem>>
    %dma_start3A_108 = tpu.memref_squeeze %dma_start3A_107 : memref<1x64xi32, #tpu.memory_space<vmem>> -> memref<64xi32, #tpu.memory_space<vmem>>
    %dma_start3A_109 = arith.constant 0 : i32
    %dma_start3A_110 = arith.constant 0 : i32
    %dma_start3A_111 = tpu.memref_slice %arg2[%dma_start3A_109, %dma_start3A_110] : memref<10240x128xf32, #tpu.memory_space<hbm>> -> memref<10240x128xf32, #tpu.memory_space<hbm>>
    tpu.enqueue_indirect_dma source(%dma_start3A_111 : memref<10240x128xf32, #tpu.memory_space<hbm>>) target(%arg11 : memref<64x128xf32, #tpu.memory_space<vmem>>) offsets(%dma_start3A_108 : memref<64xi32, #tpu.memory_space<vmem>>) semaphore(%arg16 : memref<!tpu.dma_semaphore, #tpu.memory_space<semaphore_mem>>)
    %dma_start3A_112 = arith.constant 3 : i32
    %dma_start3A_113 = arith.constant 0 : i32
    %dma_start3A_114 = tpu.memref_slice %arg7[%dma_start3A_112, %dma_start3A_113] : memref<40x64xi32, #tpu.memory_space<vmem>> -> memref<1x64xi32, #tpu.memory_space<vmem>>
    %dma_start3A_115 = tpu.memref_squeeze %dma_start3A_114 : memref<1x64xi32, #tpu.memory_space<vmem>> -> memref<64xi32, #tpu.memory_space<vmem>>
    %dma_start3A_116 = arith.constant 0 : i32
    %dma_start3A_117 = arith.constant 0 : i32
    %dma_start3A_118 = tpu.memref_slice %arg2[%dma_start3A_116, %dma_start3A_117] : memref<10240x128xf32, #tpu.memory_space<hbm>> -> memref<10240x128xf32, #tpu.memory_space<hbm>>
    tpu.enqueue_indirect_dma source(%dma_start3A_118 : memref<10240x128xf32, #tpu.memory_space<hbm>>) target(%arg12 : memref<64x128xf32, #tpu.memory_space<vmem>>) offsets(%dma_start3A_115 : memref<64xi32, #tpu.memory_space<vmem>>) semaphore(%arg17 : memref<!tpu.dma_semaphore, #tpu.memory_space<semaphore_mem>>)
    %scan3A_119 = arith.constant 0 : i32
    %scan3A_120 = arith.constant 10 : i32
    %scan3A_121 = arith.addi %scan3A_119, %scan3A_120 : i32
    %scan3A_122 = arith.constant 1 : i32
    scf.for %scan3A_173 = %scan3A_119 to %scan3A_121 step %scan3A_122  : i32 {
      %mul3A_174 = arith.constant 4 : i32
      %mul3A_175 = arith.muli %scan3A_173, %mul3A_174 : i32
      %add3A_176 = arith.constant 0 : i32
      %add3A_177 = arith.addi %add3A_176, %mul3A_175 : i32
      %add3A_178 = arith.constant 0 : i32
      %add3A_179 = arith.addi %add3A_177, %add3A_178 : i32
      %dma_wait3A = arith.constant 0 : i32
      %dma_wait3A_180 = tpu.memref_slice %arg7[%add3A_179, %dma_wait3A] : memref<40x64xi32, #tpu.memory_space<vmem>> -> memref<1x64xi32, #tpu.memory_space<vmem>>
      %dma_wait3A_181 = tpu.memref_squeeze %dma_wait3A_180 : memref<1x64xi32, #tpu.memory_space<vmem>> -> memref<64xi32, #tpu.memory_space<vmem>>
      %dma_wait3A_182 = arith.constant 0 : i32
      %dma_wait3A_183 = arith.constant 0 : i32
      %dma_wait3A_184 = tpu.memref_slice %arg2[%dma_wait3A_182, %dma_wait3A_183] : memref<10240x128xf32, #tpu.memory_space<hbm>> -> memref<10240x128xf32, #tpu.memory_space<hbm>>
      tpu.wait_indirect_dma semaphore(%arg14 : memref<!tpu.dma_semaphore, #tpu.memory_space<semaphore_mem>>) src(%dma_wait3A_184 : memref<10240x128xf32, #tpu.memory_space<hbm>>) dst(%arg9 : memref<64x128xf32, #tpu.memory_space<vmem>>)
      %add3A_185 = arith.constant 0 : i32
      %add3A_186 = arith.addi %add3A_177, %add3A_185 : i32
      "tpu.region"() ({
        %run_scoped3A = tpu.sem_alloc : memref<!tpu.dma_semaphore, #tpu.memory_space<semaphore_mem>>
        %dma_start3A_250 = arith.constant 0 : i32
        %dma_start3A_251 = tpu.memref_slice %arg8[%add3A_186, %dma_start3A_250] : memref<40x64xi32, #tpu.memory_space<vmem>> -> memref<1x64xi32, #tpu.memory_space<vmem>>
        %dma_start3A_252 = tpu.memref_squeeze %dma_start3A_251 : memref<1x64xi32, #tpu.memory_space<vmem>> -> memref<64xi32, #tpu.memory_space<vmem>>
        %dma_start3A_253 = arith.constant 0 : i32
        %dma_start3A_254 = arith.constant 0 : i32
        %dma_start3A_255 = tpu.memref_slice %arg13[%dma_start3A_253, %dma_start3A_254] : memref<10240x128xf32, #tpu.memory_space<vmem_shared>> -> memref<10240x128xf32, #tpu.memory_space<vmem_shared>>
        tpu.enqueue_indirect_dma source(%arg9 : memref<64x128xf32, #tpu.memory_space<vmem>>) target(%dma_start3A_255 : memref<10240x128xf32, #tpu.memory_space<vmem_shared>>) offsets(%dma_start3A_252 : memref<64xi32, #tpu.memory_space<vmem>>) semaphore(%run_scoped3A : memref<!tpu.dma_semaphore, #tpu.memory_space<semaphore_mem>>) {add = true}
        %dma_wait3A_256 = arith.constant 0 : i32
        %dma_wait3A_257 = tpu.memref_slice %arg8[%add3A_186, %dma_wait3A_256] : memref<40x64xi32, #tpu.memory_space<vmem>> -> memref<1x64xi32, #tpu.memory_space<vmem>>
        %dma_wait3A_258 = tpu.memref_squeeze %dma_wait3A_257 : memref<1x64xi32, #tpu.memory_space<vmem>> -> memref<64xi32, #tpu.memory_space<vmem>>
        %dma_wait3A_259 = arith.constant 0 : i32
        %dma_wait3A_260 = arith.constant 0 : i32
        %dma_wait3A_261 = tpu.memref_slice %arg13[%dma_wait3A_259, %dma_wait3A_260] : memref<10240x128xf32, #tpu.memory_space<vmem_shared>> -> memref<10240x128xf32, #tpu.memory_space<vmem_shared>>
        tpu.wait_indirect_dma semaphore(%run_scoped3A : memref<!tpu.dma_semaphore, #tpu.memory_space<semaphore_mem>>) src(%arg9 : memref<64x128xf32, #tpu.memory_space<vmem>>) dst(%dma_wait3A_261 : memref<10240x128xf32, #tpu.memory_space<vmem_shared>>)
        tpu.yield
      }) : () -> ()
      %add3A_187 = arith.constant 0 : i32
      %add3A_188 = arith.addi %add3A_177, %add3A_187 : i32
      %add3A_189 = arith.constant 4 : i32
      %add3A_190 = arith.addi %add3A_188, %add3A_189 : i32
      %lt3A = arith.constant 40 : i32
      %lt3A_191 = arith.cmpi slt, %add3A_190, %lt3A : i32
      %convert_element_type3A = arith.extui %lt3A_191 : i1 to i32
      %cond3A = arith.constant 0 : i32
      %cond3A_192 = arith.cmpi ne, %convert_element_type3A, %cond3A : i32
      scf.if %cond3A_192 {
        %add3A_250 = arith.constant 0 : i32
        %add3A_251 = arith.addi %add3A_177, %add3A_250 : i32
        %add3A_252 = arith.constant 4 : i32
        %add3A_253 = arith.addi %add3A_251, %add3A_252 : i32
        %dma_start3A_254 = arith.constant 0 : i32
        %dma_start3A_255 = tpu.memref_slice %arg7[%add3A_253, %dma_start3A_254] : memref<40x64xi32, #tpu.memory_space<vmem>> -> memref<1x64xi32, #tpu.memory_space<vmem>>
        %dma_start3A_256 = tpu.memref_squeeze %dma_start3A_255 : memref<1x64xi32, #tpu.memory_space<vmem>> -> memref<64xi32, #tpu.memory_space<vmem>>
        %dma_start3A_257 = arith.constant 0 : i32
        %dma_start3A_258 = arith.constant 0 : i32
        %dma_start3A_259 = tpu.memref_slice %arg2[%dma_start3A_257, %dma_start3A_258] : memref<10240x128xf32, #tpu.memory_space<hbm>> -> memref<10240x128xf32, #tpu.memory_space<hbm>>
        tpu.enqueue_indirect_dma source(%dma_start3A_259 : memref<10240x128xf32, #tpu.memory_space<hbm>>) target(%arg9 : memref<64x128xf32, #tpu.memory_space<vmem>>) offsets(%dma_start3A_256 : memref<64xi32, #tpu.memory_space<vmem>>) semaphore(%arg14 : memref<!tpu.dma_semaphore, #tpu.memory_space<semaphore_mem>>)
      } else {
      }
      %add3A_193 = arith.constant 1 : i32
      %add3A_194 = arith.addi %add3A_177, %add3A_193 : i32
      %dma_wait3A_195 = arith.constant 0 : i32
      %dma_wait3A_196 = tpu.memref_slice %arg7[%add3A_194, %dma_wait3A_195] : memref<40x64xi32, #tpu.memory_space<vmem>> -> memref<1x64xi32, #tpu.memory_space<vmem>>
      %dma_wait3A_197 = tpu.memref_squeeze %dma_wait3A_196 : memref<1x64xi32, #tpu.memory_space<vmem>> -> memref<64xi32, #tpu.memory_space<vmem>>
      %dma_wait3A_198 = arith.constant 0 : i32
      %dma_wait3A_199 = arith.constant 0 : i32
      %dma_wait3A_200 = tpu.memref_slice %arg2[%dma_wait3A_198, %dma_wait3A_199] : memref<10240x128xf32, #tpu.memory_space<hbm>> -> memref<10240x128xf32, #tpu.memory_space<hbm>>
      tpu.wait_indirect_dma semaphore(%arg15 : memref<!tpu.dma_semaphore, #tpu.memory_space<semaphore_mem>>) src(%dma_wait3A_200 : memref<10240x128xf32, #tpu.memory_space<hbm>>) dst(%arg10 : memref<64x128xf32, #tpu.memory_space<vmem>>)
      %add3A_201 = arith.constant 1 : i32
      %add3A_202 = arith.addi %add3A_177, %add3A_201 : i32
      "tpu.region"() ({
        %run_scoped3A = tpu.sem_alloc : memref<!tpu.dma_semaphore, #tpu.memory_space<semaphore_mem>>
        %dma_start3A_250 = arith.constant 0 : i32
        %dma_start3A_251 = tpu.memref_slice %arg8[%add3A_202, %dma_start3A_250] : memref<40x64xi32, #tpu.memory_space<vmem>> -> memref<1x64xi32, #tpu.memory_space<vmem>>
        %dma_start3A_252 = tpu.memref_squeeze %dma_start3A_251 : memref<1x64xi32, #tpu.memory_space<vmem>> -> memref<64xi32, #tpu.memory_space<vmem>>
        %dma_start3A_253 = arith.constant 0 : i32
        %dma_start3A_254 = arith.constant 0 : i32
        %dma_start3A_255 = tpu.memref_slice %arg13[%dma_start3A_253, %dma_start3A_254] : memref<10240x128xf32, #tpu.memory_space<vmem_shared>> -> memref<10240x128xf32, #tpu.memory_space<vmem_shared>>
        tpu.enqueue_indirect_dma source(%arg10 : memref<64x128xf32, #tpu.memory_space<vmem>>) target(%dma_start3A_255 : memref<10240x128xf32, #tpu.memory_space<vmem_shared>>) offsets(%dma_start3A_252 : memref<64xi32, #tpu.memory_space<vmem>>) semaphore(%run_scoped3A : memref<!tpu.dma_semaphore, #tpu.memory_space<semaphore_mem>>) {add = true}
        %dma_wait3A_256 = arith.constant 0 : i32
        %dma_wait3A_257 = tpu.memref_slice %arg8[%add3A_202, %dma_wait3A_256] : memref<40x64xi32, #tpu.memory_space<vmem>> -> memref<1x64xi32, #tpu.memory_space<vmem>>
        %dma_wait3A_258 = tpu.memref_squeeze %dma_wait3A_257 : memref<1x64xi32, #tpu.memory_space<vmem>> -> memref<64xi32, #tpu.memory_space<vmem>>
        %dma_wait3A_259 = arith.constant 0 : i32
        %dma_wait3A_260 = arith.constant 0 : i32
        %dma_wait3A_261 = tpu.memref_slice %arg13[%dma_wait3A_259, %dma_wait3A_260] : memref<10240x128xf32, #tpu.memory_space<vmem_shared>> -> memref<10240x128xf32, #tpu.memory_space<vmem_shared>>
        tpu.wait_indirect_dma semaphore(%run_scoped3A : memref<!tpu.dma_semaphore, #tpu.memory_space<semaphore_mem>>) src(%arg10 : memref<64x128xf32, #tpu.memory_space<vmem>>) dst(%dma_wait3A_261 : memref<10240x128xf32, #tpu.memory_space<vmem_shared>>)
        tpu.yield
      }) : () -> ()
      %add3A_203 = arith.constant 1 : i32
      %add3A_204 = arith.addi %add3A_177, %add3A_203 : i32
      %add3A_205 = arith.constant 4 : i32
      %add3A_206 = arith.addi %add3A_204, %add3A_205 : i32
      %lt3A_207 = arith.constant 40 : i32
      %lt3A_208 = arith.cmpi slt, %add3A_206, %lt3A_207 : i32
      %convert_element_type3A_209 = arith.extui %lt3A_208 : i1 to i32
      %cond3A_210 = arith.constant 0 : i32
      %cond3A_211 = arith.cmpi ne, %convert_element_type3A_209, %cond3A_210 : i32
      scf.if %cond3A_211 {
        %add3A_250 = arith.constant 1 : i32
        %add3A_251 = arith.addi %add3A_177, %add3A_250 : i32
        %add3A_252 = arith.constant 4 : i32
        %add3A_253 = arith.addi %add3A_251, %add3A_252 : i32
        %dma_start3A_254 = arith.constant 0 : i32
        %dma_start3A_255 = tpu.memref_slice %arg7[%add3A_253, %dma_start3A_254] : memref<40x64xi32, #tpu.memory_space<vmem>> -> memref<1x64xi32, #tpu.memory_space<vmem>>
        %dma_start3A_256 = tpu.memref_squeeze %dma_start3A_255 : memref<1x64xi32, #tpu.memory_space<vmem>> -> memref<64xi32, #tpu.memory_space<vmem>>
        %dma_start3A_257 = arith.constant 0 : i32
        %dma_start3A_258 = arith.constant 0 : i32
        %dma_start3A_259 = tpu.memref_slice %arg2[%dma_start3A_257, %dma_start3A_258] : memref<10240x128xf32, #tpu.memory_space<hbm>> -> memref<10240x128xf32, #tpu.memory_space<hbm>>
        tpu.enqueue_indirect_dma source(%dma_start3A_259 : memref<10240x128xf32, #tpu.memory_space<hbm>>) target(%arg10 : memref<64x128xf32, #tpu.memory_space<vmem>>) offsets(%dma_start3A_256 : memref<64xi32, #tpu.memory_space<vmem>>) semaphore(%arg15 : memref<!tpu.dma_semaphore, #tpu.memory_space<semaphore_mem>>)
      } else {
      }
      %add3A_212 = arith.constant 2 : i32
      %add3A_213 = arith.addi %add3A_177, %add3A_212 : i32
      %dma_wait3A_214 = arith.constant 0 : i32
      %dma_wait3A_215 = tpu.memref_slice %arg7[%add3A_213, %dma_wait3A_214] : memref<40x64xi32, #tpu.memory_space<vmem>> -> memref<1x64xi32, #tpu.memory_space<vmem>>
      %dma_wait3A_216 = tpu.memref_squeeze %dma_wait3A_215 : memref<1x64xi32, #tpu.memory_space<vmem>> -> memref<64xi32, #tpu.memory_space<vmem>>
      %dma_wait3A_217 = arith.constant 0 : i32
      %dma_wait3A_218 = arith.constant 0 : i32
      %dma_wait3A_219 = tpu.memref_slice %arg2[%dma_wait3A_217, %dma_wait3A_218] : memref<10240x128xf32, #tpu.memory_space<hbm>> -> memref<10240x128xf32, #tpu.memory_space<hbm>>
      tpu.wait_indirect_dma semaphore(%arg16 : memref<!tpu.dma_semaphore, #tpu.memory_space<semaphore_mem>>) src(%dma_wait3A_219 : memref<10240x128xf32, #tpu.memory_space<hbm>>) dst(%arg11 : memref<64x128xf32, #tpu.memory_space<vmem>>)
      %add3A_220 = arith.constant 2 : i32
      %add3A_221 = arith.addi %add3A_177, %add3A_220 : i32
      "tpu.region"() ({
        %run_scoped3A = tpu.sem_alloc : memref<!tpu.dma_semaphore, #tpu.memory_space<semaphore_mem>>
        %dma_start3A_250 = arith.constant 0 : i32
        %dma_start3A_251 = tpu.memref_slice %arg8[%add3A_221, %dma_start3A_250] : memref<40x64xi32, #tpu.memory_space<vmem>> -> memref<1x64xi32, #tpu.memory_space<vmem>>
        %dma_start3A_252 = tpu.memref_squeeze %dma_start3A_251 : memref<1x64xi32, #tpu.memory_space<vmem>> -> memref<64xi32, #tpu.memory_space<vmem>>
        %dma_start3A_253 = arith.constant 0 : i32
        %dma_start3A_254 = arith.constant 0 : i32
        %dma_start3A_255 = tpu.memref_slice %arg13[%dma_start3A_253, %dma_start3A_254] : memref<10240x128xf32, #tpu.memory_space<vmem_shared>> -> memref<10240x128xf32, #tpu.memory_space<vmem_shared>>
        tpu.enqueue_indirect_dma source(%arg11 : memref<64x128xf32, #tpu.memory_space<vmem>>) target(%dma_start3A_255 : memref<10240x128xf32, #tpu.memory_space<vmem_shared>>) offsets(%dma_start3A_252 : memref<64xi32, #tpu.memory_space<vmem>>) semaphore(%run_scoped3A : memref<!tpu.dma_semaphore, #tpu.memory_space<semaphore_mem>>) {add = true}
        %dma_wait3A_256 = arith.constant 0 : i32
        %dma_wait3A_257 = tpu.memref_slice %arg8[%add3A_221, %dma_wait3A_256] : memref<40x64xi32, #tpu.memory_space<vmem>> -> memref<1x64xi32, #tpu.memory_space<vmem>>
        %dma_wait3A_258 = tpu.memref_squeeze %dma_wait3A_257 : memref<1x64xi32, #tpu.memory_space<vmem>> -> memref<64xi32, #tpu.memory_space<vmem>>
        %dma_wait3A_259 = arith.constant 0 : i32
        %dma_wait3A_260 = arith.constant 0 : i32
        %dma_wait3A_261 = tpu.memref_slice %arg13[%dma_wait3A_259, %dma_wait3A_260] : memref<10240x128xf32, #tpu.memory_space<vmem_shared>> -> memref<10240x128xf32, #tpu.memory_space<vmem_shared>>
        tpu.wait_indirect_dma semaphore(%run_scoped3A : memref<!tpu.dma_semaphore, #tpu.memory_space<semaphore_mem>>) src(%arg11 : memref<64x128xf32, #tpu.memory_space<vmem>>) dst(%dma_wait3A_261 : memref<10240x128xf32, #tpu.memory_space<vmem_shared>>)
        tpu.yield
      }) : () -> ()
      %add3A_222 = arith.constant 2 : i32
      %add3A_223 = arith.addi %add3A_177, %add3A_222 : i32
      %add3A_224 = arith.constant 4 : i32
      %add3A_225 = arith.addi %add3A_223, %add3A_224 : i32
      %lt3A_226 = arith.constant 40 : i32
      %lt3A_227 = arith.cmpi slt, %add3A_225, %lt3A_226 : i32
      %convert_element_type3A_228 = arith.extui %lt3A_227 : i1 to i32
      %cond3A_229 = arith.constant 0 : i32
      %cond3A_230 = arith.cmpi ne, %convert_element_type3A_228, %cond3A_229 : i32
      scf.if %cond3A_230 {
        %add3A_250 = arith.constant 2 : i32
        %add3A_251 = arith.addi %add3A_177, %add3A_250 : i32
        %add3A_252 = arith.constant 4 : i32
        %add3A_253 = arith.addi %add3A_251, %add3A_252 : i32
        %dma_start3A_254 = arith.constant 0 : i32
        %dma_start3A_255 = tpu.memref_slice %arg7[%add3A_253, %dma_start3A_254] : memref<40x64xi32, #tpu.memory_space<vmem>> -> memref<1x64xi32, #tpu.memory_space<vmem>>
        %dma_start3A_256 = tpu.memref_squeeze %dma_start3A_255 : memref<1x64xi32, #tpu.memory_space<vmem>> -> memref<64xi32, #tpu.memory_space<vmem>>
        %dma_start3A_257 = arith.constant 0 : i32
        %dma_start3A_258 = arith.constant 0 : i32
        %dma_start3A_259 = tpu.memref_slice %arg2[%dma_start3A_257, %dma_start3A_258] : memref<10240x128xf32, #tpu.memory_space<hbm>> -> memref<10240x128xf32, #tpu.memory_space<hbm>>
        tpu.enqueue_indirect_dma source(%dma_start3A_259 : memref<10240x128xf32, #tpu.memory_space<hbm>>) target(%arg11 : memref<64x128xf32, #tpu.memory_space<vmem>>) offsets(%dma_start3A_256 : memref<64xi32, #tpu.memory_space<vmem>>) semaphore(%arg16 : memref<!tpu.dma_semaphore, #tpu.memory_space<semaphore_mem>>)
      } else {
      }
      %add3A_231 = arith.constant 3 : i32
      %add3A_232 = arith.addi %add3A_177, %add3A_231 : i32
      %dma_wait3A_233 = arith.constant 0 : i32
      %dma_wait3A_234 = tpu.memref_slice %arg7[%add3A_232, %dma_wait3A_233] : memref<40x64xi32, #tpu.memory_space<vmem>> -> memref<1x64xi32, #tpu.memory_space<vmem>>
      %dma_wait3A_235 = tpu.memref_squeeze %dma_wait3A_234 : memref<1x64xi32, #tpu.memory_space<vmem>> -> memref<64xi32, #tpu.memory_space<vmem>>
      %dma_wait3A_236 = arith.constant 0 : i32
      %dma_wait3A_237 = arith.constant 0 : i32
      %dma_wait3A_238 = tpu.memref_slice %arg2[%dma_wait3A_236, %dma_wait3A_237] : memref<10240x128xf32, #tpu.memory_space<hbm>> -> memref<10240x128xf32, #tpu.memory_space<hbm>>
      tpu.wait_indirect_dma semaphore(%arg17 : memref<!tpu.dma_semaphore, #tpu.memory_space<semaphore_mem>>) src(%dma_wait3A_238 : memref<10240x128xf32, #tpu.memory_space<hbm>>) dst(%arg12 : memref<64x128xf32, #tpu.memory_space<vmem>>)
      %add3A_239 = arith.constant 3 : i32
      %add3A_240 = arith.addi %add3A_177, %add3A_239 : i32
      "tpu.region"() ({
        %run_scoped3A = tpu.sem_alloc : memref<!tpu.dma_semaphore, #tpu.memory_space<semaphore_mem>>
        %dma_start3A_250 = arith.constant 0 : i32
        %dma_start3A_251 = tpu.memref_slice %arg8[%add3A_240, %dma_start3A_250] : memref<40x64xi32, #tpu.memory_space<vmem>> -> memref<1x64xi32, #tpu.memory_space<vmem>>
        %dma_start3A_252 = tpu.memref_squeeze %dma_start3A_251 : memref<1x64xi32, #tpu.memory_space<vmem>> -> memref<64xi32, #tpu.memory_space<vmem>>
        %dma_start3A_253 = arith.constant 0 : i32
        %dma_start3A_254 = arith.constant 0 : i32
        %dma_start3A_255 = tpu.memref_slice %arg13[%dma_start3A_253, %dma_start3A_254] : memref<10240x128xf32, #tpu.memory_space<vmem_shared>> -> memref<10240x128xf32, #tpu.memory_space<vmem_shared>>
        tpu.enqueue_indirect_dma source(%arg12 : memref<64x128xf32, #tpu.memory_space<vmem>>) target(%dma_start3A_255 : memref<10240x128xf32, #tpu.memory_space<vmem_shared>>) offsets(%dma_start3A_252 : memref<64xi32, #tpu.memory_space<vmem>>) semaphore(%run_scoped3A : memref<!tpu.dma_semaphore, #tpu.memory_space<semaphore_mem>>) {add = true}
        %dma_wait3A_256 = arith.constant 0 : i32
        %dma_wait3A_257 = tpu.memref_slice %arg8[%add3A_240, %dma_wait3A_256] : memref<40x64xi32, #tpu.memory_space<vmem>> -> memref<1x64xi32, #tpu.memory_space<vmem>>
        %dma_wait3A_258 = tpu.memref_squeeze %dma_wait3A_257 : memref<1x64xi32, #tpu.memory_space<vmem>> -> memref<64xi32, #tpu.memory_space<vmem>>
        %dma_wait3A_259 = arith.constant 0 : i32
        %dma_wait3A_260 = arith.constant 0 : i32
        %dma_wait3A_261 = tpu.memref_slice %arg13[%dma_wait3A_259, %dma_wait3A_260] : memref<10240x128xf32, #tpu.memory_space<vmem_shared>> -> memref<10240x128xf32, #tpu.memory_space<vmem_shared>>
        tpu.wait_indirect_dma semaphore(%run_scoped3A : memref<!tpu.dma_semaphore, #tpu.memory_space<semaphore_mem>>) src(%arg12 : memref<64x128xf32, #tpu.memory_space<vmem>>) dst(%dma_wait3A_261 : memref<10240x128xf32, #tpu.memory_space<vmem_shared>>)
        tpu.yield
      }) : () -> ()
      %add3A_241 = arith.constant 3 : i32
      %add3A_242 = arith.addi %add3A_177, %add3A_241 : i32
      %add3A_243 = arith.constant 4 : i32
      %add3A_244 = arith.addi %add3A_242, %add3A_243 : i32
      %lt3A_245 = arith.constant 40 : i32
      %lt3A_246 = arith.cmpi slt, %add3A_244, %lt3A_245 : i32
      %convert_element_type3A_247 = arith.extui %lt3A_246 : i1 to i32
      %cond3A_248 = arith.constant 0 : i32
      %cond3A_249 = arith.cmpi ne, %convert_element_type3A_247, %cond3A_248 : i32
      scf.if %cond3A_249 {
        %add3A_250 = arith.constant 3 : i32
        %add3A_251 = arith.addi %add3A_177, %add3A_250 : i32
        %add3A_252 = arith.constant 4 : i32
        %add3A_253 = arith.addi %add3A_251, %add3A_252 : i32
        %dma_start3A_254 = arith.constant 0 : i32
        %dma_start3A_255 = tpu.memref_slice %arg7[%add3A_253, %dma_start3A_254] : memref<40x64xi32, #tpu.memory_space<vmem>> -> memref<1x64xi32, #tpu.memory_space<vmem>>
        %dma_start3A_256 = tpu.memref_squeeze %dma_start3A_255 : memref<1x64xi32, #tpu.memory_space<vmem>> -> memref<64xi32, #tpu.memory_space<vmem>>
        %dma_start3A_257 = arith.constant 0 : i32
        %dma_start3A_258 = arith.constant 0 : i32
        %dma_start3A_259 = tpu.memref_slice %arg2[%dma_start3A_257, %dma_start3A_258] : memref<10240x128xf32, #tpu.memory_space<hbm>> -> memref<10240x128xf32, #tpu.memory_space<hbm>>
        tpu.enqueue_indirect_dma source(%dma_start3A_259 : memref<10240x128xf32, #tpu.memory_space<hbm>>) target(%arg12 : memref<64x128xf32, #tpu.memory_space<vmem>>) offsets(%dma_start3A_256 : memref<64xi32, #tpu.memory_space<vmem>>) semaphore(%arg17 : memref<!tpu.dma_semaphore, #tpu.memory_space<semaphore_mem>>)
      } else {
      }
    }
    %scan3A_123 = arith.constant 10 : i32
    %mul3A_124 = arith.constant 4 : i32
    %mul3A_125 = arith.muli %mul3A_124, %add3A : i32
    %add3A_126 = arith.constant 3 : i32
    %add3A_127 = arith.addi %mul3A_125, %add3A_126 : i32
    "tpu.region"() ({
      %run_scoped3A = tpu.sem_alloc : memref<!tpu.dma_semaphore, #tpu.memory_space<semaphore_mem>>
      %dma_start3A_173 = arith.constant 0 : i32
      %dma_start3A_174 = arith.constant 0 : i32
      %dma_start3A_175 = tpu.memref_slice %arg3[%add3A_127, %dma_start3A_173, %dma_start3A_174] : memref<128x40x64xi32, #tpu.memory_space<hbm>> -> memref<1x40x64xi32, #tpu.memory_space<hbm>>
      %dma_start3A_176 = tpu.memref_squeeze %dma_start3A_175 : memref<1x40x64xi32, #tpu.memory_space<hbm>> -> memref<40x64xi32, #tpu.memory_space<hbm>>
      %dma_start3A_177 = arith.constant 0 : i32
      %dma_start3A_178 = arith.constant 0 : i32
      %dma_start3A_179 = tpu.memref_slice %arg3[%add3A_127, %dma_start3A_177, %dma_start3A_178] : memref<128x40x64xi32, #tpu.memory_space<hbm>> -> memref<1x40x64xi32, #tpu.memory_space<hbm>>
      %dma_start3A_180 = tpu.memref_squeeze %dma_start3A_179 : memref<1x40x64xi32, #tpu.memory_space<hbm>> -> memref<40x64xi32, #tpu.memory_space<hbm>>
      tpu.enqueue_dma source(%dma_start3A_180 : memref<40x64xi32, #tpu.memory_space<hbm>>) target(%arg7 : memref<40x64xi32, #tpu.memory_space<vmem>>) target_semaphore(%run_scoped3A : memref<!tpu.dma_semaphore, #tpu.memory_space<semaphore_mem>>)
      %dma_wait3A = arith.constant 0 : i32
      %dma_wait3A_181 = arith.constant 0 : i32
      %dma_wait3A_182 = tpu.memref_slice %arg3[%add3A_127, %dma_wait3A, %dma_wait3A_181] : memref<128x40x64xi32, #tpu.memory_space<hbm>> -> memref<1x40x64xi32, #tpu.memory_space<hbm>>
      %dma_wait3A_183 = tpu.memref_squeeze %dma_wait3A_182 : memref<1x40x64xi32, #tpu.memory_space<hbm>> -> memref<40x64xi32, #tpu.memory_space<hbm>>
      %dma_wait3A_184 = arith.constant 0 : i32
      %dma_wait3A_185 = arith.constant 0 : i32
      %dma_wait3A_186 = tpu.memref_slice %arg3[%add3A_127, %dma_wait3A_184, %dma_wait3A_185] : memref<128x40x64xi32, #tpu.memory_space<hbm>> -> memref<1x40x64xi32, #tpu.memory_space<hbm>>
      %dma_wait3A_187 = tpu.memref_squeeze %dma_wait3A_186 : memref<1x40x64xi32, #tpu.memory_space<hbm>> -> memref<40x64xi32, #tpu.memory_space<hbm>>
      tpu.wait_dma2 semaphore(%run_scoped3A : memref<!tpu.dma_semaphore, #tpu.memory_space<semaphore_mem>>) src(%dma_wait3A_187 : memref<40x64xi32, #tpu.memory_space<hbm>>) dst(%arg7 : memref<40x64xi32, #tpu.memory_space<vmem>>)
      tpu.yield
    }) : () -> ()
    %mul3A_128 = arith.constant 4 : i32
    %mul3A_129 = arith.muli %mul3A_128, %add3A : i32
    %add3A_130 = arith.constant 3 : i32
    %add3A_131 = arith.addi %mul3A_129, %add3A_130 : i32
    "tpu.region"() ({
      %run_scoped3A = tpu.sem_alloc : memref<!tpu.dma_semaphore, #tpu.memory_space<semaphore_mem>>
      %dma_start3A_173 = arith.constant 0 : i32
      %dma_start3A_174 = arith.constant 0 : i32
      %dma_start3A_175 = tpu.memref_slice %arg4[%add3A_131, %dma_start3A_173, %dma_start3A_174] : memref<128x40x64xi32, #tpu.memory_space<hbm>> -> memref<1x40x64xi32, #tpu.memory_space<hbm>>
      %dma_start3A_176 = tpu.memref_squeeze %dma_start3A_175 : memref<1x40x64xi32, #tpu.memory_space<hbm>> -> memref<40x64xi32, #tpu.memory_space<hbm>>
      %dma_start3A_177 = arith.constant 0 : i32
      %dma_start3A_178 = arith.constant 0 : i32
      %dma_start3A_179 = tpu.memref_slice %arg4[%add3A_131, %dma_start3A_177, %dma_start3A_178] : memref<128x40x64xi32, #tpu.memory_space<hbm>> -> memref<1x40x64xi32, #tpu.memory_space<hbm>>
      %dma_start3A_180 = tpu.memref_squeeze %dma_start3A_179 : memref<1x40x64xi32, #tpu.memory_space<hbm>> -> memref<40x64xi32, #tpu.memory_space<hbm>>
      tpu.enqueue_dma source(%dma_start3A_180 : memref<40x64xi32, #tpu.memory_space<hbm>>) target(%arg8 : memref<40x64xi32, #tpu.memory_space<vmem>>) target_semaphore(%run_scoped3A : memref<!tpu.dma_semaphore, #tpu.memory_space<semaphore_mem>>)
      %dma_wait3A = arith.constant 0 : i32
      %dma_wait3A_181 = arith.constant 0 : i32
      %dma_wait3A_182 = tpu.memref_slice %arg4[%add3A_131, %dma_wait3A, %dma_wait3A_181] : memref<128x40x64xi32, #tpu.memory_space<hbm>> -> memref<1x40x64xi32, #tpu.memory_space<hbm>>
      %dma_wait3A_183 = tpu.memref_squeeze %dma_wait3A_182 : memref<1x40x64xi32, #tpu.memory_space<hbm>> -> memref<40x64xi32, #tpu.memory_space<hbm>>
      %dma_wait3A_184 = arith.constant 0 : i32
      %dma_wait3A_185 = arith.constant 0 : i32
      %dma_wait3A_186 = tpu.memref_slice %arg4[%add3A_131, %dma_wait3A_184, %dma_wait3A_185] : memref<128x40x64xi32, #tpu.memory_space<hbm>> -> memref<1x40x64xi32, #tpu.memory_space<hbm>>
      %dma_wait3A_187 = tpu.memref_squeeze %dma_wait3A_186 : memref<1x40x64xi32, #tpu.memory_space<hbm>> -> memref<40x64xi32, #tpu.memory_space<hbm>>
      tpu.wait_dma2 semaphore(%run_scoped3A : memref<!tpu.dma_semaphore, #tpu.memory_space<semaphore_mem>>) src(%dma_wait3A_187 : memref<40x64xi32, #tpu.memory_space<hbm>>) dst(%arg8 : memref<40x64xi32, #tpu.memory_space<vmem>>)
      tpu.yield
    }) : () -> ()
    %dma_start3A_132 = arith.constant 0 : i32
    %dma_start3A_133 = arith.constant 0 : i32
    %dma_start3A_134 = tpu.memref_slice %arg7[%dma_start3A_132, %dma_start3A_133] : memref<40x64xi32, #tpu.memory_space<vmem>> -> memref<1x64xi32, #tpu.memory_space<vmem>>
    %dma_start3A_135 = tpu.memref_squeeze %dma_start3A_134 : memref<1x64xi32, #tpu.memory_space<vmem>> -> memref<64xi32, #tpu.memory_space<vmem>>
    %dma_start3A_136 = arith.constant 0 : i32
    %dma_start3A_137 = arith.constant 0 : i32
    %dma_start3A_138 = tpu.memref_slice %arg2[%dma_start3A_136, %dma_start3A_137] : memref<10240x128xf32, #tpu.memory_space<hbm>> -> memref<10240x128xf32, #tpu.memory_space<hbm>>
    tpu.enqueue_indirect_dma source(%dma_start3A_138 : memref<10240x128xf32, #tpu.memory_space<hbm>>) target(%arg9 : memref<64x128xf32, #tpu.memory_space<vmem>>) offsets(%dma_start3A_135 : memref<64xi32, #tpu.memory_space<vmem>>) semaphore(%arg14 : memref<!tpu.dma_semaphore, #tpu.memory_space<semaphore_mem>>)
    %dma_start3A_139 = arith.constant 1 : i32
    %dma_start3A_140 = arith.constant 0 : i32
    %dma_start3A_141 = tpu.memref_slice %arg7[%dma_start3A_139, %dma_start3A_140] : memref<40x64xi32, #tpu.memory_space<vmem>> -> memref<1x64xi32, #tpu.memory_space<vmem>>
    %dma_start3A_142 = tpu.memref_squeeze %dma_start3A_141 : memref<1x64xi32, #tpu.memory_space<vmem>> -> memref<64xi32, #tpu.memory_space<vmem>>
    %dma_start3A_143 = arith.constant 0 : i32
    %dma_start3A_144 = arith.constant 0 : i32
    %dma_start3A_145 = tpu.memref_slice %arg2[%dma_start3A_143, %dma_start3A_144] : memref<10240x128xf32, #tpu.memory_space<hbm>> -> memref<10240x128xf32, #tpu.memory_space<hbm>>
    tpu.enqueue_indirect_dma source(%dma_start3A_145 : memref<10240x128xf32, #tpu.memory_space<hbm>>) target(%arg10 : memref<64x128xf32, #tpu.memory_space<vmem>>) offsets(%dma_start3A_142 : memref<64xi32, #tpu.memory_space<vmem>>) semaphore(%arg15 : memref<!tpu.dma_semaphore, #tpu.memory_space<semaphore_mem>>)
    %dma_start3A_146 = arith.constant 2 : i32
    %dma_start3A_147 = arith.constant 0 : i32
    %dma_start3A_148 = tpu.memref_slice %arg7[%dma_start3A_146, %dma_start3A_147] : memref<40x64xi32, #tpu.memory_space<vmem>> -> memref<1x64xi32, #tpu.memory_space<vmem>>
    %dma_start3A_149 = tpu.memref_squeeze %dma_start3A_148 : memref<1x64xi32, #tpu.memory_space<vmem>> -> memref<64xi32, #tpu.memory_space<vmem>>
    %dma_start3A_150 = arith.constant 0 : i32
    %dma_start3A_151 = arith.constant 0 : i32
    %dma_start3A_152 = tpu.memref_slice %arg2[%dma_start3A_150, %dma_start3A_151] : memref<10240x128xf32, #tpu.memory_space<hbm>> -> memref<10240x128xf32, #tpu.memory_space<hbm>>
    tpu.enqueue_indirect_dma source(%dma_start3A_152 : memref<10240x128xf32, #tpu.memory_space<hbm>>) target(%arg11 : memref<64x128xf32, #tpu.memory_space<vmem>>) offsets(%dma_start3A_149 : memref<64xi32, #tpu.memory_space<vmem>>) semaphore(%arg16 : memref<!tpu.dma_semaphore, #tpu.memory_space<semaphore_mem>>)
    %dma_start3A_153 = arith.constant 3 : i32
    %dma_start3A_154 = arith.constant 0 : i32
    %dma_start3A_155 = tpu.memref_slice %arg7[%dma_start3A_153, %dma_start3A_154] : memref<40x64xi32, #tpu.memory_space<vmem>> -> memref<1x64xi32, #tpu.memory_space<vmem>>
    %dma_start3A_156 = tpu.memref_squeeze %dma_start3A_155 : memref<1x64xi32, #tpu.memory_space<vmem>> -> memref<64xi32, #tpu.memory_space<vmem>>
    %dma_start3A_157 = arith.constant 0 : i32
    %dma_start3A_158 = arith.constant 0 : i32
    %dma_start3A_159 = tpu.memref_slice %arg2[%dma_start3A_157, %dma_start3A_158] : memref<10240x128xf32, #tpu.memory_space<hbm>> -> memref<10240x128xf32, #tpu.memory_space<hbm>>
    tpu.enqueue_indirect_dma source(%dma_start3A_159 : memref<10240x128xf32, #tpu.memory_space<hbm>>) target(%arg12 : memref<64x128xf32, #tpu.memory_space<vmem>>) offsets(%dma_start3A_156 : memref<64xi32, #tpu.memory_space<vmem>>) semaphore(%arg17 : memref<!tpu.dma_semaphore, #tpu.memory_space<semaphore_mem>>)
    %scan3A_160 = arith.constant 0 : i32
    %scan3A_161 = arith.constant 10 : i32
    %scan3A_162 = arith.addi %scan3A_160, %scan3A_161 : i32
    %scan3A_163 = arith.constant 1 : i32
    scf.for %scan3A_173 = %scan3A_160 to %scan3A_162 step %scan3A_163  : i32 {
      %mul3A_174 = arith.constant 4 : i32
      %mul3A_175 = arith.muli %scan3A_173, %mul3A_174 : i32
      %add3A_176 = arith.constant 0 : i32
      %add3A_177 = arith.addi %add3A_176, %mul3A_175 : i32
      %add3A_178 = arith.constant 0 : i32
      %add3A_179 = arith.addi %add3A_177, %add3A_178 : i32
      %dma_wait3A = arith.constant 0 : i32
      %dma_wait3A_180 = tpu.memref_slice %arg7[%add3A_179, %dma_wait3A] : memref<40x64xi32, #tpu.memory_space<vmem>> -> memref<1x64xi32, #tpu.memory_space<vmem>>
      %dma_wait3A_181 = tpu.memref_squeeze %dma_wait3A_180 : memref<1x64xi32, #tpu.memory_space<vmem>> -> memref<64xi32, #tpu.memory_space<vmem>>
      %dma_wait3A_182 = arith.constant 0 : i32
      %dma_wait3A_183 = arith.constant 0 : i32
      %dma_wait3A_184 = tpu.memref_slice %arg2[%dma_wait3A_182, %dma_wait3A_183] : memref<10240x128xf32, #tpu.memory_space<hbm>> -> memref<10240x128xf32, #tpu.memory_space<hbm>>
      tpu.wait_indirect_dma semaphore(%arg14 : memref<!tpu.dma_semaphore, #tpu.memory_space<semaphore_mem>>) src(%dma_wait3A_184 : memref<10240x128xf32, #tpu.memory_space<hbm>>) dst(%arg9 : memref<64x128xf32, #tpu.memory_space<vmem>>)
      %add3A_185 = arith.constant 0 : i32
      %add3A_186 = arith.addi %add3A_177, %add3A_185 : i32
      "tpu.region"() ({
        %run_scoped3A = tpu.sem_alloc : memref<!tpu.dma_semaphore, #tpu.memory_space<semaphore_mem>>
        %dma_start3A_250 = arith.constant 0 : i32
        %dma_start3A_251 = tpu.memref_slice %arg8[%add3A_186, %dma_start3A_250] : memref<40x64xi32, #tpu.memory_space<vmem>> -> memref<1x64xi32, #tpu.memory_space<vmem>>
        %dma_start3A_252 = tpu.memref_squeeze %dma_start3A_251 : memref<1x64xi32, #tpu.memory_space<vmem>> -> memref<64xi32, #tpu.memory_space<vmem>>
        %dma_start3A_253 = arith.constant 0 : i32
        %dma_start3A_254 = arith.constant 0 : i32
        %dma_start3A_255 = tpu.memref_slice %arg13[%dma_start3A_253, %dma_start3A_254] : memref<10240x128xf32, #tpu.memory_space<vmem_shared>> -> memref<10240x128xf32, #tpu.memory_space<vmem_shared>>
        tpu.enqueue_indirect_dma source(%arg9 : memref<64x128xf32, #tpu.memory_space<vmem>>) target(%dma_start3A_255 : memref<10240x128xf32, #tpu.memory_space<vmem_shared>>) offsets(%dma_start3A_252 : memref<64xi32, #tpu.memory_space<vmem>>) semaphore(%run_scoped3A : memref<!tpu.dma_semaphore, #tpu.memory_space<semaphore_mem>>) {add = true}
        %dma_wait3A_256 = arith.constant 0 : i32
        %dma_wait3A_257 = tpu.memref_slice %arg8[%add3A_186, %dma_wait3A_256] : memref<40x64xi32, #tpu.memory_space<vmem>> -> memref<1x64xi32, #tpu.memory_space<vmem>>
        %dma_wait3A_258 = tpu.memref_squeeze %dma_wait3A_257 : memref<1x64xi32, #tpu.memory_space<vmem>> -> memref<64xi32, #tpu.memory_space<vmem>>
        %dma_wait3A_259 = arith.constant 0 : i32
        %dma_wait3A_260 = arith.constant 0 : i32
        %dma_wait3A_261 = tpu.memref_slice %arg13[%dma_wait3A_259, %dma_wait3A_260] : memref<10240x128xf32, #tpu.memory_space<vmem_shared>> -> memref<10240x128xf32, #tpu.memory_space<vmem_shared>>
        tpu.wait_indirect_dma semaphore(%run_scoped3A : memref<!tpu.dma_semaphore, #tpu.memory_space<semaphore_mem>>) src(%arg9 : memref<64x128xf32, #tpu.memory_space<vmem>>) dst(%dma_wait3A_261 : memref<10240x128xf32, #tpu.memory_space<vmem_shared>>)
        tpu.yield
      }) : () -> ()
      %add3A_187 = arith.constant 0 : i32
      %add3A_188 = arith.addi %add3A_177, %add3A_187 : i32
      %add3A_189 = arith.constant 4 : i32
      %add3A_190 = arith.addi %add3A_188, %add3A_189 : i32
      %lt3A = arith.constant 40 : i32
      %lt3A_191 = arith.cmpi slt, %add3A_190, %lt3A : i32
      %convert_element_type3A = arith.extui %lt3A_191 : i1 to i32
      %cond3A = arith.constant 0 : i32
      %cond3A_192 = arith.cmpi ne, %convert_element_type3A, %cond3A : i32
      scf.if %cond3A_192 {
        %add3A_250 = arith.constant 0 : i32
        %add3A_251 = arith.addi %add3A_177, %add3A_250 : i32
        %add3A_252 = arith.constant 4 : i32
        %add3A_253 = arith.addi %add3A_251, %add3A_252 : i32
        %dma_start3A_254 = arith.constant 0 : i32
        %dma_start3A_255 = tpu.memref_slice %arg7[%add3A_253, %dma_start3A_254] : memref<40x64xi32, #tpu.memory_space<vmem>> -> memref<1x64xi32, #tpu.memory_space<vmem>>
        %dma_start3A_256 = tpu.memref_squeeze %dma_start3A_255 : memref<1x64xi32, #tpu.memory_space<vmem>> -> memref<64xi32, #tpu.memory_space<vmem>>
        %dma_start3A_257 = arith.constant 0 : i32
        %dma_start3A_258 = arith.constant 0 : i32
        %dma_start3A_259 = tpu.memref_slice %arg2[%dma_start3A_257, %dma_start3A_258] : memref<10240x128xf32, #tpu.memory_space<hbm>> -> memref<10240x128xf32, #tpu.memory_space<hbm>>
        tpu.enqueue_indirect_dma source(%dma_start3A_259 : memref<10240x128xf32, #tpu.memory_space<hbm>>) target(%arg9 : memref<64x128xf32, #tpu.memory_space<vmem>>) offsets(%dma_start3A_256 : memref<64xi32, #tpu.memory_space<vmem>>) semaphore(%arg14 : memref<!tpu.dma_semaphore, #tpu.memory_space<semaphore_mem>>)
      } else {
      }
      %add3A_193 = arith.constant 1 : i32
      %add3A_194 = arith.addi %add3A_177, %add3A_193 : i32
      %dma_wait3A_195 = arith.constant 0 : i32
      %dma_wait3A_196 = tpu.memref_slice %arg7[%add3A_194, %dma_wait3A_195] : memref<40x64xi32, #tpu.memory_space<vmem>> -> memref<1x64xi32, #tpu.memory_space<vmem>>
      %dma_wait3A_197 = tpu.memref_squeeze %dma_wait3A_196 : memref<1x64xi32, #tpu.memory_space<vmem>> -> memref<64xi32, #tpu.memory_space<vmem>>
      %dma_wait3A_198 = arith.constant 0 : i32
      %dma_wait3A_199 = arith.constant 0 : i32
      %dma_wait3A_200 = tpu.memref_slice %arg2[%dma_wait3A_198, %dma_wait3A_199] : memref<10240x128xf32, #tpu.memory_space<hbm>> -> memref<10240x128xf32, #tpu.memory_space<hbm>>
      tpu.wait_indirect_dma semaphore(%arg15 : memref<!tpu.dma_semaphore, #tpu.memory_space<semaphore_mem>>) src(%dma_wait3A_200 : memref<10240x128xf32, #tpu.memory_space<hbm>>) dst(%arg10 : memref<64x128xf32, #tpu.memory_space<vmem>>)
      %add3A_201 = arith.constant 1 : i32
      %add3A_202 = arith.addi %add3A_177, %add3A_201 : i32
      "tpu.region"() ({
        %run_scoped3A = tpu.sem_alloc : memref<!tpu.dma_semaphore, #tpu.memory_space<semaphore_mem>>
        %dma_start3A_250 = arith.constant 0 : i32
        %dma_start3A_251 = tpu.memref_slice %arg8[%add3A_202, %dma_start3A_250] : memref<40x64xi32, #tpu.memory_space<vmem>> -> memref<1x64xi32, #tpu.memory_space<vmem>>
        %dma_start3A_252 = tpu.memref_squeeze %dma_start3A_251 : memref<1x64xi32, #tpu.memory_space<vmem>> -> memref<64xi32, #tpu.memory_space<vmem>>
        %dma_start3A_253 = arith.constant 0 : i32
        %dma_start3A_254 = arith.constant 0 : i32
        %dma_start3A_255 = tpu.memref_slice %arg13[%dma_start3A_253, %dma_start3A_254] : memref<10240x128xf32, #tpu.memory_space<vmem_shared>> -> memref<10240x128xf32, #tpu.memory_space<vmem_shared>>
        tpu.enqueue_indirect_dma source(%arg10 : memref<64x128xf32, #tpu.memory_space<vmem>>) target(%dma_start3A_255 : memref<10240x128xf32, #tpu.memory_space<vmem_shared>>) offsets(%dma_start3A_252 : memref<64xi32, #tpu.memory_space<vmem>>) semaphore(%run_scoped3A : memref<!tpu.dma_semaphore, #tpu.memory_space<semaphore_mem>>) {add = true}
        %dma_wait3A_256 = arith.constant 0 : i32
        %dma_wait3A_257 = tpu.memref_slice %arg8[%add3A_202, %dma_wait3A_256] : memref<40x64xi32, #tpu.memory_space<vmem>> -> memref<1x64xi32, #tpu.memory_space<vmem>>
        %dma_wait3A_258 = tpu.memref_squeeze %dma_wait3A_257 : memref<1x64xi32, #tpu.memory_space<vmem>> -> memref<64xi32, #tpu.memory_space<vmem>>
        %dma_wait3A_259 = arith.constant 0 : i32
        %dma_wait3A_260 = arith.constant 0 : i32
        %dma_wait3A_261 = tpu.memref_slice %arg13[%dma_wait3A_259, %dma_wait3A_260] : memref<10240x128xf32, #tpu.memory_space<vmem_shared>> -> memref<10240x128xf32, #tpu.memory_space<vmem_shared>>
        tpu.wait_indirect_dma semaphore(%run_scoped3A : memref<!tpu.dma_semaphore, #tpu.memory_space<semaphore_mem>>) src(%arg10 : memref<64x128xf32, #tpu.memory_space<vmem>>) dst(%dma_wait3A_261 : memref<10240x128xf32, #tpu.memory_space<vmem_shared>>)
        tpu.yield
      }) : () -> ()
      %add3A_203 = arith.constant 1 : i32
      %add3A_204 = arith.addi %add3A_177, %add3A_203 : i32
      %add3A_205 = arith.constant 4 : i32
      %add3A_206 = arith.addi %add3A_204, %add3A_205 : i32
      %lt3A_207 = arith.constant 40 : i32
      %lt3A_208 = arith.cmpi slt, %add3A_206, %lt3A_207 : i32
      %convert_element_type3A_209 = arith.extui %lt3A_208 : i1 to i32
      %cond3A_210 = arith.constant 0 : i32
      %cond3A_211 = arith.cmpi ne, %convert_element_type3A_209, %cond3A_210 : i32
      scf.if %cond3A_211 {
        %add3A_250 = arith.constant 1 : i32
        %add3A_251 = arith.addi %add3A_177, %add3A_250 : i32
        %add3A_252 = arith.constant 4 : i32
        %add3A_253 = arith.addi %add3A_251, %add3A_252 : i32
        %dma_start3A_254 = arith.constant 0 : i32
        %dma_start3A_255 = tpu.memref_slice %arg7[%add3A_253, %dma_start3A_254] : memref<40x64xi32, #tpu.memory_space<vmem>> -> memref<1x64xi32, #tpu.memory_space<vmem>>
        %dma_start3A_256 = tpu.memref_squeeze %dma_start3A_255 : memref<1x64xi32, #tpu.memory_space<vmem>> -> memref<64xi32, #tpu.memory_space<vmem>>
        %dma_start3A_257 = arith.constant 0 : i32
        %dma_start3A_258 = arith.constant 0 : i32
        %dma_start3A_259 = tpu.memref_slice %arg2[%dma_start3A_257, %dma_start3A_258] : memref<10240x128xf32, #tpu.memory_space<hbm>> -> memref<10240x128xf32, #tpu.memory_space<hbm>>
        tpu.enqueue_indirect_dma source(%dma_start3A_259 : memref<10240x128xf32, #tpu.memory_space<hbm>>) target(%arg10 : memref<64x128xf32, #tpu.memory_space<vmem>>) offsets(%dma_start3A_256 : memref<64xi32, #tpu.memory_space<vmem>>) semaphore(%arg15 : memref<!tpu.dma_semaphore, #tpu.memory_space<semaphore_mem>>)
      } else {
      }
      %add3A_212 = arith.constant 2 : i32
      %add3A_213 = arith.addi %add3A_177, %add3A_212 : i32
      %dma_wait3A_214 = arith.constant 0 : i32
      %dma_wait3A_215 = tpu.memref_slice %arg7[%add3A_213, %dma_wait3A_214] : memref<40x64xi32, #tpu.memory_space<vmem>> -> memref<1x64xi32, #tpu.memory_space<vmem>>
      %dma_wait3A_216 = tpu.memref_squeeze %dma_wait3A_215 : memref<1x64xi32, #tpu.memory_space<vmem>> -> memref<64xi32, #tpu.memory_space<vmem>>
      %dma_wait3A_217 = arith.constant 0 : i32
      %dma_wait3A_218 = arith.constant 0 : i32
      %dma_wait3A_219 = tpu.memref_slice %arg2[%dma_wait3A_217, %dma_wait3A_218] : memref<10240x128xf32, #tpu.memory_space<hbm>> -> memref<10240x128xf32, #tpu.memory_space<hbm>>
      tpu.wait_indirect_dma semaphore(%arg16 : memref<!tpu.dma_semaphore, #tpu.memory_space<semaphore_mem>>) src(%dma_wait3A_219 : memref<10240x128xf32, #tpu.memory_space<hbm>>) dst(%arg11 : memref<64x128xf32, #tpu.memory_space<vmem>>)
      %add3A_220 = arith.constant 2 : i32
      %add3A_221 = arith.addi %add3A_177, %add3A_220 : i32
      "tpu.region"() ({
        %run_scoped3A = tpu.sem_alloc : memref<!tpu.dma_semaphore, #tpu.memory_space<semaphore_mem>>
        %dma_start3A_250 = arith.constant 0 : i32
        %dma_start3A_251 = tpu.memref_slice %arg8[%add3A_221, %dma_start3A_250] : memref<40x64xi32, #tpu.memory_space<vmem>> -> memref<1x64xi32, #tpu.memory_space<vmem>>
        %dma_start3A_252 = tpu.memref_squeeze %dma_start3A_251 : memref<1x64xi32, #tpu.memory_space<vmem>> -> memref<64xi32, #tpu.memory_space<vmem>>
        %dma_start3A_253 = arith.constant 0 : i32
        %dma_start3A_254 = arith.constant 0 : i32
        %dma_start3A_255 = tpu.memref_slice %arg13[%dma_start3A_253, %dma_start3A_254] : memref<10240x128xf32, #tpu.memory_space<vmem_shared>> -> memref<10240x128xf32, #tpu.memory_space<vmem_shared>>
        tpu.enqueue_indirect_dma source(%arg11 : memref<64x128xf32, #tpu.memory_space<vmem>>) target(%dma_start3A_255 : memref<10240x128xf32, #tpu.memory_space<vmem_shared>>) offsets(%dma_start3A_252 : memref<64xi32, #tpu.memory_space<vmem>>) semaphore(%run_scoped3A : memref<!tpu.dma_semaphore, #tpu.memory_space<semaphore_mem>>) {add = true}
        %dma_wait3A_256 = arith.constant 0 : i32
        %dma_wait3A_257 = tpu.memref_slice %arg8[%add3A_221, %dma_wait3A_256] : memref<40x64xi32, #tpu.memory_space<vmem>> -> memref<1x64xi32, #tpu.memory_space<vmem>>
        %dma_wait3A_258 = tpu.memref_squeeze %dma_wait3A_257 : memref<1x64xi32, #tpu.memory_space<vmem>> -> memref<64xi32, #tpu.memory_space<vmem>>
        %dma_wait3A_259 = arith.constant 0 : i32
        %dma_wait3A_260 = arith.constant 0 : i32
        %dma_wait3A_261 = tpu.memref_slice %arg13[%dma_wait3A_259, %dma_wait3A_260] : memref<10240x128xf32, #tpu.memory_space<vmem_shared>> -> memref<10240x128xf32, #tpu.memory_space<vmem_shared>>
        tpu.wait_indirect_dma semaphore(%run_scoped3A : memref<!tpu.dma_semaphore, #tpu.memory_space<semaphore_mem>>) src(%arg11 : memref<64x128xf32, #tpu.memory_space<vmem>>) dst(%dma_wait3A_261 : memref<10240x128xf32, #tpu.memory_space<vmem_shared>>)
        tpu.yield
      }) : () -> ()
      %add3A_222 = arith.constant 2 : i32
      %add3A_223 = arith.addi %add3A_177, %add3A_222 : i32
      %add3A_224 = arith.constant 4 : i32
      %add3A_225 = arith.addi %add3A_223, %add3A_224 : i32
      %lt3A_226 = arith.constant 40 : i32
      %lt3A_227 = arith.cmpi slt, %add3A_225, %lt3A_226 : i32
      %convert_element_type3A_228 = arith.extui %lt3A_227 : i1 to i32
      %cond3A_229 = arith.constant 0 : i32
      %cond3A_230 = arith.cmpi ne, %convert_element_type3A_228, %cond3A_229 : i32
      scf.if %cond3A_230 {
        %add3A_250 = arith.constant 2 : i32
        %add3A_251 = arith.addi %add3A_177, %add3A_250 : i32
        %add3A_252 = arith.constant 4 : i32
        %add3A_253 = arith.addi %add3A_251, %add3A_252 : i32
        %dma_start3A_254 = arith.constant 0 : i32
        %dma_start3A_255 = tpu.memref_slice %arg7[%add3A_253, %dma_start3A_254] : memref<40x64xi32, #tpu.memory_space<vmem>> -> memref<1x64xi32, #tpu.memory_space<vmem>>
        %dma_start3A_256 = tpu.memref_squeeze %dma_start3A_255 : memref<1x64xi32, #tpu.memory_space<vmem>> -> memref<64xi32, #tpu.memory_space<vmem>>
        %dma_start3A_257 = arith.constant 0 : i32
        %dma_start3A_258 = arith.constant 0 : i32
        %dma_start3A_259 = tpu.memref_slice %arg2[%dma_start3A_257, %dma_start3A_258] : memref<10240x128xf32, #tpu.memory_space<hbm>> -> memref<10240x128xf32, #tpu.memory_space<hbm>>
        tpu.enqueue_indirect_dma source(%dma_start3A_259 : memref<10240x128xf32, #tpu.memory_space<hbm>>) target(%arg11 : memref<64x128xf32, #tpu.memory_space<vmem>>) offsets(%dma_start3A_256 : memref<64xi32, #tpu.memory_space<vmem>>) semaphore(%arg16 : memref<!tpu.dma_semaphore, #tpu.memory_space<semaphore_mem>>)
      } else {
      }
      %add3A_231 = arith.constant 3 : i32
      %add3A_232 = arith.addi %add3A_177, %add3A_231 : i32
      %dma_wait3A_233 = arith.constant 0 : i32
      %dma_wait3A_234 = tpu.memref_slice %arg7[%add3A_232, %dma_wait3A_233] : memref<40x64xi32, #tpu.memory_space<vmem>> -> memref<1x64xi32, #tpu.memory_space<vmem>>
      %dma_wait3A_235 = tpu.memref_squeeze %dma_wait3A_234 : memref<1x64xi32, #tpu.memory_space<vmem>> -> memref<64xi32, #tpu.memory_space<vmem>>
      %dma_wait3A_236 = arith.constant 0 : i32
      %dma_wait3A_237 = arith.constant 0 : i32
      %dma_wait3A_238 = tpu.memref_slice %arg2[%dma_wait3A_236, %dma_wait3A_237] : memref<10240x128xf32, #tpu.memory_space<hbm>> -> memref<10240x128xf32, #tpu.memory_space<hbm>>
      tpu.wait_indirect_dma semaphore(%arg17 : memref<!tpu.dma_semaphore, #tpu.memory_space<semaphore_mem>>) src(%dma_wait3A_238 : memref<10240x128xf32, #tpu.memory_space<hbm>>) dst(%arg12 : memref<64x128xf32, #tpu.memory_space<vmem>>)
      %add3A_239 = arith.constant 3 : i32
      %add3A_240 = arith.addi %add3A_177, %add3A_239 : i32
      "tpu.region"() ({
        %run_scoped3A = tpu.sem_alloc : memref<!tpu.dma_semaphore, #tpu.memory_space<semaphore_mem>>
        %dma_start3A_250 = arith.constant 0 : i32
        %dma_start3A_251 = tpu.memref_slice %arg8[%add3A_240, %dma_start3A_250] : memref<40x64xi32, #tpu.memory_space<vmem>> -> memref<1x64xi32, #tpu.memory_space<vmem>>
        %dma_start3A_252 = tpu.memref_squeeze %dma_start3A_251 : memref<1x64xi32, #tpu.memory_space<vmem>> -> memref<64xi32, #tpu.memory_space<vmem>>
        %dma_start3A_253 = arith.constant 0 : i32
        %dma_start3A_254 = arith.constant 0 : i32
        %dma_start3A_255 = tpu.memref_slice %arg13[%dma_start3A_253, %dma_start3A_254] : memref<10240x128xf32, #tpu.memory_space<vmem_shared>> -> memref<10240x128xf32, #tpu.memory_space<vmem_shared>>
        tpu.enqueue_indirect_dma source(%arg12 : memref<64x128xf32, #tpu.memory_space<vmem>>) target(%dma_start3A_255 : memref<10240x128xf32, #tpu.memory_space<vmem_shared>>) offsets(%dma_start3A_252 : memref<64xi32, #tpu.memory_space<vmem>>) semaphore(%run_scoped3A : memref<!tpu.dma_semaphore, #tpu.memory_space<semaphore_mem>>) {add = true}
        %dma_wait3A_256 = arith.constant 0 : i32
        %dma_wait3A_257 = tpu.memref_slice %arg8[%add3A_240, %dma_wait3A_256] : memref<40x64xi32, #tpu.memory_space<vmem>> -> memref<1x64xi32, #tpu.memory_space<vmem>>
        %dma_wait3A_258 = tpu.memref_squeeze %dma_wait3A_257 : memref<1x64xi32, #tpu.memory_space<vmem>> -> memref<64xi32, #tpu.memory_space<vmem>>
        %dma_wait3A_259 = arith.constant 0 : i32
        %dma_wait3A_260 = arith.constant 0 : i32
        %dma_wait3A_261 = tpu.memref_slice %arg13[%dma_wait3A_259, %dma_wait3A_260] : memref<10240x128xf32, #tpu.memory_space<vmem_shared>> -> memref<10240x128xf32, #tpu.memory_space<vmem_shared>>
        tpu.wait_indirect_dma semaphore(%run_scoped3A : memref<!tpu.dma_semaphore, #tpu.memory_space<semaphore_mem>>) src(%arg12 : memref<64x128xf32, #tpu.memory_space<vmem>>) dst(%dma_wait3A_261 : memref<10240x128xf32, #tpu.memory_space<vmem_shared>>)
        tpu.yield
      }) : () -> ()
      %add3A_241 = arith.constant 3 : i32
      %add3A_242 = arith.addi %add3A_177, %add3A_241 : i32
      %add3A_243 = arith.constant 4 : i32
      %add3A_244 = arith.addi %add3A_242, %add3A_243 : i32
      %lt3A_245 = arith.constant 40 : i32
      %lt3A_246 = arith.cmpi slt, %add3A_244, %lt3A_245 : i32
      %convert_element_type3A_247 = arith.extui %lt3A_246 : i1 to i32
      %cond3A_248 = arith.constant 0 : i32
      %cond3A_249 = arith.cmpi ne, %convert_element_type3A_247, %cond3A_248 : i32
      scf.if %cond3A_249 {
        %add3A_250 = arith.constant 3 : i32
        %add3A_251 = arith.addi %add3A_177, %add3A_250 : i32
        %add3A_252 = arith.constant 4 : i32
        %add3A_253 = arith.addi %add3A_251, %add3A_252 : i32
        %dma_start3A_254 = arith.constant 0 : i32
        %dma_start3A_255 = tpu.memref_slice %arg7[%add3A_253, %dma_start3A_254] : memref<40x64xi32, #tpu.memory_space<vmem>> -> memref<1x64xi32, #tpu.memory_space<vmem>>
        %dma_start3A_256 = tpu.memref_squeeze %dma_start3A_255 : memref<1x64xi32, #tpu.memory_space<vmem>> -> memref<64xi32, #tpu.memory_space<vmem>>
        %dma_start3A_257 = arith.constant 0 : i32
        %dma_start3A_258 = arith.constant 0 : i32
        %dma_start3A_259 = tpu.memref_slice %arg2[%dma_start3A_257, %dma_start3A_258] : memref<10240x128xf32, #tpu.memory_space<hbm>> -> memref<10240x128xf32, #tpu.memory_space<hbm>>
        tpu.enqueue_indirect_dma source(%dma_start3A_259 : memref<10240x128xf32, #tpu.memory_space<hbm>>) target(%arg12 : memref<64x128xf32, #tpu.memory_space<vmem>>) offsets(%dma_start3A_256 : memref<64xi32, #tpu.memory_space<vmem>>) semaphore(%arg17 : memref<!tpu.dma_semaphore, #tpu.memory_space<semaphore_mem>>)
      } else {
      }
    }
    %scan3A_164 = arith.constant 10 : i32
    %barrier3A_165 = arith.constant 0 : index
    tpu.barrier barrier_id(%barrier3A_165)
    %mul3A_166 = arith.constant 640 : i32
    %mul3A_167 = arith.muli %arg1, %mul3A_166 : i32
    %mul3A_168 = arith.constant 10240 : i32
    %mul3A_169 = arith.muli %arg0, %mul3A_168 : i32
    %mul3A_170 = arith.constant 640 : i32
    %mul3A_171 = arith.muli %arg1, %mul3A_170 : i32
    %add3A_172 = arith.addi %mul3A_169, %mul3A_171 : i32
    "tpu.region"() ({
      %run_scoped3A = tpu.sem_alloc : memref<!tpu.dma_semaphore, #tpu.memory_space<semaphore_mem>>
      %dma_start3A_173 = arith.constant 0 : i32
      %dma_start3A_174 = tpu.memref_slice %arg6[%add3A_172, %dma_start3A_173] : memref<20480x128xf32, #tpu.memory_space<hbm>> -> memref<640x128xf32, #tpu.memory_space<hbm>>
      %dma_start3A_175 = arith.constant 0 : i32
      %dma_start3A_176 = tpu.memref_slice %arg13[%mul3A_167, %dma_start3A_175] : memref<10240x128xf32, #tpu.memory_space<vmem_shared>> -> memref<640x128xf32, #tpu.memory_space<vmem_shared>>
      tpu.enqueue_dma source(%dma_start3A_176 : memref<640x128xf32, #tpu.memory_space<vmem_shared>>) target(%dma_start3A_174 : memref<640x128xf32, #tpu.memory_space<hbm>>) target_semaphore(%run_scoped3A : memref<!tpu.dma_semaphore, #tpu.memory_space<semaphore_mem>>)
      %dma_wait3A = arith.constant 0 : i32
      %dma_wait3A_177 = tpu.memref_slice %arg6[%add3A_172, %dma_wait3A] : memref<20480x128xf32, #tpu.memory_space<hbm>> -> memref<640x128xf32, #tpu.memory_space<hbm>>
      %dma_wait3A_178 = arith.constant 0 : i32
      %dma_wait3A_179 = tpu.memref_slice %arg13[%mul3A_167, %dma_wait3A_178] : memref<10240x128xf32, #tpu.memory_space<vmem_shared>> -> memref<640x128xf32, #tpu.memory_space<vmem_shared>>
      tpu.wait_dma2 semaphore(%run_scoped3A : memref<!tpu.dma_semaphore, #tpu.memory_space<semaphore_mem>>) src(%dma_wait3A_179 : memref<640x128xf32, #tpu.memory_space<vmem_shared>>) dst(%dma_wait3A_177 : memref<640x128xf32, #tpu.memory_space<hbm>>)
      tpu.yield
    }) : () -> ()
    return
  }
}

module attributes {stable_mosaic.version = 14 : i64} {
  func.func @body(%arg0: i32, %arg1: memref<1024x128xf32, #tpu.memory_space<vmem>>, %arg2: memref<128x128xf32, #tpu.memory_space<vmem>>, %arg3: memref<1024x128xf32, #tpu.memory_space<vmem>>) attributes {dimension_semantics = [#tpu.dimension_semantics<arbitrary>], iteration_bounds = array<i64: 10>, scalar_prefetch = 0 : i64, scratch_operands = 0 : i64, tpu.core_type = #tpu.core_type<tc>, window_params = [{transform_indices = @transform_0, window_bounds = array<i64: 1024, 128>}, {pipeline_mode = #tpu.pipeline_mode<synchronous>, transform_indices = @transform_1, window_bounds = array<i64: 128, 128>}, {transform_indices = @transform_2, window_bounds = array<i64: 1024, 128>}]} {
    %get3A = arith.constant 0 : index
    %get3A_0 = arith.constant 0 : index
    %get3A_1 = vector.load %arg1[%get3A, %get3A_0] : memref<1024x128xf32, #tpu.memory_space<vmem>>, vector<1024x128xf32>
    %get3A_2 = arith.constant 0 : index
    %get3A_3 = arith.constant 0 : index
    %get3A_4 = vector.load %arg2[%get3A_2, %get3A_3] : memref<128x128xf32, #tpu.memory_space<vmem>>, vector<128x128xf32>
    %dot_general3A = arith.constant dense<0.000000e+00> : vector<1024x128xf32>
    %dot_general3A_5 = tpu.matmul %get3A_1, %get3A_4, %dot_general3A {dimension_numbers = #tpu.dot_dimension_numbers<[1], [0], [0], [1], [0, 0, 1, 1], [], []>, transpose_lhs_hint = false} : vector<1024x128xf32>, vector<128x128xf32>, vector<1024x128xf32> -> vector<1024x128xf32>
    %swap3A = arith.constant 0 : index
    %swap3A_6 = arith.constant 0 : index
    %swap3A_7 = vector.load %arg3[%swap3A, %swap3A_6] : memref<1024x128xf32, #tpu.memory_space<vmem>>, vector<1024x128xf32>
    tpu.vector_store %arg3[%swap3A, %swap3A_6], %dot_general3A_5 {strides = array<i32>} : memref<1024x128xf32, #tpu.memory_space<vmem>>, vector<1024x128xf32>,
    return
  }
  func.func @transform_0(%arg0: i32) -> (i32, i32) {
    %c0_i32 = arith.constant 0 : i32
    %c0_i32_0 = arith.constant 0 : i32
    return %arg0, %c0_i32 : i32, i32
  }
  func.func @transform_1(%arg0: i32) -> (i32, i32) {
    %c0_i32 = arith.constant 0 : i32
    %c0_i32_0 = arith.constant 0 : i32
    %c0_i32_1 = arith.constant 0 : i32
    return %c0_i32, %c0_i32_0 : i32, i32
  }
  func.func @transform_2(%arg0: i32) -> (i32, i32) {
    %c0_i32 = arith.constant 0 : i32
    %c0_i32_0 = arith.constant 0 : i32
    return %arg0, %c0_i32 : i32, i32
  }
}

module attributes {stable_mosaic.version = 14 : i64} {
  func.func @body(%arg0: i32, %arg1: memref<1024x128xf32, #tpu.memory_space<vmem>>, %arg2: memref<1024x128xf32, #tpu.memory_space<vmem>>, %arg3: memref<1024x128xf32, #tpu.memory_space<vmem>>, %arg4: memref<1024x128xf32, #tpu.memory_space<vmem>>) attributes {dimension_semantics = [#tpu.dimension_semantics<arbitrary>], iteration_bounds = array<i64: 10>, scalar_prefetch = 0 : i64, scratch_operands = 0 : i64, tpu.core_type = #tpu.core_type<tc>, window_params = [{transform_indices = @transform_0, window_bounds = array<i64: 1024, 128>}, {transform_indices = @transform_1, window_bounds = array<i64: 1024, 128>}, {transform_indices = @transform_2, window_bounds = array<i64: 1024, 128>}, {transform_indices = @transform_3, window_bounds = array<i64: 1024, 128>}]} {
    %get3A = arith.constant 0 : index
    %get3A_0 = arith.constant 0 : index
    %get3A_1 = vector.load %arg1[%get3A, %get3A_0] : memref<1024x128xf32, #tpu.memory_space<vmem>>, vector<1024x128xf32>
    %get3A_2 = arith.constant 0 : index
    %get3A_3 = arith.constant 0 : index
    %get3A_4 = vector.load %arg2[%get3A_2, %get3A_3] : memref<1024x128xf32, #tpu.memory_space<vmem>>, vector<1024x1xf32>
    %get3A_5 = arith.constant 0 : index
    %get3A_6 = arith.constant 0 : index
    %get3A_7 = vector.load %arg3[%get3A_5, %get3A_6] : memref<1024x128xf32, #tpu.memory_space<vmem>>, vector<1024x1xf32>
    %add3A = arith.addf %get3A_4, %get3A_7 : vector<1024x1xf32>
    %add3A_8 = arith.constant 1.000000e+00 : f32
    %add3A_9 = vector.broadcast %add3A_8 : f32 to vector<1024x1xf32>
    %add3A_10 = arith.addf %add3A, %add3A_9 : vector<1024x1xf32>
    %rsqrt3A = math.rsqrt %add3A_10 : vector<1024x1xf32>
    %mul3A = vector.broadcast %rsqrt3A : vector<1024x1xf32> to vector<1024x128xf32>
    %mul3A_11 = arith.mulf %get3A_1, %mul3A : vector<1024x128xf32>
    %swap3A = arith.constant 0 : index
    %swap3A_12 = arith.constant 0 : index
    %swap3A_13 = vector.load %arg4[%swap3A, %swap3A_12] : memref<1024x128xf32, #tpu.memory_space<vmem>>, vector<1024x128xf32>
    tpu.vector_store %arg4[%swap3A, %swap3A_12], %mul3A_11 {strides = array<i32>} : memref<1024x128xf32, #tpu.memory_space<vmem>>, vector<1024x128xf32>,
    return
  }
  func.func @transform_0(%arg0: i32) -> (i32, i32) {
    %c0_i32 = arith.constant 0 : i32
    %c0_i32_0 = arith.constant 0 : i32
    return %arg0, %c0_i32 : i32, i32
  }
  func.func @transform_1(%arg0: i32) -> (i32, i32) {
    %c0_i32 = arith.constant 0 : i32
    %c0_i32_0 = arith.constant 0 : i32
    return %arg0, %c0_i32 : i32, i32
  }
  func.func @transform_2(%arg0: i32) -> (i32, i32) {
    %add3A = arith.constant 10 : i32
    %add3A_0 = arith.addi %arg0, %add3A : i32
    %c0_i32 = arith.constant 0 : i32
    %c0_i32_1 = arith.constant 0 : i32
    return %add3A_0, %c0_i32 : i32, i32
  }
  func.func @transform_3(%arg0: i32) -> (i32, i32) {
    %c0_i32 = arith.constant 0 : i32
    %c0_i32_0 = arith.constant 0 : i32
    return %arg0, %c0_i32 : i32, i32
  }
}

module attributes {stable_mosaic.version = 14 : i64} {
  func.func @body(%arg0: i32, %arg1: memref<1024x128xf32, #tpu.memory_space<vmem>>, %arg2: memref<1024x128xf32, #tpu.memory_space<vmem>>, %arg3: memref<1024x128xf32, #tpu.memory_space<vmem>>, %arg4: memref<1024x128xf32, #tpu.memory_space<vmem>>, %arg5: memref<1024x128xf32, #tpu.memory_space<vmem>>, %arg6: memref<1x128xf32, #tpu.memory_space<vmem>>, %arg7: memref<128x128xf32, #tpu.memory_space<vmem>>, %arg8: memref<1024x128xf32, #tpu.memory_space<vmem>>) attributes {dimension_semantics = [#tpu.dimension_semantics<arbitrary>], iteration_bounds = array<i64: 10>, scalar_prefetch = 0 : i64, scratch_operands = 0 : i64, tpu.core_type = #tpu.core_type<tc>, window_params = [{transform_indices = @transform_0, window_bounds = array<i64: 1024, 128>}, {transform_indices = @transform_1, window_bounds = array<i64: 1024, 128>}, {transform_indices = @transform_2, window_bounds = array<i64: 1024, 128>}, {transform_indices = @transform_3, window_bounds = array<i64: 1024, 128>}, {transform_indices = @transform_4, window_bounds = array<i64: 1024, 128>}, {pipeline_mode = #tpu.pipeline_mode<synchronous>, transform_indices = @transform_5, window_bounds = array<i64: 1, 128>}, {pipeline_mode = #tpu.pipeline_mode<synchronous>, transform_indices = @transform_6, window_bounds = array<i64: 128, 128>}, {transform_indices = @transform_7, window_bounds = array<i64: 1024, 128>}]} {
    %get3A = arith.constant 0 : index
    %get3A_0 = arith.constant 0 : index
    %get3A_1 = vector.load %arg4[%get3A, %get3A_0] : memref<1024x128xf32, #tpu.memory_space<vmem>>, vector<1024x1xf32>
    %get3A_2 = arith.constant 0 : index
    %get3A_3 = arith.constant 0 : index
    %get3A_4 = vector.load %arg5[%get3A_2, %get3A_3] : memref<1024x128xf32, #tpu.memory_space<vmem>>, vector<1024x1xf32>
    %add3A = arith.addf %get3A_1, %get3A_4 : vector<1024x1xf32>
    %add3A_5 = arith.constant 1.000000e+00 : f32
    %add3A_6 = vector.broadcast %add3A_5 : f32 to vector<1024x1xf32>
    %add3A_7 = arith.addf %add3A, %add3A_6 : vector<1024x1xf32>
    %rsqrt3A = math.rsqrt %add3A_7 : vector<1024x1xf32>
    %get3A_8 = arith.constant 0 : index
    %get3A_9 = arith.constant 0 : index
    %get3A_10 = vector.load %arg1[%get3A_8, %get3A_9] : memref<1024x128xf32, #tpu.memory_space<vmem>>, vector<1024x128xf32>
    %get3A_11 = arith.constant 0 : index
    %get3A_12 = arith.constant 0 : index
    %get3A_13 = vector.load %arg2[%get3A_11, %get3A_12] : memref<1024x128xf32, #tpu.memory_space<vmem>>, vector<1024x128xf32>
    %add3A_14 = arith.addf %get3A_10, %get3A_13 : vector<1024x128xf32>
    %get3A_15 = arith.constant 0 : index
    %get3A_16 = arith.constant 0 : index
    %get3A_17 = vector.load %arg3[%get3A_15, %get3A_16] : memref<1024x128xf32, #tpu.memory_space<vmem>>, vector<1024x128xf32>
    %add3A_18 = arith.addf %add3A_14, %get3A_17 : vector<1024x128xf32>
    %mul3A = vector.broadcast %rsqrt3A : vector<1024x1xf32> to vector<1024x128xf32>
    %mul3A_19 = arith.mulf %add3A_18, %mul3A : vector<1024x128xf32>
    %get3A_20 = arith.constant 0 : index
    %get3A_21 = arith.constant 0 : index
    %get3A_22 = vector.load %arg6[%get3A_20, %get3A_21] : memref<1x128xf32, #tpu.memory_space<vmem>>, vector<1x128xf32>
    %add3A_23 = vector.broadcast %get3A_22 : vector<1x128xf32> to vector<1024x128xf32>
    %add3A_24 = arith.addf %mul3A_19, %add3A_23 : vector<1024x128xf32>
    %max3A = arith.constant 0.000000e+00 : f32
    %max3A_25 = vector.broadcast %max3A : f32 to vector<1024x128xf32>
    %max3A_26 = arith.maximumf %add3A_24, %max3A_25 : vector<1024x128xf32>
    %get3A_27 = arith.constant 0 : index
    %get3A_28 = arith.constant 0 : index
    %get3A_29 = vector.load %arg7[%get3A_27, %get3A_28] : memref<128x128xf32, #tpu.memory_space<vmem>>, vector<128x128xf32>
    %dot_general3A = arith.constant dense<0.000000e+00> : vector<1024x128xf32>
    %dot_general3A_30 = tpu.matmul %max3A_26, %get3A_29, %dot_general3A {dimension_numbers = #tpu.dot_dimension_numbers<[1], [0], [0], [1], [0, 0, 1, 1], [], []>, transpose_lhs_hint = false} : vector<1024x128xf32>, vector<128x128xf32>, vector<1024x128xf32> -> vector<1024x128xf32>
    %mul3A_31 = vector.broadcast %rsqrt3A : vector<1024x1xf32> to vector<1024x128xf32>
    %mul3A_32 = arith.mulf %dot_general3A_30, %mul3A_31 : vector<1024x128xf32>
    %swap3A = arith.constant 0 : index
    %swap3A_33 = arith.constant 0 : index
    %swap3A_34 = vector.load %arg8[%swap3A, %swap3A_33] : memref<1024x128xf32, #tpu.memory_space<vmem>>, vector<1024x128xf32>
    tpu.vector_store %arg8[%swap3A, %swap3A_33], %mul3A_32 {strides = array<i32>} : memref<1024x128xf32, #tpu.memory_space<vmem>>, vector<1024x128xf32>,
    return
  }
  func.func @transform_0(%arg0: i32) -> (i32, i32) {
    %c0_i32 = arith.constant 0 : i32
    %c0_i32_0 = arith.constant 0 : i32
    return %arg0, %c0_i32 : i32, i32
  }
  func.func @transform_1(%arg0: i32) -> (i32, i32) {
    %add3A = arith.constant 10 : i32
    %add3A_0 = arith.addi %arg0, %add3A : i32
    %c0_i32 = arith.constant 0 : i32
    %c0_i32_1 = arith.constant 0 : i32
    return %add3A_0, %c0_i32 : i32, i32
  }
  func.func @transform_2(%arg0: i32) -> (i32, i32) {
    %c0_i32 = arith.constant 0 : i32
    %c0_i32_0 = arith.constant 0 : i32
    return %arg0, %c0_i32 : i32, i32
  }
  func.func @transform_3(%arg0: i32) -> (i32, i32) {
    %c0_i32 = arith.constant 0 : i32
    %c0_i32_0 = arith.constant 0 : i32
    return %arg0, %c0_i32 : i32, i32
  }
  func.func @transform_4(%arg0: i32) -> (i32, i32) {
    %add3A = arith.constant 10 : i32
    %add3A_0 = arith.addi %arg0, %add3A : i32
    %c0_i32 = arith.constant 0 : i32
    %c0_i32_1 = arith.constant 0 : i32
    return %add3A_0, %c0_i32 : i32, i32
  }
  func.func @transform_5(%arg0: i32) -> (i32, i32) {
    %c0_i32 = arith.constant 0 : i32
    %c0_i32_0 = arith.constant 0 : i32
    %c0_i32_1 = arith.constant 0 : i32
    return %c0_i32, %c0_i32_0 : i32, i32
  }
  func.func @transform_6(%arg0: i32) -> (i32, i32) {
    %c0_i32 = arith.constant 0 : i32
    %c0_i32_0 = arith.constant 0 : i32
    %c0_i32_1 = arith.constant 0 : i32
    return %c0_i32, %c0_i32_0 : i32, i32
  }
  func.func @transform_7(%arg0: i32) -> (i32, i32) {
    %c0_i32 = arith.constant 0 : i32
    %c0_i32_0 = arith.constant 0 : i32
    return %arg0, %c0_i32 : i32, i32
  }
}

module attributes {stable_mosaic.version = 14 : i64} {
  func.func @body(%arg0: i32, %arg1: memref<1024x128xf32, #tpu.memory_space<vmem>>, %arg2: memref<1024x128xf32, #tpu.memory_space<vmem>>, %arg3: memref<1024x128xf32, #tpu.memory_space<vmem>>, %arg4: memref<1024x128xf32, #tpu.memory_space<vmem>>, %arg5: memref<1024x128xf32, #tpu.memory_space<vmem>>, %arg6: memref<1x128xf32, #tpu.memory_space<vmem>>, %arg7: memref<1x1x1024xi32, #tpu.memory_space<vmem>>, %arg8: memref<128x64xf32, #tpu.memory_space<vmem>>, %arg9: memref<1x64xf32, #tpu.memory_space<vmem>>, %arg10: memref<64x64xf32, #tpu.memory_space<vmem>>, %arg11: memref<64x128xf32, #tpu.memory_space<vmem>>) attributes {dimension_semantics = [#tpu.dimension_semantics<arbitrary>], iteration_bounds = array<i64: 10>, scalar_prefetch = 0 : i64, scratch_operands = 1 : i64, tpu.core_type = #tpu.core_type<tc>, window_params = [{transform_indices = @transform_0, window_bounds = array<i64: 1024, 128>}, {transform_indices = @transform_1, window_bounds = array<i64: 1024, 128>}, {transform_indices = @transform_2, window_bounds = array<i64: 1024, 128>}, {transform_indices = @transform_3, window_bounds = array<i64: 1024, 128>}, {transform_indices = @transform_4, window_bounds = array<i64: 1024, 128>}, {pipeline_mode = #tpu.pipeline_mode<synchronous>, transform_indices = @transform_5, window_bounds = array<i64: 1, 128>}, {transform_indices = @transform_6, window_bounds = array<i64: 1, 1, 1024>}, {pipeline_mode = #tpu.pipeline_mode<synchronous>, transform_indices = @transform_7, window_bounds = array<i64: 128, 64>}, {pipeline_mode = #tpu.pipeline_mode<synchronous>, transform_indices = @transform_8, window_bounds = array<i64: 1, 64>}, {pipeline_mode = #tpu.pipeline_mode<synchronous>, transform_indices = @transform_9, window_bounds = array<i64: 64, 64>}]} {
    %get3A = arith.constant 0 : index
    %get3A_0 = arith.constant 0 : index
    %get3A_1 = vector.load %arg4[%get3A, %get3A_0] : memref<1024x128xf32, #tpu.memory_space<vmem>>, vector<1024x1xf32>
    %get3A_2 = arith.constant 0 : index
    %get3A_3 = arith.constant 0 : index
    %get3A_4 = vector.load %arg5[%get3A_2, %get3A_3] : memref<1024x128xf32, #tpu.memory_space<vmem>>, vector<1024x1xf32>
    %add3A = arith.addf %get3A_1, %get3A_4 : vector<1024x1xf32>
    %add3A_5 = arith.constant 1.000000e+00 : f32
    %add3A_6 = vector.broadcast %add3A_5 : f32 to vector<1024x1xf32>
    %add3A_7 = arith.addf %add3A, %add3A_6 : vector<1024x1xf32>
    %rsqrt3A = math.rsqrt %add3A_7 : vector<1024x1xf32>
    %get3A_8 = arith.constant 0 : index
    %get3A_9 = arith.constant 0 : index
    %get3A_10 = vector.load %arg1[%get3A_8, %get3A_9] : memref<1024x128xf32, #tpu.memory_space<vmem>>, vector<1024x128xf32>
    %get3A_11 = arith.constant 0 : index
    %get3A_12 = arith.constant 0 : index
    %get3A_13 = vector.load %arg2[%get3A_11, %get3A_12] : memref<1024x128xf32, #tpu.memory_space<vmem>>, vector<1024x128xf32>
    %add3A_14 = arith.addf %get3A_10, %get3A_13 : vector<1024x128xf32>
    %get3A_15 = arith.constant 0 : index
    %get3A_16 = arith.constant 0 : index
    %get3A_17 = vector.load %arg3[%get3A_15, %get3A_16] : memref<1024x128xf32, #tpu.memory_space<vmem>>, vector<1024x128xf32>
    %add3A_18 = arith.addf %add3A_14, %get3A_17 : vector<1024x128xf32>
    %mul3A = vector.broadcast %rsqrt3A : vector<1024x1xf32> to vector<1024x128xf32>
    %mul3A_19 = arith.mulf %add3A_18, %mul3A : vector<1024x128xf32>
    %get3A_20 = arith.constant 0 : index
    %get3A_21 = arith.constant 0 : index
    %get3A_22 = vector.load %arg6[%get3A_20, %get3A_21] : memref<1x128xf32, #tpu.memory_space<vmem>>, vector<1x128xf32>
    %add3A_23 = vector.broadcast %get3A_22 : vector<1x128xf32> to vector<1024x128xf32>
    %add3A_24 = arith.addf %mul3A_19, %add3A_23 : vector<1024x128xf32>
    %max3A = arith.constant 0.000000e+00 : f32
    %max3A_25 = vector.broadcast %max3A : f32 to vector<1024x128xf32>
    %max3A_26 = arith.maximumf %add3A_24, %max3A_25 : vector<1024x128xf32>
    %get3A_27 = arith.constant 0 : index
    %get3A_28 = arith.constant 0 : index
    %get3A_29 = arith.constant 0 : index
    %get3A_30 = vector.load %arg7[%get3A_27, %get3A_28, %get3A_29] : memref<1x1x1024xi32, #tpu.memory_space<vmem>>, vector<1x1x1024xi32>
    %reshape3A = vector.shape_cast %get3A_30 : vector<1x1x1024xi32> to vector<1024x1xi32>
    %iota3A = tpu.iota {dimensions = array<i32: 1>} : vector<1024x64xi32>
    %eq3A = vector.broadcast %reshape3A : vector<1024x1xi32> to vector<1024x64xi32>
    %eq3A_31 = arith.cmpi eq, %eq3A, %iota3A : vector<1024x64xi32>
    %convert_element_type3A = arith.extui %eq3A_31 : vector<1024x64xi1> to vector<1024x64xi32>
    %convert_element_type3A_32 = arith.sitofp %convert_element_type3A : vector<1024x64xi32> to vector<1024x64xf32>
    %dot_general3A = arith.constant dense<0.000000e+00> : vector<64x128xf32>
    %dot_general3A_33 = tpu.matmul %convert_element_type3A_32, %max3A_26, %dot_general3A {dimension_numbers = #tpu.dot_dimension_numbers<[0], [0], [1], [1], [0, 1, 1, 1], [], []>, transpose_lhs_hint = false} : vector<1024x64xf32>, vector<1024x128xf32>, vector<64x128xf32> -> vector<64x128xf32>
    %eq3A_34 = arith.constant 0 : i32
    %eq3A_35 = arith.cmpi eq, %arg0, %eq3A_34 : i32
    %convert_element_type3A_36 = arith.extui %eq3A_35 : i1 to i32
    %cond3A = arith.constant 0 : i32
    %cond3A_37 = arith.cmpi ne, %convert_element_type3A_36, %cond3A : i32
    scf.if %cond3A_37 {
      %broadcast_in_dim3A = arith.constant 0.000000e+00 : f32
      %broadcast_in_dim3A_49 = vector.broadcast %broadcast_in_dim3A : f32 to vector<64x128xf32>
      %swap3A_50 = arith.constant 0 : index
      %swap3A_51 = arith.constant 0 : index
      %swap3A_52 = vector.load %arg11[%swap3A_50, %swap3A_51] : memref<64x128xf32, #tpu.memory_space<vmem>>, vector<64x128xf32>
      tpu.vector_store %arg11[%swap3A_50, %swap3A_51], %broadcast_in_dim3A_49 {strides = array<i32>} : memref<64x128xf32, #tpu.memory_space<vmem>>, vector<64x128xf32>,
    } else {
    }
    %get3A_38 = arith.constant 0 : index
    %get3A_39 = arith.constant 0 : index
    %get3A_40 = vector.load %arg11[%get3A_38, %get3A_39] : memref<64x128xf32, #tpu.memory_space<vmem>>, vector<64x128xf32>
    %add3A_41 = arith.addf %get3A_40, %dot_general3A_33 : vector<64x128xf32>
    %swap3A = arith.constant 0 : index
    %swap3A_42 = arith.constant 0 : index
    %swap3A_43 = vector.load %arg11[%swap3A, %swap3A_42] : memref<64x128xf32, #tpu.memory_space<vmem>>, vector<64x128xf32>
    tpu.vector_store %arg11[%swap3A, %swap3A_42], %add3A_41 {strides = array<i32>} : memref<64x128xf32, #tpu.memory_space<vmem>>, vector<64x128xf32>,
    %eq3A_44 = arith.constant 9 : i32
    %eq3A_45 = arith.cmpi eq, %arg0, %eq3A_44 : i32
    %convert_element_type3A_46 = arith.extui %eq3A_45 : i1 to i32
    %cond3A_47 = arith.constant 0 : i32
    %cond3A_48 = arith.cmpi ne, %convert_element_type3A_46, %cond3A_47 : i32
    scf.if %cond3A_48 {
      %get3A_49 = arith.constant 0 : index
      %get3A_50 = arith.constant 0 : index
      %get3A_51 = vector.load %arg11[%get3A_49, %get3A_50] : memref<64x128xf32, #tpu.memory_space<vmem>>, vector<64x128xf32>
      %get3A_52 = arith.constant 0 : index
      %get3A_53 = arith.constant 0 : index
      %get3A_54 = vector.load %arg8[%get3A_52, %get3A_53] : memref<128x64xf32, #tpu.memory_space<vmem>>, vector<128x64xf32>
      %dot_general3A_55 = arith.constant dense<0.000000e+00> : vector<64x64xf32>
      %dot_general3A_56 = tpu.matmul %get3A_51, %get3A_54, %dot_general3A_55 {dimension_numbers = #tpu.dot_dimension_numbers<[1], [0], [0], [1], [0, 0, 1, 1], [], []>, transpose_lhs_hint = false} : vector<64x128xf32>, vector<128x64xf32>, vector<64x64xf32> -> vector<64x64xf32>
      %get3A_57 = arith.constant 0 : index
      %get3A_58 = arith.constant 0 : index
      %get3A_59 = vector.load %arg9[%get3A_57, %get3A_58] : memref<1x64xf32, #tpu.memory_space<vmem>>, vector<1x64xf32>
      %add3A_60 = vector.broadcast %get3A_59 : vector<1x64xf32> to vector<64x64xf32>
      %add3A_61 = arith.addf %dot_general3A_56, %add3A_60 : vector<64x64xf32>
      %swap3A_62 = arith.constant 0 : index
      %swap3A_63 = arith.constant 0 : index
      %swap3A_64 = vector.load %arg10[%swap3A_62, %swap3A_63] : memref<64x64xf32, #tpu.memory_space<vmem>>, vector<64x64xf32>
      tpu.vector_store %arg10[%swap3A_62, %swap3A_63], %add3A_61 {strides = array<i32>} : memref<64x64xf32, #tpu.memory_space<vmem>>, vector<64x64xf32>,
    } else {
    }
    return
  }
  func.func @transform_0(%arg0: i32) -> (i32, i32) {
    %c0_i32 = arith.constant 0 : i32
    %c0_i32_0 = arith.constant 0 : i32
    return %arg0, %c0_i32 : i32, i32
  }
  func.func @transform_1(%arg0: i32) -> (i32, i32) {
    %add3A = arith.constant 10 : i32
    %add3A_0 = arith.addi %arg0, %add3A : i32
    %c0_i32 = arith.constant 0 : i32
    %c0_i32_1 = arith.constant 0 : i32
    return %add3A_0, %c0_i32 : i32, i32
  }
  func.func @transform_2(%arg0: i32) -> (i32, i32) {
    %c0_i32 = arith.constant 0 : i32
    %c0_i32_0 = arith.constant 0 : i32
    return %arg0, %c0_i32 : i32, i32
  }
  func.func @transform_3(%arg0: i32) -> (i32, i32) {
    %c0_i32 = arith.constant 0 : i32
    %c0_i32_0 = arith.constant 0 : i32
    return %arg0, %c0_i32 : i32, i32
  }
  func.func @transform_4(%arg0: i32) -> (i32, i32) {
    %add3A = arith.constant 10 : i32
    %add3A_0 = arith.addi %arg0, %add3A : i32
    %c0_i32 = arith.constant 0 : i32
    %c0_i32_1 = arith.constant 0 : i32
    return %add3A_0, %c0_i32 : i32, i32
  }
  func.func @transform_5(%arg0: i32) -> (i32, i32) {
    %c0_i32 = arith.constant 0 : i32
    %c0_i32_0 = arith.constant 0 : i32
    %c0_i32_1 = arith.constant 0 : i32
    return %c0_i32, %c0_i32_0 : i32, i32
  }
  func.func @transform_6(%arg0: i32) -> (i32, i32, i32) {
    %c0_i32 = arith.constant 0 : i32
    %c0_i32_0 = arith.constant 0 : i32
    %c0_i32_1 = arith.constant 0 : i32
    return %arg0, %c0_i32, %c0_i32_0 : i32, i32, i32
  }
  func.func @transform_7(%arg0: i32) -> (i32, i32) {
    %c0_i32 = arith.constant 0 : i32
    %c0_i32_0 = arith.constant 0 : i32
    %c0_i32_1 = arith.constant 0 : i32
    return %c0_i32, %c0_i32_0 : i32, i32
  }
  func.func @transform_8(%arg0: i32) -> (i32, i32) {
    %c0_i32 = arith.constant 0 : i32
    %c0_i32_0 = arith.constant 0 : i32
    %c0_i32_1 = arith.constant 0 : i32
    return %c0_i32, %c0_i32_0 : i32, i32
  }
  func.func @transform_9(%arg0: i32) -> (i32, i32) {
    %c0_i32 = arith.constant 0 : i32
    %c0_i32_0 = arith.constant 0 : i32
    %c0_i32_1 = arith.constant 0 : i32
    return %c0_i32, %c0_i32_0 : i32, i32
  }
}

</mosaic_0001>

<sc_bundles>
// kernel: kernel.12.cloned.1.call-start
scs
__scs_entry_jumppad:
0x0: {  	(pc) =	sbr.rel $0x88, $3  }
0x1: {  	(tag) =	ssettag $0x0;
	lr =	simm.s32 $0x1  }
0x2: {  	[smem:$0x3F98] =	sst lr;
	_ =	strace $0xD0000000  }
0x3: {  	_ = 	snop  }
0x4: {  	_ = 	snop  }
0x5: {  	_ = 	snop  }
0x6: {  	_ = 	snop  }
0x7: {  	_ = 	snop  }
__scs_overlays_trampoline_lowered:
0x8: {  	[smem:$0x3FA7] =	sst s0  }
0x9: {  	[smem:$0x3FA8] =	sst s1  }
0xa: {  	[smem:$0x3FA9] =	sst s2  }
0xb: {  	[smem:$0x3FAA] =	sst s3  }
0xc: {  	[smem:$0x3FAB] =	sst s4  }
0xd: {  	[smem:$0x3FAC] =	sst s5  }
0xe: {  	[smem:$0x3FAD] =	sst s6  }
0xf: {  	[smem:$0x3FAE] =	sst s7  }
0x10: {  	[smem:$0x3FAF] =	sst s8  }
0x11: {  	[smem:$0x3FB0] =	sst s9;
	s0 =	simm.s32 @!p0 $0x0  }
0x12: {  	s1 =	sld [smem:$0x3F96];
	s0 =	simm.s32 @p0 $0x1  }
0x13: {  	[smem:$0x3FB1] =	sst s0;
	s0 =	simm.s32 @!p1 $0x0  }
0x14: {  	s2 =	sld [smem:$0x3F95];
	s0 =	simm.s32 @p1 $0x1  }
0x15: {  	[smem:$0x3FB2] =	sst s0;
	s0 =	simm.s32 @!p2 $0x0  }
0x16: {  	s3 =	sld [smem:$0x3FDB];
	s0 =	simm.s32 @p2 $0x1  }
0x17: {  	s4 =	simm.s32 $0x1BF5;
	[smem:$0x3FB4] =	sst s0  }
0x18: {  	s0 =	sld [smem:$0x3F97];
	_ =	swait.ge [sflag:s4], $0x0  }
0x19: {  	s7 =	sld [smem:$0x3F98]  }
0x1a: {  	s8 =	sadd.s32 $0xFFFFE003, lr  }
0x1b: {  	s9 =	sadd.s32 $0xFFFFFEF7, lr;
	s5 =	simm.s32 $0xFFFFFFFF;
	p2 =	slt.u32 s8, $0xFFFFF086  }
0x1c: {  	p1 =	slt.u32 s9, $0xF7A;
	s5 =	simm.s32 @!p2 $0x0  }
0x1d: {  	s5 =	simm.s32 @p1 $0x1;
	p0 =	seq.s32 s7, s2  }
0x1e: {  	s7 =	smul.u32 @!p0 $0xF7A, s2;
	p2 =	seq.s32 @!p0 s5, $0x0  }
0x1f: {  	s9 =	smul.u32 $0xF7A, s1;
	s8 =	simm.s32 @!p0 $0x1BF5;
	p2 =	por !p2, p0  }
0x20: {  	[sflag:s8] =	ssyncset.s32 @!p0 $0xFFFFF086;
	s6 =	sadd.s32 @!p0 s3, s7;
	s7 =	simm.s32 @!p0 $0x108  }
0x21: {  	s3 =	sadd.s32 s3, s9;
	s6 =	sadd.s32 @!p0 $0x88, s6;
	s7 =	simm.s32 @p2 $0x1082  }
0x22: {  	[simem:s7], [sflag:s8] =	dma.local @!p0 [hbm:s6], $0xF7A  }
0x23: {  	s9 =	sor.u32 $0xD0000000, s2;
	s6 =	simm.s32 $0x108;
	_ =	swait.ge @!p0 [sflag:s8], $0x0  }
0x24: {  	s3 =	sadd.s32 $0x88, s3;
	s6 =	simm.s32 @!p1 $0x1082;
	[sflag:s4] =	ssyncset.s32 $0xFFFFF086  }
0x25: {  	[simem:s6], [sflag:s4] =	dma.local [hbm:s3], $0xF7A  }
0x26: {  	[smem:$0x3F98] =	sst s1;
	(tag) =	ssettag s2;
	_ =	strace s9  }
0x27: {  	s1 =	sld [smem:$0x3FA8]  }
0x28: {  	s2 =	sld [smem:$0x3FA9]  }
0x29: {  	s4 =	sld [smem:$0x3FAB]  }
0x2a: {  	p0 =	seq.s32 s5, $0x0;
	s5 =	sld [smem:$0x3FAC]  }
0x2b: {  	s6 =	sld [smem:$0x3FAD]  }
0x2c: {  	s7 =	sld [smem:$0x3FAE]  }
0x2d: {  	s3 =	simm.s32 $0x108;
	s8 =	sld [smem:$0x3FAF]  }
0x2e: {  	s3 =	simm.s32 @!p0 $0x1082;
	s9 =	sld [smem:$0x3FB0]  }
0x2f: {  	lr =	sadd.s32 s0, s3;
	s0 =	sld [smem:$0x3FA7]  }
0x30: {  	s3 =	sld [smem:$0x3FAA]  }
0x31: {  	[smem:$0x3FB3] =	sst s10  }
0x32: {  	s10 =	sld [smem:$0x3FB1];
	_ =	sdelay $0x3  }
0x33: {  	p0 =	seq.s32 s10, $0x1;
	s10 =	sld [smem:$0x3FB3];
	_ =	sdelay $0x3  }
0x34: {  	[smem:$0x3FB3] =	sst s10  }
0x35: {  	s10 =	sld [smem:$0x3FB2];
	_ =	sdelay $0x3  }
0x36: {  	p1 =	seq.s32 s10, $0x1;
	s10 =	sld [smem:$0x3FB3];
	_ =	sdelay $0x3  }
0x37: {  	[smem:$0x3FB3] =	sst s10  }
0x38: {  	s10 =	sld [smem:$0x3FB4]  }
0x39: {  	_ = 	snop;
	(pc) =	sbr.ind lr, $3  }
0x3a: {  	_ = 	snop  }
0x3b: {  	_ = 	snop  }
0x3c: {  	p2 =	seq.s32 s10, $0x1;
	s10 =	sld [smem:$0x3FB3]  }
0x3d: {  	_ =	shalt  }
0x3e: {  	_ =	shalt  }
0x3f: {  	_ =	shalt  }
0x40: {  	_ =	shalt  }
0x41: {  	_ =	shalt  }
0x42: {  	_ =	shalt  }
0x43: {  	_ =	shalt  }
0x44: {  	_ =	shalt  }
0x45: {  	_ =	shalt  }
0x46: {  	_ =	shalt  }
0x47: {  	_ =	shalt  }
0x48: {  	_ =	shalt  }
0x49: {  	_ =	shalt  }
0x4a: {  	_ =	shalt  }
0x4b: {  	_ =	shalt  }
0x4c: {  	_ =	shalt  }
0x4d: {  	_ =	shalt  }
0x4e: {  	_ =	shalt  }
0x4f: {  	_ =	shalt  }
0x50: {  	_ =	shalt  }
0x51: {  	_ =	shalt  }
0x52: {  	_ =	shalt  }
0x53: {  	_ =	shalt  }
0x54: {  	_ =	shalt  }
0x55: {  	_ =	shalt  }
0x56: {  	_ =	shalt  }
0x57: {  	_ =	shalt  }
0x58: {  	_ =	shalt  }
0x59: {  	_ =	shalt  }
0x5a: {  	_ =	shalt  }
0x5b: {  	_ =	shalt  }
0x5c: {  	_ =	shalt  }
0x5d: {  	_ =	shalt  }
0x5e: {  	_ =	shalt  }
0x5f: {  	_ =	shalt  }
0x60: {  	_ =	shalt  }
0x61: {  	_ =	shalt  }
0x62: {  	_ =	shalt  }
0x63: {  	_ =	shalt  }
0x64: {  	_ =	shalt  }
0x65: {  	_ =	shalt  }
0x66: {  	_ =	shalt  }
0x67: {  	_ =	shalt  }
0x68: {  	_ =	shalt  }
0x69: {  	_ =	shalt  }
0x6a: {  	_ =	shalt  }
0x6b: {  	_ =	shalt  }
0x6c: {  	_ =	shalt  }
0x6d: {  	_ =	shalt  }
0x6e: {  	_ =	shalt  }
0x6f: {  	_ =	shalt  }
0x70: {  	_ =	shalt  }
0x71: {  	_ =	shalt  }
0x72: {  	_ =	shalt  }
0x73: {  	_ =	shalt  }
0x74: {  	_ =	shalt  }
0x75: {  	_ =	shalt  }
0x76: {  	_ =	shalt  }
0x77: {  	_ =	shalt  }
0x78: {  	_ =	shalt  }
0x79: {  	_ =	shalt  }
0x7a: {  	_ =	shalt  }
0x7b: {  	_ =	shalt  }
0x7c: {  	_ =	shalt  }
0x7d: {  	_ =	shalt  }
0x7e: {  	_ =	shalt  }
0x7f: {  	_ =	shalt  }
0x80: {  	_ =	shalt  }
0x81: {  	_ =	shalt  }
0x82: {  	_ =	shalt  }
0x83: {  	_ =	shalt  }
0x84: {  	_ =	shalt  }
0x85: {  	_ =	shalt  }
0x86: {  	_ =	shalt  }
0x87: {  	_ =	shalt  }
.Lfunc_end0:
.L_simem_size_0:
called_computation.1_lowered:
.L_overlay_start_0:
0x88: {  	s2 =	sld [smem:$0x3FD9]  }
0x89: {  	s3 =	sld [smem:$0x3FFE];
	_ =	sdelay $0x1  }
0x8a: {  	s1 =	srdreg.scid  }
0x8b: {  	s0 =	sand.u32 $0x1, s1  }
0x8c: {  	s16 =	sshll.u32 s0, $0xA;
	s2 =	sadd.s32 s3, s2  }
0x8d: {  	s2 =	sadd.s32 s2, s16  }
0x8e: {  	[smem:$0x3FBF] =	sst s2  }
0x8f: {  	_ = 	snop  }
0x90: {  	(tm) =	ssettm $0x1  }
0x91: {  	s17 =	sld [smem:$0x3FFB];
	_ =	sdelay $0x3  }
0x92: {  	_ =	strace s17  }
0x93: {  	s2 =	sld [smem:$0x3FFC];
	_ =	sdelay $0x3  }
0x94: {  	_ =	strace s2  }
0x95: {  	s2 =	sld [smem:$0x3FFD];
	_ =	sdelay $0x3  }
0x96: {  	_ =	strace s2  }
0x97: {  	_ =	strace $0x8FFFFFFF  }
0x98: {  	s18 =	sld [smem:$0x3FDB];
	_ =	sdelay $0x1  }
0x99: {  	s19 =	simm.s32 $_scs_section_size  }
0x9a: {  	s4 =	simm.s32 $_size__tile_overlayer_lowered;
	s5 =	simm.s32 $_tile_overlayer_lowered  }
0x9b: {  	s22 =	simm.s32 $0x1BFF;
	s21 =	sshll.u32 s5, $0x1;
	s2 =	sadd.s32 s19, s18  }
0x9c: {  	s6 =	simm.s32 $0x0;
	s20 =	sshll.u32 s4, $0x1;
	s4 =	sadd.s32 s21, s2  }
0x9d: {  	[timem:s6], [sflag:s22] =	dma.local [hbm:s4], s20  }
0x9e: {  	_ =	swait.ge [sflag:s22], s20  }
0x9f: {  	s3 =	ssub.s32 $0x0, s20;
	[sflag:s22] =	ssyncset.done $0x0  }
0xa0: {  	[sflag:s22] =	ssyncadd.s32 s3;
	_ =	sdelay $0x1  }
0xa1: {  	s23 =	simm.s32 $0x1B8B  }
0xa2: {  	_ =	swait.ge [sflag:s23], $0x1  }
0xa3: {  	[sflag:s23] =	ssyncset.done $0x0  }
0xa4: {  	s25 =	simm.s32 $0x1B8E;
	s24 =	sld [smem:$0x3FFE];
	[sflag:s23] =	ssyncadd.s32 $0xFFFFFFFF  }
0xa5: {  	s26 =	simm.s32 $execute0_lowered;
	[smem:$0x3FD2] =	sst s25  }
0xa6: {  	s4 =	sshll.u32 s26, $0x1;
	_ =	strace $0x80000049;
	[dreg:$0x1] =	wrdreg $0xFFFFFFFF  }
0xa7: {  	s28 =	simm.s32 $_size_execute0_lowered;
	s2 =	sadd.s32 s2, s4;
	[dreg:$0x0] =	wrdreg $0x0  }
0xa8: {  	s4 =	sshll.u32 s28, $0x1;
	[dreg:$0x2] =	wrdreg s2  }
0xa9: {  	[dreg:$0x3] =	wrdreg s4  }
0xaa: {  	[dreg:$0x4] =	wrdreg $0xC0  }
0xab: {  	_ =	task [dreg:s6], $0x5FFFF  }
0xac: {  	[dreg:$0x1] =	wrdreg $0xFFFFFFFF  }
0xad: {  	[dreg:$0x0] =	wrdreg $0x60  }
0xae: {  	[dreg:$0x2] =	wrdreg s24  }
0xaf: {  	[dreg:$0x3] =	wrdreg $0xA8000  }
0xb0: {  	[dreg:$0x4] =	wrdreg $0x9  }
0xb1: {  	_ =	task.clear_ibuf [dreg:s6], $0x5FFFF;
	_ =	strace $0x90000049  }
0xb2: {  	s29 =	simm.s32 $0x9;
	_ =	strace $0x8000004B  }
0xb3: {  	_ =	swait.ge [sflag:s29], $0x1  }
0xb4: {  	[sflag:s29] =	ssyncadd.s32 $0xFFFFFFFF  }
0xb5: {  	_ =	strace $0x9000004B  }
0xb6: {  	_ =	sfence  }
0xb7: {  	s30 =	sld [smem:$0x0];
	_ =	sdelay $0x2  }
0xb8: {  	s31 =	sshll.u32 s1, $0xD;
	s1 =	sshrl.u32 s1, $0x2  }
0xb9: {  	s3 =	sand.u32 $0x4000, s31;
	s1 =	sadd.s32 s1, s30  }
0xba: {  	s0 =	sor.u32 s3, s0;
	s1 =	sshll.u32 s1, $0x11  }
0xbb: {  	s0 =	sor.u32 s1, s0  }
0xbc: {  	s0 =	sadd.s32 $0x8F2B, s0  }
0xbd: {  	[sflag:s0] =	ssyncadd.remote.s32 $0x1  }
0xbe: {  	_ =	sfence.sel $0xFFFF  }
0xbf: {  	[dreg:$0x0] =	wrdreg $0xFFFFFFFF;
	(pc) =	sbr.abs _section_cstart, $3  }
0xc0: {  	[dreg:$0x1] =	wrdreg $0xFFFFFFFF  }
0xc1: {  	_ =	task.clear_ibuf [dreg:s6], $0x2FFFF;
	_ =	strace $0x9FFFFFFF  }
0xc2: {  	(tm) =	ssettm $0x7FFFFFFF  }
0xc3: {  	_ =	shalt  }
tec
execute0_lowered:
.L_overlay_start_1:
0x0: {  	(tag) =	ssettag $0x1  }
0x1: {  	s0 =	rddreg [dreg:$0x0]  }
0x2: {  	s2 =	rddreg [dreg:$0x1]  }
0x3: {  	s1 =	srdreg.scid;
	s12 =	stileid.u32  }
0x4: {  	s3 =	simm.s32 $0x0;
	s28 =	simm.s32 $0x8800;
	s29 =	simm.s32 $0x1  }
0x5: {  	s30 =	simm.s32 $0x2;
	s31 =	simm.s32 $0x3;
	s1 =	sand.u32 $0x1, s1  }
0x6: {  	s5 =	smul.u32 $0x2800, s12;
	[smem:$0x7FF] =	sst s3;
	s4 =	sadd.s32 $0x7D200, s0  }
0x7: {  	s7 =	sadd.s32 $0x69200, s0;
	s8 =	sadd.s32 $0x2A00, s0;
	s9 =	sadd.s32 $0x16A00, s0  }
0x8: {  	s17 =	sshll.u32 s12, $0x2;
	s11 =	smul.u32 $0x50000, s12;
	s20 =	sshll.u32 s12, $0x6  }
0x9: {  	s6 =	smul.u32 $0x28000, s1;
	s16 =	ssub.s32 $0x2, s1;
	s1 =	sshll.u32 s1, $0x6  }
0xa: {  	_ =	strace $0x8000004A;
	[dreg:$0x3] =	wrdreg s9;
	s1 =	sor.u32 s17, s1  }
0xb: {  	s10 =	sshrl.u32 s16, $0x1;
	s19 =	sshrl.u32 s11, $0x2;
	s9 =	smul.u32 $0x1400, s1  }
0xc: {  	s5 =	sadd.s32 s5, s6;
	s18 =	ssub.s32 s16, s10;
	s1 =	smul.u32 $0x280, s1  }
0xd: {  	s11 =	sadd.s32 s19, s2;
	s6 =	sor.u32 $0x1C05, s20;
	s19 =	simm.s32 $0x1400  }
0xe: {  	s20 =	simm.s32 $0x40;
	s0 =	sadd.s32 s5, s0;
	s16 =	smax.u32 s18, $0x1  }
0xf: {  	s17 =	sshrl.u32 s11, $0x3;
	s18 =	simm.s32 $0x5;
	s5 =	simm.s32 $0x2680  }
0x10: {  	s9 =	sshrl.u32 s9, $0x3;
	s21 =	sadd.s32 s7, s1;
	s1 =	sadd.s32 s8, s1  }
0x11: {  	s15 =	sadd.s32 $0xA5200, s0;
	s0 =	simm.s32 $0x4;
	[dreg:$0x4] =	wrdreg s21  }
0x12: {  	[dreg:$0x5] =	wrdreg s1;
	s22 =	sadd.s32 $0x280, s9;
	s24 =	sadd.s32 $0x500, s9  }
0x13: {  	s26 =	sadd.s32 $0x780, s9;
	s21 =	simm.s32 $0x2800;
	s9 =	simm.s32 $0x0  }
0x14: {  	s23 =	sadd.s32 s7, s22;
	s1 =	sadd.s32 s8, s22;
	s25 =	sadd.s32 s7, s24  }
0x15: {  	s13 =	sadd.s32 s7, s26;
	s14 =	sadd.s32 s8, s26;
	[dreg:$0x6] =	wrdreg s23  }
0x16: {  	s22 =	simm.s32 $0x80;
	s26 =	simm.s32 $0x180;
	[dreg:$0x7] =	wrdreg s1  }
0x17: {  	s7 =	simm.s32 $0x2700;
	[dreg:$0x8] =	wrdreg s25;
	s1 =	sadd.s32 s8, s24  }
0x18: {  	s23 =	simm.s32 $0x4800;
	s24 =	simm.s32 $0x100;
	s25 =	simm.s32 $0x6800  }
0x19: {  	s8 =	simm.s32 $0x2780;
	[dreg:$0x9] =	wrdreg s1;
	s1 =	simm.s32 $0x2600  }
.LBB2_1:
0x1a: {  	s10 =	rddreg [dreg:$0x3]  }
0x1b: {  	[spmem:s17], [sflag:s6] =	dma.local [hbm:s10], $0x2800  }
0x1c: {  	_ =	swait.ge [sflag:s18], $0x2800  }
0x1d: {  	[sflag:s18] =	ssyncset.done $0x0  }
0x1e: {  	[sflag:s18] =	ssyncadd.s32 $0xFFFFD800  }
0x1f: {  	[bflag:$0x0] =	sbarrier.arrive $0xFFFF  }
0x20: {  	s12 =	rddreg [dreg:$0x4]  }
0x21: {  	[tilespmem:s3], [sflag:$0x5] =	stream.linear.gather [hbm4b:s12+s3], $0x1400, $0x38;
	[tilespmem:$0x1E800] =	vst v63  }
0x22: {  	_ =	swait.ge [sflag:s18], $0x1400  }
0x23: {  	[sflag:s18] =	ssyncset.done $0x0  }
0x24: {  	s11 =	rddreg [dreg:$0x5];
	[sflag:s18] =	ssyncadd.s32 $0xFFFFEC00  }
0x25: {  	[tilespmem:s19], [sflag:$0x5] =	stream.linear.gather [hbm4b:s11+s3], $0x1400, $0x38;
	[tilespmem:$0x1E800] =	vst v63  }
0x26: {  	_ =	swait.ge [sflag:s18], $0x1400  }
0x27: {  	[sflag:s18] =	ssyncset.done $0x0  }
0x28: {  	[sflag:s18] =	ssyncadd.s32 $0xFFFFEC00  }
0x29: {  	[tilespmem:s21], [sflag:$0x1] =	stream.indirect.gather [hbm4b:s4+s20], $0x80, s3, s20, $0xb8;
	[tilespmem:$0x1E800] =	vst v63  }
0x2a: {  	_ = 	snop  }
0x2b: {  	[tilespmem:s23], [sflag:$0x2] =	stream.indirect.gather [hbm4b:s4+s20], $0x80, s22, s20, $0xb8;
	[tilespmem:$0x1E800] =	vst v63  }
0x2c: {  	_ = 	snop  }
0x2d: {  	[tilespmem:s25], [sflag:$0x3] =	stream.indirect.gather [hbm4b:s4+s20], $0x80, s24, s20, $0xb8;
	[tilespmem:$0x1E800] =	vst v63  }
0x2e: {  	_ = 	snop  }
0x2f: {  	[tilespmem:s28], [sflag:$0x4] =	stream.indirect.gather [hbm4b:s4+s20], $0x80, s26, s20, $0xb8;
	[tilespmem:$0x1E800] =	vst v63  }
0x30: {  	_ =	swait.ge [sflag:s29], $0x2000  }
0x31: {  	[sflag:s29] =	ssyncset.done $0x0  }
0x32: {  	s12 =	simm.s32 $0x1400;
	[sflag:s29] =	ssyncadd.s32 $0xFFFFE000  }
0x33: {  	[spmem:s2] =	stream.indirect.scatter.add.f32 [tilespmem:s21], [sflag:$0x5], $0x80, s12, s20, $0xb8;
	[tilespmem:$0x1E800] =	vst v63  }
0x34: {  	_ =	swait.ge [sflag:s18], $0x2000  }
0x35: {  	[sflag:s18] =	ssyncset.done $0x0  }
0x36: {  	s11 =	simm.s32 $0x200;
	[sflag:s18] =	ssyncadd.s32 $0xFFFFE000  }
0x37: {  	[tilespmem:s21], [sflag:$0x1] =	stream.indirect.gather [hbm4b:s4+s20], $0x80, s11, s20, $0xb8;
	[tilespmem:$0x1E800] =	vst v63  }
0x38: {  	_ =	swait.ge [sflag:s30], $0x2000  }
0x39: {  	[sflag:s30] =	ssyncset.done $0x0  }
0x3a: {  	s12 =	simm.s32 $0x1480;
	[sflag:s30] =	ssyncadd.s32 $0xFFFFE000  }
0x3b: {  	[spmem:s2] =	stream.indirect.scatter.add.f32 [tilespmem:s23], [sflag:$0x5], $0x80, s12, s20, $0xb8;
	[tilespmem:$0x1E800] =	vst v63  }
0x3c: {  	_ =	swait.ge [sflag:s18], $0x2000  }
0x3d: {  	[sflag:s18] =	ssyncset.done $0x0  }
0x3e: {  	s11 =	simm.s32 $0x280;
	[sflag:s18] =	ssyncadd.s32 $0xFFFFE000  }
0x3f: {  	[tilespmem:s23], [sflag:$0x2] =	stream.indirect.gather [hbm4b:s4+s20], $0x80, s11, s20, $0xb8;
	[tilespmem:$0x1E800] =	vst v63  }
0x40: {  	_ =	swait.ge [sflag:s31], $0x2000  }
0x41: {  	[sflag:s31] =	ssyncset.done $0x0  }
0x42: {  	s12 =	simm.s32 $0x1500;
	[sflag:s31] =	ssyncadd.s32 $0xFFFFE000  }
0x43: {  	[spmem:s2] =	stream.indirect.scatter.add.f32 [tilespmem:s25], [sflag:$0x5], $0x80, s12, s20, $0xb8;
	[tilespmem:$0x1E800] =	vst v63  }
0x44: {  	_ =	swait.ge [sflag:s18], $0x2000  }
0x45: {  	[sflag:s18] =	ssyncset.done $0x0  }
0x46: {  	s11 =	simm.s32 $0x300;
	[sflag:s18] =	ssyncadd.s32 $0xFFFFE000  }
0x47: {  	[tilespmem:s25], [sflag:$0x3] =	stream.indirect.gather [hbm4b:s4+s20], $0x80, s11, s20, $0xb8;
	[tilespmem:$0x1E800] =	vst v63  }
0x48: {  	_ =	swait.ge [sflag:s0], $0x2000  }
0x49: {  	[sflag:s0] =	ssyncset.done $0x0  }
0x4a: {  	s12 =	simm.s32 $0x1580;
	[sflag:s0] =	ssyncadd.s32 $0xFFFFE000  }
0x4b: {  	[spmem:s2] =	stream.indirect.scatter.add.f32 [tilespmem:s28], [sflag:$0x5], $0x80, s12, s20, $0xb8;
	[tilespmem:$0x1E800] =	vst v63  }
0x4c: {  	_ =	swait.ge [sflag:s18], $0x2000  }
0x4d: {  	[sflag:s18] =	ssyncset.done $0x0  }
0x4e: {  	s10 =	simm.s32 $0x800;
	s11 =	simm.s32 $0x380;
	[sflag:s18] =	ssyncadd.s32 $0xFFFFE000  }
.LBB2_2:
0x4f: {  	[tilespmem:s28], [sflag:$0x4] =	stream.indirect.gather [hbm4b:s4+s20], $0x80, s11, s20, $0xb8;
	[tilespmem:$0x1E800] =	vst v63  }
0x50: {  	s11 =	smov.u32 s10  }
0x51: {  	p0 =	sne.s32 s10, $0x4000;
	s10 =	sadd.s32 $0x800, s10;
	_ =	swait.ge [sflag:s29], $0x2000  }
0x52: {  	s11 =	sshra.s32 s11, $0x2;
	[sflag:s29] =	ssyncset.done $0x0  }
0x53: {  	s12 =	sadd.s32 $0x1400, s11;
	[sflag:s29] =	ssyncadd.s32 $0xFFFFE000  }
0x54: {  	[spmem:s2] =	stream.indirect.scatter.add.f32 [tilespmem:s21], [sflag:$0x5], $0x80, s12, s20, $0xb8;
	[tilespmem:$0x1E800] =	vst v63  }
0x55: {  	_ =	swait.ge [sflag:s18], $0x2000  }
0x56: {  	[sflag:s18] =	ssyncset.done $0x0  }
0x57: {  	s12 =	sadd.s32 $0x200, s11;
	[sflag:s18] =	ssyncadd.s32 $0xFFFFE000  }
0x58: {  	[tilespmem:s21], [sflag:$0x1] =	stream.indirect.gather [hbm4b:s4+s20], $0x80, s12, s20, $0xb8;
	[tilespmem:$0x1E800] =	vst v63  }
0x59: {  	_ =	swait.ge [sflag:s30], $0x2000  }
0x5a: {  	[sflag:s30] =	ssyncset.done $0x0  }
0x5b: {  	s12 =	sadd.s32 $0x1480, s11;
	[sflag:s30] =	ssyncadd.s32 $0xFFFFE000  }
0x5c: {  	[spmem:s2] =	stream.indirect.scatter.add.f32 [tilespmem:s23], [sflag:$0x5], $0x80, s12, s20, $0xb8;
	[tilespmem:$0x1E800] =	vst v63  }
0x5d: {  	_ =	swait.ge [sflag:s18], $0x2000  }
0x5e: {  	[sflag:s18] =	ssyncset.done $0x0  }
0x5f: {  	s12 =	sadd.s32 $0x280, s11;
	[sflag:s18] =	ssyncadd.s32 $0xFFFFE000  }
0x60: {  	[tilespmem:s23], [sflag:$0x2] =	stream.indirect.gather [hbm4b:s4+s20], $0x80, s12, s20, $0xb8;
	[tilespmem:$0x1E800] =	vst v63  }
0x61: {  	_ =	swait.ge [sflag:s31], $0x2000  }
0x62: {  	[sflag:s31] =	ssyncset.done $0x0  }
0x63: {  	s12 =	sadd.s32 $0x1500, s11;
	[sflag:s31] =	ssyncadd.s32 $0xFFFFE000  }
0x64: {  	[spmem:s2] =	stream.indirect.scatter.add.f32 [tilespmem:s25], [sflag:$0x5], $0x80, s12, s20, $0xb8;
	[tilespmem:$0x1E800] =	vst v63  }
0x65: {  	_ =	swait.ge [sflag:s18], $0x2000  }
0x66: {  	[sflag:s18] =	ssyncset.done $0x0  }
0x67: {  	s12 =	sadd.s32 $0x300, s11;
	[sflag:s18] =	ssyncadd.s32 $0xFFFFE000  }
0x68: {  	[tilespmem:s25], [sflag:$0x3] =	stream.indirect.gather [hbm4b:s4+s20], $0x80, s12, s20, $0xb8;
	[tilespmem:$0x1E800] =	vst v63  }
0x69: {  	_ =	swait.ge [sflag:s0], $0x2000  }
0x6a: {  	[sflag:s0] =	ssyncset.done $0x0  }
.Ltmp0:
0x6b: {  	s12 =	sadd.s32 $0x1580, s11;
	[sflag:s0] =	ssyncadd.s32 $0xFFFFE000;
	(pc) =	sbr.rel @p0 .LBB2_2-.Ltmp0, $4  }
0x6c: {  	[spmem:s2] =	stream.indirect.scatter.add.f32 [tilespmem:s28], [sflag:$0x5], $0x80, s12, s20, $0xb8;
	[tilespmem:$0x1E800] =	vst v63  }
0x6d: {  	_ =	swait.ge [sflag:s18], $0x2000  }
0x6e: {  	[sflag:s18] =	ssyncset.done $0x0  }
0x6f: {  	s11 =	sadd.s32 $0x380, s11;
	[sflag:s18] =	ssyncadd.s32 $0xFFFFE000  }
0x70: {  	[tilespmem:s28], [sflag:$0x4] =	stream.indirect.gather [hbm4b:s4+s20], $0x80, s11, s20, $0xb8;
	[tilespmem:$0x1E800] =	vst v63  }
0x71: {  	_ =	swait.ge [sflag:s29], $0x2000  }
0x72: {  	[sflag:s29] =	ssyncset.done $0x0  }
0x73: {  	[sflag:s29] =	ssyncadd.s32 $0xFFFFE000  }
0x74: {  	[spmem:s2] =	stream.indirect.scatter.add.f32 [tilespmem:s21], [sflag:$0x5], $0x80, s1, s20, $0xb8;
	[tilespmem:$0x1E800] =	vst v63  }
0x75: {  	_ =	swait.ge [sflag:s18], $0x2000  }
0x76: {  	[sflag:s18] =	ssyncset.done $0x0  }
0x77: {  	[sflag:s18] =	ssyncadd.s32 $0xFFFFE000  }
0x78: {  	_ =	swait.ge [sflag:s30], $0x2000  }
0x79: {  	[sflag:s30] =	ssyncset.done $0x0  }
0x7a: {  	[sflag:s30] =	ssyncadd.s32 $0xFFFFE000  }
0x7b: {  	[spmem:s2] =	stream.indirect.scatter.add.f32 [tilespmem:s23], [sflag:$0x5], $0x80, s5, s20, $0xb8;
	[tilespmem:$0x1E800] =	vst v63  }
0x7c: {  	_ =	swait.ge [sflag:s18], $0x2000  }
0x7d: {  	[sflag:s18] =	ssyncset.done $0x0  }
0x7e: {  	[sflag:s18] =	ssyncadd.s32 $0xFFFFE000  }
0x7f: {  	_ =	swait.ge [sflag:s31], $0x2000  }
0x80: {  	[sflag:s31] =	ssyncset.done $0x0  }
0x81: {  	[sflag:s31] =	ssyncadd.s32 $0xFFFFE000  }
0x82: {  	[spmem:s2] =	stream.indirect.scatter.add.f32 [tilespmem:s25], [sflag:$0x5], $0x80, s7, s20, $0xb8;
	[tilespmem:$0x1E800] =	vst v63  }
0x83: {  	_ =	swait.ge [sflag:s18], $0x2000  }
0x84: {  	[sflag:s18] =	ssyncset.done $0x0  }
0x85: {  	[sflag:s18] =	ssyncadd.s32 $0xFFFFE000  }
0x86: {  	_ =	swait.ge [sflag:s0], $0x2000  }
0x87: {  	[sflag:s0] =	ssyncset.done $0x0  }
0x88: {  	[sflag:s0] =	ssyncadd.s32 $0xFFFFE000  }
0x89: {  	[spmem:s2] =	stream.indirect.scatter.add.f32 [tilespmem:s28], [sflag:$0x5], $0x80, s8, s20, $0xb8;
	[tilespmem:$0x1E800] =	vst v63  }
0x8a: {  	_ =	swait.ge [sflag:s18], $0x2000  }
0x8b: {  	[sflag:s18] =	ssyncset.done $0x0  }
0x8c: {  	s10 =	simm.s32 $0x0;
	s12 =	rddreg [dreg:$0x6];
	[sflag:s18] =	ssyncadd.s32 $0xFFFFE000  }
0x8d: {  	[tilespmem:s10], [sflag:$0x5] =	stream.linear.gather [hbm4b:s12+s10], $0x1400, $0x38;
	[tilespmem:$0x1E800] =	vst v63  }
0x8e: {  	_ =	swait.ge [sflag:s18], $0x1400  }
0x8f: {  	[sflag:s18] =	ssyncset.done $0x0  }
0x90: {  	s12 =	rddreg [dreg:$0x7];
	[sflag:s18] =	ssyncadd.s32 $0xFFFFEC00  }
0x91: {  	[tilespmem:s19], [sflag:$0x5] =	stream.linear.gather [hbm4b:s12+s10], $0x1400, $0x38;
	[tilespmem:$0x1E800] =	vst v63  }
0x92: {  	_ =	swait.ge [sflag:s18], $0x1400  }
0x93: {  	[sflag:s18] =	ssyncset.done $0x0  }
0x94: {  	[sflag:s18] =	ssyncadd.s32 $0xFFFFEC00  }
0x95: {  	[tilespmem:s21], [sflag:$0x1] =	stream.indirect.gather [hbm4b:s4+s20], $0x80, s10, s20, $0xb8;
	[tilespmem:$0x1E800] =	vst v63  }
0x96: {  	_ = 	snop  }
0x97: {  	[tilespmem:s23], [sflag:$0x2] =	stream.indirect.gather [hbm4b:s4+s20], $0x80, s22, s20, $0xb8;
	[tilespmem:$0x1E800] =	vst v63  }
0x98: {  	_ = 	snop  }
0x99: {  	[tilespmem:s25], [sflag:$0x3] =	stream.indirect.gather [hbm4b:s4+s20], $0x80, s24, s20, $0xb8;
	[tilespmem:$0x1E800] =	vst v63  }
0x9a: {  	_ = 	snop  }
0x9b: {  	[tilespmem:s28], [sflag:$0x4] =	stream.indirect.gather [hbm4b:s4+s20], $0x80, s26, s20, $0xb8;
	[tilespmem:$0x1E800] =	vst v63  }
0x9c: {  	_ =	swait.ge [sflag:s29], $0x2000  }
0x9d: {  	[sflag:s29] =	ssyncset.done $0x0  }
0x9e: {  	s12 =	simm.s32 $0x1400;
	[sflag:s29] =	ssyncadd.s32 $0xFFFFE000  }
0x9f: {  	[spmem:s2] =	stream.indirect.scatter.add.f32 [tilespmem:s21], [sflag:$0x5], $0x80, s12, s20, $0xb8;
	[tilespmem:$0x1E800] =	vst v63  }
0xa0: {  	_ =	swait.ge [sflag:s18], $0x2000  }
0xa1: {  	[sflag:s18] =	ssyncset.done $0x0  }
0xa2: {  	s11 =	simm.s32 $0x200;
	[sflag:s18] =	ssyncadd.s32 $0xFFFFE000  }
0xa3: {  	[tilespmem:s21], [sflag:$0x1] =	stream.indirect.gather [hbm4b:s4+s20], $0x80, s11, s20, $0xb8;
	[tilespmem:$0x1E800] =	vst v63  }
0xa4: {  	_ =	swait.ge [sflag:s30], $0x2000  }
0xa5: {  	[sflag:s30] =	ssyncset.done $0x0  }
0xa6: {  	s12 =	simm.s32 $0x1480;
	[sflag:s30] =	ssyncadd.s32 $0xFFFFE000  }
0xa7: {  	[spmem:s2] =	stream.indirect.scatter.add.f32 [tilespmem:s23], [sflag:$0x5], $0x80, s12, s20, $0xb8;
	[tilespmem:$0x1E800] =	vst v63  }
0xa8: {  	_ =	swait.ge [sflag:s18], $0x2000  }
0xa9: {  	[sflag:s18] =	ssyncset.done $0x0  }
0xaa: {  	s11 =	simm.s32 $0x280;
	[sflag:s18] =	ssyncadd.s32 $0xFFFFE000  }
0xab: {  	[tilespmem:s23], [sflag:$0x2] =	stream.indirect.gather [hbm4b:s4+s20], $0x80, s11, s20, $0xb8;
	[tilespmem:$0x1E800] =	vst v63  }
0xac: {  	_ =	swait.ge [sflag:s31], $0x2000  }
0xad: {  	[sflag:s31] =	ssyncset.done $0x0  }
0xae: {  	s12 =	simm.s32 $0x1500;
	[sflag:s31] =	ssyncadd.s32 $0xFFFFE000  }
0xaf: {  	[spmem:s2] =	stream.indirect.scatter.add.f32 [tilespmem:s25], [sflag:$0x5], $0x80, s12, s20, $0xb8;
	[tilespmem:$0x1E800] =	vst v63  }
0xb0: {  	_ =	swait.ge [sflag:s18], $0x2000  }
0xb1: {  	[sflag:s18] =	ssyncset.done $0x0  }
0xb2: {  	s11 =	simm.s32 $0x300;
	[sflag:s18] =	ssyncadd.s32 $0xFFFFE000  }
0xb3: {  	[tilespmem:s25], [sflag:$0x3] =	stream.indirect.gather [hbm4b:s4+s20], $0x80, s11, s20, $0xb8;
	[tilespmem:$0x1E800] =	vst v63  }
0xb4: {  	_ =	swait.ge [sflag:s0], $0x2000  }
0xb5: {  	[sflag:s0] =	ssyncset.done $0x0  }
0xb6: {  	s12 =	simm.s32 $0x1580;
	[sflag:s0] =	ssyncadd.s32 $0xFFFFE000  }
0xb7: {  	[spmem:s2] =	stream.indirect.scatter.add.f32 [tilespmem:s28], [sflag:$0x5], $0x80, s12, s20, $0xb8;
	[tilespmem:$0x1E800] =	vst v63  }
0xb8: {  	_ =	swait.ge [sflag:s18], $0x2000  }
0xb9: {  	[sflag:s18] =	ssyncset.done $0x0  }
0xba: {  	s10 =	simm.s32 $0x800;
	s11 =	simm.s32 $0x380;
	[sflag:s18] =	ssyncadd.s32 $0xFFFFE000  }
.LBB2_4:
0xbb: {  	[tilespmem:s28], [sflag:$0x4] =	stream.indirect.gather [hbm4b:s4+s20], $0x80, s11, s20, $0xb8;
	[tilespmem:$0x1E800] =	vst v63  }
0xbc: {  	s11 =	smov.u32 s10  }
0xbd: {  	p0 =	sne.s32 s10, $0x4000;
	s10 =	sadd.s32 $0x800, s10;
	_ =	swait.ge [sflag:s29], $0x2000  }
0xbe: {  	s11 =	sshra.s32 s11, $0x2;
	[sflag:s29] =	ssyncset.done $0x0  }
0xbf: {  	s12 =	sadd.s32 $0x1400, s11;
	[sflag:s29] =	ssyncadd.s32 $0xFFFFE000  }
0xc0: {  	[spmem:s2] =	stream.indirect.scatter.add.f32 [tilespmem:s21], [sflag:$0x5], $0x80, s12, s20, $0xb8;
	[tilespmem:$0x1E800] =	vst v63  }
0xc1: {  	_ =	swait.ge [sflag:s18], $0x2000  }
0xc2: {  	[sflag:s18] =	ssyncset.done $0x0  }
0xc3: {  	s12 =	sadd.s32 $0x200, s11;
	[sflag:s18] =	ssyncadd.s32 $0xFFFFE000  }
0xc4: {  	[tilespmem:s21], [sflag:$0x1] =	stream.indirect.gather [hbm4b:s4+s20], $0x80, s12, s20, $0xb8;
	[tilespmem:$0x1E800] =	vst v63  }
0xc5: {  	_ =	swait.ge [sflag:s30], $0x2000  }
0xc6: {  	[sflag:s30] =	ssyncset.done $0x0  }
0xc7: {  	s12 =	sadd.s32 $0x1480, s11;
	[sflag:s30] =	ssyncadd.s32 $0xFFFFE000  }
0xc8: {  	[spmem:s2] =	stream.indirect.scatter.add.f32 [tilespmem:s23], [sflag:$0x5], $0x80, s12, s20, $0xb8;
	[tilespmem:$0x1E800] =	vst v63  }
0xc9: {  	_ =	swait.ge [sflag:s18], $0x2000  }
0xca: {  	[sflag:s18] =	ssyncset.done $0x0  }
0xcb: {  	s12 =	sadd.s32 $0x280, s11;
	[sflag:s18] =	ssyncadd.s32 $0xFFFFE000  }
0xcc: {  	[tilespmem:s23], [sflag:$0x2] =	stream.indirect.gather [hbm4b:s4+s20], $0x80, s12, s20, $0xb8;
	[tilespmem:$0x1E800] =	vst v63  }
0xcd: {  	_ =	swait.ge [sflag:s31], $0x2000  }
0xce: {  	[sflag:s31] =	ssyncset.done $0x0  }
0xcf: {  	s12 =	sadd.s32 $0x1500, s11;
	[sflag:s31] =	ssyncadd.s32 $0xFFFFE000  }
0xd0: {  	[spmem:s2] =	stream.indirect.scatter.add.f32 [tilespmem:s25], [sflag:$0x5], $0x80, s12, s20, $0xb8;
	[tilespmem:$0x1E800] =	vst v63  }
0xd1: {  	_ =	swait.ge [sflag:s18], $0x2000  }
0xd2: {  	[sflag:s18] =	ssyncset.done $0x0  }
0xd3: {  	s12 =	sadd.s32 $0x300, s11;
	[sflag:s18] =	ssyncadd.s32 $0xFFFFE000  }
0xd4: {  	[tilespmem:s25], [sflag:$0x3] =	stream.indirect.gather [hbm4b:s4+s20], $0x80, s12, s20, $0xb8;
	[tilespmem:$0x1E800] =	vst v63  }
0xd5: {  	_ =	swait.ge [sflag:s0], $0x2000  }
0xd6: {  	[sflag:s0] =	ssyncset.done $0x0  }
.Ltmp1:
0xd7: {  	s12 =	sadd.s32 $0x1580, s11;
	[sflag:s0] =	ssyncadd.s32 $0xFFFFE000;
	(pc) =	sbr.rel @p0 .LBB2_4-.Ltmp1, $4  }
0xd8: {  	[spmem:s2] =	stream.indirect.scatter.add.f32 [tilespmem:s28], [sflag:$0x5], $0x80, s12, s20, $0xb8;
	[tilespmem:$0x1E800] =	vst v63  }
0xd9: {  	_ =	swait.ge [sflag:s18], $0x2000  }
0xda: {  	[sflag:s18] =	ssyncset.done $0x0  }
0xdb: {  	s11 =	sadd.s32 $0x380, s11;
	[sflag:s18] =	ssyncadd.s32 $0xFFFFE000  }
0xdc: {  	[tilespmem:s28], [sflag:$0x4] =	stream.indirect.gather [hbm4b:s4+s20], $0x80, s11, s20, $0xb8;
	[tilespmem:$0x1E800] =	vst v63  }
0xdd: {  	_ =	swait.ge [sflag:s29], $0x2000  }
0xde: {  	[sflag:s29] =	ssyncset.done $0x0  }
0xdf: {  	[sflag:s29] =	ssyncadd.s32 $0xFFFFE000  }
0xe0: {  	[spmem:s2] =	stream.indirect.scatter.add.f32 [tilespmem:s21], [sflag:$0x5], $0x80, s1, s20, $0xb8;
	[tilespmem:$0x1E800] =	vst v63  }
0xe1: {  	_ =	swait.ge [sflag:s18], $0x2000  }
0xe2: {  	[sflag:s18] =	ssyncset.done $0x0  }
0xe3: {  	[sflag:s18] =	ssyncadd.s32 $0xFFFFE000  }
0xe4: {  	_ =	swait.ge [sflag:s30], $0x2000  }
0xe5: {  	[sflag:s30] =	ssyncset.done $0x0  }
0xe6: {  	[sflag:s30] =	ssyncadd.s32 $0xFFFFE000  }
0xe7: {  	[spmem:s2] =	stream.indirect.scatter.add.f32 [tilespmem:s23], [sflag:$0x5], $0x80, s5, s20, $0xb8;
	[tilespmem:$0x1E800] =	vst v63  }
0xe8: {  	_ =	swait.ge [sflag:s18], $0x2000  }
0xe9: {  	[sflag:s18] =	ssyncset.done $0x0  }
0xea: {  	[sflag:s18] =	ssyncadd.s32 $0xFFFFE000  }
0xeb: {  	_ =	swait.ge [sflag:s31], $0x2000  }
0xec: {  	[sflag:s31] =	ssyncset.done $0x0  }
0xed: {  	[sflag:s31] =	ssyncadd.s32 $0xFFFFE000  }
0xee: {  	[spmem:s2] =	stream.indirect.scatter.add.f32 [tilespmem:s25], [sflag:$0x5], $0x80, s7, s20, $0xb8;
	[tilespmem:$0x1E800] =	vst v63  }
0xef: {  	_ =	swait.ge [sflag:s18], $0x2000  }
0xf0: {  	[sflag:s18] =	ssyncset.done $0x0  }
0xf1: {  	[sflag:s18] =	ssyncadd.s32 $0xFFFFE000  }
0xf2: {  	_ =	swait.ge [sflag:s0], $0x2000  }
0xf3: {  	[sflag:s0] =	ssyncset.done $0x0  }
0xf4: {  	[sflag:s0] =	ssyncadd.s32 $0xFFFFE000  }
0xf5: {  	[spmem:s2] =	stream.indirect.scatter.add.f32 [tilespmem:s28], [sflag:$0x5], $0x80, s8, s20, $0xb8;
	[tilespmem:$0x1E800] =	vst v63  }
0xf6: {  	_ =	swait.ge [sflag:s18], $0x2000  }
0xf7: {  	[sflag:s18] =	ssyncset.done $0x0  }
0xf8: {  	s10 =	simm.s32 $0x0;
	s12 =	rddreg [dreg:$0x8];
	[sflag:s18] =	ssyncadd.s32 $0xFFFFE000  }
0xf9: {  	[tilespmem:s10], [sflag:$0x5] =	stream.linear.gather [hbm4b:s12+s10], $0x1400, $0x38;
	[tilespmem:$0x1E800] =	vst v63  }
0xfa: {  	_ =	swait.ge [sflag:s18], $0x1400  }
0xfb: {  	[sflag:s18] =	ssyncset.done $0x0  }
0xfc: {  	s12 =	rddreg [dreg:$0x9];
	[sflag:s18] =	ssyncadd.s32 $0xFFFFEC00  }
0xfd: {  	[tilespmem:s19], [sflag:$0x5] =	stream.linear.gather [hbm4b:s12+s10], $0x1400, $0x38;
	[tilespmem:$0x1E800] =	vst v63  }
0xfe: {  	_ =	swait.ge [sflag:s18], $0x1400  }
0xff: {  	[sflag:s18] =	ssyncset.done $0x0  }
0x100: {  	[sflag:s18] =	ssyncadd.s32 $0xFFFFEC00  }
0x101: {  	[tilespmem:s21], [sflag:$0x1] =	stream.indirect.gather [hbm4b:s4+s20], $0x80, s10, s20, $0xb8;
	[tilespmem:$0x1E800] =	vst v63  }
0x102: {  	_ = 	snop  }
0x103: {  	[tilespmem:s23], [sflag:$0x2] =	stream.indirect.gather [hbm4b:s4+s20], $0x80, s22, s20, $0xb8;
	[tilespmem:$0x1E800] =	vst v63  }
0x104: {  	_ = 	snop  }
0x105: {  	[tilespmem:s25], [sflag:$0x3] =	stream.indirect.gather [hbm4b:s4+s20], $0x80, s24, s20, $0xb8;
	[tilespmem:$0x1E800] =	vst v63  }
0x106: {  	_ = 	snop  }
0x107: {  	[tilespmem:s28], [sflag:$0x4] =	stream.indirect.gather [hbm4b:s4+s20], $0x80, s26, s20, $0xb8;
	[tilespmem:$0x1E800] =	vst v63  }
0x108: {  	_ =	swait.ge [sflag:s29], $0x2000  }
0x109: {  	[sflag:s29] =	ssyncset.done $0x0  }
0x10a: {  	s12 =	simm.s32 $0x1400;
	[sflag:s29] =	ssyncadd.s32 $0xFFFFE000  }
0x10b: {  	[spmem:s2] =	stream.indirect.scatter.add.f32 [tilespmem:s21], [sflag:$0x5], $0x80, s12, s20, $0xb8;
	[tilespmem:$0x1E800] =	vst v63  }
0x10c: {  	_ =	swait.ge [sflag:s18], $0x2000  }
0x10d: {  	[sflag:s18] =	ssyncset.done $0x0  }
0x10e: {  	s11 =	simm.s32 $0x200;
	[sflag:s18] =	ssyncadd.s32 $0xFFFFE000  }
0x10f: {  	[tilespmem:s21], [sflag:$0x1] =	stream.indirect.gather [hbm4b:s4+s20], $0x80, s11, s20, $0xb8;
	[tilespmem:$0x1E800] =	vst v63  }
0x110: {  	_ =	swait.ge [sflag:s30], $0x2000  }
0x111: {  	[sflag:s30] =	ssyncset.done $0x0  }
0x112: {  	s12 =	simm.s32 $0x1480;
	[sflag:s30] =	ssyncadd.s32 $0xFFFFE000  }
0x113: {  	[spmem:s2] =	stream.indirect.scatter.add.f32 [tilespmem:s23], [sflag:$0x5], $0x80, s12, s20, $0xb8;
	[tilespmem:$0x1E800] =	vst v63  }
0x114: {  	_ =	swait.ge [sflag:s18], $0x2000  }
0x115: {  	[sflag:s18] =	ssyncset.done $0x0  }
0x116: {  	s11 =	simm.s32 $0x280;
	[sflag:s18] =	ssyncadd.s32 $0xFFFFE000  }
0x117: {  	[tilespmem:s23], [sflag:$0x2] =	stream.indirect.gather [hbm4b:s4+s20], $0x80, s11, s20, $0xb8;
	[tilespmem:$0x1E800] =	vst v63  }
0x118: {  	_ =	swait.ge [sflag:s31], $0x2000  }
0x119: {  	[sflag:s31] =	ssyncset.done $0x0  }
0x11a: {  	s12 =	simm.s32 $0x1500;
	[sflag:s31] =	ssyncadd.s32 $0xFFFFE000  }
0x11b: {  	[spmem:s2] =	stream.indirect.scatter.add.f32 [tilespmem:s25], [sflag:$0x5], $0x80, s12, s20, $0xb8;
	[tilespmem:$0x1E800] =	vst v63  }
0x11c: {  	_ =	swait.ge [sflag:s18], $0x2000  }
0x11d: {  	[sflag:s18] =	ssyncset.done $0x0  }
0x11e: {  	s11 =	simm.s32 $0x300;
	[sflag:s18] =	ssyncadd.s32 $0xFFFFE000  }
0x11f: {  	[tilespmem:s25], [sflag:$0x3] =	stream.indirect.gather [hbm4b:s4+s20], $0x80, s11, s20, $0xb8;
	[tilespmem:$0x1E800] =	vst v63  }
0x120: {  	_ =	swait.ge [sflag:s0], $0x2000  }
0x121: {  	[sflag:s0] =	ssyncset.done $0x0  }
0x122: {  	s12 =	simm.s32 $0x1580;
	[sflag:s0] =	ssyncadd.s32 $0xFFFFE000  }
0x123: {  	[spmem:s2] =	stream.indirect.scatter.add.f32 [tilespmem:s28], [sflag:$0x5], $0x80, s12, s20, $0xb8;
	[tilespmem:$0x1E800] =	vst v63  }
0x124: {  	_ =	swait.ge [sflag:s18], $0x2000  }
0x125: {  	[sflag:s18] =	ssyncset.done $0x0  }
0x126: {  	s10 =	simm.s32 $0x800;
	s11 =	simm.s32 $0x380;
	[sflag:s18] =	ssyncadd.s32 $0xFFFFE000  }
.LBB2_6:
0x127: {  	[tilespmem:s28], [sflag:$0x4] =	stream.indirect.gather [hbm4b:s4+s20], $0x80, s11, s20, $0xb8;
	[tilespmem:$0x1E800] =	vst v63  }
0x128: {  	s11 =	smov.u32 s10  }
0x129: {  	p0 =	sne.s32 s10, $0x4000;
	s10 =	sadd.s32 $0x800, s10;
	_ =	swait.ge [sflag:s29], $0x2000  }
0x12a: {  	s11 =	sshra.s32 s11, $0x2;
	[sflag:s29] =	ssyncset.done $0x0  }
0x12b: {  	s12 =	sadd.s32 $0x1400, s11;
	[sflag:s29] =	ssyncadd.s32 $0xFFFFE000  }
0x12c: {  	[spmem:s2] =	stream.indirect.scatter.add.f32 [tilespmem:s21], [sflag:$0x5], $0x80, s12, s20, $0xb8;
	[tilespmem:$0x1E800] =	vst v63  }
0x12d: {  	_ =	swait.ge [sflag:s18], $0x2000  }
0x12e: {  	[sflag:s18] =	ssyncset.done $0x0  }
0x12f: {  	s12 =	sadd.s32 $0x200, s11;
	[sflag:s18] =	ssyncadd.s32 $0xFFFFE000  }
0x130: {  	[tilespmem:s21], [sflag:$0x1] =	stream.indirect.gather [hbm4b:s4+s20], $0x80, s12, s20, $0xb8;
	[tilespmem:$0x1E800] =	vst v63  }
0x131: {  	_ =	swait.ge [sflag:s30], $0x2000  }
0x132: {  	[sflag:s30] =	ssyncset.done $0x0  }
0x133: {  	s12 =	sadd.s32 $0x1480, s11;
	[sflag:s30] =	ssyncadd.s32 $0xFFFFE000  }
0x134: {  	[spmem:s2] =	stream.indirect.scatter.add.f32 [tilespmem:s23], [sflag:$0x5], $0x80, s12, s20, $0xb8;
	[tilespmem:$0x1E800] =	vst v63  }
0x135: {  	_ =	swait.ge [sflag:s18], $0x2000  }
0x136: {  	[sflag:s18] =	ssyncset.done $0x0  }
0x137: {  	s12 =	sadd.s32 $0x280, s11;
	[sflag:s18] =	ssyncadd.s32 $0xFFFFE000  }
0x138: {  	[tilespmem:s23], [sflag:$0x2] =	stream.indirect.gather [hbm4b:s4+s20], $0x80, s12, s20, $0xb8;
	[tilespmem:$0x1E800] =	vst v63  }
0x139: {  	_ =	swait.ge [sflag:s31], $0x2000  }
0x13a: {  	[sflag:s31] =	ssyncset.done $0x0  }
0x13b: {  	s12 =	sadd.s32 $0x1500, s11;
	[sflag:s31] =	ssyncadd.s32 $0xFFFFE000  }
0x13c: {  	[spmem:s2] =	stream.indirect.scatter.add.f32 [tilespmem:s25], [sflag:$0x5], $0x80, s12, s20, $0xb8;
	[tilespmem:$0x1E800] =	vst v63  }
0x13d: {  	_ =	swait.ge [sflag:s18], $0x2000  }
0x13e: {  	[sflag:s18] =	ssyncset.done $0x0  }
0x13f: {  	s12 =	sadd.s32 $0x300, s11;
	[sflag:s18] =	ssyncadd.s32 $0xFFFFE000  }
0x140: {  	[tilespmem:s25], [sflag:$0x3] =	stream.indirect.gather [hbm4b:s4+s20], $0x80, s12, s20, $0xb8;
	[tilespmem:$0x1E800] =	vst v63  }
0x141: {  	_ =	swait.ge [sflag:s0], $0x2000  }
0x142: {  	[sflag:s0] =	ssyncset.done $0x0  }
.Ltmp2:
0x143: {  	s12 =	sadd.s32 $0x1580, s11;
	[sflag:s0] =	ssyncadd.s32 $0xFFFFE000;
	(pc) =	sbr.rel @p0 .LBB2_6-.Ltmp2, $4  }
0x144: {  	[spmem:s2] =	stream.indirect.scatter.add.f32 [tilespmem:s28], [sflag:$0x5], $0x80, s12, s20, $0xb8;
	[tilespmem:$0x1E800] =	vst v63  }
0x145: {  	_ =	swait.ge [sflag:s18], $0x2000  }
0x146: {  	[sflag:s18] =	ssyncset.done $0x0  }
0x147: {  	s11 =	sadd.s32 $0x380, s11;
	[sflag:s18] =	ssyncadd.s32 $0xFFFFE000  }
0x148: {  	[tilespmem:s28], [sflag:$0x4] =	stream.indirect.gather [hbm4b:s4+s20], $0x80, s11, s20, $0xb8;
	[tilespmem:$0x1E800] =	vst v63  }
0x149: {  	_ =	swait.ge [sflag:s29], $0x2000  }
0x14a: {  	[sflag:s29] =	ssyncset.done $0x0  }
0x14b: {  	[sflag:s29] =	ssyncadd.s32 $0xFFFFE000  }
0x14c: {  	[spmem:s2] =	stream.indirect.scatter.add.f32 [tilespmem:s21], [sflag:$0x5], $0x80, s1, s20, $0xb8;
	[tilespmem:$0x1E800] =	vst v63  }
0x14d: {  	_ =	swait.ge [sflag:s18], $0x2000  }
0x14e: {  	[sflag:s18] =	ssyncset.done $0x0  }
0x14f: {  	[sflag:s18] =	ssyncadd.s32 $0xFFFFE000  }
0x150: {  	_ =	swait.ge [sflag:s30], $0x2000  }
0x151: {  	[sflag:s30] =	ssyncset.done $0x0  }
0x152: {  	[sflag:s30] =	ssyncadd.s32 $0xFFFFE000  }
0x153: {  	[spmem:s2] =	stream.indirect.scatter.add.f32 [tilespmem:s23], [sflag:$0x5], $0x80, s5, s20, $0xb8;
	[tilespmem:$0x1E800] =	vst v63  }
0x154: {  	_ =	swait.ge [sflag:s18], $0x2000  }
0x155: {  	[sflag:s18] =	ssyncset.done $0x0  }
0x156: {  	[sflag:s18] =	ssyncadd.s32 $0xFFFFE000  }
0x157: {  	_ =	swait.ge [sflag:s31], $0x2000  }
0x158: {  	[sflag:s31] =	ssyncset.done $0x0  }
0x159: {  	[sflag:s31] =	ssyncadd.s32 $0xFFFFE000  }
0x15a: {  	[spmem:s2] =	stream.indirect.scatter.add.f32 [tilespmem:s25], [sflag:$0x5], $0x80, s7, s20, $0xb8;
	[tilespmem:$0x1E800] =	vst v63  }
0x15b: {  	_ =	swait.ge [sflag:s18], $0x2000  }
0x15c: {  	[sflag:s18] =	ssyncset.done $0x0  }
0x15d: {  	[sflag:s18] =	ssyncadd.s32 $0xFFFFE000  }
0x15e: {  	_ =	swait.ge [sflag:s0], $0x2000  }
0x15f: {  	[sflag:s0] =	ssyncset.done $0x0  }
0x160: {  	[sflag:s0] =	ssyncadd.s32 $0xFFFFE000  }
0x161: {  	[spmem:s2] =	stream.indirect.scatter.add.f32 [tilespmem:s28], [sflag:$0x5], $0x80, s8, s20, $0xb8;
	[tilespmem:$0x1E800] =	vst v63  }
0x162: {  	_ =	swait.ge [sflag:s18], $0x2000  }
0x163: {  	[sflag:s18] =	ssyncset.done $0x0  }
0x164: {  	s10 =	simm.s32 $0x0;
	[sflag:s18] =	ssyncadd.s32 $0xFFFFE000  }
0x165: {  	[tilespmem:s10], [sflag:$0x5] =	stream.linear.gather [hbm4b:s13+s10], $0x1400, $0x38;
	[tilespmem:$0x1E800] =	vst v63  }
0x166: {  	_ =	swait.ge [sflag:s18], $0x1400  }
0x167: {  	[sflag:s18] =	ssyncset.done $0x0  }
0x168: {  	[sflag:s18] =	ssyncadd.s32 $0xFFFFEC00  }
0x169: {  	[tilespmem:s19], [sflag:$0x5] =	stream.linear.gather [hbm4b:s14+s10], $0x1400, $0x38;
	[tilespmem:$0x1E800] =	vst v63  }
0x16a: {  	_ =	swait.ge [sflag:s18], $0x1400  }
0x16b: {  	[sflag:s18] =	ssyncset.done $0x0  }
0x16c: {  	[sflag:s18] =	ssyncadd.s32 $0xFFFFEC00  }
0x16d: {  	[tilespmem:s21], [sflag:$0x1] =	stream.indirect.gather [hbm4b:s4+s20], $0x80, s10, s20, $0xb8;
	[tilespmem:$0x1E800] =	vst v63  }
0x16e: {  	_ = 	snop  }
0x16f: {  	[tilespmem:s23], [sflag:$0x2] =	stream.indirect.gather [hbm4b:s4+s20], $0x80, s22, s20, $0xb8;
	[tilespmem:$0x1E800] =	vst v63  }
0x170: {  	_ = 	snop  }
0x171: {  	[tilespmem:s25], [sflag:$0x3] =	stream.indirect.gather [hbm4b:s4+s20], $0x80, s24, s20, $0xb8;
	[tilespmem:$0x1E800] =	vst v63  }
0x172: {  	_ = 	snop  }
0x173: {  	[tilespmem:s28], [sflag:$0x4] =	stream.indirect.gather [hbm4b:s4+s20], $0x80, s26, s20, $0xb8;
	[tilespmem:$0x1E800] =	vst v63  }
0x174: {  	_ =	swait.ge [sflag:s29], $0x2000  }
0x175: {  	[sflag:s29] =	ssyncset.done $0x0  }
0x176: {  	s12 =	simm.s32 $0x1400;
	[sflag:s29] =	ssyncadd.s32 $0xFFFFE000  }
0x177: {  	[spmem:s2] =	stream.indirect.scatter.add.f32 [tilespmem:s21], [sflag:$0x5], $0x80, s12, s20, $0xb8;
	[tilespmem:$0x1E800] =	vst v63  }
0x178: {  	_ =	swait.ge [sflag:s18], $0x2000  }
0x179: {  	[sflag:s18] =	ssyncset.done $0x0  }
0x17a: {  	s11 =	simm.s32 $0x200;
	[sflag:s18] =	ssyncadd.s32 $0xFFFFE000  }
0x17b: {  	[tilespmem:s21], [sflag:$0x1] =	stream.indirect.gather [hbm4b:s4+s20], $0x80, s11, s20, $0xb8;
	[tilespmem:$0x1E800] =	vst v63  }
0x17c: {  	_ =	swait.ge [sflag:s30], $0x2000  }
0x17d: {  	[sflag:s30] =	ssyncset.done $0x0  }
0x17e: {  	s12 =	simm.s32 $0x1480;
	[sflag:s30] =	ssyncadd.s32 $0xFFFFE000  }
0x17f: {  	[spmem:s2] =	stream.indirect.scatter.add.f32 [tilespmem:s23], [sflag:$0x5], $0x80, s12, s20, $0xb8;
	[tilespmem:$0x1E800] =	vst v63  }
0x180: {  	_ =	swait.ge [sflag:s18], $0x2000  }
0x181: {  	[sflag:s18] =	ssyncset.done $0x0  }
0x182: {  	s11 =	simm.s32 $0x280;
	[sflag:s18] =	ssyncadd.s32 $0xFFFFE000  }
0x183: {  	[tilespmem:s23], [sflag:$0x2] =	stream.indirect.gather [hbm4b:s4+s20], $0x80, s11, s20, $0xb8;
	[tilespmem:$0x1E800] =	vst v63  }
0x184: {  	_ =	swait.ge [sflag:s31], $0x2000  }
0x185: {  	[sflag:s31] =	ssyncset.done $0x0  }
0x186: {  	s12 =	simm.s32 $0x1500;
	[sflag:s31] =	ssyncadd.s32 $0xFFFFE000  }
0x187: {  	[spmem:s2] =	stream.indirect.scatter.add.f32 [tilespmem:s25], [sflag:$0x5], $0x80, s12, s20, $0xb8;
	[tilespmem:$0x1E800] =	vst v63  }
0x188: {  	_ =	swait.ge [sflag:s18], $0x2000  }
0x189: {  	[sflag:s18] =	ssyncset.done $0x0  }
0x18a: {  	s11 =	simm.s32 $0x300;
	[sflag:s18] =	ssyncadd.s32 $0xFFFFE000  }
0x18b: {  	[tilespmem:s25], [sflag:$0x3] =	stream.indirect.gather [hbm4b:s4+s20], $0x80, s11, s20, $0xb8;
	[tilespmem:$0x1E800] =	vst v63  }
0x18c: {  	_ =	swait.ge [sflag:s0], $0x2000  }
0x18d: {  	[sflag:s0] =	ssyncset.done $0x0  }
0x18e: {  	s12 =	simm.s32 $0x1580;
	[sflag:s0] =	ssyncadd.s32 $0xFFFFE000  }
0x18f: {  	[spmem:s2] =	stream.indirect.scatter.add.f32 [tilespmem:s28], [sflag:$0x5], $0x80, s12, s20, $0xb8;
	[tilespmem:$0x1E800] =	vst v63  }
0x190: {  	_ =	swait.ge [sflag:s18], $0x2000  }
0x191: {  	[sflag:s18] =	ssyncset.done $0x0  }
0x192: {  	s10 =	simm.s32 $0x800;
	s11 =	simm.s32 $0x380;
	[sflag:s18] =	ssyncadd.s32 $0xFFFFE000  }
.LBB2_8:
0x193: {  	[tilespmem:s28], [sflag:$0x4] =	stream.indirect.gather [hbm4b:s4+s20], $0x80, s11, s20, $0xb8;
	[tilespmem:$0x1E800] =	vst v63  }
0x194: {  	s11 =	smov.u32 s10  }
0x195: {  	p0 =	sne.s32 s10, $0x4000;
	s10 =	sadd.s32 $0x800, s10;
	_ =	swait.ge [sflag:s29], $0x2000  }
0x196: {  	s11 =	sshra.s32 s11, $0x2;
	[sflag:s29] =	ssyncset.done $0x0  }
0x197: {  	s12 =	sadd.s32 $0x1400, s11;
	[sflag:s29] =	ssyncadd.s32 $0xFFFFE000  }
0x198: {  	[spmem:s2] =	stream.indirect.scatter.add.f32 [tilespmem:s21], [sflag:$0x5], $0x80, s12, s20, $0xb8;
	[tilespmem:$0x1E800] =	vst v63  }
0x199: {  	_ =	swait.ge [sflag:s18], $0x2000  }
0x19a: {  	[sflag:s18] =	ssyncset.done $0x0  }
0x19b: {  	s12 =	sadd.s32 $0x200, s11;
	[sflag:s18] =	ssyncadd.s32 $0xFFFFE000  }
0x19c: {  	[tilespmem:s21], [sflag:$0x1] =	stream.indirect.gather [hbm4b:s4+s20], $0x80, s12, s20, $0xb8;
	[tilespmem:$0x1E800] =	vst v63  }
0x19d: {  	_ =	swait.ge [sflag:s30], $0x2000  }
0x19e: {  	[sflag:s30] =	ssyncset.done $0x0  }
0x19f: {  	s12 =	sadd.s32 $0x1480, s11;
	[sflag:s30] =	ssyncadd.s32 $0xFFFFE000  }
0x1a0: {  	[spmem:s2] =	stream.indirect.scatter.add.f32 [tilespmem:s23], [sflag:$0x5], $0x80, s12, s20, $0xb8;
	[tilespmem:$0x1E800] =	vst v63  }
0x1a1: {  	_ =	swait.ge [sflag:s18], $0x2000  }
0x1a2: {  	[sflag:s18] =	ssyncset.done $0x0  }
0x1a3: {  	s12 =	sadd.s32 $0x280, s11;
	[sflag:s18] =	ssyncadd.s32 $0xFFFFE000  }
0x1a4: {  	[tilespmem:s23], [sflag:$0x2] =	stream.indirect.gather [hbm4b:s4+s20], $0x80, s12, s20, $0xb8;
	[tilespmem:$0x1E800] =	vst v63  }
0x1a5: {  	_ =	swait.ge [sflag:s31], $0x2000  }
0x1a6: {  	[sflag:s31] =	ssyncset.done $0x0  }
0x1a7: {  	s12 =	sadd.s32 $0x1500, s11;
	[sflag:s31] =	ssyncadd.s32 $0xFFFFE000  }
0x1a8: {  	[spmem:s2] =	stream.indirect.scatter.add.f32 [tilespmem:s25], [sflag:$0x5], $0x80, s12, s20, $0xb8;
	[tilespmem:$0x1E800] =	vst v63  }
0x1a9: {  	_ =	swait.ge [sflag:s18], $0x2000  }
0x1aa: {  	[sflag:s18] =	ssyncset.done $0x0  }
0x1ab: {  	s12 =	sadd.s32 $0x300, s11;
	[sflag:s18] =	ssyncadd.s32 $0xFFFFE000  }
0x1ac: {  	[tilespmem:s25], [sflag:$0x3] =	stream.indirect.gather [hbm4b:s4+s20], $0x80, s12, s20, $0xb8;
	[tilespmem:$0x1E800] =	vst v63  }
0x1ad: {  	_ =	swait.ge [sflag:s0], $0x2000  }
0x1ae: {  	[sflag:s0] =	ssyncset.done $0x0  }
.Ltmp3:
0x1af: {  	s12 =	sadd.s32 $0x1580, s11;
	[sflag:s0] =	ssyncadd.s32 $0xFFFFE000;
	(pc) =	sbr.rel @p0 .LBB2_8-.Ltmp3, $4  }
0x1b0: {  	[spmem:s2] =	stream.indirect.scatter.add.f32 [tilespmem:s28], [sflag:$0x5], $0x80, s12, s20, $0xb8;
	[tilespmem:$0x1E800] =	vst v63  }
0x1b1: {  	_ =	swait.ge [sflag:s18], $0x2000  }
0x1b2: {  	[sflag:s18] =	ssyncset.done $0x0  }
0x1b3: {  	s11 =	sadd.s32 $0x380, s11;
	[sflag:s18] =	ssyncadd.s32 $0xFFFFE000  }
0x1b4: {  	[tilespmem:s28], [sflag:$0x4] =	stream.indirect.gather [hbm4b:s4+s20], $0x80, s11, s20, $0xb8;
	[tilespmem:$0x1E800] =	vst v63  }
0x1b5: {  	_ =	swait.ge [sflag:s29], $0x2000  }
0x1b6: {  	[sflag:s29] =	ssyncset.done $0x0  }
0x1b7: {  	[sflag:s29] =	ssyncadd.s32 $0xFFFFE000  }
0x1b8: {  	[spmem:s2] =	stream.indirect.scatter.add.f32 [tilespmem:s21], [sflag:$0x5], $0x80, s1, s20, $0xb8;
	[tilespmem:$0x1E800] =	vst v63  }
0x1b9: {  	_ =	swait.ge [sflag:s18], $0x2000  }
0x1ba: {  	[sflag:s18] =	ssyncset.done $0x0  }
0x1bb: {  	[sflag:s18] =	ssyncadd.s32 $0xFFFFE000  }
0x1bc: {  	_ =	swait.ge [sflag:s30], $0x2000  }
0x1bd: {  	[sflag:s30] =	ssyncset.done $0x0  }
0x1be: {  	[sflag:s30] =	ssyncadd.s32 $0xFFFFE000  }
0x1bf: {  	[spmem:s2] =	stream.indirect.scatter.add.f32 [tilespmem:s23], [sflag:$0x5], $0x80, s5, s20, $0xb8;
	[tilespmem:$0x1E800] =	vst v63  }
0x1c0: {  	_ =	swait.ge [sflag:s18], $0x2000  }
0x1c1: {  	[sflag:s18] =	ssyncset.done $0x0  }
0x1c2: {  	[sflag:s18] =	ssyncadd.s32 $0xFFFFE000  }
0x1c3: {  	_ =	swait.ge [sflag:s31], $0x2000  }
0x1c4: {  	[sflag:s31] =	ssyncset.done $0x0  }
0x1c5: {  	[sflag:s31] =	ssyncadd.s32 $0xFFFFE000  }
0x1c6: {  	[spmem:s2] =	stream.indirect.scatter.add.f32 [tilespmem:s25], [sflag:$0x5], $0x80, s7, s20, $0xb8;
	[tilespmem:$0x1E800] =	vst v63  }
0x1c7: {  	_ =	swait.ge [sflag:s18], $0x2000  }
0x1c8: {  	[sflag:s18] =	ssyncset.done $0x0  }
0x1c9: {  	[sflag:s18] =	ssyncadd.s32 $0xFFFFE000  }
0x1ca: {  	_ =	swait.ge [sflag:s0], $0x2000  }
0x1cb: {  	[sflag:s0] =	ssyncset.done $0x0  }
0x1cc: {  	[sflag:s0] =	ssyncadd.s32 $0xFFFFE000  }
0x1cd: {  	[spmem:s2] =	stream.indirect.scatter.add.f32 [tilespmem:s28], [sflag:$0x5], $0x80, s8, s20, $0xb8;
	[tilespmem:$0x1E800] =	vst v63  }
0x1ce: {  	_ =	swait.ge [sflag:s18], $0x2000  }
0x1cf: {  	s9 =	sadd.s32 $0x1, s9;
	[sflag:s18] =	ssyncset.done $0x0  }
0x1d0: {  	p0 =	sne.s32 s9, s16;
	[sflag:s18] =	ssyncadd.s32 $0xFFFFE000  }
.Ltmp4:
0x1d1: {  	[bflag:$0x0] =	sbarrier.arrive $0xFFFF;
	(pc) =	sbr.rel @p0 .LBB2_1-.Ltmp4, $4  }
0x1d2: {  	[hbm:s15], [sflag:s6] =	dma.local [spmem:s17], $0x2800  }
0x1d3: {  	_ =	swait.ge [sflag:s18], $0x2800  }
0x1d4: {  	[sflag:s18] =	ssyncset.done $0x0  }
0x1d5: {  	[sflag:s18] =	ssyncadd.s32 $0xFFFFD800  }
0x1d6: {  	_ =	sfence.sel $0x180000  }
0x1d7: {  	[bflag:$0x0] =	sbarrier.arrive $0xFFFF  }
0x1d8: {  	_ =	strace $0x9000004A  }
0x1d9: {  	s0 =	stileid.u32;
	[bflag:$0x2] =	sbarrier.arrive $0xFFFF  }
0x1da: {  	p0 =	sne.s32 s0, $0x0;
	s0 =	rddreg [dreg:$0x2]  }
0x1db: {  	s0 =	sadd.s32 @!p0 $0x100000, s0  }
0x1dc: {  	[sflag:s0] =	ssyncadd.tile.s32 @!p0 $0x1;
	_ =	shalt  }
.Lfunc_end2:
_tile_overlayer_lowered:
.L_overlay_start_2:
0x1dd: {  	(tag) =	ssettag $0x2  }
0x1de: {  	s0 =	rddreg [dreg:$0x0];
	s2 =	stileid.u32  }
0x1df: {  	s1 =	rddreg [dreg:$0x1];
	p0 =	sne.s32 s2, $0x0  }
0x1e0: {  	s3 =	rddreg [dreg:$0x2];
	[bflag:$0x3] =	sbarrier.arrive $0xFFFF;
	s2 =	simm.s32 @!p0 $0x1C05  }
0x1e1: {  	[timem:s3], [sflag:s2] =	dma.local @!p0 [hbm:s0], s1  }
0x1e2: {  	s0 =	simm.s32 @!p0 $0x5  }
0x1e3: {  	_ =	swait.ge @!p0 [sflag:s0], s1  }
0x1e4: {  	s1 =	ssub.s32 @!p0 $0x0, s1;
	[sflag:s0] =	ssyncset.done @!p0 $0x0  }
0x1e5: {  	[sflag:s0] =	ssyncadd.s32 @!p0 s1  }
0x1e6: {  	[bflag:$0x3] =	sbarrier.arrive $0xFFFF  }
0x1e7: {  	_ =	shalt  }

// kernel: kernel.15.cloned.1.call-start
scs
__scs_entry_jumppad:
0x0: {  	(pc) =	sbr.rel $0x88, $3  }
0x1: {  	(tag) =	ssettag $0x0;
	lr =	simm.s32 $0x1  }
0x2: {  	[smem:$0x3F98] =	sst lr;
	_ =	strace $0xD0000000  }
0x3: {  	_ = 	snop  }
0x4: {  	_ = 	snop  }
0x5: {  	_ = 	snop  }
0x6: {  	_ = 	snop  }
0x7: {  	_ = 	snop  }
__scs_overlays_trampoline_lowered:
0x8: {  	[smem:$0x3FA7] =	sst s0  }
0x9: {  	[smem:$0x3FA8] =	sst s1  }
0xa: {  	[smem:$0x3FA9] =	sst s2  }
0xb: {  	[smem:$0x3FAA] =	sst s3  }
0xc: {  	[smem:$0x3FAB] =	sst s4  }
0xd: {  	[smem:$0x3FAC] =	sst s5  }
0xe: {  	[smem:$0x3FAD] =	sst s6  }
0xf: {  	[smem:$0x3FAE] =	sst s7  }
0x10: {  	[smem:$0x3FAF] =	sst s8  }
0x11: {  	[smem:$0x3FB0] =	sst s9;
	s0 =	simm.s32 @!p0 $0x0  }
0x12: {  	s1 =	sld [smem:$0x3F96];
	s0 =	simm.s32 @p0 $0x1  }
0x13: {  	[smem:$0x3FB1] =	sst s0;
	s0 =	simm.s32 @!p1 $0x0  }
0x14: {  	s2 =	sld [smem:$0x3F95];
	s0 =	simm.s32 @p1 $0x1  }
0x15: {  	[smem:$0x3FB2] =	sst s0;
	s0 =	simm.s32 @!p2 $0x0  }
0x16: {  	s3 =	sld [smem:$0x3FDB];
	s0 =	simm.s32 @p2 $0x1  }
0x17: {  	s4 =	simm.s32 $0x1BF5;
	[smem:$0x3FB4] =	sst s0  }
0x18: {  	s0 =	sld [smem:$0x3F97];
	_ =	swait.ge [sflag:s4], $0x0  }
0x19: {  	s7 =	sld [smem:$0x3F98]  }
0x1a: {  	s8 =	sadd.s32 $0xFFFFE003, lr  }
0x1b: {  	s9 =	sadd.s32 $0xFFFFFEF7, lr;
	s5 =	simm.s32 $0xFFFFFFFF;
	p2 =	slt.u32 s8, $0xFFFFF086  }
0x1c: {  	p1 =	slt.u32 s9, $0xF7A;
	s5 =	simm.s32 @!p2 $0x0  }
0x1d: {  	s5 =	simm.s32 @p1 $0x1;
	p0 =	seq.s32 s7, s2  }
0x1e: {  	s7 =	smul.u32 @!p0 $0xF7A, s2;
	p2 =	seq.s32 @!p0 s5, $0x0  }
0x1f: {  	s9 =	smul.u32 $0xF7A, s1;
	s8 =	simm.s32 @!p0 $0x1BF5;
	p2 =	por !p2, p0  }
0x20: {  	[sflag:s8] =	ssyncset.s32 @!p0 $0xFFFFF086;
	s6 =	sadd.s32 @!p0 s3, s7;
	s7 =	simm.s32 @!p0 $0x108  }
0x21: {  	s3 =	sadd.s32 s3, s9;
	s6 =	sadd.s32 @!p0 $0x88, s6;
	s7 =	simm.s32 @p2 $0x1082  }
0x22: {  	[simem:s7], [sflag:s8] =	dma.local @!p0 [hbm:s6], $0xF7A  }
0x23: {  	s9 =	sor.u32 $0xD0000000, s2;
	s6 =	simm.s32 $0x108;
	_ =	swait.ge @!p0 [sflag:s8], $0x0  }
0x24: {  	s3 =	sadd.s32 $0x88, s3;
	s6 =	simm.s32 @!p1 $0x1082;
	[sflag:s4] =	ssyncset.s32 $0xFFFFF086  }
0x25: {  	[simem:s6], [sflag:s4] =	dma.local [hbm:s3], $0xF7A  }
0x26: {  	[smem:$0x3F98] =	sst s1;
	(tag) =	ssettag s2;
	_ =	strace s9  }
0x27: {  	s1 =	sld [smem:$0x3FA8]  }
0x28: {  	s2 =	sld [smem:$0x3FA9]  }
0x29: {  	s4 =	sld [smem:$0x3FAB]  }
0x2a: {  	p0 =	seq.s32 s5, $0x0;
	s5 =	sld [smem:$0x3FAC]  }
0x2b: {  	s6 =	sld [smem:$0x3FAD]  }
0x2c: {  	s7 =	sld [smem:$0x3FAE]  }
0x2d: {  	s3 =	simm.s32 $0x108;
	s8 =	sld [smem:$0x3FAF]  }
0x2e: {  	s3 =	simm.s32 @!p0 $0x1082;
	s9 =	sld [smem:$0x3FB0]  }
0x2f: {  	lr =	sadd.s32 s0, s3;
	s0 =	sld [smem:$0x3FA7]  }
0x30: {  	s3 =	sld [smem:$0x3FAA]  }
0x31: {  	[smem:$0x3FB3] =	sst s10  }
0x32: {  	s10 =	sld [smem:$0x3FB1];
	_ =	sdelay $0x3  }
0x33: {  	p0 =	seq.s32 s10, $0x1;
	s10 =	sld [smem:$0x3FB3];
	_ =	sdelay $0x3  }
0x34: {  	[smem:$0x3FB3] =	sst s10  }
0x35: {  	s10 =	sld [smem:$0x3FB2];
	_ =	sdelay $0x3  }
0x36: {  	p1 =	seq.s32 s10, $0x1;
	s10 =	sld [smem:$0x3FB3];
	_ =	sdelay $0x3  }
0x37: {  	[smem:$0x3FB3] =	sst s10  }
0x38: {  	s10 =	sld [smem:$0x3FB4]  }
0x39: {  	_ = 	snop;
	(pc) =	sbr.ind lr, $3  }
0x3a: {  	_ = 	snop  }
0x3b: {  	_ = 	snop  }
0x3c: {  	p2 =	seq.s32 s10, $0x1;
	s10 =	sld [smem:$0x3FB3]  }
0x3d: {  	_ =	shalt  }
0x3e: {  	_ =	shalt  }
0x3f: {  	_ =	shalt  }
0x40: {  	_ =	shalt  }
0x41: {  	_ =	shalt  }
0x42: {  	_ =	shalt  }
0x43: {  	_ =	shalt  }
0x44: {  	_ =	shalt  }
0x45: {  	_ =	shalt  }
0x46: {  	_ =	shalt  }
0x47: {  	_ =	shalt  }
0x48: {  	_ =	shalt  }
0x49: {  	_ =	shalt  }
0x4a: {  	_ =	shalt  }
0x4b: {  	_ =	shalt  }
0x4c: {  	_ =	shalt  }
0x4d: {  	_ =	shalt  }
0x4e: {  	_ =	shalt  }
0x4f: {  	_ =	shalt  }
0x50: {  	_ =	shalt  }
0x51: {  	_ =	shalt  }
0x52: {  	_ =	shalt  }
0x53: {  	_ =	shalt  }
0x54: {  	_ =	shalt  }
0x55: {  	_ =	shalt  }
0x56: {  	_ =	shalt  }
0x57: {  	_ =	shalt  }
0x58: {  	_ =	shalt  }
0x59: {  	_ =	shalt  }
0x5a: {  	_ =	shalt  }
0x5b: {  	_ =	shalt  }
0x5c: {  	_ =	shalt  }
0x5d: {  	_ =	shalt  }
0x5e: {  	_ =	shalt  }
0x5f: {  	_ =	shalt  }
0x60: {  	_ =	shalt  }
0x61: {  	_ =	shalt  }
0x62: {  	_ =	shalt  }
0x63: {  	_ =	shalt  }
0x64: {  	_ =	shalt  }
0x65: {  	_ =	shalt  }
0x66: {  	_ =	shalt  }
0x67: {  	_ =	shalt  }
0x68: {  	_ =	shalt  }
0x69: {  	_ =	shalt  }
0x6a: {  	_ =	shalt  }
0x6b: {  	_ =	shalt  }
0x6c: {  	_ =	shalt  }
0x6d: {  	_ =	shalt  }
0x6e: {  	_ =	shalt  }
0x6f: {  	_ =	shalt  }
0x70: {  	_ =	shalt  }
0x71: {  	_ =	shalt  }
0x72: {  	_ =	shalt  }
0x73: {  	_ =	shalt  }
0x74: {  	_ =	shalt  }
0x75: {  	_ =	shalt  }
0x76: {  	_ =	shalt  }
0x77: {  	_ =	shalt  }
0x78: {  	_ =	shalt  }
0x79: {  	_ =	shalt  }
0x7a: {  	_ =	shalt  }
0x7b: {  	_ =	shalt  }
0x7c: {  	_ =	shalt  }
0x7d: {  	_ =	shalt  }
0x7e: {  	_ =	shalt  }
0x7f: {  	_ =	shalt  }
0x80: {  	_ =	shalt  }
0x81: {  	_ =	shalt  }
0x82: {  	_ =	shalt  }
0x83: {  	_ =	shalt  }
0x84: {  	_ =	shalt  }
0x85: {  	_ =	shalt  }
0x86: {  	_ =	shalt  }
0x87: {  	_ =	shalt  }
.Lfunc_end0:
.L_simem_size_0:
called_computation.2_lowered:
.L_overlay_start_0:
0x88: {  	s2 =	sld [smem:$0x3FD9]  }
0x89: {  	s3 =	sld [smem:$0x3FFE];
	_ =	sdelay $0x1  }
0x8a: {  	s1 =	srdreg.scid  }
0x8b: {  	s0 =	sand.u32 $0x1, s1  }
0x8c: {  	s16 =	sshll.u32 s0, $0xA;
	s2 =	sadd.s32 s3, s2  }
0x8d: {  	s2 =	sadd.s32 s2, s16  }
0x8e: {  	[smem:$0x3FBF] =	sst s2  }
0x8f: {  	_ = 	snop  }
0x90: {  	(tm) =	ssettm $0x1  }
0x91: {  	s17 =	sld [smem:$0x3FFB];
	_ =	sdelay $0x3  }
0x92: {  	_ =	strace s17  }
0x93: {  	s2 =	sld [smem:$0x3FFC];
	_ =	sdelay $0x3  }
0x94: {  	_ =	strace s2  }
0x95: {  	s2 =	sld [smem:$0x3FFD];
	_ =	sdelay $0x3  }
0x96: {  	_ =	strace s2  }
0x97: {  	_ =	strace $0x8FFFFFFF  }
0x98: {  	s18 =	sld [smem:$0x3FDB];
	_ =	sdelay $0x1  }
0x99: {  	s19 =	simm.s32 $_scs_section_size  }
0x9a: {  	s4 =	simm.s32 $_size__tile_overlayer_lowered;
	s5 =	simm.s32 $_tile_overlayer_lowered  }
0x9b: {  	s22 =	simm.s32 $0x1BFF;
	s21 =	sshll.u32 s5, $0x1;
	s2 =	sadd.s32 s19, s18  }
0x9c: {  	s6 =	simm.s32 $0x0;
	s20 =	sshll.u32 s4, $0x1;
	s4 =	sadd.s32 s21, s2  }
0x9d: {  	[timem:s6], [sflag:s22] =	dma.local [hbm:s4], s20  }
0x9e: {  	_ =	swait.ge [sflag:s22], s20  }
0x9f: {  	s3 =	ssub.s32 $0x0, s20;
	[sflag:s22] =	ssyncset.done $0x0  }
0xa0: {  	[sflag:s22] =	ssyncadd.s32 s3;
	_ =	sdelay $0x1  }
0xa1: {  	s23 =	simm.s32 $0x1B8B  }
0xa2: {  	_ =	swait.ge [sflag:s23], $0x1  }
0xa3: {  	[sflag:s23] =	ssyncset.done $0x0  }
0xa4: {  	s25 =	simm.s32 $0x1B8E;
	s24 =	sld [smem:$0x3FFE];
	[sflag:s23] =	ssyncadd.s32 $0xFFFFFFFF  }
0xa5: {  	s26 =	simm.s32 $execute0_lowered;
	[smem:$0x3FD2] =	sst s25  }
0xa6: {  	s4 =	sshll.u32 s26, $0x1;
	_ =	strace $0x8000004C;
	[dreg:$0x1] =	wrdreg $0xFFFFFFFF  }
0xa7: {  	s28 =	simm.s32 $_size_execute0_lowered;
	s2 =	sadd.s32 s2, s4;
	[dreg:$0x0] =	wrdreg $0x0  }
0xa8: {  	s4 =	sshll.u32 s28, $0x1;
	[dreg:$0x2] =	wrdreg s2  }
0xa9: {  	[dreg:$0x3] =	wrdreg s4  }
0xaa: {  	[dreg:$0x4] =	wrdreg $0xC0  }
0xab: {  	_ =	task [dreg:s6], $0x5FFFF  }
0xac: {  	[dreg:$0x1] =	wrdreg $0xFFFFFFFF  }
0xad: {  	[dreg:$0x0] =	wrdreg $0x60  }
0xae: {  	[dreg:$0x2] =	wrdreg s24  }
0xaf: {  	[dreg:$0x3] =	wrdreg $0xA8000  }
0xb0: {  	[dreg:$0x4] =	wrdreg $0x9  }
0xb1: {  	_ =	task.clear_ibuf [dreg:s6], $0x5FFFF;
	_ =	strace $0x9000004C  }
0xb2: {  	s29 =	simm.s32 $0x9;
	_ =	strace $0x8000004E  }
0xb3: {  	_ =	swait.ge [sflag:s29], $0x1  }
0xb4: {  	[sflag:s29] =	ssyncadd.s32 $0xFFFFFFFF  }
0xb5: {  	_ =	strace $0x9000004E  }
0xb6: {  	_ =	sfence  }
0xb7: {  	s30 =	sld [smem:$0x0];
	_ =	sdelay $0x2  }
0xb8: {  	s31 =	sshll.u32 s1, $0xD;
	s1 =	sshrl.u32 s1, $0x2  }
0xb9: {  	s3 =	sand.u32 $0x4000, s31;
	s1 =	sadd.s32 s1, s30  }
0xba: {  	s0 =	sor.u32 s3, s0;
	s1 =	sshll.u32 s1, $0x11  }
0xbb: {  	s0 =	sor.u32 s1, s0  }
0xbc: {  	s0 =	sadd.s32 $0x8F2B, s0  }
0xbd: {  	[sflag:s0] =	ssyncadd.remote.s32 $0x1  }
0xbe: {  	_ =	sfence.sel $0xFFFF  }
0xbf: {  	[dreg:$0x0] =	wrdreg $0xFFFFFFFF;
	(pc) =	sbr.abs _section_cstart, $3  }
0xc0: {  	[dreg:$0x1] =	wrdreg $0xFFFFFFFF  }
0xc1: {  	_ =	task.clear_ibuf [dreg:s6], $0x2FFFF;
	_ =	strace $0x9FFFFFFF  }
0xc2: {  	(tm) =	ssettm $0x7FFFFFFF  }
0xc3: {  	_ =	shalt  }
tec
execute0_lowered:
.L_overlay_start_1:
0x0: {  	(tag) =	ssettag $0x1  }
0x1: {  	s0 =	rddreg [dreg:$0x0]  }
0x2: {  	s2 =	rddreg [dreg:$0x1]  }
0x3: {  	s1 =	srdreg.scid;
	s12 =	stileid.u32  }
0x4: {  	s3 =	simm.s32 $0x0;
	s28 =	simm.s32 $0x8800;
	s29 =	simm.s32 $0x1  }
0x5: {  	s30 =	simm.s32 $0x2;
	s31 =	simm.s32 $0x3;
	s1 =	sand.u32 $0x1, s1  }
0x6: {  	s5 =	smul.u32 $0x2800, s12;
	[smem:$0x7FF] =	sst s3;
	s4 =	sadd.s32 $0x7D200, s0  }
0x7: {  	s7 =	sadd.s32 $0x69200, s0;
	s8 =	sadd.s32 $0x2A00, s0;
	s9 =	sadd.s32 $0x16A00, s0  }
0x8: {  	s17 =	sshll.u32 s12, $0x2;
	s11 =	smul.u32 $0x50000, s12;
	s20 =	sshll.u32 s12, $0x6  }
0x9: {  	s6 =	smul.u32 $0x28000, s1;
	s16 =	ssub.s32 $0x2, s1;
	s1 =	sshll.u32 s1, $0x6  }
0xa: {  	_ =	strace $0x8000004D;
	[dreg:$0x3] =	wrdreg s9;
	s1 =	sor.u32 s17, s1  }
0xb: {  	s10 =	sshrl.u32 s16, $0x1;
	s19 =	sshrl.u32 s11, $0x2;
	s9 =	smul.u32 $0x1400, s1  }
0xc: {  	s5 =	sadd.s32 s5, s6;
	s18 =	ssub.s32 s16, s10;
	s1 =	smul.u32 $0x280, s1  }
0xd: {  	s11 =	sadd.s32 s19, s2;
	s6 =	sor.u32 $0x1C05, s20;
	s19 =	simm.s32 $0x1400  }
0xe: {  	s20 =	simm.s32 $0x40;
	s0 =	sadd.s32 s5, s0;
	s16 =	smax.u32 s18, $0x1  }
0xf: {  	s17 =	sshrl.u32 s11, $0x3;
	s18 =	simm.s32 $0x5;
	s5 =	simm.s32 $0x2680  }
0x10: {  	s9 =	sshrl.u32 s9, $0x3;
	s21 =	sadd.s32 s7, s1;
	s1 =	sadd.s32 s8, s1  }
0x11: {  	s15 =	sadd.s32 $0xA5200, s0;
	s0 =	simm.s32 $0x4;
	[dreg:$0x4] =	wrdreg s21  }
0x12: {  	[dreg:$0x5] =	wrdreg s1;
	s22 =	sadd.s32 $0x280, s9;
	s24 =	sadd.s32 $0x500, s9  }
0x13: {  	s26 =	sadd.s32 $0x780, s9;
	s21 =	simm.s32 $0x2800;
	s9 =	simm.s32 $0x0  }
0x14: {  	s23 =	sadd.s32 s7, s22;
	s1 =	sadd.s32 s8, s22;
	s25 =	sadd.s32 s7, s24  }
0x15: {  	s13 =	sadd.s32 s7, s26;
	s14 =	sadd.s32 s8, s26;
	[dreg:$0x6] =	wrdreg s23  }
0x16: {  	s22 =	simm.s32 $0x80;
	s26 =	simm.s32 $0x180;
	[dreg:$0x7] =	wrdreg s1  }
0x17: {  	s7 =	simm.s32 $0x2700;
	[dreg:$0x8] =	wrdreg s25;
	s1 =	sadd.s32 s8, s24  }
0x18: {  	s23 =	simm.s32 $0x4800;
	s24 =	simm.s32 $0x100;
	s25 =	simm.s32 $0x6800  }
0x19: {  	s8 =	simm.s32 $0x2780;
	[dreg:$0x9] =	wrdreg s1;
	s1 =	simm.s32 $0x2600  }
.LBB2_1:
0x1a: {  	s10 =	rddreg [dreg:$0x3]  }
0x1b: {  	[spmem:s17], [sflag:s6] =	dma.local [hbm:s10], $0x2800  }
0x1c: {  	_ =	swait.ge [sflag:s18], $0x2800  }
0x1d: {  	[sflag:s18] =	ssyncset.done $0x0  }
0x1e: {  	[sflag:s18] =	ssyncadd.s32 $0xFFFFD800  }
0x1f: {  	[bflag:$0x0] =	sbarrier.arrive $0xFFFF  }
0x20: {  	s12 =	rddreg [dreg:$0x4]  }
0x21: {  	[tilespmem:s3], [sflag:$0x5] =	stream.linear.gather [hbm4b:s12+s3], $0x1400, $0x38;
	[tilespmem:$0x1E800] =	vst v63  }
0x22: {  	_ =	swait.ge [sflag:s18], $0x1400  }
0x23: {  	[sflag:s18] =	ssyncset.done $0x0  }
0x24: {  	s11 =	rddreg [dreg:$0x5];
	[sflag:s18] =	ssyncadd.s32 $0xFFFFEC00  }
0x25: {  	[tilespmem:s19], [sflag:$0x5] =	stream.linear.gather [hbm4b:s11+s3], $0x1400, $0x38;
	[tilespmem:$0x1E800] =	vst v63  }
0x26: {  	_ =	swait.ge [sflag:s18], $0x1400  }
0x27: {  	[sflag:s18] =	ssyncset.done $0x0  }
0x28: {  	[sflag:s18] =	ssyncadd.s32 $0xFFFFEC00  }
0x29: {  	[tilespmem:s21], [sflag:$0x1] =	stream.indirect.gather [hbm4b:s4+s20], $0x80, s3, s20, $0xb8;
	[tilespmem:$0x1E800] =	vst v63  }
0x2a: {  	_ = 	snop  }
0x2b: {  	[tilespmem:s23], [sflag:$0x2] =	stream.indirect.gather [hbm4b:s4+s20], $0x80, s22, s20, $0xb8;
	[tilespmem:$0x1E800] =	vst v63  }
0x2c: {  	_ = 	snop  }
0x2d: {  	[tilespmem:s25], [sflag:$0x3] =	stream.indirect.gather [hbm4b:s4+s20], $0x80, s24, s20, $0xb8;
	[tilespmem:$0x1E800] =	vst v63  }
0x2e: {  	_ = 	snop  }
0x2f: {  	[tilespmem:s28], [sflag:$0x4] =	stream.indirect.gather [hbm4b:s4+s20], $0x80, s26, s20, $0xb8;
	[tilespmem:$0x1E800] =	vst v63  }
0x30: {  	_ =	swait.ge [sflag:s29], $0x2000  }
0x31: {  	[sflag:s29] =	ssyncset.done $0x0  }
0x32: {  	s12 =	simm.s32 $0x1400;
	[sflag:s29] =	ssyncadd.s32 $0xFFFFE000  }
0x33: {  	[spmem:s2] =	stream.indirect.scatter.add.f32 [tilespmem:s21], [sflag:$0x5], $0x80, s12, s20, $0xb8;
	[tilespmem:$0x1E800] =	vst v63  }
0x34: {  	_ =	swait.ge [sflag:s18], $0x2000  }
0x35: {  	[sflag:s18] =	ssyncset.done $0x0  }
0x36: {  	s11 =	simm.s32 $0x200;
	[sflag:s18] =	ssyncadd.s32 $0xFFFFE000  }
0x37: {  	[tilespmem:s21], [sflag:$0x1] =	stream.indirect.gather [hbm4b:s4+s20], $0x80, s11, s20, $0xb8;
	[tilespmem:$0x1E800] =	vst v63  }
0x38: {  	_ =	swait.ge [sflag:s30], $0x2000  }
0x39: {  	[sflag:s30] =	ssyncset.done $0x0  }
0x3a: {  	s12 =	simm.s32 $0x1480;
	[sflag:s30] =	ssyncadd.s32 $0xFFFFE000  }
0x3b: {  	[spmem:s2] =	stream.indirect.scatter.add.f32 [tilespmem:s23], [sflag:$0x5], $0x80, s12, s20, $0xb8;
	[tilespmem:$0x1E800] =	vst v63  }
0x3c: {  	_ =	swait.ge [sflag:s18], $0x2000  }
0x3d: {  	[sflag:s18] =	ssyncset.done $0x0  }
0x3e: {  	s11 =	simm.s32 $0x280;
	[sflag:s18] =	ssyncadd.s32 $0xFFFFE000  }
0x3f: {  	[tilespmem:s23], [sflag:$0x2] =	stream.indirect.gather [hbm4b:s4+s20], $0x80, s11, s20, $0xb8;
	[tilespmem:$0x1E800] =	vst v63  }
0x40: {  	_ =	swait.ge [sflag:s31], $0x2000  }
0x41: {  	[sflag:s31] =	ssyncset.done $0x0  }
0x42: {  	s12 =	simm.s32 $0x1500;
	[sflag:s31] =	ssyncadd.s32 $0xFFFFE000  }
0x43: {  	[spmem:s2] =	stream.indirect.scatter.add.f32 [tilespmem:s25], [sflag:$0x5], $0x80, s12, s20, $0xb8;
	[tilespmem:$0x1E800] =	vst v63  }
0x44: {  	_ =	swait.ge [sflag:s18], $0x2000  }
0x45: {  	[sflag:s18] =	ssyncset.done $0x0  }
0x46: {  	s11 =	simm.s32 $0x300;
	[sflag:s18] =	ssyncadd.s32 $0xFFFFE000  }
0x47: {  	[tilespmem:s25], [sflag:$0x3] =	stream.indirect.gather [hbm4b:s4+s20], $0x80, s11, s20, $0xb8;
	[tilespmem:$0x1E800] =	vst v63  }
0x48: {  	_ =	swait.ge [sflag:s0], $0x2000  }
0x49: {  	[sflag:s0] =	ssyncset.done $0x0  }
0x4a: {  	s12 =	simm.s32 $0x1580;
	[sflag:s0] =	ssyncadd.s32 $0xFFFFE000  }
0x4b: {  	[spmem:s2] =	stream.indirect.scatter.add.f32 [tilespmem:s28], [sflag:$0x5], $0x80, s12, s20, $0xb8;
	[tilespmem:$0x1E800] =	vst v63  }
0x4c: {  	_ =	swait.ge [sflag:s18], $0x2000  }
0x4d: {  	[sflag:s18] =	ssyncset.done $0x0  }
0x4e: {  	s10 =	simm.s32 $0x800;
	s11 =	simm.s32 $0x380;
	[sflag:s18] =	ssyncadd.s32 $0xFFFFE000  }
.LBB2_2:
0x4f: {  	[tilespmem:s28], [sflag:$0x4] =	stream.indirect.gather [hbm4b:s4+s20], $0x80, s11, s20, $0xb8;
	[tilespmem:$0x1E800] =	vst v63  }
0x50: {  	s11 =	smov.u32 s10  }
0x51: {  	p0 =	sne.s32 s10, $0x4000;
	s10 =	sadd.s32 $0x800, s10;
	_ =	swait.ge [sflag:s29], $0x2000  }
0x52: {  	s11 =	sshra.s32 s11, $0x2;
	[sflag:s29] =	ssyncset.done $0x0  }
0x53: {  	s12 =	sadd.s32 $0x1400, s11;
	[sflag:s29] =	ssyncadd.s32 $0xFFFFE000  }
0x54: {  	[spmem:s2] =	stream.indirect.scatter.add.f32 [tilespmem:s21], [sflag:$0x5], $0x80, s12, s20, $0xb8;
	[tilespmem:$0x1E800] =	vst v63  }
0x55: {  	_ =	swait.ge [sflag:s18], $0x2000  }
0x56: {  	[sflag:s18] =	ssyncset.done $0x0  }
0x57: {  	s12 =	sadd.s32 $0x200, s11;
	[sflag:s18] =	ssyncadd.s32 $0xFFFFE000  }
0x58: {  	[tilespmem:s21], [sflag:$0x1] =	stream.indirect.gather [hbm4b:s4+s20], $0x80, s12, s20, $0xb8;
	[tilespmem:$0x1E800] =	vst v63  }
0x59: {  	_ =	swait.ge [sflag:s30], $0x2000  }
0x5a: {  	[sflag:s30] =	ssyncset.done $0x0  }
0x5b: {  	s12 =	sadd.s32 $0x1480, s11;
	[sflag:s30] =	ssyncadd.s32 $0xFFFFE000  }
0x5c: {  	[spmem:s2] =	stream.indirect.scatter.add.f32 [tilespmem:s23], [sflag:$0x5], $0x80, s12, s20, $0xb8;
	[tilespmem:$0x1E800] =	vst v63  }
0x5d: {  	_ =	swait.ge [sflag:s18], $0x2000  }
0x5e: {  	[sflag:s18] =	ssyncset.done $0x0  }
0x5f: {  	s12 =	sadd.s32 $0x280, s11;
	[sflag:s18] =	ssyncadd.s32 $0xFFFFE000  }
0x60: {  	[tilespmem:s23], [sflag:$0x2] =	stream.indirect.gather [hbm4b:s4+s20], $0x80, s12, s20, $0xb8;
	[tilespmem:$0x1E800] =	vst v63  }
0x61: {  	_ =	swait.ge [sflag:s31], $0x2000  }
0x62: {  	[sflag:s31] =	ssyncset.done $0x0  }
0x63: {  	s12 =	sadd.s32 $0x1500, s11;
	[sflag:s31] =	ssyncadd.s32 $0xFFFFE000  }
0x64: {  	[spmem:s2] =	stream.indirect.scatter.add.f32 [tilespmem:s25], [sflag:$0x5], $0x80, s12, s20, $0xb8;
	[tilespmem:$0x1E800] =	vst v63  }
0x65: {  	_ =	swait.ge [sflag:s18], $0x2000  }
0x66: {  	[sflag:s18] =	ssyncset.done $0x0  }
0x67: {  	s12 =	sadd.s32 $0x300, s11;
	[sflag:s18] =	ssyncadd.s32 $0xFFFFE000  }
0x68: {  	[tilespmem:s25], [sflag:$0x3] =	stream.indirect.gather [hbm4b:s4+s20], $0x80, s12, s20, $0xb8;
	[tilespmem:$0x1E800] =	vst v63  }
0x69: {  	_ =	swait.ge [sflag:s0], $0x2000  }
0x6a: {  	[sflag:s0] =	ssyncset.done $0x0  }
.Ltmp0:
0x6b: {  	s12 =	sadd.s32 $0x1580, s11;
	[sflag:s0] =	ssyncadd.s32 $0xFFFFE000;
	(pc) =	sbr.rel @p0 .LBB2_2-.Ltmp0, $4  }
0x6c: {  	[spmem:s2] =	stream.indirect.scatter.add.f32 [tilespmem:s28], [sflag:$0x5], $0x80, s12, s20, $0xb8;
	[tilespmem:$0x1E800] =	vst v63  }
0x6d: {  	_ =	swait.ge [sflag:s18], $0x2000  }
0x6e: {  	[sflag:s18] =	ssyncset.done $0x0  }
0x6f: {  	s11 =	sadd.s32 $0x380, s11;
	[sflag:s18] =	ssyncadd.s32 $0xFFFFE000  }
0x70: {  	[tilespmem:s28], [sflag:$0x4] =	stream.indirect.gather [hbm4b:s4+s20], $0x80, s11, s20, $0xb8;
	[tilespmem:$0x1E800] =	vst v63  }
0x71: {  	_ =	swait.ge [sflag:s29], $0x2000  }
0x72: {  	[sflag:s29] =	ssyncset.done $0x0  }
0x73: {  	[sflag:s29] =	ssyncadd.s32 $0xFFFFE000  }
0x74: {  	[spmem:s2] =	stream.indirect.scatter.add.f32 [tilespmem:s21], [sflag:$0x5], $0x80, s1, s20, $0xb8;
	[tilespmem:$0x1E800] =	vst v63  }
0x75: {  	_ =	swait.ge [sflag:s18], $0x2000  }
0x76: {  	[sflag:s18] =	ssyncset.done $0x0  }
0x77: {  	[sflag:s18] =	ssyncadd.s32 $0xFFFFE000  }
0x78: {  	_ =	swait.ge [sflag:s30], $0x2000  }
0x79: {  	[sflag:s30] =	ssyncset.done $0x0  }
0x7a: {  	[sflag:s30] =	ssyncadd.s32 $0xFFFFE000  }
0x7b: {  	[spmem:s2] =	stream.indirect.scatter.add.f32 [tilespmem:s23], [sflag:$0x5], $0x80, s5, s20, $0xb8;
	[tilespmem:$0x1E800] =	vst v63  }
0x7c: {  	_ =	swait.ge [sflag:s18], $0x2000  }
0x7d: {  	[sflag:s18] =	ssyncset.done $0x0  }
0x7e: {  	[sflag:s18] =	ssyncadd.s32 $0xFFFFE000  }
0x7f: {  	_ =	swait.ge [sflag:s31], $0x2000  }
0x80: {  	[sflag:s31] =	ssyncset.done $0x0  }
0x81: {  	[sflag:s31] =	ssyncadd.s32 $0xFFFFE000  }
0x82: {  	[spmem:s2] =	stream.indirect.scatter.add.f32 [tilespmem:s25], [sflag:$0x5], $0x80, s7, s20, $0xb8;
	[tilespmem:$0x1E800] =	vst v63  }
0x83: {  	_ =	swait.ge [sflag:s18], $0x2000  }
0x84: {  	[sflag:s18] =	ssyncset.done $0x0  }
0x85: {  	[sflag:s18] =	ssyncadd.s32 $0xFFFFE000  }
0x86: {  	_ =	swait.ge [sflag:s0], $0x2000  }
0x87: {  	[sflag:s0] =	ssyncset.done $0x0  }
0x88: {  	[sflag:s0] =	ssyncadd.s32 $0xFFFFE000  }
0x89: {  	[spmem:s2] =	stream.indirect.scatter.add.f32 [tilespmem:s28], [sflag:$0x5], $0x80, s8, s20, $0xb8;
	[tilespmem:$0x1E800] =	vst v63  }
0x8a: {  	_ =	swait.ge [sflag:s18], $0x2000  }
0x8b: {  	[sflag:s18] =	ssyncset.done $0x0  }
0x8c: {  	s10 =	simm.s32 $0x0;
	s12 =	rddreg [dreg:$0x6];
	[sflag:s18] =	ssyncadd.s32 $0xFFFFE000  }
0x8d: {  	[tilespmem:s10], [sflag:$0x5] =	stream.linear.gather [hbm4b:s12+s10], $0x1400, $0x38;
	[tilespmem:$0x1E800] =	vst v63  }
0x8e: {  	_ =	swait.ge [sflag:s18], $0x1400  }
0x8f: {  	[sflag:s18] =	ssyncset.done $0x0  }
0x90: {  	s12 =	rddreg [dreg:$0x7];
	[sflag:s18] =	ssyncadd.s32 $0xFFFFEC00  }
0x91: {  	[tilespmem:s19], [sflag:$0x5] =	stream.linear.gather [hbm4b:s12+s10], $0x1400, $0x38;
	[tilespmem:$0x1E800] =	vst v63  }
0x92: {  	_ =	swait.ge [sflag:s18], $0x1400  }
0x93: {  	[sflag:s18] =	ssyncset.done $0x0  }
0x94: {  	[sflag:s18] =	ssyncadd.s32 $0xFFFFEC00  }
0x95: {  	[tilespmem:s21], [sflag:$0x1] =	stream.indirect.gather [hbm4b:s4+s20], $0x80, s10, s20, $0xb8;
	[tilespmem:$0x1E800] =	vst v63  }
0x96: {  	_ = 	snop  }
0x97: {  	[tilespmem:s23], [sflag:$0x2] =	stream.indirect.gather [hbm4b:s4+s20], $0x80, s22, s20, $0xb8;
	[tilespmem:$0x1E800] =	vst v63  }
0x98: {  	_ = 	snop  }
0x99: {  	[tilespmem:s25], [sflag:$0x3] =	stream.indirect.gather [hbm4b:s4+s20], $0x80, s24, s20, $0xb8;
	[tilespmem:$0x1E800] =	vst v63  }
0x9a: {  	_ = 	snop  }
0x9b: {  	[tilespmem:s28], [sflag:$0x4] =	stream.indirect.gather [hbm4b:s4+s20], $0x80, s26, s20, $0xb8;
	[tilespmem:$0x1E800] =	vst v63  }
0x9c: {  	_ =	swait.ge [sflag:s29], $0x2000  }
0x9d: {  	[sflag:s29] =	ssyncset.done $0x0  }
0x9e: {  	s12 =	simm.s32 $0x1400;
	[sflag:s29] =	ssyncadd.s32 $0xFFFFE000  }
0x9f: {  	[spmem:s2] =	stream.indirect.scatter.add.f32 [tilespmem:s21], [sflag:$0x5], $0x80, s12, s20, $0xb8;
	[tilespmem:$0x1E800] =	vst v63  }
0xa0: {  	_ =	swait.ge [sflag:s18], $0x2000  }
0xa1: {  	[sflag:s18] =	ssyncset.done $0x0  }
0xa2: {  	s11 =	simm.s32 $0x200;
	[sflag:s18] =	ssyncadd.s32 $0xFFFFE000  }
0xa3: {  	[tilespmem:s21], [sflag:$0x1] =	stream.indirect.gather [hbm4b:s4+s20], $0x80, s11, s20, $0xb8;
	[tilespmem:$0x1E800] =	vst v63  }
0xa4: {  	_ =	swait.ge [sflag:s30], $0x2000  }
0xa5: {  	[sflag:s30] =	ssyncset.done $0x0  }
0xa6: {  	s12 =	simm.s32 $0x1480;
	[sflag:s30] =	ssyncadd.s32 $0xFFFFE000  }
0xa7: {  	[spmem:s2] =	stream.indirect.scatter.add.f32 [tilespmem:s23], [sflag:$0x5], $0x80, s12, s20, $0xb8;
	[tilespmem:$0x1E800] =	vst v63  }
0xa8: {  	_ =	swait.ge [sflag:s18], $0x2000  }
0xa9: {  	[sflag:s18] =	ssyncset.done $0x0  }
0xaa: {  	s11 =	simm.s32 $0x280;
	[sflag:s18] =	ssyncadd.s32 $0xFFFFE000  }
0xab: {  	[tilespmem:s23], [sflag:$0x2] =	stream.indirect.gather [hbm4b:s4+s20], $0x80, s11, s20, $0xb8;
	[tilespmem:$0x1E800] =	vst v63  }
0xac: {  	_ =	swait.ge [sflag:s31], $0x2000  }
0xad: {  	[sflag:s31] =	ssyncset.done $0x0  }
0xae: {  	s12 =	simm.s32 $0x1500;
	[sflag:s31] =	ssyncadd.s32 $0xFFFFE000  }
0xaf: {  	[spmem:s2] =	stream.indirect.scatter.add.f32 [tilespmem:s25], [sflag:$0x5], $0x80, s12, s20, $0xb8;
	[tilespmem:$0x1E800] =	vst v63  }
0xb0: {  	_ =	swait.ge [sflag:s18], $0x2000  }
0xb1: {  	[sflag:s18] =	ssyncset.done $0x0  }
0xb2: {  	s11 =	simm.s32 $0x300;
	[sflag:s18] =	ssyncadd.s32 $0xFFFFE000  }
0xb3: {  	[tilespmem:s25], [sflag:$0x3] =	stream.indirect.gather [hbm4b:s4+s20], $0x80, s11, s20, $0xb8;
	[tilespmem:$0x1E800] =	vst v63  }
0xb4: {  	_ =	swait.ge [sflag:s0], $0x2000  }
0xb5: {  	[sflag:s0] =	ssyncset.done $0x0  }
0xb6: {  	s12 =	simm.s32 $0x1580;
	[sflag:s0] =	ssyncadd.s32 $0xFFFFE000  }
0xb7: {  	[spmem:s2] =	stream.indirect.scatter.add.f32 [tilespmem:s28], [sflag:$0x5], $0x80, s12, s20, $0xb8;
	[tilespmem:$0x1E800] =	vst v63  }
0xb8: {  	_ =	swait.ge [sflag:s18], $0x2000  }
0xb9: {  	[sflag:s18] =	ssyncset.done $0x0  }
0xba: {  	s10 =	simm.s32 $0x800;
	s11 =	simm.s32 $0x380;
	[sflag:s18] =	ssyncadd.s32 $0xFFFFE000  }
.LBB2_4:
0xbb: {  	[tilespmem:s28], [sflag:$0x4] =	stream.indirect.gather [hbm4b:s4+s20], $0x80, s11, s20, $0xb8;
	[tilespmem:$0x1E800] =	vst v63  }
0xbc: {  	s11 =	smov.u32 s10  }
0xbd: {  	p0 =	sne.s32 s10, $0x4000;
	s10 =	sadd.s32 $0x800, s10;
	_ =	swait.ge [sflag:s29], $0x2000  }
0xbe: {  	s11 =	sshra.s32 s11, $0x2;
	[sflag:s29] =	ssyncset.done $0x0  }
0xbf: {  	s12 =	sadd.s32 $0x1400, s11;
	[sflag:s29] =	ssyncadd.s32 $0xFFFFE000  }
0xc0: {  	[spmem:s2] =	stream.indirect.scatter.add.f32 [tilespmem:s21], [sflag:$0x5], $0x80, s12, s20, $0xb8;
	[tilespmem:$0x1E800] =	vst v63  }
0xc1: {  	_ =	swait.ge [sflag:s18], $0x2000  }
0xc2: {  	[sflag:s18] =	ssyncset.done $0x0  }
0xc3: {  	s12 =	sadd.s32 $0x200, s11;
	[sflag:s18] =	ssyncadd.s32 $0xFFFFE000  }
0xc4: {  	[tilespmem:s21], [sflag:$0x1] =	stream.indirect.gather [hbm4b:s4+s20], $0x80, s12, s20, $0xb8;
	[tilespmem:$0x1E800] =	vst v63  }
0xc5: {  	_ =	swait.ge [sflag:s30], $0x2000  }
0xc6: {  	[sflag:s30] =	ssyncset.done $0x0  }
0xc7: {  	s12 =	sadd.s32 $0x1480, s11;
	[sflag:s30] =	ssyncadd.s32 $0xFFFFE000  }
0xc8: {  	[spmem:s2] =	stream.indirect.scatter.add.f32 [tilespmem:s23], [sflag:$0x5], $0x80, s12, s20, $0xb8;
	[tilespmem:$0x1E800] =	vst v63  }
0xc9: {  	_ =	swait.ge [sflag:s18], $0x2000  }
0xca: {  	[sflag:s18] =	ssyncset.done $0x0  }
0xcb: {  	s12 =	sadd.s32 $0x280, s11;
	[sflag:s18] =	ssyncadd.s32 $0xFFFFE000  }
0xcc: {  	[tilespmem:s23], [sflag:$0x2] =	stream.indirect.gather [hbm4b:s4+s20], $0x80, s12, s20, $0xb8;
	[tilespmem:$0x1E800] =	vst v63  }
0xcd: {  	_ =	swait.ge [sflag:s31], $0x2000  }
0xce: {  	[sflag:s31] =	ssyncset.done $0x0  }
0xcf: {  	s12 =	sadd.s32 $0x1500, s11;
	[sflag:s31] =	ssyncadd.s32 $0xFFFFE000  }
0xd0: {  	[spmem:s2] =	stream.indirect.scatter.add.f32 [tilespmem:s25], [sflag:$0x5], $0x80, s12, s20, $0xb8;
	[tilespmem:$0x1E800] =	vst v63  }
0xd1: {  	_ =	swait.ge [sflag:s18], $0x2000  }
0xd2: {  	[sflag:s18] =	ssyncset.done $0x0  }
0xd3: {  	s12 =	sadd.s32 $0x300, s11;
	[sflag:s18] =	ssyncadd.s32 $0xFFFFE000  }
0xd4: {  	[tilespmem:s25], [sflag:$0x3] =	stream.indirect.gather [hbm4b:s4+s20], $0x80, s12, s20, $0xb8;
	[tilespmem:$0x1E800] =	vst v63  }
0xd5: {  	_ =	swait.ge [sflag:s0], $0x2000  }
0xd6: {  	[sflag:s0] =	ssyncset.done $0x0  }
.Ltmp1:
0xd7: {  	s12 =	sadd.s32 $0x1580, s11;
	[sflag:s0] =	ssyncadd.s32 $0xFFFFE000;
	(pc) =	sbr.rel @p0 .LBB2_4-.Ltmp1, $4  }
0xd8: {  	[spmem:s2] =	stream.indirect.scatter.add.f32 [tilespmem:s28], [sflag:$0x5], $0x80, s12, s20, $0xb8;
	[tilespmem:$0x1E800] =	vst v63  }
0xd9: {  	_ =	swait.ge [sflag:s18], $0x2000  }
0xda: {  	[sflag:s18] =	ssyncset.done $0x0  }
0xdb: {  	s11 =	sadd.s32 $0x380, s11;
	[sflag:s18] =	ssyncadd.s32 $0xFFFFE000  }
0xdc: {  	[tilespmem:s28], [sflag:$0x4] =	stream.indirect.gather [hbm4b:s4+s20], $0x80, s11, s20, $0xb8;
	[tilespmem:$0x1E800] =	vst v63  }
0xdd: {  	_ =	swait.ge [sflag:s29], $0x2000  }
0xde: {  	[sflag:s29] =	ssyncset.done $0x0  }
0xdf: {  	[sflag:s29] =	ssyncadd.s32 $0xFFFFE000  }
0xe0: {  	[spmem:s2] =	stream.indirect.scatter.add.f32 [tilespmem:s21], [sflag:$0x5], $0x80, s1, s20, $0xb8;
	[tilespmem:$0x1E800] =	vst v63  }
0xe1: {  	_ =	swait.ge [sflag:s18], $0x2000  }
0xe2: {  	[sflag:s18] =	ssyncset.done $0x0  }
0xe3: {  	[sflag:s18] =	ssyncadd.s32 $0xFFFFE000  }
0xe4: {  	_ =	swait.ge [sflag:s30], $0x2000  }
0xe5: {  	[sflag:s30] =	ssyncset.done $0x0  }
0xe6: {  	[sflag:s30] =	ssyncadd.s32 $0xFFFFE000  }
0xe7: {  	[spmem:s2] =	stream.indirect.scatter.add.f32 [tilespmem:s23], [sflag:$0x5], $0x80, s5, s20, $0xb8;
	[tilespmem:$0x1E800] =	vst v63  }
0xe8: {  	_ =	swait.ge [sflag:s18], $0x2000  }
0xe9: {  	[sflag:s18] =	ssyncset.done $0x0  }
0xea: {  	[sflag:s18] =	ssyncadd.s32 $0xFFFFE000  }
0xeb: {  	_ =	swait.ge [sflag:s31], $0x2000  }
0xec: {  	[sflag:s31] =	ssyncset.done $0x0  }
0xed: {  	[sflag:s31] =	ssyncadd.s32 $0xFFFFE000  }
0xee: {  	[spmem:s2] =	stream.indirect.scatter.add.f32 [tilespmem:s25], [sflag:$0x5], $0x80, s7, s20, $0xb8;
	[tilespmem:$0x1E800] =	vst v63  }
0xef: {  	_ =	swait.ge [sflag:s18], $0x2000  }
0xf0: {  	[sflag:s18] =	ssyncset.done $0x0  }
0xf1: {  	[sflag:s18] =	ssyncadd.s32 $0xFFFFE000  }
0xf2: {  	_ =	swait.ge [sflag:s0], $0x2000  }
0xf3: {  	[sflag:s0] =	ssyncset.done $0x0  }
0xf4: {  	[sflag:s0] =	ssyncadd.s32 $0xFFFFE000  }
0xf5: {  	[spmem:s2] =	stream.indirect.scatter.add.f32 [tilespmem:s28], [sflag:$0x5], $0x80, s8, s20, $0xb8;
	[tilespmem:$0x1E800] =	vst v63  }
0xf6: {  	_ =	swait.ge [sflag:s18], $0x2000  }
0xf7: {  	[sflag:s18] =	ssyncset.done $0x0  }
0xf8: {  	s10 =	simm.s32 $0x0;
	s12 =	rddreg [dreg:$0x8];
	[sflag:s18] =	ssyncadd.s32 $0xFFFFE000  }
0xf9: {  	[tilespmem:s10], [sflag:$0x5] =	stream.linear.gather [hbm4b:s12+s10], $0x1400, $0x38;
	[tilespmem:$0x1E800] =	vst v63  }
0xfa: {  	_ =	swait.ge [sflag:s18], $0x1400  }
0xfb: {  	[sflag:s18] =	ssyncset.done $0x0  }
0xfc: {  	s12 =	rddreg [dreg:$0x9];
	[sflag:s18] =	ssyncadd.s32 $0xFFFFEC00  }
0xfd: {  	[tilespmem:s19], [sflag:$0x5] =	stream.linear.gather [hbm4b:s12+s10], $0x1400, $0x38;
	[tilespmem:$0x1E800] =	vst v63  }
0xfe: {  	_ =	swait.ge [sflag:s18], $0x1400  }
0xff: {  	[sflag:s18] =	ssyncset.done $0x0  }
0x100: {  	[sflag:s18] =	ssyncadd.s32 $0xFFFFEC00  }
0x101: {  	[tilespmem:s21], [sflag:$0x1] =	stream.indirect.gather [hbm4b:s4+s20], $0x80, s10, s20, $0xb8;
	[tilespmem:$0x1E800] =	vst v63  }
0x102: {  	_ = 	snop  }
0x103: {  	[tilespmem:s23], [sflag:$0x2] =	stream.indirect.gather [hbm4b:s4+s20], $0x80, s22, s20, $0xb8;
	[tilespmem:$0x1E800] =	vst v63  }
0x104: {  	_ = 	snop  }
0x105: {  	[tilespmem:s25], [sflag:$0x3] =	stream.indirect.gather [hbm4b:s4+s20], $0x80, s24, s20, $0xb8;
	[tilespmem:$0x1E800] =	vst v63  }
0x106: {  	_ = 	snop  }
0x107: {  	[tilespmem:s28], [sflag:$0x4] =	stream.indirect.gather [hbm4b:s4+s20], $0x80, s26, s20, $0xb8;
	[tilespmem:$0x1E800] =	vst v63  }
0x108: {  	_ =	swait.ge [sflag:s29], $0x2000  }
0x109: {  	[sflag:s29] =	ssyncset.done $0x0  }
0x10a: {  	s12 =	simm.s32 $0x1400;
	[sflag:s29] =	ssyncadd.s32 $0xFFFFE000  }
0x10b: {  	[spmem:s2] =	stream.indirect.scatter.add.f32 [tilespmem:s21], [sflag:$0x5], $0x80, s12, s20, $0xb8;
	[tilespmem:$0x1E800] =	vst v63  }
0x10c: {  	_ =	swait.ge [sflag:s18], $0x2000  }
0x10d: {  	[sflag:s18] =	ssyncset.done $0x0  }
0x10e: {  	s11 =	simm.s32 $0x200;
	[sflag:s18] =	ssyncadd.s32 $0xFFFFE000  }
0x10f: {  	[tilespmem:s21], [sflag:$0x1] =	stream.indirect.gather [hbm4b:s4+s20], $0x80, s11, s20, $0xb8;
	[tilespmem:$0x1E800] =	vst v63  }
0x110: {  	_ =	swait.ge [sflag:s30], $0x2000  }
0x111: {  	[sflag:s30] =	ssyncset.done $0x0  }
0x112: {  	s12 =	simm.s32 $0x1480;
	[sflag:s30] =	ssyncadd.s32 $0xFFFFE000  }
0x113: {  	[spmem:s2] =	stream.indirect.scatter.add.f32 [tilespmem:s23], [sflag:$0x5], $0x80, s12, s20, $0xb8;
	[tilespmem:$0x1E800] =	vst v63  }
0x114: {  	_ =	swait.ge [sflag:s18], $0x2000  }
0x115: {  	[sflag:s18] =	ssyncset.done $0x0  }
0x116: {  	s11 =	simm.s32 $0x280;
	[sflag:s18] =	ssyncadd.s32 $0xFFFFE000  }
0x117: {  	[tilespmem:s23], [sflag:$0x2] =	stream.indirect.gather [hbm4b:s4+s20], $0x80, s11, s20, $0xb8;
	[tilespmem:$0x1E800] =	vst v63  }
0x118: {  	_ =	swait.ge [sflag:s31], $0x2000  }
0x119: {  	[sflag:s31] =	ssyncset.done $0x0  }
0x11a: {  	s12 =	simm.s32 $0x1500;
	[sflag:s31] =	ssyncadd.s32 $0xFFFFE000  }
0x11b: {  	[spmem:s2] =	stream.indirect.scatter.add.f32 [tilespmem:s25], [sflag:$0x5], $0x80, s12, s20, $0xb8;
	[tilespmem:$0x1E800] =	vst v63  }
0x11c: {  	_ =	swait.ge [sflag:s18], $0x2000  }
0x11d: {  	[sflag:s18] =	ssyncset.done $0x0  }
0x11e: {  	s11 =	simm.s32 $0x300;
	[sflag:s18] =	ssyncadd.s32 $0xFFFFE000  }
0x11f: {  	[tilespmem:s25], [sflag:$0x3] =	stream.indirect.gather [hbm4b:s4+s20], $0x80, s11, s20, $0xb8;
	[tilespmem:$0x1E800] =	vst v63  }
0x120: {  	_ =	swait.ge [sflag:s0], $0x2000  }
0x121: {  	[sflag:s0] =	ssyncset.done $0x0  }
0x122: {  	s12 =	simm.s32 $0x1580;
	[sflag:s0] =	ssyncadd.s32 $0xFFFFE000  }
0x123: {  	[spmem:s2] =	stream.indirect.scatter.add.f32 [tilespmem:s28], [sflag:$0x5], $0x80, s12, s20, $0xb8;
	[tilespmem:$0x1E800] =	vst v63  }
0x124: {  	_ =	swait.ge [sflag:s18], $0x2000  }
0x125: {  	[sflag:s18] =	ssyncset.done $0x0  }
0x126: {  	s10 =	simm.s32 $0x800;
	s11 =	simm.s32 $0x380;
	[sflag:s18] =	ssyncadd.s32 $0xFFFFE000  }
.LBB2_6:
0x127: {  	[tilespmem:s28], [sflag:$0x4] =	stream.indirect.gather [hbm4b:s4+s20], $0x80, s11, s20, $0xb8;
	[tilespmem:$0x1E800] =	vst v63  }
0x128: {  	s11 =	smov.u32 s10  }
0x129: {  	p0 =	sne.s32 s10, $0x4000;
	s10 =	sadd.s32 $0x800, s10;
	_ =	swait.ge [sflag:s29], $0x2000  }
0x12a: {  	s11 =	sshra.s32 s11, $0x2;
	[sflag:s29] =	ssyncset.done $0x0  }
0x12b: {  	s12 =	sadd.s32 $0x1400, s11;
	[sflag:s29] =	ssyncadd.s32 $0xFFFFE000  }
0x12c: {  	[spmem:s2] =	stream.indirect.scatter.add.f32 [tilespmem:s21], [sflag:$0x5], $0x80, s12, s20, $0xb8;
	[tilespmem:$0x1E800] =	vst v63  }
0x12d: {  	_ =	swait.ge [sflag:s18], $0x2000  }
0x12e: {  	[sflag:s18] =	ssyncset.done $0x0  }
0x12f: {  	s12 =	sadd.s32 $0x200, s11;
	[sflag:s18] =	ssyncadd.s32 $0xFFFFE000  }
0x130: {  	[tilespmem:s21], [sflag:$0x1] =	stream.indirect.gather [hbm4b:s4+s20], $0x80, s12, s20, $0xb8;
	[tilespmem:$0x1E800] =	vst v63  }
0x131: {  	_ =	swait.ge [sflag:s30], $0x2000  }
0x132: {  	[sflag:s30] =	ssyncset.done $0x0  }
0x133: {  	s12 =	sadd.s32 $0x1480, s11;
	[sflag:s30] =	ssyncadd.s32 $0xFFFFE000  }
0x134: {  	[spmem:s2] =	stream.indirect.scatter.add.f32 [tilespmem:s23], [sflag:$0x5], $0x80, s12, s20, $0xb8;
	[tilespmem:$0x1E800] =	vst v63  }
0x135: {  	_ =	swait.ge [sflag:s18], $0x2000  }
0x136: {  	[sflag:s18] =	ssyncset.done $0x0  }
0x137: {  	s12 =	sadd.s32 $0x280, s11;
	[sflag:s18] =	ssyncadd.s32 $0xFFFFE000  }
0x138: {  	[tilespmem:s23], [sflag:$0x2] =	stream.indirect.gather [hbm4b:s4+s20], $0x80, s12, s20, $0xb8;
	[tilespmem:$0x1E800] =	vst v63  }
0x139: {  	_ =	swait.ge [sflag:s31], $0x2000  }
0x13a: {  	[sflag:s31] =	ssyncset.done $0x0  }
0x13b: {  	s12 =	sadd.s32 $0x1500, s11;
	[sflag:s31] =	ssyncadd.s32 $0xFFFFE000  }
0x13c: {  	[spmem:s2] =	stream.indirect.scatter.add.f32 [tilespmem:s25], [sflag:$0x5], $0x80, s12, s20, $0xb8;
	[tilespmem:$0x1E800] =	vst v63  }
0x13d: {  	_ =	swait.ge [sflag:s18], $0x2000  }
0x13e: {  	[sflag:s18] =	ssyncset.done $0x0  }
0x13f: {  	s12 =	sadd.s32 $0x300, s11;
	[sflag:s18] =	ssyncadd.s32 $0xFFFFE000  }
0x140: {  	[tilespmem:s25], [sflag:$0x3] =	stream.indirect.gather [hbm4b:s4+s20], $0x80, s12, s20, $0xb8;
	[tilespmem:$0x1E800] =	vst v63  }
0x141: {  	_ =	swait.ge [sflag:s0], $0x2000  }
0x142: {  	[sflag:s0] =	ssyncset.done $0x0  }
.Ltmp2:
0x143: {  	s12 =	sadd.s32 $0x1580, s11;
	[sflag:s0] =	ssyncadd.s32 $0xFFFFE000;
	(pc) =	sbr.rel @p0 .LBB2_6-.Ltmp2, $4  }
0x144: {  	[spmem:s2] =	stream.indirect.scatter.add.f32 [tilespmem:s28], [sflag:$0x5], $0x80, s12, s20, $0xb8;
	[tilespmem:$0x1E800] =	vst v63  }
0x145: {  	_ =	swait.ge [sflag:s18], $0x2000  }
0x146: {  	[sflag:s18] =	ssyncset.done $0x0  }
0x147: {  	s11 =	sadd.s32 $0x380, s11;
	[sflag:s18] =	ssyncadd.s32 $0xFFFFE000  }
0x148: {  	[tilespmem:s28], [sflag:$0x4] =	stream.indirect.gather [hbm4b:s4+s20], $0x80, s11, s20, $0xb8;
	[tilespmem:$0x1E800] =	vst v63  }
0x149: {  	_ =	swait.ge [sflag:s29], $0x2000  }
0x14a: {  	[sflag:s29] =	ssyncset.done $0x0  }
0x14b: {  	[sflag:s29] =	ssyncadd.s32 $0xFFFFE000  }
0x14c: {  	[spmem:s2] =	stream.indirect.scatter.add.f32 [tilespmem:s21], [sflag:$0x5], $0x80, s1, s20, $0xb8;
	[tilespmem:$0x1E800] =	vst v63  }
0x14d: {  	_ =	swait.ge [sflag:s18], $0x2000  }
0x14e: {  	[sflag:s18] =	ssyncset.done $0x0  }
0x14f: {  	[sflag:s18] =	ssyncadd.s32 $0xFFFFE000  }
0x150: {  	_ =	swait.ge [sflag:s30], $0x2000  }
0x151: {  	[sflag:s30] =	ssyncset.done $0x0  }
0x152: {  	[sflag:s30] =	ssyncadd.s32 $0xFFFFE000  }
0x153: {  	[spmem:s2] =	stream.indirect.scatter.add.f32 [tilespmem:s23], [sflag:$0x5], $0x80, s5, s20, $0xb8;
	[tilespmem:$0x1E800] =	vst v63  }
0x154: {  	_ =	swait.ge [sflag:s18], $0x2000  }
0x155: {  	[sflag:s18] =	ssyncset.done $0x0  }
0x156: {  	[sflag:s18] =	ssyncadd.s32 $0xFFFFE000  }
0x157: {  	_ =	swait.ge [sflag:s31], $0x2000  }
0x158: {  	[sflag:s31] =	ssyncset.done $0x0  }
0x159: {  	[sflag:s31] =	ssyncadd.s32 $0xFFFFE000  }
0x15a: {  	[spmem:s2] =	stream.indirect.scatter.add.f32 [tilespmem:s25], [sflag:$0x5], $0x80, s7, s20, $0xb8;
	[tilespmem:$0x1E800] =	vst v63  }
0x15b: {  	_ =	swait.ge [sflag:s18], $0x2000  }
0x15c: {  	[sflag:s18] =	ssyncset.done $0x0  }
0x15d: {  	[sflag:s18] =	ssyncadd.s32 $0xFFFFE000  }
0x15e: {  	_ =	swait.ge [sflag:s0], $0x2000  }
0x15f: {  	[sflag:s0] =	ssyncset.done $0x0  }
0x160: {  	[sflag:s0] =	ssyncadd.s32 $0xFFFFE000  }
0x161: {  	[spmem:s2] =	stream.indirect.scatter.add.f32 [tilespmem:s28], [sflag:$0x5], $0x80, s8, s20, $0xb8;
	[tilespmem:$0x1E800] =	vst v63  }
0x162: {  	_ =	swait.ge [sflag:s18], $0x2000  }
0x163: {  	[sflag:s18] =	ssyncset.done $0x0  }
0x164: {  	s10 =	simm.s32 $0x0;
	[sflag:s18] =	ssyncadd.s32 $0xFFFFE000  }
0x165: {  	[tilespmem:s10], [sflag:$0x5] =	stream.linear.gather [hbm4b:s13+s10], $0x1400, $0x38;
	[tilespmem:$0x1E800] =	vst v63  }
0x166: {  	_ =	swait.ge [sflag:s18], $0x1400  }
0x167: {  	[sflag:s18] =	ssyncset.done $0x0  }
0x168: {  	[sflag:s18] =	ssyncadd.s32 $0xFFFFEC00  }
0x169: {  	[tilespmem:s19], [sflag:$0x5] =	stream.linear.gather [hbm4b:s14+s10], $0x1400, $0x38;
	[tilespmem:$0x1E800] =	vst v63  }
0x16a: {  	_ =	swait.ge [sflag:s18], $0x1400  }
0x16b: {  	[sflag:s18] =	ssyncset.done $0x0  }
0x16c: {  	[sflag:s18] =	ssyncadd.s32 $0xFFFFEC00  }
0x16d: {  	[tilespmem:s21], [sflag:$0x1] =	stream.indirect.gather [hbm4b:s4+s20], $0x80, s10, s20, $0xb8;
	[tilespmem:$0x1E800] =	vst v63  }
0x16e: {  	_ = 	snop  }
0x16f: {  	[tilespmem:s23], [sflag:$0x2] =	stream.indirect.gather [hbm4b:s4+s20], $0x80, s22, s20, $0xb8;
	[tilespmem:$0x1E800] =	vst v63  }
0x170: {  	_ = 	snop  }
0x171: {  	[tilespmem:s25], [sflag:$0x3] =	stream.indirect.gather [hbm4b:s4+s20], $0x80, s24, s20, $0xb8;
	[tilespmem:$0x1E800] =	vst v63  }
0x172: {  	_ = 	snop  }
0x173: {  	[tilespmem:s28], [sflag:$0x4] =	stream.indirect.gather [hbm4b:s4+s20], $0x80, s26, s20, $0xb8;
	[tilespmem:$0x1E800] =	vst v63  }
0x174: {  	_ =	swait.ge [sflag:s29], $0x2000  }
0x175: {  	[sflag:s29] =	ssyncset.done $0x0  }
0x176: {  	s12 =	simm.s32 $0x1400;
	[sflag:s29] =	ssyncadd.s32 $0xFFFFE000  }
0x177: {  	[spmem:s2] =	stream.indirect.scatter.add.f32 [tilespmem:s21], [sflag:$0x5], $0x80, s12, s20, $0xb8;
	[tilespmem:$0x1E800] =	vst v63  }
0x178: {  	_ =	swait.ge [sflag:s18], $0x2000  }
0x179: {  	[sflag:s18] =	ssyncset.done $0x0  }
0x17a: {  	s11 =	simm.s32 $0x200;
	[sflag:s18] =	ssyncadd.s32 $0xFFFFE000  }
0x17b: {  	[tilespmem:s21], [sflag:$0x1] =	stream.indirect.gather [hbm4b:s4+s20], $0x80, s11, s20, $0xb8;
	[tilespmem:$0x1E800] =	vst v63  }
0x17c: {  	_ =	swait.ge [sflag:s30], $0x2000  }
0x17d: {  	[sflag:s30] =	ssyncset.done $0x0  }
0x17e: {  	s12 =	simm.s32 $0x1480;
	[sflag:s30] =	ssyncadd.s32 $0xFFFFE000  }
0x17f: {  	[spmem:s2] =	stream.indirect.scatter.add.f32 [tilespmem:s23], [sflag:$0x5], $0x80, s12, s20, $0xb8;
	[tilespmem:$0x1E800] =	vst v63  }
0x180: {  	_ =	swait.ge [sflag:s18], $0x2000  }
0x181: {  	[sflag:s18] =	ssyncset.done $0x0  }
0x182: {  	s11 =	simm.s32 $0x280;
	[sflag:s18] =	ssyncadd.s32 $0xFFFFE000  }
0x183: {  	[tilespmem:s23], [sflag:$0x2] =	stream.indirect.gather [hbm4b:s4+s20], $0x80, s11, s20, $0xb8;
	[tilespmem:$0x1E800] =	vst v63  }
0x184: {  	_ =	swait.ge [sflag:s31], $0x2000  }
0x185: {  	[sflag:s31] =	ssyncset.done $0x0  }
0x186: {  	s12 =	simm.s32 $0x1500;
	[sflag:s31] =	ssyncadd.s32 $0xFFFFE000  }
0x187: {  	[spmem:s2] =	stream.indirect.scatter.add.f32 [tilespmem:s25], [sflag:$0x5], $0x80, s12, s20, $0xb8;
	[tilespmem:$0x1E800] =	vst v63  }
0x188: {  	_ =	swait.ge [sflag:s18], $0x2000  }
0x189: {  	[sflag:s18] =	ssyncset.done $0x0  }
0x18a: {  	s11 =	simm.s32 $0x300;
	[sflag:s18] =	ssyncadd.s32 $0xFFFFE000  }
0x18b: {  	[tilespmem:s25], [sflag:$0x3] =	stream.indirect.gather [hbm4b:s4+s20], $0x80, s11, s20, $0xb8;
	[tilespmem:$0x1E800] =	vst v63  }
0x18c: {  	_ =	swait.ge [sflag:s0], $0x2000  }
0x18d: {  	[sflag:s0] =	ssyncset.done $0x0  }
0x18e: {  	s12 =	simm.s32 $0x1580;
	[sflag:s0] =	ssyncadd.s32 $0xFFFFE000  }
0x18f: {  	[spmem:s2] =	stream.indirect.scatter.add.f32 [tilespmem:s28], [sflag:$0x5], $0x80, s12, s20, $0xb8;
	[tilespmem:$0x1E800] =	vst v63  }
0x190: {  	_ =	swait.ge [sflag:s18], $0x2000  }
0x191: {  	[sflag:s18] =	ssyncset.done $0x0  }
0x192: {  	s10 =	simm.s32 $0x800;
	s11 =	simm.s32 $0x380;
	[sflag:s18] =	ssyncadd.s32 $0xFFFFE000  }
.LBB2_8:
0x193: {  	[tilespmem:s28], [sflag:$0x4] =	stream.indirect.gather [hbm4b:s4+s20], $0x80, s11, s20, $0xb8;
	[tilespmem:$0x1E800] =	vst v63  }
0x194: {  	s11 =	smov.u32 s10  }
0x195: {  	p0 =	sne.s32 s10, $0x4000;
	s10 =	sadd.s32 $0x800, s10;
	_ =	swait.ge [sflag:s29], $0x2000  }
0x196: {  	s11 =	sshra.s32 s11, $0x2;
	[sflag:s29] =	ssyncset.done $0x0  }
0x197: {  	s12 =	sadd.s32 $0x1400, s11;
	[sflag:s29] =	ssyncadd.s32 $0xFFFFE000  }
0x198: {  	[spmem:s2] =	stream.indirect.scatter.add.f32 [tilespmem:s21], [sflag:$0x5], $0x80, s12, s20, $0xb8;
	[tilespmem:$0x1E800] =	vst v63  }
0x199: {  	_ =	swait.ge [sflag:s18], $0x2000  }
0x19a: {  	[sflag:s18] =	ssyncset.done $0x0  }
0x19b: {  	s12 =	sadd.s32 $0x200, s11;
	[sflag:s18] =	ssyncadd.s32 $0xFFFFE000  }
0x19c: {  	[tilespmem:s21], [sflag:$0x1] =	stream.indirect.gather [hbm4b:s4+s20], $0x80, s12, s20, $0xb8;
	[tilespmem:$0x1E800] =	vst v63  }
0x19d: {  	_ =	swait.ge [sflag:s30], $0x2000  }
0x19e: {  	[sflag:s30] =	ssyncset.done $0x0  }
0x19f: {  	s12 =	sadd.s32 $0x1480, s11;
	[sflag:s30] =	ssyncadd.s32 $0xFFFFE000  }
0x1a0: {  	[spmem:s2] =	stream.indirect.scatter.add.f32 [tilespmem:s23], [sflag:$0x5], $0x80, s12, s20, $0xb8;
	[tilespmem:$0x1E800] =	vst v63  }
0x1a1: {  	_ =	swait.ge [sflag:s18], $0x2000  }
0x1a2: {  	[sflag:s18] =	ssyncset.done $0x0  }
0x1a3: {  	s12 =	sadd.s32 $0x280, s11;
	[sflag:s18] =	ssyncadd.s32 $0xFFFFE000  }
0x1a4: {  	[tilespmem:s23], [sflag:$0x2] =	stream.indirect.gather [hbm4b:s4+s20], $0x80, s12, s20, $0xb8;
	[tilespmem:$0x1E800] =	vst v63  }
0x1a5: {  	_ =	swait.ge [sflag:s31], $0x2000  }
0x1a6: {  	[sflag:s31] =	ssyncset.done $0x0  }
0x1a7: {  	s12 =	sadd.s32 $0x1500, s11;
	[sflag:s31] =	ssyncadd.s32 $0xFFFFE000  }
0x1a8: {  	[spmem:s2] =	stream.indirect.scatter.add.f32 [tilespmem:s25], [sflag:$0x5], $0x80, s12, s20, $0xb8;
	[tilespmem:$0x1E800] =	vst v63  }
0x1a9: {  	_ =	swait.ge [sflag:s18], $0x2000  }
0x1aa: {  	[sflag:s18] =	ssyncset.done $0x0  }
0x1ab: {  	s12 =	sadd.s32 $0x300, s11;
	[sflag:s18] =	ssyncadd.s32 $0xFFFFE000  }
0x1ac: {  	[tilespmem:s25], [sflag:$0x3] =	stream.indirect.gather [hbm4b:s4+s20], $0x80, s12, s20, $0xb8;
	[tilespmem:$0x1E800] =	vst v63  }
0x1ad: {  	_ =	swait.ge [sflag:s0], $0x2000  }
0x1ae: {  	[sflag:s0] =	ssyncset.done $0x0  }
.Ltmp3:
0x1af: {  	s12 =	sadd.s32 $0x1580, s11;
	[sflag:s0] =	ssyncadd.s32 $0xFFFFE000;
	(pc) =	sbr.rel @p0 .LBB2_8-.Ltmp3, $4  }
0x1b0: {  	[spmem:s2] =	stream.indirect.scatter.add.f32 [tilespmem:s28], [sflag:$0x5], $0x80, s12, s20, $0xb8;
	[tilespmem:$0x1E800] =	vst v63  }
0x1b1: {  	_ =	swait.ge [sflag:s18], $0x2000  }
0x1b2: {  	[sflag:s18] =	ssyncset.done $0x0  }
0x1b3: {  	s11 =	sadd.s32 $0x380, s11;
	[sflag:s18] =	ssyncadd.s32 $0xFFFFE000  }
0x1b4: {  	[tilespmem:s28], [sflag:$0x4] =	stream.indirect.gather [hbm4b:s4+s20], $0x80, s11, s20, $0xb8;
	[tilespmem:$0x1E800] =	vst v63  }
0x1b5: {  	_ =	swait.ge [sflag:s29], $0x2000  }
0x1b6: {  	[sflag:s29] =	ssyncset.done $0x0  }
0x1b7: {  	[sflag:s29] =	ssyncadd.s32 $0xFFFFE000  }
0x1b8: {  	[spmem:s2] =	stream.indirect.scatter.add.f32 [tilespmem:s21], [sflag:$0x5], $0x80, s1, s20, $0xb8;
	[tilespmem:$0x1E800] =	vst v63  }
0x1b9: {  	_ =	swait.ge [sflag:s18], $0x2000  }
0x1ba: {  	[sflag:s18] =	ssyncset.done $0x0  }
0x1bb: {  	[sflag:s18] =	ssyncadd.s32 $0xFFFFE000  }
0x1bc: {  	_ =	swait.ge [sflag:s30], $0x2000  }
0x1bd: {  	[sflag:s30] =	ssyncset.done $0x0  }
0x1be: {  	[sflag:s30] =	ssyncadd.s32 $0xFFFFE000  }
0x1bf: {  	[spmem:s2] =	stream.indirect.scatter.add.f32 [tilespmem:s23], [sflag:$0x5], $0x80, s5, s20, $0xb8;
	[tilespmem:$0x1E800] =	vst v63  }
0x1c0: {  	_ =	swait.ge [sflag:s18], $0x2000  }
0x1c1: {  	[sflag:s18] =	ssyncset.done $0x0  }
0x1c2: {  	[sflag:s18] =	ssyncadd.s32 $0xFFFFE000  }
0x1c3: {  	_ =	swait.ge [sflag:s31], $0x2000  }
0x1c4: {  	[sflag:s31] =	ssyncset.done $0x0  }
0x1c5: {  	[sflag:s31] =	ssyncadd.s32 $0xFFFFE000  }
0x1c6: {  	[spmem:s2] =	stream.indirect.scatter.add.f32 [tilespmem:s25], [sflag:$0x5], $0x80, s7, s20, $0xb8;
	[tilespmem:$0x1E800] =	vst v63  }
0x1c7: {  	_ =	swait.ge [sflag:s18], $0x2000  }
0x1c8: {  	[sflag:s18] =	ssyncset.done $0x0  }
0x1c9: {  	[sflag:s18] =	ssyncadd.s32 $0xFFFFE000  }
0x1ca: {  	_ =	swait.ge [sflag:s0], $0x2000  }
0x1cb: {  	[sflag:s0] =	ssyncset.done $0x0  }
0x1cc: {  	[sflag:s0] =	ssyncadd.s32 $0xFFFFE000  }
0x1cd: {  	[spmem:s2] =	stream.indirect.scatter.add.f32 [tilespmem:s28], [sflag:$0x5], $0x80, s8, s20, $0xb8;
	[tilespmem:$0x1E800] =	vst v63  }
0x1ce: {  	_ =	swait.ge [sflag:s18], $0x2000  }
0x1cf: {  	s9 =	sadd.s32 $0x1, s9;
	[sflag:s18] =	ssyncset.done $0x0  }
0x1d0: {  	p0 =	sne.s32 s9, s16;
	[sflag:s18] =	ssyncadd.s32 $0xFFFFE000  }
.Ltmp4:
0x1d1: {  	[bflag:$0x0] =	sbarrier.arrive $0xFFFF;
	(pc) =	sbr.rel @p0 .LBB2_1-.Ltmp4, $4  }
0x1d2: {  	[hbm:s15], [sflag:s6] =	dma.local [spmem:s17], $0x2800  }
0x1d3: {  	_ =	swait.ge [sflag:s18], $0x2800  }
0x1d4: {  	[sflag:s18] =	ssyncset.done $0x0  }
0x1d5: {  	[sflag:s18] =	ssyncadd.s32 $0xFFFFD800  }
0x1d6: {  	_ =	sfence.sel $0x180000  }
0x1d7: {  	[bflag:$0x0] =	sbarrier.arrive $0xFFFF  }
0x1d8: {  	_ =	strace $0x9000004D  }
0x1d9: {  	s0 =	stileid.u32;
	[bflag:$0x2] =	sbarrier.arrive $0xFFFF  }
0x1da: {  	p0 =	sne.s32 s0, $0x0;
	s0 =	rddreg [dreg:$0x2]  }
0x1db: {  	s0 =	sadd.s32 @!p0 $0x100000, s0  }
0x1dc: {  	[sflag:s0] =	ssyncadd.tile.s32 @!p0 $0x1;
	_ =	shalt  }
.Lfunc_end2:
_tile_overlayer_lowered:
.L_overlay_start_2:
0x1dd: {  	(tag) =	ssettag $0x2  }
0x1de: {  	s0 =	rddreg [dreg:$0x0];
	s2 =	stileid.u32  }
0x1df: {  	s1 =	rddreg [dreg:$0x1];
	p0 =	sne.s32 s2, $0x0  }
0x1e0: {  	s3 =	rddreg [dreg:$0x2];
	[bflag:$0x3] =	sbarrier.arrive $0xFFFF;
	s2 =	simm.s32 @!p0 $0x1C05  }
0x1e1: {  	[timem:s3], [sflag:s2] =	dma.local @!p0 [hbm:s0], s1  }
0x1e2: {  	s0 =	simm.s32 @!p0 $0x5  }
0x1e3: {  	_ =	swait.ge @!p0 [sflag:s0], s1  }
0x1e4: {  	s1 =	ssub.s32 @!p0 $0x0, s1;
	[sflag:s0] =	ssyncset.done @!p0 $0x0  }
0x1e5: {  	[sflag:s0] =	ssyncadd.s32 @!p0 s1  }
0x1e6: {  	[bflag:$0x3] =	sbarrier.arrive $0xFFFF  }
0x1e7: {  	_ =	shalt  }

// kernel: kernel.9.cloned.1.call-start
scs
__scs_entry_jumppad:
0x0: {  	(pc) =	sbr.rel $0x88, $3  }
0x1: {  	(tag) =	ssettag $0x0;
	lr =	simm.s32 $0x1  }
0x2: {  	[smem:$0x3F98] =	sst lr;
	_ =	strace $0xD0000000  }
0x3: {  	_ = 	snop  }
0x4: {  	_ = 	snop  }
0x5: {  	_ = 	snop  }
0x6: {  	_ = 	snop  }
0x7: {  	_ = 	snop  }
__scs_overlays_trampoline_lowered:
0x8: {  	[smem:$0x3FA7] =	sst s0  }
0x9: {  	[smem:$0x3FA8] =	sst s1  }
0xa: {  	[smem:$0x3FA9] =	sst s2  }
0xb: {  	[smem:$0x3FAA] =	sst s3  }
0xc: {  	[smem:$0x3FAB] =	sst s4  }
0xd: {  	[smem:$0x3FAC] =	sst s5  }
0xe: {  	[smem:$0x3FAD] =	sst s6  }
0xf: {  	[smem:$0x3FAE] =	sst s7  }
0x10: {  	[smem:$0x3FAF] =	sst s8  }
0x11: {  	[smem:$0x3FB0] =	sst s9;
	s0 =	simm.s32 @!p0 $0x0  }
0x12: {  	s1 =	sld [smem:$0x3F96];
	s0 =	simm.s32 @p0 $0x1  }
0x13: {  	[smem:$0x3FB1] =	sst s0;
	s0 =	simm.s32 @!p1 $0x0  }
0x14: {  	s2 =	sld [smem:$0x3F95];
	s0 =	simm.s32 @p1 $0x1  }
0x15: {  	[smem:$0x3FB2] =	sst s0;
	s0 =	simm.s32 @!p2 $0x0  }
0x16: {  	s3 =	sld [smem:$0x3FDB];
	s0 =	simm.s32 @p2 $0x1  }
0x17: {  	s4 =	simm.s32 $0x1BF5;
	[smem:$0x3FB4] =	sst s0  }
0x18: {  	s0 =	sld [smem:$0x3F97];
	_ =	swait.ge [sflag:s4], $0x0  }
0x19: {  	s7 =	sld [smem:$0x3F98]  }
0x1a: {  	s8 =	sadd.s32 $0xFFFFE003, lr  }
0x1b: {  	s9 =	sadd.s32 $0xFFFFFEF7, lr;
	s5 =	simm.s32 $0xFFFFFFFF;
	p2 =	slt.u32 s8, $0xFFFFF086  }
0x1c: {  	p1 =	slt.u32 s9, $0xF7A;
	s5 =	simm.s32 @!p2 $0x0  }
0x1d: {  	s5 =	simm.s32 @p1 $0x1;
	p0 =	seq.s32 s7, s2  }
0x1e: {  	s7 =	smul.u32 @!p0 $0xF7A, s2;
	p2 =	seq.s32 @!p0 s5, $0x0  }
0x1f: {  	s9 =	smul.u32 $0xF7A, s1;
	s8 =	simm.s32 @!p0 $0x1BF5;
	p2 =	por !p2, p0  }
0x20: {  	[sflag:s8] =	ssyncset.s32 @!p0 $0xFFFFF086;
	s6 =	sadd.s32 @!p0 s3, s7;
	s7 =	simm.s32 @!p0 $0x108  }
0x21: {  	s3 =	sadd.s32 s3, s9;
	s6 =	sadd.s32 @!p0 $0x88, s6;
	s7 =	simm.s32 @p2 $0x1082  }
0x22: {  	[simem:s7], [sflag:s8] =	dma.local @!p0 [hbm:s6], $0xF7A  }
0x23: {  	s9 =	sor.u32 $0xD0000000, s2;
	s6 =	simm.s32 $0x108;
	_ =	swait.ge @!p0 [sflag:s8], $0x0  }
0x24: {  	s3 =	sadd.s32 $0x88, s3;
	s6 =	simm.s32 @!p1 $0x1082;
	[sflag:s4] =	ssyncset.s32 $0xFFFFF086  }
0x25: {  	[simem:s6], [sflag:s4] =	dma.local [hbm:s3], $0xF7A  }
0x26: {  	[smem:$0x3F98] =	sst s1;
	(tag) =	ssettag s2;
	_ =	strace s9  }
0x27: {  	s1 =	sld [smem:$0x3FA8]  }
0x28: {  	s2 =	sld [smem:$0x3FA9]  }
0x29: {  	s4 =	sld [smem:$0x3FAB]  }
0x2a: {  	p0 =	seq.s32 s5, $0x0;
	s5 =	sld [smem:$0x3FAC]  }
0x2b: {  	s6 =	sld [smem:$0x3FAD]  }
0x2c: {  	s7 =	sld [smem:$0x3FAE]  }
0x2d: {  	s3 =	simm.s32 $0x108;
	s8 =	sld [smem:$0x3FAF]  }
0x2e: {  	s3 =	simm.s32 @!p0 $0x1082;
	s9 =	sld [smem:$0x3FB0]  }
0x2f: {  	lr =	sadd.s32 s0, s3;
	s0 =	sld [smem:$0x3FA7]  }
0x30: {  	s3 =	sld [smem:$0x3FAA]  }
0x31: {  	[smem:$0x3FB3] =	sst s10  }
0x32: {  	s10 =	sld [smem:$0x3FB1];
	_ =	sdelay $0x3  }
0x33: {  	p0 =	seq.s32 s10, $0x1;
	s10 =	sld [smem:$0x3FB3];
	_ =	sdelay $0x3  }
0x34: {  	[smem:$0x3FB3] =	sst s10  }
0x35: {  	s10 =	sld [smem:$0x3FB2];
	_ =	sdelay $0x3  }
0x36: {  	p1 =	seq.s32 s10, $0x1;
	s10 =	sld [smem:$0x3FB3];
	_ =	sdelay $0x3  }
0x37: {  	[smem:$0x3FB3] =	sst s10  }
0x38: {  	s10 =	sld [smem:$0x3FB4]  }
0x39: {  	_ = 	snop;
	(pc) =	sbr.ind lr, $3  }
0x3a: {  	_ = 	snop  }
0x3b: {  	_ = 	snop  }
0x3c: {  	p2 =	seq.s32 s10, $0x1;
	s10 =	sld [smem:$0x3FB3]  }
0x3d: {  	_ =	shalt  }
0x3e: {  	_ =	shalt  }
0x3f: {  	_ =	shalt  }
0x40: {  	_ =	shalt  }
0x41: {  	_ =	shalt  }
0x42: {  	_ =	shalt  }
0x43: {  	_ =	shalt  }
0x44: {  	_ =	shalt  }
0x45: {  	_ =	shalt  }
0x46: {  	_ =	shalt  }
0x47: {  	_ =	shalt  }
0x48: {  	_ =	shalt  }
0x49: {  	_ =	shalt  }
0x4a: {  	_ =	shalt  }
0x4b: {  	_ =	shalt  }
0x4c: {  	_ =	shalt  }
0x4d: {  	_ =	shalt  }
0x4e: {  	_ =	shalt  }
0x4f: {  	_ =	shalt  }
0x50: {  	_ =	shalt  }
0x51: {  	_ =	shalt  }
0x52: {  	_ =	shalt  }
0x53: {  	_ =	shalt  }
0x54: {  	_ =	shalt  }
0x55: {  	_ =	shalt  }
0x56: {  	_ =	shalt  }
0x57: {  	_ =	shalt  }
0x58: {  	_ =	shalt  }
0x59: {  	_ =	shalt  }
0x5a: {  	_ =	shalt  }
0x5b: {  	_ =	shalt  }
0x5c: {  	_ =	shalt  }
0x5d: {  	_ =	shalt  }
0x5e: {  	_ =	shalt  }
0x5f: {  	_ =	shalt  }
0x60: {  	_ =	shalt  }
0x61: {  	_ =	shalt  }
0x62: {  	_ =	shalt  }
0x63: {  	_ =	shalt  }
0x64: {  	_ =	shalt  }
0x65: {  	_ =	shalt  }
0x66: {  	_ =	shalt  }
0x67: {  	_ =	shalt  }
0x68: {  	_ =	shalt  }
0x69: {  	_ =	shalt  }
0x6a: {  	_ =	shalt  }
0x6b: {  	_ =	shalt  }
0x6c: {  	_ =	shalt  }
0x6d: {  	_ =	shalt  }
0x6e: {  	_ =	shalt  }
0x6f: {  	_ =	shalt  }
0x70: {  	_ =	shalt  }
0x71: {  	_ =	shalt  }
0x72: {  	_ =	shalt  }
0x73: {  	_ =	shalt  }
0x74: {  	_ =	shalt  }
0x75: {  	_ =	shalt  }
0x76: {  	_ =	shalt  }
0x77: {  	_ =	shalt  }
0x78: {  	_ =	shalt  }
0x79: {  	_ =	shalt  }
0x7a: {  	_ =	shalt  }
0x7b: {  	_ =	shalt  }
0x7c: {  	_ =	shalt  }
0x7d: {  	_ =	shalt  }
0x7e: {  	_ =	shalt  }
0x7f: {  	_ =	shalt  }
0x80: {  	_ =	shalt  }
0x81: {  	_ =	shalt  }
0x82: {  	_ =	shalt  }
0x83: {  	_ =	shalt  }
0x84: {  	_ =	shalt  }
0x85: {  	_ =	shalt  }
0x86: {  	_ =	shalt  }
0x87: {  	_ =	shalt  }
.Lfunc_end0:
.L_simem_size_0:
called_computation_lowered:
.L_overlay_start_0:
0x88: {  	s2 =	sld [smem:$0x3FD9]  }
0x89: {  	s3 =	sld [smem:$0x3FFE];
	_ =	sdelay $0x1  }
0x8a: {  	s1 =	srdreg.scid  }
0x8b: {  	s0 =	sand.u32 $0x1, s1  }
0x8c: {  	s17 =	sshll.u32 s0, $0xA;
	s2 =	sadd.s32 s3, s2  }
0x8d: {  	s2 =	sadd.s32 s2, s17  }
0x8e: {  	[smem:$0x3FBF] =	sst s2  }
0x8f: {  	_ = 	snop  }
0x90: {  	s2 =	sld [smem:$0x3FD0];
	(tm) =	ssettm $0x1  }
0x91: {  	s18 =	sld [smem:$0x3FFB];
	_ =	sdelay $0x3  }
0x92: {  	_ =	strace s18  }
0x93: {  	s3 =	sld [smem:$0x3FFC];
	_ =	sdelay $0x3  }
0x94: {  	_ =	strace s3  }
0x95: {  	s3 =	sld [smem:$0x3FFD];
	_ =	sdelay $0x3  }
0x96: {  	_ =	strace s3  }
0x97: {  	_ =	strace $0x8FFFFFFF  }
0x98: {  	s19 =	sld [smem:$0x3FDB];
	_ =	sdelay $0x1  }
0x99: {  	s4 =	simm.s32 $_scs_section_size  }
0x9a: {  	s5 =	simm.s32 $_size__tile_overlayer_lowered;
	s6 =	simm.s32 $_tile_overlayer_lowered  }
0x9b: {  	s22 =	simm.s32 $0x1BFF;
	s21 =	sshll.u32 s6, $0x1;
	s3 =	sadd.s32 s4, s19  }
0x9c: {  	s7 =	simm.s32 $0x0;
	s20 =	sshll.u32 s5, $0x1;
	s5 =	sadd.s32 s21, s3  }
0x9d: {  	[timem:s7], [sflag:s22] =	dma.local [hbm:s5], s20  }
0x9e: {  	_ =	swait.ge [sflag:s22], s20  }
0x9f: {  	s4 =	ssub.s32 $0x0, s20;
	[sflag:s22] =	ssyncset.done $0x0  }
0xa0: {  	[sflag:s22] =	ssyncadd.s32 s4;
	_ =	sdelay $0x1  }
0xa1: {  	s23 =	simm.s32 $0x1B8B  }
0xa2: {  	_ =	swait.ge [sflag:s23], $0x1  }
0xa3: {  	[sflag:s23] =	ssyncset.done $0x0  }
0xa4: {  	s25 =	simm.s32 $0x1B8E;
	s24 =	sld [smem:$0x3FFE];
	[sflag:s23] =	ssyncadd.s32 $0xFFFFFFFF  }
0xa5: {  	s26 =	simm.s32 $execute0_lowered;
	[smem:$0x3FD2] =	sst s25  }
0xa6: {  	s5 =	sshll.u32 s26, $0x1;
	_ =	strace $0x80000046;
	[dreg:$0x1] =	wrdreg $0xFFFFFFFF  }
0xa7: {  	s28 =	simm.s32 $_size_execute0_lowered;
	s3 =	sadd.s32 s3, s5;
	[dreg:$0x0] =	wrdreg $0x0  }
0xa8: {  	s5 =	sshll.u32 s28, $0x1;
	[dreg:$0x2] =	wrdreg s3  }
0xa9: {  	[dreg:$0x3] =	wrdreg s5  }
0xaa: {  	[dreg:$0x4] =	wrdreg $0xC0  }
0xab: {  	_ =	task [dreg:s7], $0x5FFFF  }
0xac: {  	[dreg:$0x1] =	wrdreg $0xFFFFFFFF  }
0xad: {  	[dreg:$0x0] =	wrdreg $0x60  }
0xae: {  	[dreg:$0x2] =	wrdreg s24  }
0xaf: {  	[dreg:$0x3] =	wrdreg s2  }
0xb0: {  	[dreg:$0x4] =	wrdreg $0x34000  }
0xb1: {  	[dreg:$0x5] =	wrdreg $0x9  }
0xb2: {  	_ =	task.clear_ibuf [dreg:s7], $0x6FFFF;
	_ =	strace $0x90000046  }
0xb3: {  	s29 =	simm.s32 $0x9;
	_ =	strace $0x80000048  }
0xb4: {  	_ =	swait.ge [sflag:s29], $0x1  }
0xb5: {  	[sflag:s29] =	ssyncadd.s32 $0xFFFFFFFF  }
0xb6: {  	_ =	strace $0x90000048  }
0xb7: {  	_ =	sfence  }
0xb8: {  	s30 =	sld [smem:$0x0];
	_ =	sdelay $0x2  }
0xb9: {  	s31 =	sshll.u32 s1, $0xD;
	s1 =	sshrl.u32 s1, $0x2  }
0xba: {  	s3 =	sand.u32 $0x4000, s31;
	s1 =	sadd.s32 s1, s30  }
0xbb: {  	s0 =	sor.u32 s3, s0;
	s1 =	sshll.u32 s1, $0x11  }
0xbc: {  	s0 =	sor.u32 s1, s0  }
0xbd: {  	s0 =	sadd.s32 $0x8F2B, s0  }
0xbe: {  	[sflag:s0] =	ssyncadd.remote.s32 $0x1  }
0xbf: {  	_ =	sfence.sel $0xFFFF  }
0xc0: {  	[dreg:$0x0] =	wrdreg $0xFFFFFFFF;
	(pc) =	sbr.abs _section_cstart, $3  }
0xc1: {  	[dreg:$0x1] =	wrdreg $0xFFFFFFFF  }
0xc2: {  	_ =	task.clear_ibuf [dreg:s7], $0x2FFFF;
	_ =	strace $0x9FFFFFFF  }
0xc3: {  	(tm) =	ssettm $0x7FFFFFFF  }
tec
execute0_lowered:
.L_overlay_start_1:
0x0: {  	(tag) =	ssettag $0x1  }
0x1: {  	s6 =	rddreg [dreg:$0x0]  }
0x2: {  	s1 =	rddreg [dreg:$0x1]  }
0x3: {  	s2 =	rddreg [dreg:$0x2]  }
0x4: {  	s0 =	rddreg [dreg:$0x3];
	s4 =	simm.s32 $0x0;
	s5 =	srdreg.scid  }
0x5: {  	s3 =	stileid.u32;
	s16 =	simm.s32 $0x40;
	s17 =	simm.s32 $0x0  }
0x6: {  	[smem:$0x7FF] =	sst s4;
	s7 =	sadd.s32 $0x2A00, s6;
	s8 =	sand.u32 $0x1, s5  }
0x7: {  	s9 =	smul.u32 $0x2800, s3;
	s12 =	sshll.u32 s3, $0x2;
	s5 =	sadd.s32 $0x16A00, s6  }
0x8: {  	s13 =	smul.u32 $0x50000, s3;
	s14 =	sshll.u32 s3, $0x6;
	_ =	strace $0x80000047  }
0x9: {  	s10 =	smul.u32 $0x28000, s8;
	s11 =	sshll.u32 s8, $0x6;
	s8 =	ssub.s32 $0x2, s8  }
0xa: {  	s14 =	sor.u32 $0x1C01, s14;
	s11 =	sor.u32 s12, s11;
	s25 =	sshrl.u32 s8, $0x1  }
0xb: {  	s29 =	sshrl.u32 s13, $0x2;
	s12 =	simm.s32 $0x1400;
	s23 =	smul.u32 $0x1400, s11  }
0xc: {  	s13 =	simm.s32 $0x1;
	s9 =	sadd.s32 s9, s10;
	s26 =	smul.u32 $0x280, s11  }
0xd: {  	s28 =	ssub.s32 s8, s25;
	s15 =	sadd.s32 s29, s2;
	s24 =	sadd.s32 s9, s6  }
0xe: {  	s11 =	smax.u32 s28, $0x1;
	s15 =	sshrl.u32 s15, $0x3;
	s30 =	sshrl.u32 s23, $0x3  }
0xf: {  	s6 =	sadd.s32 s7, s26;
	s10 =	sadd.s32 $0x19200, s24;
	s31 =	sadd.s32 s7, s30  }
0x10: {  	s7 =	sadd.s32 $0x280, s31;
	s8 =	sadd.s32 $0x500, s31;
	s9 =	sadd.s32 $0x780, s31  }
.LBB2_1:
0x11: {  	[tilespmem:s12], [sflag:$0x1] =	stream.linear.gather [hbm4b:s1+s4], $0x2000, $0x38;
	[tilespmem:$0x17400] =	vst v63  }
0x12: {  	_ =	swait.ge [sflag:s13], $0x2000  }
0x13: {  	[sflag:s13] =	ssyncset.done $0x0  }
0x14: {  	[sflag:s13] =	ssyncadd.s32 $0xFFFFE000  }
0x15: {  	[spmem:s15], [sflag:s14] =	dma.local [hbm:s5], $0x2800  }
0x16: {  	_ =	swait.ge [sflag:s13], $0x2800  }
0x17: {  	[sflag:s13] =	ssyncset.done $0x0  }
0x18: {  	[sflag:s13] =	ssyncadd.s32 $0xFFFFD800  }
0x19: {  	[bflag:$0x0] =	sbarrier.arrive $0xFFFF  }
0x1a: {  	[tilespmem:s4], [sflag:$0x1] =	stream.linear.gather [hbm4b:s6+s4], $0x1400, $0x38;
	[tilespmem:$0x17400] =	vst v63  }
0x1b: {  	_ =	swait.ge [sflag:s13], $0x1400  }
0x1c: {  	[sflag:s13] =	ssyncset.done $0x0  }
0x1d: {  	s18 =	simm.s32 $0x0;
	[sflag:s13] =	ssyncadd.s32 $0xFFFFEC00  }
0x1e: {  	[spmem:s2] =	stream.indirect.scatter.add.f32 [tilespmem:s12], [sflag:$0x1], $0x80, s18, s16, $0xb8;
	[tilespmem:$0x17400] =	vst v63  }
0x1f: {  	_ =	swait.ge [sflag:s13], $0x2000  }
0x20: {  	s18 =	simm.s32 $0x200;
	[sflag:s13] =	ssyncset.done $0x0  }
.LBB2_2:
0x21: {  	s19 =	sshra.s32 s18, $0x2;
	[sflag:s13] =	ssyncadd.s32 $0xFFFFE000;
	p0 =	sne.s32 s18, $0x4E00  }
0x22: {  	[spmem:s2] =	stream.indirect.scatter.add.f32 [tilespmem:s12], [sflag:$0x1], $0x80, s19, s16, $0xb8;
	[tilespmem:$0x17400] =	vst v63  }
.Ltmp0:
0x23: {  	_ = 	snop;
	(pc) =	sbr.rel @p0 .LBB2_2-.Ltmp0, $4  }
0x24: {  	_ = 	snop  }
0x25: {  	s18 =	sadd.s32 $0x200, s18  }
0x26: {  	_ =	swait.ge [sflag:s13], $0x2000  }
0x27: {  	[sflag:s13] =	ssyncset.done $0x0  }
0x28: {  	[sflag:s13] =	ssyncadd.s32 $0xFFFFE000;
	s18 =	simm.s32 $0x0  }
0x29: {  	[tilespmem:s18], [sflag:$0x1] =	stream.linear.gather [hbm4b:s7+s18], $0x1400, $0x38;
	[tilespmem:$0x17400] =	vst v63  }
0x2a: {  	_ =	swait.ge [sflag:s13], $0x1400  }
0x2b: {  	[sflag:s13] =	ssyncset.done $0x0  }
0x2c: {  	s31 =	simm.s32 $0x0;
	[sflag:s13] =	ssyncadd.s32 $0xFFFFEC00  }
0x2d: {  	[spmem:s2] =	stream.indirect.scatter.add.f32 [tilespmem:s12], [sflag:$0x1], $0x80, s31, s16, $0xb8;
	[tilespmem:$0x17400] =	vst v63  }
0x2e: {  	_ =	swait.ge [sflag:s13], $0x2000  }
0x2f: {  	s18 =	simm.s32 $0x200;
	[sflag:s13] =	ssyncset.done $0x0  }
.LBB2_4:
0x30: {  	s19 =	sshra.s32 s18, $0x2;
	[sflag:s13] =	ssyncadd.s32 $0xFFFFE000;
	p0 =	sne.s32 s18, $0x4E00  }
0x31: {  	[spmem:s2] =	stream.indirect.scatter.add.f32 [tilespmem:s12], [sflag:$0x1], $0x80, s19, s16, $0xb8;
	[tilespmem:$0x17400] =	vst v63  }
.Ltmp1:
0x32: {  	_ = 	snop;
	(pc) =	sbr.rel @p0 .LBB2_4-.Ltmp1, $4  }
0x33: {  	_ = 	snop  }
0x34: {  	s18 =	sadd.s32 $0x200, s18  }
0x35: {  	_ =	swait.ge [sflag:s13], $0x2000  }
0x36: {  	[sflag:s13] =	ssyncset.done $0x0  }
0x37: {  	[sflag:s13] =	ssyncadd.s32 $0xFFFFE000;
	s18 =	simm.s32 $0x0  }
0x38: {  	[tilespmem:s18], [sflag:$0x1] =	stream.linear.gather [hbm4b:s8+s18], $0x1400, $0x38;
	[tilespmem:$0x17400] =	vst v63  }
0x39: {  	_ =	swait.ge [sflag:s13], $0x1400  }
0x3a: {  	[sflag:s13] =	ssyncset.done $0x0  }
0x3b: {  	s31 =	simm.s32 $0x0;
	[sflag:s13] =	ssyncadd.s32 $0xFFFFEC00  }
0x3c: {  	[spmem:s2] =	stream.indirect.scatter.add.f32 [tilespmem:s12], [sflag:$0x1], $0x80, s31, s16, $0xb8;
	[tilespmem:$0x17400] =	vst v63  }
0x3d: {  	_ =	swait.ge [sflag:s13], $0x2000  }
0x3e: {  	s18 =	simm.s32 $0x200;
	[sflag:s13] =	ssyncset.done $0x0  }
.LBB2_6:
0x3f: {  	s19 =	sshra.s32 s18, $0x2;
	[sflag:s13] =	ssyncadd.s32 $0xFFFFE000;
	p0 =	sne.s32 s18, $0x4E00  }
0x40: {  	[spmem:s2] =	stream.indirect.scatter.add.f32 [tilespmem:s12], [sflag:$0x1], $0x80, s19, s16, $0xb8;
	[tilespmem:$0x17400] =	vst v63  }
.Ltmp2:
0x41: {  	_ = 	snop;
	(pc) =	sbr.rel @p0 .LBB2_6-.Ltmp2, $4  }
0x42: {  	_ = 	snop  }
0x43: {  	s18 =	sadd.s32 $0x200, s18  }
0x44: {  	_ =	swait.ge [sflag:s13], $0x2000  }
0x45: {  	[sflag:s13] =	ssyncset.done $0x0  }
0x46: {  	[sflag:s13] =	ssyncadd.s32 $0xFFFFE000;
	s18 =	simm.s32 $0x0  }
0x47: {  	[tilespmem:s18], [sflag:$0x1] =	stream.linear.gather [hbm4b:s9+s18], $0x1400, $0x38;
	[tilespmem:$0x17400] =	vst v63  }
0x48: {  	_ =	swait.ge [sflag:s13], $0x1400  }
0x49: {  	[sflag:s13] =	ssyncset.done $0x0  }
0x4a: {  	s31 =	simm.s32 $0x0;
	[sflag:s13] =	ssyncadd.s32 $0xFFFFEC00  }
0x4b: {  	[spmem:s2] =	stream.indirect.scatter.add.f32 [tilespmem:s12], [sflag:$0x1], $0x80, s31, s16, $0xb8;
	[tilespmem:$0x17400] =	vst v63  }
0x4c: {  	_ =	swait.ge [sflag:s13], $0x2000  }
0x4d: {  	s18 =	simm.s32 $0x200;
	[sflag:s13] =	ssyncset.done $0x0  }
.LBB2_8:
0x4e: {  	s19 =	sshra.s32 s18, $0x2;
	[sflag:s13] =	ssyncadd.s32 $0xFFFFE000;
	p0 =	sne.s32 s18, $0x4E00  }
0x4f: {  	[spmem:s2] =	stream.indirect.scatter.add.f32 [tilespmem:s12], [sflag:$0x1], $0x80, s19, s16, $0xb8;
	[tilespmem:$0x17400] =	vst v63  }
.Ltmp3:
0x50: {  	_ = 	snop;
	(pc) =	sbr.rel @p0 .LBB2_8-.Ltmp3, $4  }
0x51: {  	_ = 	snop  }
0x52: {  	s18 =	sadd.s32 $0x200, s18  }
0x53: {  	_ =	swait.ge [sflag:s13], $0x2000  }
0x54: {  	[sflag:s13] =	ssyncset.done $0x0  }
0x55: {  	s17 =	sadd.s32 $0x1, s17  }
0x56: {  	[sflag:s13] =	ssyncadd.s32 $0xFFFFE000;
	p0 =	sne.s32 s17, s11  }
.Ltmp4:
0x57: {  	[bflag:$0x0] =	sbarrier.arrive $0xFFFF;
	(pc) =	sbr.rel @p0 .LBB2_1-.Ltmp4, $4  }
0x58: {  	[hbm:s10], [sflag:s14] =	dma.local [spmem:s15], $0x2800  }
0x59: {  	_ =	swait.ge [sflag:s13], $0x2800  }
0x5a: {  	[sflag:s13] =	ssyncset.done $0x0  }
0x5b: {  	[sflag:s13] =	ssyncadd.s32 $0xFFFFD800  }
0x5c: {  	_ =	sfence.sel $0x180000  }
0x5d: {  	[bflag:$0x0] =	sbarrier.arrive $0xFFFF  }
0x5e: {  	p0 =	sne.s32 s3, $0x0;
	_ =	strace $0x90000047  }
0x5f: {  	s0 =	sadd.s32 @!p0 $0x100000, s0;
	[bflag:$0x2] =	sbarrier.arrive $0xFFFF  }
0x60: {  	[sflag:s0] =	ssyncadd.tile.s32 @!p0 $0x1;
	_ =	shalt  }
.Lfunc_end2:
_tile_overlayer_lowered:
.L_overlay_start_2:
0x61: {  	(tag) =	ssettag $0x2  }
0x62: {  	s0 =	rddreg [dreg:$0x0];
	s2 =	stileid.u32  }
0x63: {  	s1 =	rddreg [dreg:$0x1];
	p0 =	sne.s32 s2, $0x0  }
0x64: {  	s3 =	rddreg [dreg:$0x2];
	[bflag:$0x3] =	sbarrier.arrive $0xFFFF;
	s2 =	simm.s32 @!p0 $0x1C01  }
0x65: {  	[timem:s3], [sflag:s2] =	dma.local @!p0 [hbm:s0], s1  }
0x66: {  	s0 =	simm.s32 @!p0 $0x1  }
0x67: {  	_ =	swait.ge @!p0 [sflag:s0], s1  }
0x68: {  	s1 =	ssub.s32 @!p0 $0x0, s1;
	[sflag:s0] =	ssyncset.done @!p0 $0x0  }
0x69: {  	[sflag:s0] =	ssyncadd.s32 @!p0 s1  }
0x6a: {  	[bflag:$0x3] =	sbarrier.arrive $0xFFFF  }
0x6b: {  	_ =	shalt  }

</sc_bundles>
